<compile_context>
chip_gen: v7x
topology: tpu7x:2x2x1
jax: 0.10.2.dev20260603
libtpu: 0.0.44.dev20260713+nightly
codegen_flags: <defaults>
</compile_context>

<pallas_src>
import functools

import jax
import jax.numpy as jnp
from jax import lax
from jax.experimental import pallas as pl
from jax.experimental.pallas import tpu as pltpu
from jax.experimental.pallas import tpu_sc as plsc

NUM_CORES = 2
NUM_SUBCORES = 16
NUM_LANES = 16
NW = NUM_CORES * NUM_SUBCORES

L = 20
D = 64
NCB = D // NUM_LANES
GROUP = 32
IDX_CHUNK = 32
N_CHUNKS = GROUP * L // IDX_CHUNK

MAGIC20, SHIFT20 = 52429, 20
MAGIC26, SHIFT26 = 20165, 19


def _fire(table_hbm, tok_v, rows_buf, sem, g):
    g_tok = g * (GROUP * L)
    for q in range(N_CHUNKS):
        idx_ref = tok_v.at[pl.ds(g_tok + q * IDX_CHUNK, IDX_CHUNK)]
        dst = rows_buf.at[pl.ds(q * IDX_CHUNK, IDX_CHUNK)]
        pltpu.async_copy(table_hbm.at[idx_ref], dst, sem)


def _body(tok_hbm, lens_hbm, table_hbm, out_hbm, tok3_v, lens2_v, tok_v,
          lens_v, rows_a, rows_b, out_v, sc_v, t0_v, sem_a, sem_b,
          n_bags_per_w, n_groups, b_per_w, A):
    wid = lax.axis_index("s") * NUM_CORES + lax.axis_index("c")
    bag_base = wid * n_bags_per_w

    pltpu.sync_copy(tok_hbm.at[:, :, pl.ds(wid * b_per_w, b_per_w)], tok3_v)
    pltpu.sync_copy(lens_hbm.at[:, pl.ds(wid * b_per_w, b_per_w)], lens2_v)
    pltpu.sync_copy(table_hbm.at[pl.ds(0, 1)], t0_v)

    lane = lax.broadcasted_iota(jnp.int32, (NUM_LANES,), 0)
    lane_l = lane * L
    t0 = [t0_v[0, pl.ds(c * NUM_LANES, NUM_LANES)] for c in range(NCB)]

    def flat_tok(c, _):
        p = c * NUM_LANES + lane
        r = lax.shift_right_logical(p * MAGIC20, SHIFT20)
        j = p - r * L
        bl = lax.shift_right_logical(r * MAGIC26, SHIFT26)
        a = r - bl * A
        t = plsc.load_gather(tok3_v, [a, j, bl])
        tok_v[pl.ds(c * NUM_LANES, NUM_LANES)] = t
        return 0

    lax.fori_loop(0, n_bags_per_w * L // NUM_LANES, flat_tok, 0, unroll=2)

    def flat_len(c, _):
        r = c * NUM_LANES + lane
        bl = lax.shift_right_logical(r * MAGIC26, SHIFT26)
        a = r - bl * A
        v = plsc.load_gather(lens2_v, [a, bl])
        lens_v[pl.ds(c * NUM_LANES, NUM_LANES)] = v
        return 0

    lax.fori_loop(0, n_bags_per_w // NUM_LANES, flat_len, 0, unroll=2)

    def wait(rows_buf, sem):
        pltpu.make_async_copy(
            table_hbm.at[pl.ds(0, GROUP * L)], rows_buf, sem).wait()

    def compute(g, rows_buf):
        g_tok = g * (GROUP * L)
        for half in range(GROUP // NUM_LANES):
            lens_i = plsc.load_gather(
                lens_v, [g * GROUP + half * NUM_LANES + lane])
            inv = 1.0 / jnp.maximum(lens_i.astype(jnp.float32), 1.0)
            h_tok = g_tok + half * (NUM_LANES * L)
            z = jnp.zeros((NUM_LANES,), jnp.float32)
            for j in range(L):
                t = plsc.load_gather(tok_v, [h_tok + j + lane_l])
                z = z + jnp.where(t == 0, 1.0, 0.0)
            plsc.store_scatter(sc_v, [half * NUM_LANES + lane], z)
            plsc.store_scatter(sc_v, [GROUP + half * NUM_LANES + lane], inv)

        def bag_body(r, _):
            base = r * L
            accs = [rows_buf[base, pl.ds(c * NUM_LANES, NUM_LANES)]
                    for c in range(NCB)]
            for j in range(1, L):
                for c in range(NCB):
                    v = rows_buf[base + j, pl.ds(c * NUM_LANES, NUM_LANES)]
                    accs[c] = accs[c] + v
            rvec = jnp.full((NUM_LANES,), 0, jnp.int32) + r
            cv = plsc.load_gather(sc_v, [rvec])
            iv = plsc.load_gather(sc_v, [rvec + GROUP])
            for c in range(NCB):
                out_v[r, pl.ds(c * NUM_LANES, NUM_LANES)] = (
                    (accs[c] - cv * t0[c]) * iv)
            return 0

        lax.fori_loop(0, GROUP, bag_body, 0)
        pltpu.sync_copy(out_v, out_hbm.at[pl.ds(bag_base + g * GROUP, GROUP)])

    _fire(table_hbm, tok_v, rows_a, sem_a, 0)

    def pair_body(i, _):
        g = i * 2

        @pl.when(g + 1 < n_groups)
        def _():
            _fire(table_hbm, tok_v, rows_b, sem_b, g + 1)
        wait(rows_a, sem_a)
        compute(g, rows_a)

        @pl.when(g + 2 < n_groups)
        def _():
            _fire(table_hbm, tok_v, rows_a, sem_a, g + 2)

        @pl.when(g + 1 < n_groups)
        def _():
            wait(rows_b, sem_b)
            compute(g + 1, rows_b)
        return 0

    lax.fori_loop(0, (n_groups + 1) // 2, pair_body, 0)


def kernel(token_ids, lengths, table):
    B, A, Ltok = token_ids.shape
    assert Ltok == L and table.shape[1] == D
    n_bags = B * A
    assert n_bags % (NW * GROUP) == 0
    n_bags_per_w = n_bags // NW
    n_groups = n_bags_per_w // GROUP
    b_per_w = B // NW

    tok_t = jnp.transpose(token_ids.astype(jnp.int32), (1, 2, 0))
    lens_t = jnp.transpose(lengths.astype(jnp.int32), (1, 0))

    mesh = plsc.VectorSubcoreMesh(core_axis_name="c", subcore_axis_name="s")
    body = functools.partial(_body, n_bags_per_w=n_bags_per_w,
                             n_groups=n_groups, b_per_w=b_per_w, A=A)
    out = pl.kernel(
        body,
        out_type=jax.ShapeDtypeStruct((n_bags, D), jnp.float32),
        mesh=mesh,
        compiler_params=pltpu.CompilerParams(needs_layout_passes=False,
                                             use_tc_tiling_on_sc=False),
        scratch_types=[
            pltpu.VMEM((A, L, B // NW), jnp.int32),
            pltpu.VMEM((A, B // NW), jnp.int32),
            pltpu.VMEM((n_bags_per_w * L,), jnp.int32),
            pltpu.VMEM((n_bags_per_w,), jnp.int32),
            pltpu.VMEM((GROUP * L, D), jnp.float32),
            pltpu.VMEM((GROUP * L, D), jnp.float32),
            pltpu.VMEM((GROUP, D), jnp.float32),
            pltpu.VMEM((2 * GROUP,), jnp.float32),
            pltpu.VMEM((1, D), jnp.float32),
            pltpu.SemaphoreType.DMA,
            pltpu.SemaphoreType.DMA,
        ],
    )(tok_t, lens_t, table)
    return out.reshape(B, A, D)

# --- scband reference (transcript-rebuilt; emitter-appended) ---
"""Pipeline reference for scband-avg-encoder-59691455479991 (READ-ONLY COPY).

The authoritative reference and input builder live on the scoring server;
editing this copy changes nothing except your own understanding.
"""

import jax, jax.numpy as jnp
import numpy as np

VOCAB = 1000000
EMBED_DIM = 64
PAD_IDX = 0


def setup_inputs(seed: int = 0) -> dict:
    key = jax.random.key(seed)
    k1, k2, k3 = jax.random.split(key, 3)
    token_ids = jax.random.randint(k1, (1024, 26, 20), 0, VOCAB, dtype=jnp.int64 if jax.config.jax_enable_x64 else jnp.int32)
    lengths = jax.random.randint(k2, (1024, 26), 0, 20, dtype=jnp.int64 if jax.config.jax_enable_x64 else jnp.int32)
    table = jax.random.normal(k3, (VOCAB, EMBED_DIM), dtype=jnp.float32) * 0.02
    return {"token_ids": token_ids, "lengths": lengths, "table": table}


def reference(token_ids, lengths, table):
    B, A, L = token_ids.shape
    flat = token_ids.reshape(B * A, L)
    x = jnp.take(table, flat, axis=0)  # [B*A, L, D] gather
    lens = jnp.clip(lengths.reshape(B * A), 1, None).astype(jnp.float32)
    mask = (flat != PAD_IDX)[..., None].astype(x.dtype)
    x = (x * mask).sum(axis=1) / lens[:, None]
    # dropout p=0.0 -> identity
    return x.reshape(B, A, -1)

if __name__ == "__main__":
    import jax
    _d = setup_inputs()
    print(jax.jit(kernel)(*tuple(_d.values())))

</pallas_src>

<mosaic_0001>
#map = affine_map<(d0, d1) -> (0, 0, 0)>
#map1 = affine_map<(d0, d1) -> (0, 0)>
module attributes {stable_mosaic.version = 14 : i64} {
  func.func @_body(%arg0: i32, %arg1: i32, %arg2: memref<26x20x1024xi32, #tpu.memory_space<hbm>>, %arg3: memref<26x1024xi32, #tpu.memory_space<hbm>>, %arg4: memref<1000000x64xf32, #tpu.memory_space<hbm>>, %arg5: memref<26624x64xf32, #tpu.memory_space<hbm>>, %arg6: memref<26x20x32xi32, #tpu.memory_space<vmem>>, %arg7: memref<26x32xi32, #tpu.memory_space<vmem>>, %arg8: memref<16640xi32, #tpu.memory_space<vmem>>, %arg9: memref<832xi32, #tpu.memory_space<vmem>>, %arg10: memref<640x64xf32, #tpu.memory_space<vmem>>, %arg11: memref<640x64xf32, #tpu.memory_space<vmem>>, %arg12: memref<32x64xf32, #tpu.memory_space<vmem>>, %arg13: memref<64xf32, #tpu.memory_space<vmem>>, %arg14: memref<1x64xf32, #tpu.memory_space<vmem>>, %arg15: memref<!tpu.dma_semaphore, #tpu.memory_space<semaphore_mem>>, %arg16: memref<!tpu.dma_semaphore, #tpu.memory_space<semaphore_mem>>) attributes {dimension_semantics = [#tpu.dimension_semantics<core_parallel>, #tpu.dimension_semantics<subcore_parallel>], iteration_bounds = array<i64: 2, 16>, scalar_prefetch = 0 : i64, scratch_operands = 11 : i64, tpu.core_type = #tpu.core_type<sc_vector_subcore>, window_params = [{transform_indices = #map}, {transform_indices = #map1}, {transform_indices = #map1}, {transform_indices = #map1}]} {
    %mul3A = arith.constant 2 : i32
    %mul3A_0 = arith.muli %arg1, %mul3A : i32
    %add3A = arith.addi %mul3A_0, %arg0 : i32
    %mul3A_1 = arith.constant 832 : i32
    %mul3A_2 = arith.muli %add3A, %mul3A_1 : i32
    %mul3A_3 = arith.constant 32 : i32
    %mul3A_4 = arith.muli %add3A, %mul3A_3 : i32
    "tpu.region"() ({
      %run_scoped3A = tpu.sem_alloc : memref<!tpu.dma_semaphore, #tpu.memory_space<semaphore_mem>>
      %dma_start3A_204 = arith.constant 0 : i32
      %dma_start3A_205 = arith.constant 0 : i32
      %dma_start3A_206 = tpu.memref_slice %arg2[%dma_start3A_204, %dma_start3A_205, %mul3A_4] : memref<26x20x1024xi32, #tpu.memory_space<hbm>> -> memref<26x20x32xi32, #tpu.memory_space<hbm>>
      %dma_start3A_207 = arith.constant 0 : i32
      %dma_start3A_208 = arith.constant 0 : i32
      %dma_start3A_209 = tpu.memref_slice %arg2[%dma_start3A_207, %dma_start3A_208, %mul3A_4] : memref<26x20x1024xi32, #tpu.memory_space<hbm>> -> memref<26x20x32xi32, #tpu.memory_space<hbm>>
      tpu.enqueue_dma source(%dma_start3A_209 : memref<26x20x32xi32, #tpu.memory_space<hbm>>) target(%arg6 : memref<26x20x32xi32, #tpu.memory_space<vmem>>) target_semaphore(%run_scoped3A : memref<!tpu.dma_semaphore, #tpu.memory_space<semaphore_mem>>)
      %dma_wait3A = arith.constant 0 : i32
      %dma_wait3A_210 = arith.constant 0 : i32
      %dma_wait3A_211 = tpu.memref_slice %arg2[%dma_wait3A, %dma_wait3A_210, %mul3A_4] : memref<26x20x1024xi32, #tpu.memory_space<hbm>> -> memref<26x20x32xi32, #tpu.memory_space<hbm>>
      %dma_wait3A_212 = arith.constant 0 : i32
      %dma_wait3A_213 = arith.constant 0 : i32
      %dma_wait3A_214 = tpu.memref_slice %arg2[%dma_wait3A_212, %dma_wait3A_213, %mul3A_4] : memref<26x20x1024xi32, #tpu.memory_space<hbm>> -> memref<26x20x32xi32, #tpu.memory_space<hbm>>
      tpu.wait_dma2 semaphore(%run_scoped3A : memref<!tpu.dma_semaphore, #tpu.memory_space<semaphore_mem>>) src(%dma_wait3A_214 : memref<26x20x32xi32, #tpu.memory_space<hbm>>) dst(%arg6 : memref<26x20x32xi32, #tpu.memory_space<vmem>>)
      tpu.yield
    }) : () -> ()
    %mul3A_5 = arith.constant 32 : i32
    %mul3A_6 = arith.muli %add3A, %mul3A_5 : i32
    "tpu.region"() ({
      %run_scoped3A = tpu.sem_alloc : memref<!tpu.dma_semaphore, #tpu.memory_space<semaphore_mem>>
      %dma_start3A_204 = arith.constant 0 : i32
      %dma_start3A_205 = tpu.memref_slice %arg3[%dma_start3A_204, %mul3A_6] : memref<26x1024xi32, #tpu.memory_space<hbm>> -> memref<26x32xi32, #tpu.memory_space<hbm>>
      %dma_start3A_206 = arith.constant 0 : i32
      %dma_start3A_207 = tpu.memref_slice %arg3[%dma_start3A_206, %mul3A_6] : memref<26x1024xi32, #tpu.memory_space<hbm>> -> memref<26x32xi32, #tpu.memory_space<hbm>>
      tpu.enqueue_dma source(%dma_start3A_207 : memref<26x32xi32, #tpu.memory_space<hbm>>) target(%arg7 : memref<26x32xi32, #tpu.memory_space<vmem>>) target_semaphore(%run_scoped3A : memref<!tpu.dma_semaphore, #tpu.memory_space<semaphore_mem>>)
      %dma_wait3A = arith.constant 0 : i32
      %dma_wait3A_208 = tpu.memref_slice %arg3[%dma_wait3A, %mul3A_6] : memref<26x1024xi32, #tpu.memory_space<hbm>> -> memref<26x32xi32, #tpu.memory_space<hbm>>
      %dma_wait3A_209 = arith.constant 0 : i32
      %dma_wait3A_210 = tpu.memref_slice %arg3[%dma_wait3A_209, %mul3A_6] : memref<26x1024xi32, #tpu.memory_space<hbm>> -> memref<26x32xi32, #tpu.memory_space<hbm>>
      tpu.wait_dma2 semaphore(%run_scoped3A : memref<!tpu.dma_semaphore, #tpu.memory_space<semaphore_mem>>) src(%dma_wait3A_210 : memref<26x32xi32, #tpu.memory_space<hbm>>) dst(%arg7 : memref<26x32xi32, #tpu.memory_space<vmem>>)
      tpu.yield
    }) : () -> ()
    "tpu.region"() ({
      %run_scoped3A = tpu.sem_alloc : memref<!tpu.dma_semaphore, #tpu.memory_space<semaphore_mem>>
      %dma_start3A_204 = arith.constant 0 : i32
      %dma_start3A_205 = arith.constant 0 : i32
      %dma_start3A_206 = tpu.memref_slice %arg4[%dma_start3A_204, %dma_start3A_205] : memref<1000000x64xf32, #tpu.memory_space<hbm>> -> memref<1x64xf32, #tpu.memory_space<hbm>>
      %dma_start3A_207 = arith.constant 0 : i32
      %dma_start3A_208 = arith.constant 0 : i32
      %dma_start3A_209 = tpu.memref_slice %arg4[%dma_start3A_207, %dma_start3A_208] : memref<1000000x64xf32, #tpu.memory_space<hbm>> -> memref<1x64xf32, #tpu.memory_space<hbm>>
      tpu.enqueue_dma source(%dma_start3A_209 : memref<1x64xf32, #tpu.memory_space<hbm>>) target(%arg14 : memref<1x64xf32, #tpu.memory_space<vmem>>) target_semaphore(%run_scoped3A : memref<!tpu.dma_semaphore, #tpu.memory_space<semaphore_mem>>)
      %dma_wait3A = arith.constant 0 : i32
      %dma_wait3A_210 = arith.constant 0 : i32
      %dma_wait3A_211 = tpu.memref_slice %arg4[%dma_wait3A, %dma_wait3A_210] : memref<1000000x64xf32, #tpu.memory_space<hbm>> -> memref<1x64xf32, #tpu.memory_space<hbm>>
      %dma_wait3A_212 = arith.constant 0 : i32
      %dma_wait3A_213 = arith.constant 0 : i32
      %dma_wait3A_214 = tpu.memref_slice %arg4[%dma_wait3A_212, %dma_wait3A_213] : memref<1000000x64xf32, #tpu.memory_space<hbm>> -> memref<1x64xf32, #tpu.memory_space<hbm>>
      tpu.wait_dma2 semaphore(%run_scoped3A : memref<!tpu.dma_semaphore, #tpu.memory_space<semaphore_mem>>) src(%dma_wait3A_214 : memref<1x64xf32, #tpu.memory_space<hbm>>) dst(%arg14 : memref<1x64xf32, #tpu.memory_space<vmem>>)
      tpu.yield
    }) : () -> ()
    %iota3A = tpu.iota {dimensions = array<i32: 0>} : vector<16xi32>
    %mul3A_7 = arith.constant 20 : i32
    %mul3A_8 = vector.broadcast %mul3A_7 : i32 to vector<16xi32>
    %mul3A_9 = arith.muli %iota3A, %mul3A_8 : vector<16xi32>
    %get3A = arith.constant 0 : i32
    %get3A_10 = arith.index_cast %get3A : i32 to index
    %get3A_11 = arith.constant 0 : index
    %get3A_12 = tpu.vector_load %arg14[%get3A_10, %get3A_11] {strides = array<i32>} : memref<1x64xf32, #tpu.memory_space<vmem>>, vector<16xf32>,
    %get3A_13 = arith.constant 0 : i32
    %get3A_14 = arith.index_cast %get3A_13 : i32 to index
    %get3A_15 = arith.constant 16 : index
    %get3A_16 = tpu.vector_load %arg14[%get3A_14, %get3A_15] {strides = array<i32>} : memref<1x64xf32, #tpu.memory_space<vmem>>, vector<16xf32>,
    %get3A_17 = arith.constant 0 : i32
    %get3A_18 = arith.index_cast %get3A_17 : i32 to index
    %get3A_19 = arith.constant 32 : index
    %get3A_20 = tpu.vector_load %arg14[%get3A_18, %get3A_19] {strides = array<i32>} : memref<1x64xf32, #tpu.memory_space<vmem>>, vector<16xf32>,
    %get3A_21 = arith.constant 0 : i32
    %get3A_22 = arith.index_cast %get3A_21 : i32 to index
    %get3A_23 = arith.constant 48 : index
    %get3A_24 = tpu.vector_load %arg14[%get3A_22, %get3A_23] {strides = array<i32>} : memref<1x64xf32, #tpu.memory_space<vmem>>, vector<16xf32>,
    %scan3A = arith.constant 0 : i32
    %scan3A_25 = arith.constant 0 : i32
    %scan3A_26 = arith.constant 1040 : i32
    %scan3A_27 = arith.addi %scan3A_25, %scan3A_26 : i32
    %scan3A_28 = arith.constant 2 : i32
    %scan3A_29 = scf.for %scan3A_204 = %scan3A_25 to %scan3A_27 step %scan3A_28 iter_args(%scan3A_205 = %scan3A) -> (i32)  : i32 {
      %mul3A_206 = arith.constant 16 : i32
      %mul3A_207 = arith.muli %scan3A_204, %mul3A_206 : i32
      %add3A_208 = vector.broadcast %mul3A_207 : i32 to vector<16xi32>
      %add3A_209 = arith.addi %add3A_208, %iota3A : vector<16xi32>
      %mul3A_210 = arith.constant 52429 : i32
      %mul3A_211 = vector.broadcast %mul3A_210 : i32 to vector<16xi32>
      %mul3A_212 = arith.muli %add3A_209, %mul3A_211 : vector<16xi32>
      %shift_right_logical3A = arith.constant 20 : i32
      %shift_right_logical3A_213 = vector.broadcast %shift_right_logical3A : i32 to vector<16xi32>
      %shift_right_logical3A_214 = arith.shrui %mul3A_212, %shift_right_logical3A_213 : vector<16xi32>
      %mul3A_215 = arith.constant 20 : i32
      %mul3A_216 = vector.broadcast %mul3A_215 : i32 to vector<16xi32>
      %mul3A_217 = arith.muli %shift_right_logical3A_214, %mul3A_216 : vector<16xi32>
      %sub3A = arith.subi %add3A_209, %mul3A_217 : vector<16xi32>
      %mul3A_218 = arith.constant 20165 : i32
      %mul3A_219 = vector.broadcast %mul3A_218 : i32 to vector<16xi32>
      %mul3A_220 = arith.muli %shift_right_logical3A_214, %mul3A_219 : vector<16xi32>
      %shift_right_logical3A_221 = arith.constant 19 : i32
      %shift_right_logical3A_222 = vector.broadcast %shift_right_logical3A_221 : i32 to vector<16xi32>
      %shift_right_logical3A_223 = arith.shrui %mul3A_220, %shift_right_logical3A_222 : vector<16xi32>
      %mul3A_224 = arith.constant 26 : i32
      %mul3A_225 = vector.broadcast %mul3A_224 : i32 to vector<16xi32>
      %mul3A_226 = arith.muli %shift_right_logical3A_223, %mul3A_225 : vector<16xi32>
      %sub3A_227 = arith.subi %shift_right_logical3A_214, %mul3A_226 : vector<16xi32>
      %gather3A = tpu.vector_load_idx %arg6[%sub3A_227, %sub3A, %shift_right_logical3A_223] : memref<26x20x32xi32, #tpu.memory_space<vmem>>[vector<16xi32>, vector<16xi32>, vector<16xi32>], vector<16xi32>,
      %mul3A_228 = arith.constant 16 : i32
      %mul3A_229 = arith.muli %scan3A_204, %mul3A_228 : i32
      %swap3A = arith.index_cast %mul3A_229 : i32 to index
      %swap3A_230 = tpu.vector_load %arg8[%swap3A] {strides = array<i32>} : memref<16640xi32, #tpu.memory_space<vmem>>, vector<16xi32>,
      tpu.vector_store %arg8[%swap3A], %gather3A {strides = array<i32>} : memref<16640xi32, #tpu.memory_space<vmem>>, vector<16xi32>,
      %scan3A_231 = arith.constant 0 : i32
      %scan3A_232 = arith.constant 1 : i32
      %scan3A_233 = arith.addi %scan3A_204, %scan3A_232 : i32
      %mul3A_234 = arith.constant 16 : i32
      %mul3A_235 = arith.muli %scan3A_233, %mul3A_234 : i32
      %add3A_236 = vector.broadcast %mul3A_235 : i32 to vector<16xi32>
      %add3A_237 = arith.addi %add3A_236, %iota3A : vector<16xi32>
      %mul3A_238 = arith.constant 52429 : i32
      %mul3A_239 = vector.broadcast %mul3A_238 : i32 to vector<16xi32>
      %mul3A_240 = arith.muli %add3A_237, %mul3A_239 : vector<16xi32>
      %shift_right_logical3A_241 = arith.constant 20 : i32
      %shift_right_logical3A_242 = vector.broadcast %shift_right_logical3A_241 : i32 to vector<16xi32>
      %shift_right_logical3A_243 = arith.shrui %mul3A_240, %shift_right_logical3A_242 : vector<16xi32>
      %mul3A_244 = arith.constant 20 : i32
      %mul3A_245 = vector.broadcast %mul3A_244 : i32 to vector<16xi32>
      %mul3A_246 = arith.muli %shift_right_logical3A_243, %mul3A_245 : vector<16xi32>
      %sub3A_247 = arith.subi %add3A_237, %mul3A_246 : vector<16xi32>
      %mul3A_248 = arith.constant 20165 : i32
      %mul3A_249 = vector.broadcast %mul3A_248 : i32 to vector<16xi32>
      %mul3A_250 = arith.muli %shift_right_logical3A_243, %mul3A_249 : vector<16xi32>
      %shift_right_logical3A_251 = arith.constant 19 : i32
      %shift_right_logical3A_252 = vector.broadcast %shift_right_logical3A_251 : i32 to vector<16xi32>
      %shift_right_logical3A_253 = arith.shrui %mul3A_250, %shift_right_logical3A_252 : vector<16xi32>
      %mul3A_254 = arith.constant 26 : i32
      %mul3A_255 = vector.broadcast %mul3A_254 : i32 to vector<16xi32>
      %mul3A_256 = arith.muli %shift_right_logical3A_253, %mul3A_255 : vector<16xi32>
      %sub3A_257 = arith.subi %shift_right_logical3A_243, %mul3A_256 : vector<16xi32>
      %gather3A_258 = tpu.vector_load_idx %arg6[%sub3A_257, %sub3A_247, %shift_right_logical3A_253] : memref<26x20x32xi32, #tpu.memory_space<vmem>>[vector<16xi32>, vector<16xi32>, vector<16xi32>], vector<16xi32>,
      %mul3A_259 = arith.constant 16 : i32
      %mul3A_260 = arith.muli %scan3A_233, %mul3A_259 : i32
      %swap3A_261 = arith.index_cast %mul3A_260 : i32 to index
      %swap3A_262 = tpu.vector_load %arg8[%swap3A_261] {strides = array<i32>} : memref<16640xi32, #tpu.memory_space<vmem>>, vector<16xi32>,
      tpu.vector_store %arg8[%swap3A_261], %gather3A_258 {strides = array<i32>} : memref<16640xi32, #tpu.memory_space<vmem>>, vector<16xi32>,
      %scan3A_263 = arith.constant 0 : i32
      scf.yield %scan3A_263 : i32
    }
    %scan3A_30 = arith.constant 1040 : i32
    %scan3A_31 = arith.constant 0 : i32
    %scan3A_32 = arith.constant 0 : i32
    %scan3A_33 = arith.constant 52 : i32
    %scan3A_34 = arith.addi %scan3A_32, %scan3A_33 : i32
    %scan3A_35 = arith.constant 2 : i32
    %scan3A_36 = scf.for %scan3A_204 = %scan3A_32 to %scan3A_34 step %scan3A_35 iter_args(%scan3A_205 = %scan3A_31) -> (i32)  : i32 {
      %mul3A_206 = arith.constant 16 : i32
      %mul3A_207 = arith.muli %scan3A_204, %mul3A_206 : i32
      %add3A_208 = vector.broadcast %mul3A_207 : i32 to vector<16xi32>
      %add3A_209 = arith.addi %add3A_208, %iota3A : vector<16xi32>
      %mul3A_210 = arith.constant 20165 : i32
      %mul3A_211 = vector.broadcast %mul3A_210 : i32 to vector<16xi32>
      %mul3A_212 = arith.muli %add3A_209, %mul3A_211 : vector<16xi32>
      %shift_right_logical3A = arith.constant 19 : i32
      %shift_right_logical3A_213 = vector.broadcast %shift_right_logical3A : i32 to vector<16xi32>
      %shift_right_logical3A_214 = arith.shrui %mul3A_212, %shift_right_logical3A_213 : vector<16xi32>
      %mul3A_215 = arith.constant 26 : i32
      %mul3A_216 = vector.broadcast %mul3A_215 : i32 to vector<16xi32>
      %mul3A_217 = arith.muli %shift_right_logical3A_214, %mul3A_216 : vector<16xi32>
      %sub3A = arith.subi %add3A_209, %mul3A_217 : vector<16xi32>
      %gather3A = tpu.vector_load_idx %arg7[%sub3A, %shift_right_logical3A_214] : memref<26x32xi32, #tpu.memory_space<vmem>>[vector<16xi32>, vector<16xi32>], vector<16xi32>,
      %mul3A_218 = arith.constant 16 : i32
      %mul3A_219 = arith.muli %scan3A_204, %mul3A_218 : i32
      %swap3A = arith.index_cast %mul3A_219 : i32 to index
      %swap3A_220 = tpu.vector_load %arg9[%swap3A] {strides = array<i32>} : memref<832xi32, #tpu.memory_space<vmem>>, vector<16xi32>,
      tpu.vector_store %arg9[%swap3A], %gather3A {strides = array<i32>} : memref<832xi32, #tpu.memory_space<vmem>>, vector<16xi32>,
      %scan3A_221 = arith.constant 0 : i32
      %scan3A_222 = arith.constant 1 : i32
      %scan3A_223 = arith.addi %scan3A_204, %scan3A_222 : i32
      %mul3A_224 = arith.constant 16 : i32
      %mul3A_225 = arith.muli %scan3A_223, %mul3A_224 : i32
      %add3A_226 = vector.broadcast %mul3A_225 : i32 to vector<16xi32>
      %add3A_227 = arith.addi %add3A_226, %iota3A : vector<16xi32>
      %mul3A_228 = arith.constant 20165 : i32
      %mul3A_229 = vector.broadcast %mul3A_228 : i32 to vector<16xi32>
      %mul3A_230 = arith.muli %add3A_227, %mul3A_229 : vector<16xi32>
      %shift_right_logical3A_231 = arith.constant 19 : i32
      %shift_right_logical3A_232 = vector.broadcast %shift_right_logical3A_231 : i32 to vector<16xi32>
      %shift_right_logical3A_233 = arith.shrui %mul3A_230, %shift_right_logical3A_232 : vector<16xi32>
      %mul3A_234 = arith.constant 26 : i32
      %mul3A_235 = vector.broadcast %mul3A_234 : i32 to vector<16xi32>
      %mul3A_236 = arith.muli %shift_right_logical3A_233, %mul3A_235 : vector<16xi32>
      %sub3A_237 = arith.subi %add3A_227, %mul3A_236 : vector<16xi32>
      %gather3A_238 = tpu.vector_load_idx %arg7[%sub3A_237, %shift_right_logical3A_233] : memref<26x32xi32, #tpu.memory_space<vmem>>[vector<16xi32>, vector<16xi32>], vector<16xi32>,
      %mul3A_239 = arith.constant 16 : i32
      %mul3A_240 = arith.muli %scan3A_223, %mul3A_239 : i32
      %swap3A_241 = arith.index_cast %mul3A_240 : i32 to index
      %swap3A_242 = tpu.vector_load %arg9[%swap3A_241] {strides = array<i32>} : memref<832xi32, #tpu.memory_space<vmem>>, vector<16xi32>,
      tpu.vector_store %arg9[%swap3A_241], %gather3A_238 {strides = array<i32>} : memref<832xi32, #tpu.memory_space<vmem>>, vector<16xi32>,
      %scan3A_243 = arith.constant 0 : i32
      scf.yield %scan3A_243 : i32
    }
    %scan3A_37 = arith.constant 52 : i32
    %dma_start3A = arith.constant 0 : i32
    %dma_start3A_38 = arith.constant 0 : i32
    %dma_start3A_39 = tpu.memref_slice %arg10[%dma_start3A, %dma_start3A_38] : memref<640x64xf32, #tpu.memory_space<vmem>> -> memref<32x64xf32, #tpu.memory_space<vmem>>
    %dma_start3A_40 = arith.constant 0 : i32
    %dma_start3A_41 = tpu.memref_slice %arg8[%dma_start3A_40] : memref<16640xi32, #tpu.memory_space<vmem>> -> memref<32xi32, #tpu.memory_space<vmem>>
    %dma_start3A_42 = arith.constant 0 : i32
    %dma_start3A_43 = arith.constant 0 : i32
    %dma_start3A_44 = tpu.memref_slice %arg4[%dma_start3A_42, %dma_start3A_43] : memref<1000000x64xf32, #tpu.memory_space<hbm>> -> memref<1000000x64xf32, #tpu.memory_space<hbm>>
    tpu.enqueue_indirect_dma source(%dma_start3A_44 : memref<1000000x64xf32, #tpu.memory_space<hbm>>) target(%dma_start3A_39 : memref<32x64xf32, #tpu.memory_space<vmem>>) offsets(%dma_start3A_41 : memref<32xi32, #tpu.memory_space<vmem>>) semaphore(%arg15 : memref<!tpu.dma_semaphore, #tpu.memory_space<semaphore_mem>>)
    %dma_start3A_45 = arith.constant 32 : i32
    %dma_start3A_46 = arith.constant 0 : i32
    %dma_start3A_47 = tpu.memref_slice %arg10[%dma_start3A_45, %dma_start3A_46] : memref<640x64xf32, #tpu.memory_space<vmem>> -> memref<32x64xf32, #tpu.memory_space<vmem>>
    %dma_start3A_48 = arith.constant 32 : i32
    %dma_start3A_49 = tpu.memref_slice %arg8[%dma_start3A_48] : memref<16640xi32, #tpu.memory_space<vmem>> -> memref<32xi32, #tpu.memory_space<vmem>>
    %dma_start3A_50 = arith.constant 0 : i32
    %dma_start3A_51 = arith.constant 0 : i32
    %dma_start3A_52 = tpu.memref_slice %arg4[%dma_start3A_50, %dma_start3A_51] : memref<1000000x64xf32, #tpu.memory_space<hbm>> -> memref<1000000x64xf32, #tpu.memory_space<hbm>>
    tpu.enqueue_indirect_dma source(%dma_start3A_52 : memref<1000000x64xf32, #tpu.memory_space<hbm>>) target(%dma_start3A_47 : memref<32x64xf32, #tpu.memory_space<vmem>>) offsets(%dma_start3A_49 : memref<32xi32, #tpu.memory_space<vmem>>) semaphore(%arg15 : memref<!tpu.dma_semaphore, #tpu.memory_space<semaphore_mem>>)
    %dma_start3A_53 = arith.constant 64 : i32
    %dma_start3A_54 = arith.constant 0 : i32
    %dma_start3A_55 = tpu.memref_slice %arg10[%dma_start3A_53, %dma_start3A_54] : memref<640x64xf32, #tpu.memory_space<vmem>> -> memref<32x64xf32, #tpu.memory_space<vmem>>
    %dma_start3A_56 = arith.constant 64 : i32
    %dma_start3A_57 = tpu.memref_slice %arg8[%dma_start3A_56] : memref<16640xi32, #tpu.memory_space<vmem>> -> memref<32xi32, #tpu.memory_space<vmem>>
    %dma_start3A_58 = arith.constant 0 : i32
    %dma_start3A_59 = arith.constant 0 : i32
    %dma_start3A_60 = tpu.memref_slice %arg4[%dma_start3A_58, %dma_start3A_59] : memref<1000000x64xf32, #tpu.memory_space<hbm>> -> memref<1000000x64xf32, #tpu.memory_space<hbm>>
    tpu.enqueue_indirect_dma source(%dma_start3A_60 : memref<1000000x64xf32, #tpu.memory_space<hbm>>) target(%dma_start3A_55 : memref<32x64xf32, #tpu.memory_space<vmem>>) offsets(%dma_start3A_57 : memref<32xi32, #tpu.memory_space<vmem>>) semaphore(%arg15 : memref<!tpu.dma_semaphore, #tpu.memory_space<semaphore_mem>>)
    %dma_start3A_61 = arith.constant 96 : i32
    %dma_start3A_62 = arith.constant 0 : i32
    %dma_start3A_63 = tpu.memref_slice %arg10[%dma_start3A_61, %dma_start3A_62] : memref<640x64xf32, #tpu.memory_space<vmem>> -> memref<32x64xf32, #tpu.memory_space<vmem>>
    %dma_start3A_64 = arith.constant 96 : i32
    %dma_start3A_65 = tpu.memref_slice %arg8[%dma_start3A_64] : memref<16640xi32, #tpu.memory_space<vmem>> -> memref<32xi32, #tpu.memory_space<vmem>>
    %dma_start3A_66 = arith.constant 0 : i32
    %dma_start3A_67 = arith.constant 0 : i32
    %dma_start3A_68 = tpu.memref_slice %arg4[%dma_start3A_66, %dma_start3A_67] : memref<1000000x64xf32, #tpu.memory_space<hbm>> -> memref<1000000x64xf32, #tpu.memory_space<hbm>>
    tpu.enqueue_indirect_dma source(%dma_start3A_68 : memref<1000000x64xf32, #tpu.memory_space<hbm>>) target(%dma_start3A_63 : memref<32x64xf32, #tpu.memory_space<vmem>>) offsets(%dma_start3A_65 : memref<32xi32, #tpu.memory_space<vmem>>) semaphore(%arg15 : memref<!tpu.dma_semaphore, #tpu.memory_space<semaphore_mem>>)
    %dma_start3A_69 = arith.constant 128 : i32
    %dma_start3A_70 = arith.constant 0 : i32
    %dma_start3A_71 = tpu.memref_slice %arg10[%dma_start3A_69, %dma_start3A_70] : memref<640x64xf32, #tpu.memory_space<vmem>> -> memref<32x64xf32, #tpu.memory_space<vmem>>
    %dma_start3A_72 = arith.constant 128 : i32
    %dma_start3A_73 = tpu.memref_slice %arg8[%dma_start3A_72] : memref<16640xi32, #tpu.memory_space<vmem>> -> memref<32xi32, #tpu.memory_space<vmem>>
    %dma_start3A_74 = arith.constant 0 : i32
    %dma_start3A_75 = arith.constant 0 : i32
    %dma_start3A_76 = tpu.memref_slice %arg4[%dma_start3A_74, %dma_start3A_75] : memref<1000000x64xf32, #tpu.memory_space<hbm>> -> memref<1000000x64xf32, #tpu.memory_space<hbm>>
    tpu.enqueue_indirect_dma source(%dma_start3A_76 : memref<1000000x64xf32, #tpu.memory_space<hbm>>) target(%dma_start3A_71 : memref<32x64xf32, #tpu.memory_space<vmem>>) offsets(%dma_start3A_73 : memref<32xi32, #tpu.memory_space<vmem>>) semaphore(%arg15 : memref<!tpu.dma_semaphore, #tpu.memory_space<semaphore_mem>>)
    %dma_start3A_77 = arith.constant 160 : i32
    %dma_start3A_78 = arith.constant 0 : i32
    %dma_start3A_79 = tpu.memref_slice %arg10[%dma_start3A_77, %dma_start3A_78] : memref<640x64xf32, #tpu.memory_space<vmem>> -> memref<32x64xf32, #tpu.memory_space<vmem>>
    %dma_start3A_80 = arith.constant 160 : i32
    %dma_start3A_81 = tpu.memref_slice %arg8[%dma_start3A_80] : memref<16640xi32, #tpu.memory_space<vmem>> -> memref<32xi32, #tpu.memory_space<vmem>>
    %dma_start3A_82 = arith.constant 0 : i32
    %dma_start3A_83 = arith.constant 0 : i32
    %dma_start3A_84 = tpu.memref_slice %arg4[%dma_start3A_82, %dma_start3A_83] : memref<1000000x64xf32, #tpu.memory_space<hbm>> -> memref<1000000x64xf32, #tpu.memory_space<hbm>>
    tpu.enqueue_indirect_dma source(%dma_start3A_84 : memref<1000000x64xf32, #tpu.memory_space<hbm>>) target(%dma_start3A_79 : memref<32x64xf32, #tpu.memory_space<vmem>>) offsets(%dma_start3A_81 : memref<32xi32, #tpu.memory_space<vmem>>) semaphore(%arg15 : memref<!tpu.dma_semaphore, #tpu.memory_space<semaphore_mem>>)
    %dma_start3A_85 = arith.constant 192 : i32
    %dma_start3A_86 = arith.constant 0 : i32
    %dma_start3A_87 = tpu.memref_slice %arg10[%dma_start3A_85, %dma_start3A_86] : memref<640x64xf32, #tpu.memory_space<vmem>> -> memref<32x64xf32, #tpu.memory_space<vmem>>
    %dma_start3A_88 = arith.constant 192 : i32
    %dma_start3A_89 = tpu.memref_slice %arg8[%dma_start3A_88] : memref<16640xi32, #tpu.memory_space<vmem>> -> memref<32xi32, #tpu.memory_space<vmem>>
    %dma_start3A_90 = arith.constant 0 : i32
    %dma_start3A_91 = arith.constant 0 : i32
    %dma_start3A_92 = tpu.memref_slice %arg4[%dma_start3A_90, %dma_start3A_91] : memref<1000000x64xf32, #tpu.memory_space<hbm>> -> memref<1000000x64xf32, #tpu.memory_space<hbm>>
    tpu.enqueue_indirect_dma source(%dma_start3A_92 : memref<1000000x64xf32, #tpu.memory_space<hbm>>) target(%dma_start3A_87 : memref<32x64xf32, #tpu.memory_space<vmem>>) offsets(%dma_start3A_89 : memref<32xi32, #tpu.memory_space<vmem>>) semaphore(%arg15 : memref<!tpu.dma_semaphore, #tpu.memory_space<semaphore_mem>>)
    %dma_start3A_93 = arith.constant 224 : i32
    %dma_start3A_94 = arith.constant 0 : i32
    %dma_start3A_95 = tpu.memref_slice %arg10[%dma_start3A_93, %dma_start3A_94] : memref<640x64xf32, #tpu.memory_space<vmem>> -> memref<32x64xf32, #tpu.memory_space<vmem>>
    %dma_start3A_96 = arith.constant 224 : i32
    %dma_start3A_97 = tpu.memref_slice %arg8[%dma_start3A_96] : memref<16640xi32, #tpu.memory_space<vmem>> -> memref<32xi32, #tpu.memory_space<vmem>>
    %dma_start3A_98 = arith.constant 0 : i32
    %dma_start3A_99 = arith.constant 0 : i32
    %dma_start3A_100 = tpu.memref_slice %arg4[%dma_start3A_98, %dma_start3A_99] : memref<1000000x64xf32, #tpu.memory_space<hbm>> -> memref<1000000x64xf32, #tpu.memory_space<hbm>>
    tpu.enqueue_indirect_dma source(%dma_start3A_100 : memref<1000000x64xf32, #tpu.memory_space<hbm>>) target(%dma_start3A_95 : memref<32x64xf32, #tpu.memory_space<vmem>>) offsets(%dma_start3A_97 : memref<32xi32, #tpu.memory_space<vmem>>) semaphore(%arg15 : memref<!tpu.dma_semaphore, #tpu.memory_space<semaphore_mem>>)
    %dma_start3A_101 = arith.constant 256 : i32
    %dma_start3A_102 = arith.constant 0 : i32
    %dma_start3A_103 = tpu.memref_slice %arg10[%dma_start3A_101, %dma_start3A_102] : memref<640x64xf32, #tpu.memory_space<vmem>> -> memref<32x64xf32, #tpu.memory_space<vmem>>
    %dma_start3A_104 = arith.constant 256 : i32
    %dma_start3A_105 = tpu.memref_slice %arg8[%dma_start3A_104] : memref<16640xi32, #tpu.memory_space<vmem>> -> memref<32xi32, #tpu.memory_space<vmem>>
    %dma_start3A_106 = arith.constant 0 : i32
    %dma_start3A_107 = arith.constant 0 : i32
    %dma_start3A_108 = tpu.memref_slice %arg4[%dma_start3A_106, %dma_start3A_107] : memref<1000000x64xf32, #tpu.memory_space<hbm>> -> memref<1000000x64xf32, #tpu.memory_space<hbm>>
    tpu.enqueue_indirect_dma source(%dma_start3A_108 : memref<1000000x64xf32, #tpu.memory_space<hbm>>) target(%dma_start3A_103 : memref<32x64xf32, #tpu.memory_space<vmem>>) offsets(%dma_start3A_105 : memref<32xi32, #tpu.memory_space<vmem>>) semaphore(%arg15 : memref<!tpu.dma_semaphore, #tpu.memory_space<semaphore_mem>>)
    %dma_start3A_109 = arith.constant 288 : i32
    %dma_start3A_110 = arith.constant 0 : i32
    %dma_start3A_111 = tpu.memref_slice %arg10[%dma_start3A_109, %dma_start3A_110] : memref<640x64xf32, #tpu.memory_space<vmem>> -> memref<32x64xf32, #tpu.memory_space<vmem>>
    %dma_start3A_112 = arith.constant 288 : i32
    %dma_start3A_113 = tpu.memref_slice %arg8[%dma_start3A_112] : memref<16640xi32, #tpu.memory_space<vmem>> -> memref<32xi32, #tpu.memory_space<vmem>>
    %dma_start3A_114 = arith.constant 0 : i32
    %dma_start3A_115 = arith.constant 0 : i32
    %dma_start3A_116 = tpu.memref_slice %arg4[%dma_start3A_114, %dma_start3A_115] : memref<1000000x64xf32, #tpu.memory_space<hbm>> -> memref<1000000x64xf32, #tpu.memory_space<hbm>>
    tpu.enqueue_indirect_dma source(%dma_start3A_116 : memref<1000000x64xf32, #tpu.memory_space<hbm>>) target(%dma_start3A_111 : memref<32x64xf32, #tpu.memory_space<vmem>>) offsets(%dma_start3A_113 : memref<32xi32, #tpu.memory_space<vmem>>) semaphore(%arg15 : memref<!tpu.dma_semaphore, #tpu.memory_space<semaphore_mem>>)
    %dma_start3A_117 = arith.constant 320 : i32
    %dma_start3A_118 = arith.constant 0 : i32
    %dma_start3A_119 = tpu.memref_slice %arg10[%dma_start3A_117, %dma_start3A_118] : memref<640x64xf32, #tpu.memory_space<vmem>> -> memref<32x64xf32, #tpu.memory_space<vmem>>
    %dma_start3A_120 = arith.constant 320 : i32
    %dma_start3A_121 = tpu.memref_slice %arg8[%dma_start3A_120] : memref<16640xi32, #tpu.memory_space<vmem>> -> memref<32xi32, #tpu.memory_space<vmem>>
    %dma_start3A_122 = arith.constant 0 : i32
    %dma_start3A_123 = arith.constant 0 : i32
    %dma_start3A_124 = tpu.memref_slice %arg4[%dma_start3A_122, %dma_start3A_123] : memref<1000000x64xf32, #tpu.memory_space<hbm>> -> memref<1000000x64xf32, #tpu.memory_space<hbm>>
    tpu.enqueue_indirect_dma source(%dma_start3A_124 : memref<1000000x64xf32, #tpu.memory_space<hbm>>) target(%dma_start3A_119 : memref<32x64xf32, #tpu.memory_space<vmem>>) offsets(%dma_start3A_121 : memref<32xi32, #tpu.memory_space<vmem>>) semaphore(%arg15 : memref<!tpu.dma_semaphore, #tpu.memory_space<semaphore_mem>>)
    %dma_start3A_125 = arith.constant 352 : i32
    %dma_start3A_126 = arith.constant 0 : i32
    %dma_start3A_127 = tpu.memref_slice %arg10[%dma_start3A_125, %dma_start3A_126] : memref<640x64xf32, #tpu.memory_space<vmem>> -> memref<32x64xf32, #tpu.memory_space<vmem>>
    %dma_start3A_128 = arith.constant 352 : i32
    %dma_start3A_129 = tpu.memref_slice %arg8[%dma_start3A_128] : memref<16640xi32, #tpu.memory_space<vmem>> -> memref<32xi32, #tpu.memory_space<vmem>>
    %dma_start3A_130 = arith.constant 0 : i32
    %dma_start3A_131 = arith.constant 0 : i32
    %dma_start3A_132 = tpu.memref_slice %arg4[%dma_start3A_130, %dma_start3A_131] : memref<1000000x64xf32, #tpu.memory_space<hbm>> -> memref<1000000x64xf32, #tpu.memory_space<hbm>>
    tpu.enqueue_indirect_dma source(%dma_start3A_132 : memref<1000000x64xf32, #tpu.memory_space<hbm>>) target(%dma_start3A_127 : memref<32x64xf32, #tpu.memory_space<vmem>>) offsets(%dma_start3A_129 : memref<32xi32, #tpu.memory_space<vmem>>) semaphore(%arg15 : memref<!tpu.dma_semaphore, #tpu.memory_space<semaphore_mem>>)
    %dma_start3A_133 = arith.constant 384 : i32
    %dma_start3A_134 = arith.constant 0 : i32
    %dma_start3A_135 = tpu.memref_slice %arg10[%dma_start3A_133, %dma_start3A_134] : memref<640x64xf32, #tpu.memory_space<vmem>> -> memref<32x64xf32, #tpu.memory_space<vmem>>
    %dma_start3A_136 = arith.constant 384 : i32
    %dma_start3A_137 = tpu.memref_slice %arg8[%dma_start3A_136] : memref<16640xi32, #tpu.memory_space<vmem>> -> memref<32xi32, #tpu.memory_space<vmem>>
    %dma_start3A_138 = arith.constant 0 : i32
    %dma_start3A_139 = arith.constant 0 : i32
    %dma_start3A_140 = tpu.memref_slice %arg4[%dma_start3A_138, %dma_start3A_139] : memref<1000000x64xf32, #tpu.memory_space<hbm>> -> memref<1000000x64xf32, #tpu.memory_space<hbm>>
    tpu.enqueue_indirect_dma source(%dma_start3A_140 : memref<1000000x64xf32, #tpu.memory_space<hbm>>) target(%dma_start3A_135 : memref<32x64xf32, #tpu.memory_space<vmem>>) offsets(%dma_start3A_137 : memref<32xi32, #tpu.memory_space<vmem>>) semaphore(%arg15 : memref<!tpu.dma_semaphore, #tpu.memory_space<semaphore_mem>>)
    %dma_start3A_141 = arith.constant 416 : i32
    %dma_start3A_142 = arith.constant 0 : i32
    %dma_start3A_143 = tpu.memref_slice %arg10[%dma_start3A_141, %dma_start3A_142] : memref<640x64xf32, #tpu.memory_space<vmem>> -> memref<32x64xf32, #tpu.memory_space<vmem>>
    %dma_start3A_144 = arith.constant 416 : i32
    %dma_start3A_145 = tpu.memref_slice %arg8[%dma_start3A_144] : memref<16640xi32, #tpu.memory_space<vmem>> -> memref<32xi32, #tpu.memory_space<vmem>>
    %dma_start3A_146 = arith.constant 0 : i32
    %dma_start3A_147 = arith.constant 0 : i32
    %dma_start3A_148 = tpu.memref_slice %arg4[%dma_start3A_146, %dma_start3A_147] : memref<1000000x64xf32, #tpu.memory_space<hbm>> -> memref<1000000x64xf32, #tpu.memory_space<hbm>>
    tpu.enqueue_indirect_dma source(%dma_start3A_148 : memref<1000000x64xf32, #tpu.memory_space<hbm>>) target(%dma_start3A_143 : memref<32x64xf32, #tpu.memory_space<vmem>>) offsets(%dma_start3A_145 : memref<32xi32, #tpu.memory_space<vmem>>) semaphore(%arg15 : memref<!tpu.dma_semaphore, #tpu.memory_space<semaphore_mem>>)
    %dma_start3A_149 = arith.constant 448 : i32
    %dma_start3A_150 = arith.constant 0 : i32
    %dma_start3A_151 = tpu.memref_slice %arg10[%dma_start3A_149, %dma_start3A_150] : memref<640x64xf32, #tpu.memory_space<vmem>> -> memref<32x64xf32, #tpu.memory_space<vmem>>
    %dma_start3A_152 = arith.constant 448 : i32
    %dma_start3A_153 = tpu.memref_slice %arg8[%dma_start3A_152] : memref<16640xi32, #tpu.memory_space<vmem>> -> memref<32xi32, #tpu.memory_space<vmem>>
    %dma_start3A_154 = arith.constant 0 : i32
    %dma_start3A_155 = arith.constant 0 : i32
    %dma_start3A_156 = tpu.memref_slice %arg4[%dma_start3A_154, %dma_start3A_155] : memref<1000000x64xf32, #tpu.memory_space<hbm>> -> memref<1000000x64xf32, #tpu.memory_space<hbm>>
    tpu.enqueue_indirect_dma source(%dma_start3A_156 : memref<1000000x64xf32, #tpu.memory_space<hbm>>) target(%dma_start3A_151 : memref<32x64xf32, #tpu.memory_space<vmem>>) offsets(%dma_start3A_153 : memref<32xi32, #tpu.memory_space<vmem>>) semaphore(%arg15 : memref<!tpu.dma_semaphore, #tpu.memory_space<semaphore_mem>>)
    %dma_start3A_157 = arith.constant 480 : i32
    %dma_start3A_158 = arith.constant 0 : i32
    %dma_start3A_159 = tpu.memref_slice %arg10[%dma_start3A_157, %dma_start3A_158] : memref<640x64xf32, #tpu.memory_space<vmem>> -> memref<32x64xf32, #tpu.memory_space<vmem>>
    %dma_start3A_160 = arith.constant 480 : i32
    %dma_start3A_161 = tpu.memref_slice %arg8[%dma_start3A_160] : memref<16640xi32, #tpu.memory_space<vmem>> -> memref<32xi32, #tpu.memory_space<vmem>>
    %dma_start3A_162 = arith.constant 0 : i32
    %dma_start3A_163 = arith.constant 0 : i32
    %dma_start3A_164 = tpu.memref_slice %arg4[%dma_start3A_162, %dma_start3A_163] : memref<1000000x64xf32, #tpu.memory_space<hbm>> -> memref<1000000x64xf32, #tpu.memory_space<hbm>>
    tpu.enqueue_indirect_dma source(%dma_start3A_164 : memref<1000000x64xf32, #tpu.memory_space<hbm>>) target(%dma_start3A_159 : memref<32x64xf32, #tpu.memory_space<vmem>>) offsets(%dma_start3A_161 : memref<32xi32, #tpu.memory_space<vmem>>) semaphore(%arg15 : memref<!tpu.dma_semaphore, #tpu.memory_space<semaphore_mem>>)
    %dma_start3A_165 = arith.constant 512 : i32
    %dma_start3A_166 = arith.constant 0 : i32
    %dma_start3A_167 = tpu.memref_slice %arg10[%dma_start3A_165, %dma_start3A_166] : memref<640x64xf32, #tpu.memory_space<vmem>> -> memref<32x64xf32, #tpu.memory_space<vmem>>
    %dma_start3A_168 = arith.constant 512 : i32
    %dma_start3A_169 = tpu.memref_slice %arg8[%dma_start3A_168] : memref<16640xi32, #tpu.memory_space<vmem>> -> memref<32xi32, #tpu.memory_space<vmem>>
    %dma_start3A_170 = arith.constant 0 : i32
    %dma_start3A_171 = arith.constant 0 : i32
    %dma_start3A_172 = tpu.memref_slice %arg4[%dma_start3A_170, %dma_start3A_171] : memref<1000000x64xf32, #tpu.memory_space<hbm>> -> memref<1000000x64xf32, #tpu.memory_space<hbm>>
    tpu.enqueue_indirect_dma source(%dma_start3A_172 : memref<1000000x64xf32, #tpu.memory_space<hbm>>) target(%dma_start3A_167 : memref<32x64xf32, #tpu.memory_space<vmem>>) offsets(%dma_start3A_169 : memref<32xi32, #tpu.memory_space<vmem>>) semaphore(%arg15 : memref<!tpu.dma_semaphore, #tpu.memory_space<semaphore_mem>>)
    %dma_start3A_173 = arith.constant 544 : i32
    %dma_start3A_174 = arith.constant 0 : i32
    %dma_start3A_175 = tpu.memref_slice %arg10[%dma_start3A_173, %dma_start3A_174] : memref<640x64xf32, #tpu.memory_space<vmem>> -> memref<32x64xf32, #tpu.memory_space<vmem>>
    %dma_start3A_176 = arith.constant 544 : i32
    %dma_start3A_177 = tpu.memref_slice %arg8[%dma_start3A_176] : memref<16640xi32, #tpu.memory_space<vmem>> -> memref<32xi32, #tpu.memory_space<vmem>>
    %dma_start3A_178 = arith.constant 0 : i32
    %dma_start3A_179 = arith.constant 0 : i32
    %dma_start3A_180 = tpu.memref_slice %arg4[%dma_start3A_178, %dma_start3A_179] : memref<1000000x64xf32, #tpu.memory_space<hbm>> -> memref<1000000x64xf32, #tpu.memory_space<hbm>>
    tpu.enqueue_indirect_dma source(%dma_start3A_180 : memref<1000000x64xf32, #tpu.memory_space<hbm>>) target(%dma_start3A_175 : memref<32x64xf32, #tpu.memory_space<vmem>>) offsets(%dma_start3A_177 : memref<32xi32, #tpu.memory_space<vmem>>) semaphore(%arg15 : memref<!tpu.dma_semaphore, #tpu.memory_space<semaphore_mem>>)
    %dma_start3A_181 = arith.constant 576 : i32
    %dma_start3A_182 = arith.constant 0 : i32
    %dma_start3A_183 = tpu.memref_slice %arg10[%dma_start3A_181, %dma_start3A_182] : memref<640x64xf32, #tpu.memory_space<vmem>> -> memref<32x64xf32, #tpu.memory_space<vmem>>
    %dma_start3A_184 = arith.constant 576 : i32
    %dma_start3A_185 = tpu.memref_slice %arg8[%dma_start3A_184] : memref<16640xi32, #tpu.memory_space<vmem>> -> memref<32xi32, #tpu.memory_space<vmem>>
    %dma_start3A_186 = arith.constant 0 : i32
    %dma_start3A_187 = arith.constant 0 : i32
    %dma_start3A_188 = tpu.memref_slice %arg4[%dma_start3A_186, %dma_start3A_187] : memref<1000000x64xf32, #tpu.memory_space<hbm>> -> memref<1000000x64xf32, #tpu.memory_space<hbm>>
    tpu.enqueue_indirect_dma source(%dma_start3A_188 : memref<1000000x64xf32, #tpu.memory_space<hbm>>) target(%dma_start3A_183 : memref<32x64xf32, #tpu.memory_space<vmem>>) offsets(%dma_start3A_185 : memref<32xi32, #tpu.memory_space<vmem>>) semaphore(%arg15 : memref<!tpu.dma_semaphore, #tpu.memory_space<semaphore_mem>>)
    %dma_start3A_189 = arith.constant 608 : i32
    %dma_start3A_190 = arith.constant 0 : i32
    %dma_start3A_191 = tpu.memref_slice %arg10[%dma_start3A_189, %dma_start3A_190] : memref<640x64xf32, #tpu.memory_space<vmem>> -> memref<32x64xf32, #tpu.memory_space<vmem>>
    %dma_start3A_192 = arith.constant 608 : i32
    %dma_start3A_193 = tpu.memref_slice %arg8[%dma_start3A_192] : memref<16640xi32, #tpu.memory_space<vmem>> -> memref<32xi32, #tpu.memory_space<vmem>>
    %dma_start3A_194 = arith.constant 0 : i32
    %dma_start3A_195 = arith.constant 0 : i32
    %dma_start3A_196 = tpu.memref_slice %arg4[%dma_start3A_194, %dma_start3A_195] : memref<1000000x64xf32, #tpu.memory_space<hbm>> -> memref<1000000x64xf32, #tpu.memory_space<hbm>>
    tpu.enqueue_indirect_dma source(%dma_start3A_196 : memref<1000000x64xf32, #tpu.memory_space<hbm>>) target(%dma_start3A_191 : memref<32x64xf32, #tpu.memory_space<vmem>>) offsets(%dma_start3A_193 : memref<32xi32, #tpu.memory_space<vmem>>) semaphore(%arg15 : memref<!tpu.dma_semaphore, #tpu.memory_space<semaphore_mem>>)
    %scan3A_197 = arith.constant 0 : i32
    %scan3A_198 = arith.constant 0 : i32
    %scan3A_199 = arith.constant 13 : i32
    %scan3A_200 = arith.addi %scan3A_198, %scan3A_199 : i32
    %scan3A_201 = arith.constant 1 : i32
    %scan3A_202 = scf.for %scan3A_204 = %scan3A_198 to %scan3A_200 step %scan3A_201 iter_args(%scan3A_205 = %scan3A_197) -> (i32)  : i32 {
      %mul3A_206 = arith.constant 2 : i32
      %mul3A_207 = arith.muli %scan3A_204, %mul3A_206 : i32
      %add3A_208 = arith.constant 1 : i32
      %add3A_209 = arith.addi %mul3A_207, %add3A_208 : i32
      %lt3A = arith.constant 26 : i32
      %lt3A_210 = arith.cmpi slt, %add3A_209, %lt3A : i32
      %convert_element_type3A = arith.extui %lt3A_210 : i1 to i32
      %cond3A = arith.constant 0 : i32
      %cond3A_211 = arith.cmpi ne, %convert_element_type3A, %cond3A : i32
      scf.if %cond3A_211 {
        %add3A_845 = arith.constant 1 : i32
        %add3A_846 = arith.addi %mul3A_207, %add3A_845 : i32
        %mul3A_847 = arith.constant 640 : i32
        %mul3A_848 = arith.muli %add3A_846, %mul3A_847 : i32
        %add3A_849 = arith.constant 0 : i32
        %add3A_850 = arith.addi %mul3A_848, %add3A_849 : i32
        %dma_start3A_851 = arith.constant 0 : i32
        %dma_start3A_852 = arith.constant 0 : i32
        %dma_start3A_853 = tpu.memref_slice %arg11[%dma_start3A_851, %dma_start3A_852] : memref<640x64xf32, #tpu.memory_space<vmem>> -> memref<32x64xf32, #tpu.memory_space<vmem>>
        %dma_start3A_854 = tpu.memref_slice %arg8[%add3A_850] : memref<16640xi32, #tpu.memory_space<vmem>> -> memref<32xi32, #tpu.memory_space<vmem>>
        %dma_start3A_855 = arith.constant 0 : i32
        %dma_start3A_856 = arith.constant 0 : i32
        %dma_start3A_857 = tpu.memref_slice %arg4[%dma_start3A_855, %dma_start3A_856] : memref<1000000x64xf32, #tpu.memory_space<hbm>> -> memref<1000000x64xf32, #tpu.memory_space<hbm>>
        tpu.enqueue_indirect_dma source(%dma_start3A_857 : memref<1000000x64xf32, #tpu.memory_space<hbm>>) target(%dma_start3A_853 : memref<32x64xf32, #tpu.memory_space<vmem>>) offsets(%dma_start3A_854 : memref<32xi32, #tpu.memory_space<vmem>>) semaphore(%arg16 : memref<!tpu.dma_semaphore, #tpu.memory_space<semaphore_mem>>)
        %add3A_858 = arith.constant 32 : i32
        %add3A_859 = arith.addi %mul3A_848, %add3A_858 : i32
        %dma_start3A_860 = arith.constant 32 : i32
        %dma_start3A_861 = arith.constant 0 : i32
        %dma_start3A_862 = tpu.memref_slice %arg11[%dma_start3A_860, %dma_start3A_861] : memref<640x64xf32, #tpu.memory_space<vmem>> -> memref<32x64xf32, #tpu.memory_space<vmem>>
        %dma_start3A_863 = tpu.memref_slice %arg8[%add3A_859] : memref<16640xi32, #tpu.memory_space<vmem>> -> memref<32xi32, #tpu.memory_space<vmem>>
        %dma_start3A_864 = arith.constant 0 : i32
        %dma_start3A_865 = arith.constant 0 : i32
        %dma_start3A_866 = tpu.memref_slice %arg4[%dma_start3A_864, %dma_start3A_865] : memref<1000000x64xf32, #tpu.memory_space<hbm>> -> memref<1000000x64xf32, #tpu.memory_space<hbm>>
        tpu.enqueue_indirect_dma source(%dma_start3A_866 : memref<1000000x64xf32, #tpu.memory_space<hbm>>) target(%dma_start3A_862 : memref<32x64xf32, #tpu.memory_space<vmem>>) offsets(%dma_start3A_863 : memref<32xi32, #tpu.memory_space<vmem>>) semaphore(%arg16 : memref<!tpu.dma_semaphore, #tpu.memory_space<semaphore_mem>>)
        %add3A_867 = arith.constant 64 : i32
        %add3A_868 = arith.addi %mul3A_848, %add3A_867 : i32
        %dma_start3A_869 = arith.constant 64 : i32
        %dma_start3A_870 = arith.constant 0 : i32
        %dma_start3A_871 = tpu.memref_slice %arg11[%dma_start3A_869, %dma_start3A_870] : memref<640x64xf32, #tpu.memory_space<vmem>> -> memref<32x64xf32, #tpu.memory_space<vmem>>
        %dma_start3A_872 = tpu.memref_slice %arg8[%add3A_868] : memref<16640xi32, #tpu.memory_space<vmem>> -> memref<32xi32, #tpu.memory_space<vmem>>
        %dma_start3A_873 = arith.constant 0 : i32
        %dma_start3A_874 = arith.constant 0 : i32
        %dma_start3A_875 = tpu.memref_slice %arg4[%dma_start3A_873, %dma_start3A_874] : memref<1000000x64xf32, #tpu.memory_space<hbm>> -> memref<1000000x64xf32, #tpu.memory_space<hbm>>
        tpu.enqueue_indirect_dma source(%dma_start3A_875 : memref<1000000x64xf32, #tpu.memory_space<hbm>>) target(%dma_start3A_871 : memref<32x64xf32, #tpu.memory_space<vmem>>) offsets(%dma_start3A_872 : memref<32xi32, #tpu.memory_space<vmem>>) semaphore(%arg16 : memref<!tpu.dma_semaphore, #tpu.memory_space<semaphore_mem>>)
        %add3A_876 = arith.constant 96 : i32
        %add3A_877 = arith.addi %mul3A_848, %add3A_876 : i32
        %dma_start3A_878 = arith.constant 96 : i32
        %dma_start3A_879 = arith.constant 0 : i32
        %dma_start3A_880 = tpu.memref_slice %arg11[%dma_start3A_878, %dma_start3A_879] : memref<640x64xf32, #tpu.memory_space<vmem>> -> memref<32x64xf32, #tpu.memory_space<vmem>>
        %dma_start3A_881 = tpu.memref_slice %arg8[%add3A_877] : memref<16640xi32, #tpu.memory_space<vmem>> -> memref<32xi32, #tpu.memory_space<vmem>>
        %dma_start3A_882 = arith.constant 0 : i32
        %dma_start3A_883 = arith.constant 0 : i32
        %dma_start3A_884 = tpu.memref_slice %arg4[%dma_start3A_882, %dma_start3A_883] : memref<1000000x64xf32, #tpu.memory_space<hbm>> -> memref<1000000x64xf32, #tpu.memory_space<hbm>>
        tpu.enqueue_indirect_dma source(%dma_start3A_884 : memref<1000000x64xf32, #tpu.memory_space<hbm>>) target(%dma_start3A_880 : memref<32x64xf32, #tpu.memory_space<vmem>>) offsets(%dma_start3A_881 : memref<32xi32, #tpu.memory_space<vmem>>) semaphore(%arg16 : memref<!tpu.dma_semaphore, #tpu.memory_space<semaphore_mem>>)
        %add3A_885 = arith.constant 128 : i32
        %add3A_886 = arith.addi %mul3A_848, %add3A_885 : i32
        %dma_start3A_887 = arith.constant 128 : i32
        %dma_start3A_888 = arith.constant 0 : i32
        %dma_start3A_889 = tpu.memref_slice %arg11[%dma_start3A_887, %dma_start3A_888] : memref<640x64xf32, #tpu.memory_space<vmem>> -> memref<32x64xf32, #tpu.memory_space<vmem>>
        %dma_start3A_890 = tpu.memref_slice %arg8[%add3A_886] : memref<16640xi32, #tpu.memory_space<vmem>> -> memref<32xi32, #tpu.memory_space<vmem>>
        %dma_start3A_891 = arith.constant 0 : i32
        %dma_start3A_892 = arith.constant 0 : i32
        %dma_start3A_893 = tpu.memref_slice %arg4[%dma_start3A_891, %dma_start3A_892] : memref<1000000x64xf32, #tpu.memory_space<hbm>> -> memref<1000000x64xf32, #tpu.memory_space<hbm>>
        tpu.enqueue_indirect_dma source(%dma_start3A_893 : memref<1000000x64xf32, #tpu.memory_space<hbm>>) target(%dma_start3A_889 : memref<32x64xf32, #tpu.memory_space<vmem>>) offsets(%dma_start3A_890 : memref<32xi32, #tpu.memory_space<vmem>>) semaphore(%arg16 : memref<!tpu.dma_semaphore, #tpu.memory_space<semaphore_mem>>)
        %add3A_894 = arith.constant 160 : i32
        %add3A_895 = arith.addi %mul3A_848, %add3A_894 : i32
        %dma_start3A_896 = arith.constant 160 : i32
        %dma_start3A_897 = arith.constant 0 : i32
        %dma_start3A_898 = tpu.memref_slice %arg11[%dma_start3A_896, %dma_start3A_897] : memref<640x64xf32, #tpu.memory_space<vmem>> -> memref<32x64xf32, #tpu.memory_space<vmem>>
        %dma_start3A_899 = tpu.memref_slice %arg8[%add3A_895] : memref<16640xi32, #tpu.memory_space<vmem>> -> memref<32xi32, #tpu.memory_space<vmem>>
        %dma_start3A_900 = arith.constant 0 : i32
        %dma_start3A_901 = arith.constant 0 : i32
        %dma_start3A_902 = tpu.memref_slice %arg4[%dma_start3A_900, %dma_start3A_901] : memref<1000000x64xf32, #tpu.memory_space<hbm>> -> memref<1000000x64xf32, #tpu.memory_space<hbm>>
        tpu.enqueue_indirect_dma source(%dma_start3A_902 : memref<1000000x64xf32, #tpu.memory_space<hbm>>) target(%dma_start3A_898 : memref<32x64xf32, #tpu.memory_space<vmem>>) offsets(%dma_start3A_899 : memref<32xi32, #tpu.memory_space<vmem>>) semaphore(%arg16 : memref<!tpu.dma_semaphore, #tpu.memory_space<semaphore_mem>>)
        %add3A_903 = arith.constant 192 : i32
        %add3A_904 = arith.addi %mul3A_848, %add3A_903 : i32
        %dma_start3A_905 = arith.constant 192 : i32
        %dma_start3A_906 = arith.constant 0 : i32
        %dma_start3A_907 = tpu.memref_slice %arg11[%dma_start3A_905, %dma_start3A_906] : memref<640x64xf32, #tpu.memory_space<vmem>> -> memref<32x64xf32, #tpu.memory_space<vmem>>
        %dma_start3A_908 = tpu.memref_slice %arg8[%add3A_904] : memref<16640xi32, #tpu.memory_space<vmem>> -> memref<32xi32, #tpu.memory_space<vmem>>
        %dma_start3A_909 = arith.constant 0 : i32
        %dma_start3A_910 = arith.constant 0 : i32
        %dma_start3A_911 = tpu.memref_slice %arg4[%dma_start3A_909, %dma_start3A_910] : memref<1000000x64xf32, #tpu.memory_space<hbm>> -> memref<1000000x64xf32, #tpu.memory_space<hbm>>
        tpu.enqueue_indirect_dma source(%dma_start3A_911 : memref<1000000x64xf32, #tpu.memory_space<hbm>>) target(%dma_start3A_907 : memref<32x64xf32, #tpu.memory_space<vmem>>) offsets(%dma_start3A_908 : memref<32xi32, #tpu.memory_space<vmem>>) semaphore(%arg16 : memref<!tpu.dma_semaphore, #tpu.memory_space<semaphore_mem>>)
        %add3A_912 = arith.constant 224 : i32
        %add3A_913 = arith.addi %mul3A_848, %add3A_912 : i32
        %dma_start3A_914 = arith.constant 224 : i32
        %dma_start3A_915 = arith.constant 0 : i32
        %dma_start3A_916 = tpu.memref_slice %arg11[%dma_start3A_914, %dma_start3A_915] : memref<640x64xf32, #tpu.memory_space<vmem>> -> memref<32x64xf32, #tpu.memory_space<vmem>>
        %dma_start3A_917 = tpu.memref_slice %arg8[%add3A_913] : memref<16640xi32, #tpu.memory_space<vmem>> -> memref<32xi32, #tpu.memory_space<vmem>>
        %dma_start3A_918 = arith.constant 0 : i32
        %dma_start3A_919 = arith.constant 0 : i32
        %dma_start3A_920 = tpu.memref_slice %arg4[%dma_start3A_918, %dma_start3A_919] : memref<1000000x64xf32, #tpu.memory_space<hbm>> -> memref<1000000x64xf32, #tpu.memory_space<hbm>>
        tpu.enqueue_indirect_dma source(%dma_start3A_920 : memref<1000000x64xf32, #tpu.memory_space<hbm>>) target(%dma_start3A_916 : memref<32x64xf32, #tpu.memory_space<vmem>>) offsets(%dma_start3A_917 : memref<32xi32, #tpu.memory_space<vmem>>) semaphore(%arg16 : memref<!tpu.dma_semaphore, #tpu.memory_space<semaphore_mem>>)
        %add3A_921 = arith.constant 256 : i32
        %add3A_922 = arith.addi %mul3A_848, %add3A_921 : i32
        %dma_start3A_923 = arith.constant 256 : i32
        %dma_start3A_924 = arith.constant 0 : i32
        %dma_start3A_925 = tpu.memref_slice %arg11[%dma_start3A_923, %dma_start3A_924] : memref<640x64xf32, #tpu.memory_space<vmem>> -> memref<32x64xf32, #tpu.memory_space<vmem>>
        %dma_start3A_926 = tpu.memref_slice %arg8[%add3A_922] : memref<16640xi32, #tpu.memory_space<vmem>> -> memref<32xi32, #tpu.memory_space<vmem>>
        %dma_start3A_927 = arith.constant 0 : i32
        %dma_start3A_928 = arith.constant 0 : i32
        %dma_start3A_929 = tpu.memref_slice %arg4[%dma_start3A_927, %dma_start3A_928] : memref<1000000x64xf32, #tpu.memory_space<hbm>> -> memref<1000000x64xf32, #tpu.memory_space<hbm>>
        tpu.enqueue_indirect_dma source(%dma_start3A_929 : memref<1000000x64xf32, #tpu.memory_space<hbm>>) target(%dma_start3A_925 : memref<32x64xf32, #tpu.memory_space<vmem>>) offsets(%dma_start3A_926 : memref<32xi32, #tpu.memory_space<vmem>>) semaphore(%arg16 : memref<!tpu.dma_semaphore, #tpu.memory_space<semaphore_mem>>)
        %add3A_930 = arith.constant 288 : i32
        %add3A_931 = arith.addi %mul3A_848, %add3A_930 : i32
        %dma_start3A_932 = arith.constant 288 : i32
        %dma_start3A_933 = arith.constant 0 : i32
        %dma_start3A_934 = tpu.memref_slice %arg11[%dma_start3A_932, %dma_start3A_933] : memref<640x64xf32, #tpu.memory_space<vmem>> -> memref<32x64xf32, #tpu.memory_space<vmem>>
        %dma_start3A_935 = tpu.memref_slice %arg8[%add3A_931] : memref<16640xi32, #tpu.memory_space<vmem>> -> memref<32xi32, #tpu.memory_space<vmem>>
        %dma_start3A_936 = arith.constant 0 : i32
        %dma_start3A_937 = arith.constant 0 : i32
        %dma_start3A_938 = tpu.memref_slice %arg4[%dma_start3A_936, %dma_start3A_937] : memref<1000000x64xf32, #tpu.memory_space<hbm>> -> memref<1000000x64xf32, #tpu.memory_space<hbm>>
        tpu.enqueue_indirect_dma source(%dma_start3A_938 : memref<1000000x64xf32, #tpu.memory_space<hbm>>) target(%dma_start3A_934 : memref<32x64xf32, #tpu.memory_space<vmem>>) offsets(%dma_start3A_935 : memref<32xi32, #tpu.memory_space<vmem>>) semaphore(%arg16 : memref<!tpu.dma_semaphore, #tpu.memory_space<semaphore_mem>>)
        %add3A_939 = arith.constant 320 : i32
        %add3A_940 = arith.addi %mul3A_848, %add3A_939 : i32
        %dma_start3A_941 = arith.constant 320 : i32
        %dma_start3A_942 = arith.constant 0 : i32
        %dma_start3A_943 = tpu.memref_slice %arg11[%dma_start3A_941, %dma_start3A_942] : memref<640x64xf32, #tpu.memory_space<vmem>> -> memref<32x64xf32, #tpu.memory_space<vmem>>
        %dma_start3A_944 = tpu.memref_slice %arg8[%add3A_940] : memref<16640xi32, #tpu.memory_space<vmem>> -> memref<32xi32, #tpu.memory_space<vmem>>
        %dma_start3A_945 = arith.constant 0 : i32
        %dma_start3A_946 = arith.constant 0 : i32
        %dma_start3A_947 = tpu.memref_slice %arg4[%dma_start3A_945, %dma_start3A_946] : memref<1000000x64xf32, #tpu.memory_space<hbm>> -> memref<1000000x64xf32, #tpu.memory_space<hbm>>
        tpu.enqueue_indirect_dma source(%dma_start3A_947 : memref<1000000x64xf32, #tpu.memory_space<hbm>>) target(%dma_start3A_943 : memref<32x64xf32, #tpu.memory_space<vmem>>) offsets(%dma_start3A_944 : memref<32xi32, #tpu.memory_space<vmem>>) semaphore(%arg16 : memref<!tpu.dma_semaphore, #tpu.memory_space<semaphore_mem>>)
        %add3A_948 = arith.constant 352 : i32
        %add3A_949 = arith.addi %mul3A_848, %add3A_948 : i32
        %dma_start3A_950 = arith.constant 352 : i32
        %dma_start3A_951 = arith.constant 0 : i32
        %dma_start3A_952 = tpu.memref_slice %arg11[%dma_start3A_950, %dma_start3A_951] : memref<640x64xf32, #tpu.memory_space<vmem>> -> memref<32x64xf32, #tpu.memory_space<vmem>>
        %dma_start3A_953 = tpu.memref_slice %arg8[%add3A_949] : memref<16640xi32, #tpu.memory_space<vmem>> -> memref<32xi32, #tpu.memory_space<vmem>>
        %dma_start3A_954 = arith.constant 0 : i32
        %dma_start3A_955 = arith.constant 0 : i32
        %dma_start3A_956 = tpu.memref_slice %arg4[%dma_start3A_954, %dma_start3A_955] : memref<1000000x64xf32, #tpu.memory_space<hbm>> -> memref<1000000x64xf32, #tpu.memory_space<hbm>>
        tpu.enqueue_indirect_dma source(%dma_start3A_956 : memref<1000000x64xf32, #tpu.memory_space<hbm>>) target(%dma_start3A_952 : memref<32x64xf32, #tpu.memory_space<vmem>>) offsets(%dma_start3A_953 : memref<32xi32, #tpu.memory_space<vmem>>) semaphore(%arg16 : memref<!tpu.dma_semaphore, #tpu.memory_space<semaphore_mem>>)
        %add3A_957 = arith.constant 384 : i32
        %add3A_958 = arith.addi %mul3A_848, %add3A_957 : i32
        %dma_start3A_959 = arith.constant 384 : i32
        %dma_start3A_960 = arith.constant 0 : i32
        %dma_start3A_961 = tpu.memref_slice %arg11[%dma_start3A_959, %dma_start3A_960] : memref<640x64xf32, #tpu.memory_space<vmem>> -> memref<32x64xf32, #tpu.memory_space<vmem>>
        %dma_start3A_962 = tpu.memref_slice %arg8[%add3A_958] : memref<16640xi32, #tpu.memory_space<vmem>> -> memref<32xi32, #tpu.memory_space<vmem>>
        %dma_start3A_963 = arith.constant 0 : i32
        %dma_start3A_964 = arith.constant 0 : i32
        %dma_start3A_965 = tpu.memref_slice %arg4[%dma_start3A_963, %dma_start3A_964] : memref<1000000x64xf32, #tpu.memory_space<hbm>> -> memref<1000000x64xf32, #tpu.memory_space<hbm>>
        tpu.enqueue_indirect_dma source(%dma_start3A_965 : memref<1000000x64xf32, #tpu.memory_space<hbm>>) target(%dma_start3A_961 : memref<32x64xf32, #tpu.memory_space<vmem>>) offsets(%dma_start3A_962 : memref<32xi32, #tpu.memory_space<vmem>>) semaphore(%arg16 : memref<!tpu.dma_semaphore, #tpu.memory_space<semaphore_mem>>)
        %add3A_966 = arith.constant 416 : i32
        %add3A_967 = arith.addi %mul3A_848, %add3A_966 : i32
        %dma_start3A_968 = arith.constant 416 : i32
        %dma_start3A_969 = arith.constant 0 : i32
        %dma_start3A_970 = tpu.memref_slice %arg11[%dma_start3A_968, %dma_start3A_969] : memref<640x64xf32, #tpu.memory_space<vmem>> -> memref<32x64xf32, #tpu.memory_space<vmem>>
        %dma_start3A_971 = tpu.memref_slice %arg8[%add3A_967] : memref<16640xi32, #tpu.memory_space<vmem>> -> memref<32xi32, #tpu.memory_space<vmem>>
        %dma_start3A_972 = arith.constant 0 : i32
        %dma_start3A_973 = arith.constant 0 : i32
        %dma_start3A_974 = tpu.memref_slice %arg4[%dma_start3A_972, %dma_start3A_973] : memref<1000000x64xf32, #tpu.memory_space<hbm>> -> memref<1000000x64xf32, #tpu.memory_space<hbm>>
        tpu.enqueue_indirect_dma source(%dma_start3A_974 : memref<1000000x64xf32, #tpu.memory_space<hbm>>) target(%dma_start3A_970 : memref<32x64xf32, #tpu.memory_space<vmem>>) offsets(%dma_start3A_971 : memref<32xi32, #tpu.memory_space<vmem>>) semaphore(%arg16 : memref<!tpu.dma_semaphore, #tpu.memory_space<semaphore_mem>>)
        %add3A_975 = arith.constant 448 : i32
        %add3A_976 = arith.addi %mul3A_848, %add3A_975 : i32
        %dma_start3A_977 = arith.constant 448 : i32
        %dma_start3A_978 = arith.constant 0 : i32
        %dma_start3A_979 = tpu.memref_slice %arg11[%dma_start3A_977, %dma_start3A_978] : memref<640x64xf32, #tpu.memory_space<vmem>> -> memref<32x64xf32, #tpu.memory_space<vmem>>
        %dma_start3A_980 = tpu.memref_slice %arg8[%add3A_976] : memref<16640xi32, #tpu.memory_space<vmem>> -> memref<32xi32, #tpu.memory_space<vmem>>
        %dma_start3A_981 = arith.constant 0 : i32
        %dma_start3A_982 = arith.constant 0 : i32
        %dma_start3A_983 = tpu.memref_slice %arg4[%dma_start3A_981, %dma_start3A_982] : memref<1000000x64xf32, #tpu.memory_space<hbm>> -> memref<1000000x64xf32, #tpu.memory_space<hbm>>
        tpu.enqueue_indirect_dma source(%dma_start3A_983 : memref<1000000x64xf32, #tpu.memory_space<hbm>>) target(%dma_start3A_979 : memref<32x64xf32, #tpu.memory_space<vmem>>) offsets(%dma_start3A_980 : memref<32xi32, #tpu.memory_space<vmem>>) semaphore(%arg16 : memref<!tpu.dma_semaphore, #tpu.memory_space<semaphore_mem>>)
        %add3A_984 = arith.constant 480 : i32
        %add3A_985 = arith.addi %mul3A_848, %add3A_984 : i32
        %dma_start3A_986 = arith.constant 480 : i32
        %dma_start3A_987 = arith.constant 0 : i32
        %dma_start3A_988 = tpu.memref_slice %arg11[%dma_start3A_986, %dma_start3A_987] : memref<640x64xf32, #tpu.memory_space<vmem>> -> memref<32x64xf32, #tpu.memory_space<vmem>>
        %dma_start3A_989 = tpu.memref_slice %arg8[%add3A_985] : memref<16640xi32, #tpu.memory_space<vmem>> -> memref<32xi32, #tpu.memory_space<vmem>>
        %dma_start3A_990 = arith.constant 0 : i32
        %dma_start3A_991 = arith.constant 0 : i32
        %dma_start3A_992 = tpu.memref_slice %arg4[%dma_start3A_990, %dma_start3A_991] : memref<1000000x64xf32, #tpu.memory_space<hbm>> -> memref<1000000x64xf32, #tpu.memory_space<hbm>>
        tpu.enqueue_indirect_dma source(%dma_start3A_992 : memref<1000000x64xf32, #tpu.memory_space<hbm>>) target(%dma_start3A_988 : memref<32x64xf32, #tpu.memory_space<vmem>>) offsets(%dma_start3A_989 : memref<32xi32, #tpu.memory_space<vmem>>) semaphore(%arg16 : memref<!tpu.dma_semaphore, #tpu.memory_space<semaphore_mem>>)
        %add3A_993 = arith.constant 512 : i32
        %add3A_994 = arith.addi %mul3A_848, %add3A_993 : i32
        %dma_start3A_995 = arith.constant 512 : i32
        %dma_start3A_996 = arith.constant 0 : i32
        %dma_start3A_997 = tpu.memref_slice %arg11[%dma_start3A_995, %dma_start3A_996] : memref<640x64xf32, #tpu.memory_space<vmem>> -> memref<32x64xf32, #tpu.memory_space<vmem>>
        %dma_start3A_998 = tpu.memref_slice %arg8[%add3A_994] : memref<16640xi32, #tpu.memory_space<vmem>> -> memref<32xi32, #tpu.memory_space<vmem>>
        %dma_start3A_999 = arith.constant 0 : i32
        %dma_start3A_1000 = arith.constant 0 : i32
        %dma_start3A_1001 = tpu.memref_slice %arg4[%dma_start3A_999, %dma_start3A_1000] : memref<1000000x64xf32, #tpu.memory_space<hbm>> -> memref<1000000x64xf32, #tpu.memory_space<hbm>>
        tpu.enqueue_indirect_dma source(%dma_start3A_1001 : memref<1000000x64xf32, #tpu.memory_space<hbm>>) target(%dma_start3A_997 : memref<32x64xf32, #tpu.memory_space<vmem>>) offsets(%dma_start3A_998 : memref<32xi32, #tpu.memory_space<vmem>>) semaphore(%arg16 : memref<!tpu.dma_semaphore, #tpu.memory_space<semaphore_mem>>)
        %add3A_1002 = arith.constant 544 : i32
        %add3A_1003 = arith.addi %mul3A_848, %add3A_1002 : i32
        %dma_start3A_1004 = arith.constant 544 : i32
        %dma_start3A_1005 = arith.constant 0 : i32
        %dma_start3A_1006 = tpu.memref_slice %arg11[%dma_start3A_1004, %dma_start3A_1005] : memref<640x64xf32, #tpu.memory_space<vmem>> -> memref<32x64xf32, #tpu.memory_space<vmem>>
        %dma_start3A_1007 = tpu.memref_slice %arg8[%add3A_1003] : memref<16640xi32, #tpu.memory_space<vmem>> -> memref<32xi32, #tpu.memory_space<vmem>>
        %dma_start3A_1008 = arith.constant 0 : i32
        %dma_start3A_1009 = arith.constant 0 : i32
        %dma_start3A_1010 = tpu.memref_slice %arg4[%dma_start3A_1008, %dma_start3A_1009] : memref<1000000x64xf32, #tpu.memory_space<hbm>> -> memref<1000000x64xf32, #tpu.memory_space<hbm>>
        tpu.enqueue_indirect_dma source(%dma_start3A_1010 : memref<1000000x64xf32, #tpu.memory_space<hbm>>) target(%dma_start3A_1006 : memref<32x64xf32, #tpu.memory_space<vmem>>) offsets(%dma_start3A_1007 : memref<32xi32, #tpu.memory_space<vmem>>) semaphore(%arg16 : memref<!tpu.dma_semaphore, #tpu.memory_space<semaphore_mem>>)
        %add3A_1011 = arith.constant 576 : i32
        %add3A_1012 = arith.addi %mul3A_848, %add3A_1011 : i32
        %dma_start3A_1013 = arith.constant 576 : i32
        %dma_start3A_1014 = arith.constant 0 : i32
        %dma_start3A_1015 = tpu.memref_slice %arg11[%dma_start3A_1013, %dma_start3A_1014] : memref<640x64xf32, #tpu.memory_space<vmem>> -> memref<32x64xf32, #tpu.memory_space<vmem>>
        %dma_start3A_1016 = tpu.memref_slice %arg8[%add3A_1012] : memref<16640xi32, #tpu.memory_space<vmem>> -> memref<32xi32, #tpu.memory_space<vmem>>
        %dma_start3A_1017 = arith.constant 0 : i32
        %dma_start3A_1018 = arith.constant 0 : i32
        %dma_start3A_1019 = tpu.memref_slice %arg4[%dma_start3A_1017, %dma_start3A_1018] : memref<1000000x64xf32, #tpu.memory_space<hbm>> -> memref<1000000x64xf32, #tpu.memory_space<hbm>>
        tpu.enqueue_indirect_dma source(%dma_start3A_1019 : memref<1000000x64xf32, #tpu.memory_space<hbm>>) target(%dma_start3A_1015 : memref<32x64xf32, #tpu.memory_space<vmem>>) offsets(%dma_start3A_1016 : memref<32xi32, #tpu.memory_space<vmem>>) semaphore(%arg16 : memref<!tpu.dma_semaphore, #tpu.memory_space<semaphore_mem>>)
        %add3A_1020 = arith.constant 608 : i32
        %add3A_1021 = arith.addi %mul3A_848, %add3A_1020 : i32
        %dma_start3A_1022 = arith.constant 608 : i32
        %dma_start3A_1023 = arith.constant 0 : i32
        %dma_start3A_1024 = tpu.memref_slice %arg11[%dma_start3A_1022, %dma_start3A_1023] : memref<640x64xf32, #tpu.memory_space<vmem>> -> memref<32x64xf32, #tpu.memory_space<vmem>>
        %dma_start3A_1025 = tpu.memref_slice %arg8[%add3A_1021] : memref<16640xi32, #tpu.memory_space<vmem>> -> memref<32xi32, #tpu.memory_space<vmem>>
        %dma_start3A_1026 = arith.constant 0 : i32
        %dma_start3A_1027 = arith.constant 0 : i32
        %dma_start3A_1028 = tpu.memref_slice %arg4[%dma_start3A_1026, %dma_start3A_1027] : memref<1000000x64xf32, #tpu.memory_space<hbm>> -> memref<1000000x64xf32, #tpu.memory_space<hbm>>
        tpu.enqueue_indirect_dma source(%dma_start3A_1028 : memref<1000000x64xf32, #tpu.memory_space<hbm>>) target(%dma_start3A_1024 : memref<32x64xf32, #tpu.memory_space<vmem>>) offsets(%dma_start3A_1025 : memref<32xi32, #tpu.memory_space<vmem>>) semaphore(%arg16 : memref<!tpu.dma_semaphore, #tpu.memory_space<semaphore_mem>>)
      } else {
      }
      %dma_wait3A = arith.constant 0 : i32
      %dma_wait3A_212 = arith.constant 0 : i32
      %dma_wait3A_213 = tpu.memref_slice %arg4[%dma_wait3A, %dma_wait3A_212] : memref<1000000x64xf32, #tpu.memory_space<hbm>> -> memref<640x64xf32, #tpu.memory_space<hbm>>
      %dma_wait3A_214 = arith.constant 0 : i32
      %dma_wait3A_215 = arith.constant 0 : i32
      %dma_wait3A_216 = tpu.memref_slice %arg4[%dma_wait3A_214, %dma_wait3A_215] : memref<1000000x64xf32, #tpu.memory_space<hbm>> -> memref<640x64xf32, #tpu.memory_space<hbm>>
      tpu.wait_dma2 semaphore(%arg15 : memref<!tpu.dma_semaphore, #tpu.memory_space<semaphore_mem>>) src(%dma_wait3A_216 : memref<640x64xf32, #tpu.memory_space<hbm>>) dst(%arg10 : memref<640x64xf32, #tpu.memory_space<vmem>>)
      %mul3A_217 = arith.constant 640 : i32
      %mul3A_218 = arith.muli %mul3A_207, %mul3A_217 : i32
      %mul3A_219 = arith.constant 32 : i32
      %mul3A_220 = arith.muli %mul3A_207, %mul3A_219 : i32
      %add3A_221 = arith.constant 0 : i32
      %add3A_222 = arith.addi %mul3A_220, %add3A_221 : i32
      %add3A_223 = vector.broadcast %add3A_222 : i32 to vector<16xi32>
      %add3A_224 = arith.addi %add3A_223, %iota3A : vector<16xi32>
      %gather3A = tpu.vector_load_idx %arg9[%add3A_224] : memref<832xi32, #tpu.memory_space<vmem>>[vector<16xi32>], vector<16xi32>,
      %convert_element_type3A_225 = arith.sitofp %gather3A : vector<16xi32> to vector<16xf32>
      %max3A = arith.constant 1.000000e+00 : f32
      %max3A_226 = vector.broadcast %max3A : f32 to vector<16xf32>
      %max3A_227 = arith.maximumf %convert_element_type3A_225, %max3A_226 : vector<16xf32>
      %div3A = arith.constant 1.000000e+00 : f32
      %div3A_228 = vector.broadcast %div3A : f32 to vector<16xf32>
      %div3A_229 = arith.divf %div3A_228, %max3A_227 : vector<16xf32>
      %add3A_230 = arith.constant 0 : i32
      %add3A_231 = arith.addi %mul3A_218, %add3A_230 : i32
      %broadcast_in_dim3A = arith.constant 0.000000e+00 : f32
      %broadcast_in_dim3A_232 = vector.broadcast %broadcast_in_dim3A : f32 to vector<16xf32>
      %add3A_233 = arith.constant 0 : i32
      %add3A_234 = arith.addi %add3A_231, %add3A_233 : i32
      %add3A_235 = vector.broadcast %add3A_234 : i32 to vector<16xi32>
      %add3A_236 = arith.addi %add3A_235, %mul3A_9 : vector<16xi32>
      %gather3A_237 = tpu.vector_load_idx %arg8[%add3A_236] : memref<16640xi32, #tpu.memory_space<vmem>>[vector<16xi32>], vector<16xi32>,
      %eq3A = arith.constant 0 : i32
      %eq3A_238 = vector.broadcast %eq3A : i32 to vector<16xi32>
      %eq3A_239 = arith.cmpi eq, %gather3A_237, %eq3A_238 : vector<16xi32>
      %jit3A = arith.constant 1.000000e+00 : f32
      %jit3A_240 = arith.constant 0.000000e+00 : f32
      %broadcast_in_dim3A_241 = vector.broadcast %jit3A : f32 to vector<16xf32>
      %broadcast_in_dim3A_242 = vector.broadcast %jit3A_240 : f32 to vector<16xf32>
      %select_n3A = arith.select %eq3A_239, %broadcast_in_dim3A_241, %broadcast_in_dim3A_242 : vector<16xi1>, vector<16xf32>
      %add3A_243 = arith.addf %broadcast_in_dim3A_232, %select_n3A : vector<16xf32>
      %add3A_244 = arith.constant 1 : i32
      %add3A_245 = arith.addi %add3A_231, %add3A_244 : i32
      %add3A_246 = vector.broadcast %add3A_245 : i32 to vector<16xi32>
      %add3A_247 = arith.addi %add3A_246, %mul3A_9 : vector<16xi32>
      %gather3A_248 = tpu.vector_load_idx %arg8[%add3A_247] : memref<16640xi32, #tpu.memory_space<vmem>>[vector<16xi32>], vector<16xi32>,
      %eq3A_249 = arith.constant 0 : i32
      %eq3A_250 = vector.broadcast %eq3A_249 : i32 to vector<16xi32>
      %eq3A_251 = arith.cmpi eq, %gather3A_248, %eq3A_250 : vector<16xi32>
      %jit3A_252 = arith.constant 1.000000e+00 : f32
      %jit3A_253 = arith.constant 0.000000e+00 : f32
      %broadcast_in_dim3A_254 = vector.broadcast %jit3A_252 : f32 to vector<16xf32>
      %broadcast_in_dim3A_255 = vector.broadcast %jit3A_253 : f32 to vector<16xf32>
      %select_n3A_256 = arith.select %eq3A_251, %broadcast_in_dim3A_254, %broadcast_in_dim3A_255 : vector<16xi1>, vector<16xf32>
      %add3A_257 = arith.addf %add3A_243, %select_n3A_256 : vector<16xf32>
      %add3A_258 = arith.constant 2 : i32
      %add3A_259 = arith.addi %add3A_231, %add3A_258 : i32
      %add3A_260 = vector.broadcast %add3A_259 : i32 to vector<16xi32>
      %add3A_261 = arith.addi %add3A_260, %mul3A_9 : vector<16xi32>
      %gather3A_262 = tpu.vector_load_idx %arg8[%add3A_261] : memref<16640xi32, #tpu.memory_space<vmem>>[vector<16xi32>], vector<16xi32>,
      %eq3A_263 = arith.constant 0 : i32
      %eq3A_264 = vector.broadcast %eq3A_263 : i32 to vector<16xi32>
      %eq3A_265 = arith.cmpi eq, %gather3A_262, %eq3A_264 : vector<16xi32>
      %jit3A_266 = arith.constant 1.000000e+00 : f32
      %jit3A_267 = arith.constant 0.000000e+00 : f32
      %broadcast_in_dim3A_268 = vector.broadcast %jit3A_266 : f32 to vector<16xf32>
      %broadcast_in_dim3A_269 = vector.broadcast %jit3A_267 : f32 to vector<16xf32>
      %select_n3A_270 = arith.select %eq3A_265, %broadcast_in_dim3A_268, %broadcast_in_dim3A_269 : vector<16xi1>, vector<16xf32>
      %add3A_271 = arith.addf %add3A_257, %select_n3A_270 : vector<16xf32>
      %add3A_272 = arith.constant 3 : i32
      %add3A_273 = arith.addi %add3A_231, %add3A_272 : i32
      %add3A_274 = vector.broadcast %add3A_273 : i32 to vector<16xi32>
      %add3A_275 = arith.addi %add3A_274, %mul3A_9 : vector<16xi32>
      %gather3A_276 = tpu.vector_load_idx %arg8[%add3A_275] : memref<16640xi32, #tpu.memory_space<vmem>>[vector<16xi32>], vector<16xi32>,
      %eq3A_277 = arith.constant 0 : i32
      %eq3A_278 = vector.broadcast %eq3A_277 : i32 to vector<16xi32>
      %eq3A_279 = arith.cmpi eq, %gather3A_276, %eq3A_278 : vector<16xi32>
      %jit3A_280 = arith.constant 1.000000e+00 : f32
      %jit3A_281 = arith.constant 0.000000e+00 : f32
      %broadcast_in_dim3A_282 = vector.broadcast %jit3A_280 : f32 to vector<16xf32>
      %broadcast_in_dim3A_283 = vector.broadcast %jit3A_281 : f32 to vector<16xf32>
      %select_n3A_284 = arith.select %eq3A_279, %broadcast_in_dim3A_282, %broadcast_in_dim3A_283 : vector<16xi1>, vector<16xf32>
      %add3A_285 = arith.addf %add3A_271, %select_n3A_284 : vector<16xf32>
      %add3A_286 = arith.constant 4 : i32
      %add3A_287 = arith.addi %add3A_231, %add3A_286 : i32
      %add3A_288 = vector.broadcast %add3A_287 : i32 to vector<16xi32>
      %add3A_289 = arith.addi %add3A_288, %mul3A_9 : vector<16xi32>
      %gather3A_290 = tpu.vector_load_idx %arg8[%add3A_289] : memref<16640xi32, #tpu.memory_space<vmem>>[vector<16xi32>], vector<16xi32>,
      %eq3A_291 = arith.constant 0 : i32
      %eq3A_292 = vector.broadcast %eq3A_291 : i32 to vector<16xi32>
      %eq3A_293 = arith.cmpi eq, %gather3A_290, %eq3A_292 : vector<16xi32>
      %jit3A_294 = arith.constant 1.000000e+00 : f32
      %jit3A_295 = arith.constant 0.000000e+00 : f32
      %broadcast_in_dim3A_296 = vector.broadcast %jit3A_294 : f32 to vector<16xf32>
      %broadcast_in_dim3A_297 = vector.broadcast %jit3A_295 : f32 to vector<16xf32>
      %select_n3A_298 = arith.select %eq3A_293, %broadcast_in_dim3A_296, %broadcast_in_dim3A_297 : vector<16xi1>, vector<16xf32>
      %add3A_299 = arith.addf %add3A_285, %select_n3A_298 : vector<16xf32>
      %add3A_300 = arith.constant 5 : i32
      %add3A_301 = arith.addi %add3A_231, %add3A_300 : i32
      %add3A_302 = vector.broadcast %add3A_301 : i32 to vector<16xi32>
      %add3A_303 = arith.addi %add3A_302, %mul3A_9 : vector<16xi32>
      %gather3A_304 = tpu.vector_load_idx %arg8[%add3A_303] : memref<16640xi32, #tpu.memory_space<vmem>>[vector<16xi32>], vector<16xi32>,
      %eq3A_305 = arith.constant 0 : i32
      %eq3A_306 = vector.broadcast %eq3A_305 : i32 to vector<16xi32>
      %eq3A_307 = arith.cmpi eq, %gather3A_304, %eq3A_306 : vector<16xi32>
      %jit3A_308 = arith.constant 1.000000e+00 : f32
      %jit3A_309 = arith.constant 0.000000e+00 : f32
      %broadcast_in_dim3A_310 = vector.broadcast %jit3A_308 : f32 to vector<16xf32>
      %broadcast_in_dim3A_311 = vector.broadcast %jit3A_309 : f32 to vector<16xf32>
      %select_n3A_312 = arith.select %eq3A_307, %broadcast_in_dim3A_310, %broadcast_in_dim3A_311 : vector<16xi1>, vector<16xf32>
      %add3A_313 = arith.addf %add3A_299, %select_n3A_312 : vector<16xf32>
      %add3A_314 = arith.constant 6 : i32
      %add3A_315 = arith.addi %add3A_231, %add3A_314 : i32
      %add3A_316 = vector.broadcast %add3A_315 : i32 to vector<16xi32>
      %add3A_317 = arith.addi %add3A_316, %mul3A_9 : vector<16xi32>
      %gather3A_318 = tpu.vector_load_idx %arg8[%add3A_317] : memref<16640xi32, #tpu.memory_space<vmem>>[vector<16xi32>], vector<16xi32>,
      %eq3A_319 = arith.constant 0 : i32
      %eq3A_320 = vector.broadcast %eq3A_319 : i32 to vector<16xi32>
      %eq3A_321 = arith.cmpi eq, %gather3A_318, %eq3A_320 : vector<16xi32>
      %jit3A_322 = arith.constant 1.000000e+00 : f32
      %jit3A_323 = arith.constant 0.000000e+00 : f32
      %broadcast_in_dim3A_324 = vector.broadcast %jit3A_322 : f32 to vector<16xf32>
      %broadcast_in_dim3A_325 = vector.broadcast %jit3A_323 : f32 to vector<16xf32>
      %select_n3A_326 = arith.select %eq3A_321, %broadcast_in_dim3A_324, %broadcast_in_dim3A_325 : vector<16xi1>, vector<16xf32>
      %add3A_327 = arith.addf %add3A_313, %select_n3A_326 : vector<16xf32>
      %add3A_328 = arith.constant 7 : i32
      %add3A_329 = arith.addi %add3A_231, %add3A_328 : i32
      %add3A_330 = vector.broadcast %add3A_329 : i32 to vector<16xi32>
      %add3A_331 = arith.addi %add3A_330, %mul3A_9 : vector<16xi32>
      %gather3A_332 = tpu.vector_load_idx %arg8[%add3A_331] : memref<16640xi32, #tpu.memory_space<vmem>>[vector<16xi32>], vector<16xi32>,
      %eq3A_333 = arith.constant 0 : i32
      %eq3A_334 = vector.broadcast %eq3A_333 : i32 to vector<16xi32>
      %eq3A_335 = arith.cmpi eq, %gather3A_332, %eq3A_334 : vector<16xi32>
      %jit3A_336 = arith.constant 1.000000e+00 : f32
      %jit3A_337 = arith.constant 0.000000e+00 : f32
      %broadcast_in_dim3A_338 = vector.broadcast %jit3A_336 : f32 to vector<16xf32>
      %broadcast_in_dim3A_339 = vector.broadcast %jit3A_337 : f32 to vector<16xf32>
      %select_n3A_340 = arith.select %eq3A_335, %broadcast_in_dim3A_338, %broadcast_in_dim3A_339 : vector<16xi1>, vector<16xf32>
      %add3A_341 = arith.addf %add3A_327, %select_n3A_340 : vector<16xf32>
      %add3A_342 = arith.constant 8 : i32
      %add3A_343 = arith.addi %add3A_231, %add3A_342 : i32
      %add3A_344 = vector.broadcast %add3A_343 : i32 to vector<16xi32>
      %add3A_345 = arith.addi %add3A_344, %mul3A_9 : vector<16xi32>
      %gather3A_346 = tpu.vector_load_idx %arg8[%add3A_345] : memref<16640xi32, #tpu.memory_space<vmem>>[vector<16xi32>], vector<16xi32>,
      %eq3A_347 = arith.constant 0 : i32
      %eq3A_348 = vector.broadcast %eq3A_347 : i32 to vector<16xi32>
      %eq3A_349 = arith.cmpi eq, %gather3A_346, %eq3A_348 : vector<16xi32>
      %jit3A_350 = arith.constant 1.000000e+00 : f32
      %jit3A_351 = arith.constant 0.000000e+00 : f32
      %broadcast_in_dim3A_352 = vector.broadcast %jit3A_350 : f32 to vector<16xf32>
      %broadcast_in_dim3A_353 = vector.broadcast %jit3A_351 : f32 to vector<16xf32>
      %select_n3A_354 = arith.select %eq3A_349, %broadcast_in_dim3A_352, %broadcast_in_dim3A_353 : vector<16xi1>, vector<16xf32>
      %add3A_355 = arith.addf %add3A_341, %select_n3A_354 : vector<16xf32>
      %add3A_356 = arith.constant 9 : i32
      %add3A_357 = arith.addi %add3A_231, %add3A_356 : i32
      %add3A_358 = vector.broadcast %add3A_357 : i32 to vector<16xi32>
      %add3A_359 = arith.addi %add3A_358, %mul3A_9 : vector<16xi32>
      %gather3A_360 = tpu.vector_load_idx %arg8[%add3A_359] : memref<16640xi32, #tpu.memory_space<vmem>>[vector<16xi32>], vector<16xi32>,
      %eq3A_361 = arith.constant 0 : i32
      %eq3A_362 = vector.broadcast %eq3A_361 : i32 to vector<16xi32>
      %eq3A_363 = arith.cmpi eq, %gather3A_360, %eq3A_362 : vector<16xi32>
      %jit3A_364 = arith.constant 1.000000e+00 : f32
      %jit3A_365 = arith.constant 0.000000e+00 : f32
      %broadcast_in_dim3A_366 = vector.broadcast %jit3A_364 : f32 to vector<16xf32>
      %broadcast_in_dim3A_367 = vector.broadcast %jit3A_365 : f32 to vector<16xf32>
      %select_n3A_368 = arith.select %eq3A_363, %broadcast_in_dim3A_366, %broadcast_in_dim3A_367 : vector<16xi1>, vector<16xf32>
      %add3A_369 = arith.addf %add3A_355, %select_n3A_368 : vector<16xf32>
      %add3A_370 = arith.constant 10 : i32
      %add3A_371 = arith.addi %add3A_231, %add3A_370 : i32
      %add3A_372 = vector.broadcast %add3A_371 : i32 to vector<16xi32>
      %add3A_373 = arith.addi %add3A_372, %mul3A_9 : vector<16xi32>
      %gather3A_374 = tpu.vector_load_idx %arg8[%add3A_373] : memref<16640xi32, #tpu.memory_space<vmem>>[vector<16xi32>], vector<16xi32>,
      %eq3A_375 = arith.constant 0 : i32
      %eq3A_376 = vector.broadcast %eq3A_375 : i32 to vector<16xi32>
      %eq3A_377 = arith.cmpi eq, %gather3A_374, %eq3A_376 : vector<16xi32>
      %jit3A_378 = arith.constant 1.000000e+00 : f32
      %jit3A_379 = arith.constant 0.000000e+00 : f32
      %broadcast_in_dim3A_380 = vector.broadcast %jit3A_378 : f32 to vector<16xf32>
      %broadcast_in_dim3A_381 = vector.broadcast %jit3A_379 : f32 to vector<16xf32>
      %select_n3A_382 = arith.select %eq3A_377, %broadcast_in_dim3A_380, %broadcast_in_dim3A_381 : vector<16xi1>, vector<16xf32>
      %add3A_383 = arith.addf %add3A_369, %select_n3A_382 : vector<16xf32>
      %add3A_384 = arith.constant 11 : i32
      %add3A_385 = arith.addi %add3A_231, %add3A_384 : i32
      %add3A_386 = vector.broadcast %add3A_385 : i32 to vector<16xi32>
      %add3A_387 = arith.addi %add3A_386, %mul3A_9 : vector<16xi32>
      %gather3A_388 = tpu.vector_load_idx %arg8[%add3A_387] : memref<16640xi32, #tpu.memory_space<vmem>>[vector<16xi32>], vector<16xi32>,
      %eq3A_389 = arith.constant 0 : i32
      %eq3A_390 = vector.broadcast %eq3A_389 : i32 to vector<16xi32>
      %eq3A_391 = arith.cmpi eq, %gather3A_388, %eq3A_390 : vector<16xi32>
      %jit3A_392 = arith.constant 1.000000e+00 : f32
      %jit3A_393 = arith.constant 0.000000e+00 : f32
      %broadcast_in_dim3A_394 = vector.broadcast %jit3A_392 : f32 to vector<16xf32>
      %broadcast_in_dim3A_395 = vector.broadcast %jit3A_393 : f32 to vector<16xf32>
      %select_n3A_396 = arith.select %eq3A_391, %broadcast_in_dim3A_394, %broadcast_in_dim3A_395 : vector<16xi1>, vector<16xf32>
      %add3A_397 = arith.addf %add3A_383, %select_n3A_396 : vector<16xf32>
      %add3A_398 = arith.constant 12 : i32
      %add3A_399 = arith.addi %add3A_231, %add3A_398 : i32
      %add3A_400 = vector.broadcast %add3A_399 : i32 to vector<16xi32>
      %add3A_401 = arith.addi %add3A_400, %mul3A_9 : vector<16xi32>
      %gather3A_402 = tpu.vector_load_idx %arg8[%add3A_401] : memref<16640xi32, #tpu.memory_space<vmem>>[vector<16xi32>], vector<16xi32>,
      %eq3A_403 = arith.constant 0 : i32
      %eq3A_404 = vector.broadcast %eq3A_403 : i32 to vector<16xi32>
      %eq3A_405 = arith.cmpi eq, %gather3A_402, %eq3A_404 : vector<16xi32>
      %jit3A_406 = arith.constant 1.000000e+00 : f32
      %jit3A_407 = arith.constant 0.000000e+00 : f32
      %broadcast_in_dim3A_408 = vector.broadcast %jit3A_406 : f32 to vector<16xf32>
      %broadcast_in_dim3A_409 = vector.broadcast %jit3A_407 : f32 to vector<16xf32>
      %select_n3A_410 = arith.select %eq3A_405, %broadcast_in_dim3A_408, %broadcast_in_dim3A_409 : vector<16xi1>, vector<16xf32>
      %add3A_411 = arith.addf %add3A_397, %select_n3A_410 : vector<16xf32>
      %add3A_412 = arith.constant 13 : i32
      %add3A_413 = arith.addi %add3A_231, %add3A_412 : i32
      %add3A_414 = vector.broadcast %add3A_413 : i32 to vector<16xi32>
      %add3A_415 = arith.addi %add3A_414, %mul3A_9 : vector<16xi32>
      %gather3A_416 = tpu.vector_load_idx %arg8[%add3A_415] : memref<16640xi32, #tpu.memory_space<vmem>>[vector<16xi32>], vector<16xi32>,
      %eq3A_417 = arith.constant 0 : i32
      %eq3A_418 = vector.broadcast %eq3A_417 : i32 to vector<16xi32>
      %eq3A_419 = arith.cmpi eq, %gather3A_416, %eq3A_418 : vector<16xi32>
      %jit3A_420 = arith.constant 1.000000e+00 : f32
      %jit3A_421 = arith.constant 0.000000e+00 : f32
      %broadcast_in_dim3A_422 = vector.broadcast %jit3A_420 : f32 to vector<16xf32>
      %broadcast_in_dim3A_423 = vector.broadcast %jit3A_421 : f32 to vector<16xf32>
      %select_n3A_424 = arith.select %eq3A_419, %broadcast_in_dim3A_422, %broadcast_in_dim3A_423 : vector<16xi1>, vector<16xf32>
      %add3A_425 = arith.addf %add3A_411, %select_n3A_424 : vector<16xf32>
      %add3A_426 = arith.constant 14 : i32
      %add3A_427 = arith.addi %add3A_231, %add3A_426 : i32
      %add3A_428 = vector.broadcast %add3A_427 : i32 to vector<16xi32>
      %add3A_429 = arith.addi %add3A_428, %mul3A_9 : vector<16xi32>
      %gather3A_430 = tpu.vector_load_idx %arg8[%add3A_429] : memref<16640xi32, #tpu.memory_space<vmem>>[vector<16xi32>], vector<16xi32>,
      %eq3A_431 = arith.constant 0 : i32
      %eq3A_432 = vector.broadcast %eq3A_431 : i32 to vector<16xi32>
      %eq3A_433 = arith.cmpi eq, %gather3A_430, %eq3A_432 : vector<16xi32>
      %jit3A_434 = arith.constant 1.000000e+00 : f32
      %jit3A_435 = arith.constant 0.000000e+00 : f32
      %broadcast_in_dim3A_436 = vector.broadcast %jit3A_434 : f32 to vector<16xf32>
      %broadcast_in_dim3A_437 = vector.broadcast %jit3A_435 : f32 to vector<16xf32>
      %select_n3A_438 = arith.select %eq3A_433, %broadcast_in_dim3A_436, %broadcast_in_dim3A_437 : vector<16xi1>, vector<16xf32>
      %add3A_439 = arith.addf %add3A_425, %select_n3A_438 : vector<16xf32>
      %add3A_440 = arith.constant 15 : i32
      %add3A_441 = arith.addi %add3A_231, %add3A_440 : i32
      %add3A_442 = vector.broadcast %add3A_441 : i32 to vector<16xi32>
      %add3A_443 = arith.addi %add3A_442, %mul3A_9 : vector<16xi32>
      %gather3A_444 = tpu.vector_load_idx %arg8[%add3A_443] : memref<16640xi32, #tpu.memory_space<vmem>>[vector<16xi32>], vector<16xi32>,
      %eq3A_445 = arith.constant 0 : i32
      %eq3A_446 = vector.broadcast %eq3A_445 : i32 to vector<16xi32>
      %eq3A_447 = arith.cmpi eq, %gather3A_444, %eq3A_446 : vector<16xi32>
      %jit3A_448 = arith.constant 1.000000e+00 : f32
      %jit3A_449 = arith.constant 0.000000e+00 : f32
      %broadcast_in_dim3A_450 = vector.broadcast %jit3A_448 : f32 to vector<16xf32>
      %broadcast_in_dim3A_451 = vector.broadcast %jit3A_449 : f32 to vector<16xf32>
      %select_n3A_452 = arith.select %eq3A_447, %broadcast_in_dim3A_450, %broadcast_in_dim3A_451 : vector<16xi1>, vector<16xf32>
      %add3A_453 = arith.addf %add3A_439, %select_n3A_452 : vector<16xf32>
      %add3A_454 = arith.constant 16 : i32
      %add3A_455 = arith.addi %add3A_231, %add3A_454 : i32
      %add3A_456 = vector.broadcast %add3A_455 : i32 to vector<16xi32>
      %add3A_457 = arith.addi %add3A_456, %mul3A_9 : vector<16xi32>
      %gather3A_458 = tpu.vector_load_idx %arg8[%add3A_457] : memref<16640xi32, #tpu.memory_space<vmem>>[vector<16xi32>], vector<16xi32>,
      %eq3A_459 = arith.constant 0 : i32
      %eq3A_460 = vector.broadcast %eq3A_459 : i32 to vector<16xi32>
      %eq3A_461 = arith.cmpi eq, %gather3A_458, %eq3A_460 : vector<16xi32>
      %jit3A_462 = arith.constant 1.000000e+00 : f32
      %jit3A_463 = arith.constant 0.000000e+00 : f32
      %broadcast_in_dim3A_464 = vector.broadcast %jit3A_462 : f32 to vector<16xf32>
      %broadcast_in_dim3A_465 = vector.broadcast %jit3A_463 : f32 to vector<16xf32>
      %select_n3A_466 = arith.select %eq3A_461, %broadcast_in_dim3A_464, %broadcast_in_dim3A_465 : vector<16xi1>, vector<16xf32>
      %add3A_467 = arith.addf %add3A_453, %select_n3A_466 : vector<16xf32>
      %add3A_468 = arith.constant 17 : i32
      %add3A_469 = arith.addi %add3A_231, %add3A_468 : i32
      %add3A_470 = vector.broadcast %add3A_469 : i32 to vector<16xi32>
      %add3A_471 = arith.addi %add3A_470, %mul3A_9 : vector<16xi32>
      %gather3A_472 = tpu.vector_load_idx %arg8[%add3A_471] : memref<16640xi32, #tpu.memory_space<vmem>>[vector<16xi32>], vector<16xi32>,
      %eq3A_473 = arith.constant 0 : i32
      %eq3A_474 = vector.broadcast %eq3A_473 : i32 to vector<16xi32>
      %eq3A_475 = arith.cmpi eq, %gather3A_472, %eq3A_474 : vector<16xi32>
      %jit3A_476 = arith.constant 1.000000e+00 : f32
      %jit3A_477 = arith.constant 0.000000e+00 : f32
      %broadcast_in_dim3A_478 = vector.broadcast %jit3A_476 : f32 to vector<16xf32>
      %broadcast_in_dim3A_479 = vector.broadcast %jit3A_477 : f32 to vector<16xf32>
      %select_n3A_480 = arith.select %eq3A_475, %broadcast_in_dim3A_478, %broadcast_in_dim3A_479 : vector<16xi1>, vector<16xf32>
      %add3A_481 = arith.addf %add3A_467, %select_n3A_480 : vector<16xf32>
      %add3A_482 = arith.constant 18 : i32
      %add3A_483 = arith.addi %add3A_231, %add3A_482 : i32
      %add3A_484 = vector.broadcast %add3A_483 : i32 to vector<16xi32>
      %add3A_485 = arith.addi %add3A_484, %mul3A_9 : vector<16xi32>
      %gather3A_486 = tpu.vector_load_idx %arg8[%add3A_485] : memref<16640xi32, #tpu.memory_space<vmem>>[vector<16xi32>], vector<16xi32>,
      %eq3A_487 = arith.constant 0 : i32
      %eq3A_488 = vector.broadcast %eq3A_487 : i32 to vector<16xi32>
      %eq3A_489 = arith.cmpi eq, %gather3A_486, %eq3A_488 : vector<16xi32>
      %jit3A_490 = arith.constant 1.000000e+00 : f32
      %jit3A_491 = arith.constant 0.000000e+00 : f32
      %broadcast_in_dim3A_492 = vector.broadcast %jit3A_490 : f32 to vector<16xf32>
      %broadcast_in_dim3A_493 = vector.broadcast %jit3A_491 : f32 to vector<16xf32>
      %select_n3A_494 = arith.select %eq3A_489, %broadcast_in_dim3A_492, %broadcast_in_dim3A_493 : vector<16xi1>, vector<16xf32>
      %add3A_495 = arith.addf %add3A_481, %select_n3A_494 : vector<16xf32>
      %add3A_496 = arith.constant 19 : i32
      %add3A_497 = arith.addi %add3A_231, %add3A_496 : i32
      %add3A_498 = vector.broadcast %add3A_497 : i32 to vector<16xi32>
      %add3A_499 = arith.addi %add3A_498, %mul3A_9 : vector<16xi32>
      %gather3A_500 = tpu.vector_load_idx %arg8[%add3A_499] : memref<16640xi32, #tpu.memory_space<vmem>>[vector<16xi32>], vector<16xi32>,
      %eq3A_501 = arith.constant 0 : i32
      %eq3A_502 = vector.broadcast %eq3A_501 : i32 to vector<16xi32>
      %eq3A_503 = arith.cmpi eq, %gather3A_500, %eq3A_502 : vector<16xi32>
      %jit3A_504 = arith.constant 1.000000e+00 : f32
      %jit3A_505 = arith.constant 0.000000e+00 : f32
      %broadcast_in_dim3A_506 = vector.broadcast %jit3A_504 : f32 to vector<16xf32>
      %broadcast_in_dim3A_507 = vector.broadcast %jit3A_505 : f32 to vector<16xf32>
      %select_n3A_508 = arith.select %eq3A_503, %broadcast_in_dim3A_506, %broadcast_in_dim3A_507 : vector<16xi1>, vector<16xf32>
      %add3A_509 = arith.addf %add3A_495, %select_n3A_508 : vector<16xf32>
      %add3A_510 = arith.constant 0 : i32
      %add3A_511 = vector.broadcast %add3A_510 : i32 to vector<16xi32>
      %add3A_512 = arith.addi %add3A_511, %iota3A : vector<16xi32>
      tpu.vector_store_idx %arg13[%add3A_512], %add3A_509 : memref<64xf32, #tpu.memory_space<vmem>>[vector<16xi32>], vector<16xf32>,
      %add3A_513 = arith.constant 32 : i32
      %add3A_514 = vector.broadcast %add3A_513 : i32 to vector<16xi32>
      %add3A_515 = arith.addi %add3A_514, %iota3A : vector<16xi32>
      tpu.vector_store_idx %arg13[%add3A_515], %div3A_229 : memref<64xf32, #tpu.memory_space<vmem>>[vector<16xi32>], vector<16xf32>,
      %mul3A_516 = arith.constant 32 : i32
      %mul3A_517 = arith.muli %mul3A_207, %mul3A_516 : i32
      %add3A_518 = arith.constant 16 : i32
      %add3A_519 = arith.addi %mul3A_517, %add3A_518 : i32
      %add3A_520 = vector.broadcast %add3A_519 : i32 to vector<16xi32>
      %add3A_521 = arith.addi %add3A_520, %iota3A : vector<16xi32>
      %gather3A_522 = tpu.vector_load_idx %arg9[%add3A_521] : memref<832xi32, #tpu.memory_space<vmem>>[vector<16xi32>], vector<16xi32>,
      %convert_element_type3A_523 = arith.sitofp %gather3A_522 : vector<16xi32> to vector<16xf32>
      %max3A_524 = arith.constant 1.000000e+00 : f32
      %max3A_525 = vector.broadcast %max3A_524 : f32 to vector<16xf32>
      %max3A_526 = arith.maximumf %convert_element_type3A_523, %max3A_525 : vector<16xf32>
      %div3A_527 = arith.constant 1.000000e+00 : f32
      %div3A_528 = vector.broadcast %div3A_527 : f32 to vector<16xf32>
      %div3A_529 = arith.divf %div3A_528, %max3A_526 : vector<16xf32>
      %add3A_530 = arith.constant 320 : i32
      %add3A_531 = arith.addi %mul3A_218, %add3A_530 : i32
      %broadcast_in_dim3A_532 = arith.constant 0.000000e+00 : f32
      %broadcast_in_dim3A_533 = vector.broadcast %broadcast_in_dim3A_532 : f32 to vector<16xf32>
      %add3A_534 = arith.constant 0 : i32
      %add3A_535 = arith.addi %add3A_531, %add3A_534 : i32
      %add3A_536 = vector.broadcast %add3A_535 : i32 to vector<16xi32>
      %add3A_537 = arith.addi %add3A_536, %mul3A_9 : vector<16xi32>
      %gather3A_538 = tpu.vector_load_idx %arg8[%add3A_537] : memref<16640xi32, #tpu.memory_space<vmem>>[vector<16xi32>], vector<16xi32>,
      %eq3A_539 = arith.constant 0 : i32
      %eq3A_540 = vector.broadcast %eq3A_539 : i32 to vector<16xi32>
      %eq3A_541 = arith.cmpi eq, %gather3A_538, %eq3A_540 : vector<16xi32>
      %jit3A_542 = arith.constant 1.000000e+00 : f32
      %jit3A_543 = arith.constant 0.000000e+00 : f32
      %broadcast_in_dim3A_544 = vector.broadcast %jit3A_542 : f32 to vector<16xf32>
      %broadcast_in_dim3A_545 = vector.broadcast %jit3A_543 : f32 to vector<16xf32>
      %select_n3A_546 = arith.select %eq3A_541, %broadcast_in_dim3A_544, %broadcast_in_dim3A_545 : vector<16xi1>, vector<16xf32>
      %add3A_547 = arith.addf %broadcast_in_dim3A_533, %select_n3A_546 : vector<16xf32>
      %add3A_548 = arith.constant 1 : i32
      %add3A_549 = arith.addi %add3A_531, %add3A_548 : i32
      %add3A_550 = vector.broadcast %add3A_549 : i32 to vector<16xi32>
      %add3A_551 = arith.addi %add3A_550, %mul3A_9 : vector<16xi32>
      %gather3A_552 = tpu.vector_load_idx %arg8[%add3A_551] : memref<16640xi32, #tpu.memory_space<vmem>>[vector<16xi32>], vector<16xi32>,
      %eq3A_553 = arith.constant 0 : i32
      %eq3A_554 = vector.broadcast %eq3A_553 : i32 to vector<16xi32>
      %eq3A_555 = arith.cmpi eq, %gather3A_552, %eq3A_554 : vector<16xi32>
      %jit3A_556 = arith.constant 1.000000e+00 : f32
      %jit3A_557 = arith.constant 0.000000e+00 : f32
      %broadcast_in_dim3A_558 = vector.broadcast %jit3A_556 : f32 to vector<16xf32>
      %broadcast_in_dim3A_559 = vector.broadcast %jit3A_557 : f32 to vector<16xf32>
      %select_n3A_560 = arith.select %eq3A_555, %broadcast_in_dim3A_558, %broadcast_in_dim3A_559 : vector<16xi1>, vector<16xf32>
      %add3A_561 = arith.addf %add3A_547, %select_n3A_560 : vector<16xf32>
      %add3A_562 = arith.constant 2 : i32
      %add3A_563 = arith.addi %add3A_531, %add3A_562 : i32
      %add3A_564 = vector.broadcast %add3A_563 : i32 to vector<16xi32>
      %add3A_565 = arith.addi %add3A_564, %mul3A_9 : vector<16xi32>
      %gather3A_566 = tpu.vector_load_idx %arg8[%add3A_565] : memref<16640xi32, #tpu.memory_space<vmem>>[vector<16xi32>], vector<16xi32>,
      %eq3A_567 = arith.constant 0 : i32
      %eq3A_568 = vector.broadcast %eq3A_567 : i32 to vector<16xi32>
      %eq3A_569 = arith.cmpi eq, %gather3A_566, %eq3A_568 : vector<16xi32>
      %jit3A_570 = arith.constant 1.000000e+00 : f32
      %jit3A_571 = arith.constant 0.000000e+00 : f32
      %broadcast_in_dim3A_572 = vector.broadcast %jit3A_570 : f32 to vector<16xf32>
      %broadcast_in_dim3A_573 = vector.broadcast %jit3A_571 : f32 to vector<16xf32>
      %select_n3A_574 = arith.select %eq3A_569, %broadcast_in_dim3A_572, %broadcast_in_dim3A_573 : vector<16xi1>, vector<16xf32>
      %add3A_575 = arith.addf %add3A_561, %select_n3A_574 : vector<16xf32>
      %add3A_576 = arith.constant 3 : i32
      %add3A_577 = arith.addi %add3A_531, %add3A_576 : i32
      %add3A_578 = vector.broadcast %add3A_577 : i32 to vector<16xi32>
      %add3A_579 = arith.addi %add3A_578, %mul3A_9 : vector<16xi32>
      %gather3A_580 = tpu.vector_load_idx %arg8[%add3A_579] : memref<16640xi32, #tpu.memory_space<vmem>>[vector<16xi32>], vector<16xi32>,
      %eq3A_581 = arith.constant 0 : i32
      %eq3A_582 = vector.broadcast %eq3A_581 : i32 to vector<16xi32>
      %eq3A_583 = arith.cmpi eq, %gather3A_580, %eq3A_582 : vector<16xi32>
      %jit3A_584 = arith.constant 1.000000e+00 : f32
      %jit3A_585 = arith.constant 0.000000e+00 : f32
      %broadcast_in_dim3A_586 = vector.broadcast %jit3A_584 : f32 to vector<16xf32>
      %broadcast_in_dim3A_587 = vector.broadcast %jit3A_585 : f32 to vector<16xf32>
      %select_n3A_588 = arith.select %eq3A_583, %broadcast_in_dim3A_586, %broadcast_in_dim3A_587 : vector<16xi1>, vector<16xf32>
      %add3A_589 = arith.addf %add3A_575, %select_n3A_588 : vector<16xf32>
      %add3A_590 = arith.constant 4 : i32
      %add3A_591 = arith.addi %add3A_531, %add3A_590 : i32
      %add3A_592 = vector.broadcast %add3A_591 : i32 to vector<16xi32>
      %add3A_593 = arith.addi %add3A_592, %mul3A_9 : vector<16xi32>
      %gather3A_594 = tpu.vector_load_idx %arg8[%add3A_593] : memref<16640xi32, #tpu.memory_space<vmem>>[vector<16xi32>], vector<16xi32>,
      %eq3A_595 = arith.constant 0 : i32
      %eq3A_596 = vector.broadcast %eq3A_595 : i32 to vector<16xi32>
      %eq3A_597 = arith.cmpi eq, %gather3A_594, %eq3A_596 : vector<16xi32>
      %jit3A_598 = arith.constant 1.000000e+00 : f32
      %jit3A_599 = arith.constant 0.000000e+00 : f32
      %broadcast_in_dim3A_600 = vector.broadcast %jit3A_598 : f32 to vector<16xf32>
      %broadcast_in_dim3A_601 = vector.broadcast %jit3A_599 : f32 to vector<16xf32>
      %select_n3A_602 = arith.select %eq3A_597, %broadcast_in_dim3A_600, %broadcast_in_dim3A_601 : vector<16xi1>, vector<16xf32>
      %add3A_603 = arith.addf %add3A_589, %select_n3A_602 : vector<16xf32>
      %add3A_604 = arith.constant 5 : i32
      %add3A_605 = arith.addi %add3A_531, %add3A_604 : i32
      %add3A_606 = vector.broadcast %add3A_605 : i32 to vector<16xi32>
      %add3A_607 = arith.addi %add3A_606, %mul3A_9 : vector<16xi32>
      %gather3A_608 = tpu.vector_load_idx %arg8[%add3A_607] : memref<16640xi32, #tpu.memory_space<vmem>>[vector<16xi32>], vector<16xi32>,
      %eq3A_609 = arith.constant 0 : i32
      %eq3A_610 = vector.broadcast %eq3A_609 : i32 to vector<16xi32>
      %eq3A_611 = arith.cmpi eq, %gather3A_608, %eq3A_610 : vector<16xi32>
      %jit3A_612 = arith.constant 1.000000e+00 : f32
      %jit3A_613 = arith.constant 0.000000e+00 : f32
      %broadcast_in_dim3A_614 = vector.broadcast %jit3A_612 : f32 to vector<16xf32>
      %broadcast_in_dim3A_615 = vector.broadcast %jit3A_613 : f32 to vector<16xf32>
      %select_n3A_616 = arith.select %eq3A_611, %broadcast_in_dim3A_614, %broadcast_in_dim3A_615 : vector<16xi1>, vector<16xf32>
      %add3A_617 = arith.addf %add3A_603, %select_n3A_616 : vector<16xf32>
      %add3A_618 = arith.constant 6 : i32
      %add3A_619 = arith.addi %add3A_531, %add3A_618 : i32
      %add3A_620 = vector.broadcast %add3A_619 : i32 to vector<16xi32>
      %add3A_621 = arith.addi %add3A_620, %mul3A_9 : vector<16xi32>
      %gather3A_622 = tpu.vector_load_idx %arg8[%add3A_621] : memref<16640xi32, #tpu.memory_space<vmem>>[vector<16xi32>], vector<16xi32>,
      %eq3A_623 = arith.constant 0 : i32
      %eq3A_624 = vector.broadcast %eq3A_623 : i32 to vector<16xi32>
      %eq3A_625 = arith.cmpi eq, %gather3A_622, %eq3A_624 : vector<16xi32>
      %jit3A_626 = arith.constant 1.000000e+00 : f32
      %jit3A_627 = arith.constant 0.000000e+00 : f32
      %broadcast_in_dim3A_628 = vector.broadcast %jit3A_626 : f32 to vector<16xf32>
      %broadcast_in_dim3A_629 = vector.broadcast %jit3A_627 : f32 to vector<16xf32>
      %select_n3A_630 = arith.select %eq3A_625, %broadcast_in_dim3A_628, %broadcast_in_dim3A_629 : vector<16xi1>, vector<16xf32>
      %add3A_631 = arith.addf %add3A_617, %select_n3A_630 : vector<16xf32>
      %add3A_632 = arith.constant 7 : i32
      %add3A_633 = arith.addi %add3A_531, %add3A_632 : i32
      %add3A_634 = vector.broadcast %add3A_633 : i32 to vector<16xi32>
      %add3A_635 = arith.addi %add3A_634, %mul3A_9 : vector<16xi32>
      %gather3A_636 = tpu.vector_load_idx %arg8[%add3A_635] : memref<16640xi32, #tpu.memory_space<vmem>>[vector<16xi32>], vector<16xi32>,
      %eq3A_637 = arith.constant 0 : i32
      %eq3A_638 = vector.broadcast %eq3A_637 : i32 to vector<16xi32>
      %eq3A_639 = arith.cmpi eq, %gather3A_636, %eq3A_638 : vector<16xi32>
      %jit3A_640 = arith.constant 1.000000e+00 : f32
      %jit3A_641 = arith.constant 0.000000e+00 : f32
      %broadcast_in_dim3A_642 = vector.broadcast %jit3A_640 : f32 to vector<16xf32>
      %broadcast_in_dim3A_643 = vector.broadcast %jit3A_641 : f32 to vector<16xf32>
      %select_n3A_644 = arith.select %eq3A_639, %broadcast_in_dim3A_642, %broadcast_in_dim3A_643 : vector<16xi1>, vector<16xf32>
      %add3A_645 = arith.addf %add3A_631, %select_n3A_644 : vector<16xf32>
      %add3A_646 = arith.constant 8 : i32
      %add3A_647 = arith.addi %add3A_531, %add3A_646 : i32
      %add3A_648 = vector.broadcast %add3A_647 : i32 to vector<16xi32>
      %add3A_649 = arith.addi %add3A_648, %mul3A_9 : vector<16xi32>
      %gather3A_650 = tpu.vector_load_idx %arg8[%add3A_649] : memref<16640xi32, #tpu.memory_space<vmem>>[vector<16xi32>], vector<16xi32>,
      %eq3A_651 = arith.constant 0 : i32
      %eq3A_652 = vector.broadcast %eq3A_651 : i32 to vector<16xi32>
      %eq3A_653 = arith.cmpi eq, %gather3A_650, %eq3A_652 : vector<16xi32>
      %jit3A_654 = arith.constant 1.000000e+00 : f32
      %jit3A_655 = arith.constant 0.000000e+00 : f32
      %broadcast_in_dim3A_656 = vector.broadcast %jit3A_654 : f32 to vector<16xf32>
      %broadcast_in_dim3A_657 = vector.broadcast %jit3A_655 : f32 to vector<16xf32>
      %select_n3A_658 = arith.select %eq3A_653, %broadcast_in_dim3A_656, %broadcast_in_dim3A_657 : vector<16xi1>, vector<16xf32>
      %add3A_659 = arith.addf %add3A_645, %select_n3A_658 : vector<16xf32>
      %add3A_660 = arith.constant 9 : i32
      %add3A_661 = arith.addi %add3A_531, %add3A_660 : i32
      %add3A_662 = vector.broadcast %add3A_661 : i32 to vector<16xi32>
      %add3A_663 = arith.addi %add3A_662, %mul3A_9 : vector<16xi32>
      %gather3A_664 = tpu.vector_load_idx %arg8[%add3A_663] : memref<16640xi32, #tpu.memory_space<vmem>>[vector<16xi32>], vector<16xi32>,
      %eq3A_665 = arith.constant 0 : i32
      %eq3A_666 = vector.broadcast %eq3A_665 : i32 to vector<16xi32>
      %eq3A_667 = arith.cmpi eq, %gather3A_664, %eq3A_666 : vector<16xi32>
      %jit3A_668 = arith.constant 1.000000e+00 : f32
      %jit3A_669 = arith.constant 0.000000e+00 : f32
      %broadcast_in_dim3A_670 = vector.broadcast %jit3A_668 : f32 to vector<16xf32>
      %broadcast_in_dim3A_671 = vector.broadcast %jit3A_669 : f32 to vector<16xf32>
      %select_n3A_672 = arith.select %eq3A_667, %broadcast_in_dim3A_670, %broadcast_in_dim3A_671 : vector<16xi1>, vector<16xf32>
      %add3A_673 = arith.addf %add3A_659, %select_n3A_672 : vector<16xf32>
      %add3A_674 = arith.constant 10 : i32
      %add3A_675 = arith.addi %add3A_531, %add3A_674 : i32
      %add3A_676 = vector.broadcast %add3A_675 : i32 to vector<16xi32>
      %add3A_677 = arith.addi %add3A_676, %mul3A_9 : vector<16xi32>
      %gather3A_678 = tpu.vector_load_idx %arg8[%add3A_677] : memref<16640xi32, #tpu.memory_space<vmem>>[vector<16xi32>], vector<16xi32>,
      %eq3A_679 = arith.constant 0 : i32
      %eq3A_680 = vector.broadcast %eq3A_679 : i32 to vector<16xi32>
      %eq3A_681 = arith.cmpi eq, %gather3A_678, %eq3A_680 : vector<16xi32>
      %jit3A_682 = arith.constant 1.000000e+00 : f32
      %jit3A_683 = arith.constant 0.000000e+00 : f32
      %broadcast_in_dim3A_684 = vector.broadcast %jit3A_682 : f32 to vector<16xf32>
      %broadcast_in_dim3A_685 = vector.broadcast %jit3A_683 : f32 to vector<16xf32>
      %select_n3A_686 = arith.select %eq3A_681, %broadcast_in_dim3A_684, %broadcast_in_dim3A_685 : vector<16xi1>, vector<16xf32>
      %add3A_687 = arith.addf %add3A_673, %select_n3A_686 : vector<16xf32>
      %add3A_688 = arith.constant 11 : i32
      %add3A_689 = arith.addi %add3A_531, %add3A_688 : i32
      %add3A_690 = vector.broadcast %add3A_689 : i32 to vector<16xi32>
      %add3A_691 = arith.addi %add3A_690, %mul3A_9 : vector<16xi32>
      %gather3A_692 = tpu.vector_load_idx %arg8[%add3A_691] : memref<16640xi32, #tpu.memory_space<vmem>>[vector<16xi32>], vector<16xi32>,
      %eq3A_693 = arith.constant 0 : i32
      %eq3A_694 = vector.broadcast %eq3A_693 : i32 to vector<16xi32>
      %eq3A_695 = arith.cmpi eq, %gather3A_692, %eq3A_694 : vector<16xi32>
      %jit3A_696 = arith.constant 1.000000e+00 : f32
      %jit3A_697 = arith.constant 0.000000e+00 : f32
      %broadcast_in_dim3A_698 = vector.broadcast %jit3A_696 : f32 to vector<16xf32>
      %broadcast_in_dim3A_699 = vector.broadcast %jit3A_697 : f32 to vector<16xf32>
      %select_n3A_700 = arith.select %eq3A_695, %broadcast_in_dim3A_698, %broadcast_in_dim3A_699 : vector<16xi1>, vector<16xf32>
      %add3A_701 = arith.addf %add3A_687, %select_n3A_700 : vector<16xf32>
      %add3A_702 = arith.constant 12 : i32
      %add3A_703 = arith.addi %add3A_531, %add3A_702 : i32
      %add3A_704 = vector.broadcast %add3A_703 : i32 to vector<16xi32>
      %add3A_705 = arith.addi %add3A_704, %mul3A_9 : vector<16xi32>
      %gather3A_706 = tpu.vector_load_idx %arg8[%add3A_705] : memref<16640xi32, #tpu.memory_space<vmem>>[vector<16xi32>], vector<16xi32>,
      %eq3A_707 = arith.constant 0 : i32
      %eq3A_708 = vector.broadcast %eq3A_707 : i32 to vector<16xi32>
      %eq3A_709 = arith.cmpi eq, %gather3A_706, %eq3A_708 : vector<16xi32>
      %jit3A_710 = arith.constant 1.000000e+00 : f32
      %jit3A_711 = arith.constant 0.000000e+00 : f32
      %broadcast_in_dim3A_712 = vector.broadcast %jit3A_710 : f32 to vector<16xf32>
      %broadcast_in_dim3A_713 = vector.broadcast %jit3A_711 : f32 to vector<16xf32>
      %select_n3A_714 = arith.select %eq3A_709, %broadcast_in_dim3A_712, %broadcast_in_dim3A_713 : vector<16xi1>, vector<16xf32>
      %add3A_715 = arith.addf %add3A_701, %select_n3A_714 : vector<16xf32>
      %add3A_716 = arith.constant 13 : i32
      %add3A_717 = arith.addi %add3A_531, %add3A_716 : i32
      %add3A_718 = vector.broadcast %add3A_717 : i32 to vector<16xi32>
      %add3A_719 = arith.addi %add3A_718, %mul3A_9 : vector<16xi32>
      %gather3A_720 = tpu.vector_load_idx %arg8[%add3A_719] : memref<16640xi32, #tpu.memory_space<vmem>>[vector<16xi32>], vector<16xi32>,
      %eq3A_721 = arith.constant 0 : i32
      %eq3A_722 = vector.broadcast %eq3A_721 : i32 to vector<16xi32>
      %eq3A_723 = arith.cmpi eq, %gather3A_720, %eq3A_722 : vector<16xi32>
      %jit3A_724 = arith.constant 1.000000e+00 : f32
      %jit3A_725 = arith.constant 0.000000e+00 : f32
      %broadcast_in_dim3A_726 = vector.broadcast %jit3A_724 : f32 to vector<16xf32>
      %broadcast_in_dim3A_727 = vector.broadcast %jit3A_725 : f32 to vector<16xf32>
      %select_n3A_728 = arith.select %eq3A_723, %broadcast_in_dim3A_726, %broadcast_in_dim3A_727 : vector<16xi1>, vector<16xf32>
      %add3A_729 = arith.addf %add3A_715, %select_n3A_728 : vector<16xf32>
      %add3A_730 = arith.constant 14 : i32
      %add3A_731 = arith.addi %add3A_531, %add3A_730 : i32
      %add3A_732 = vector.broadcast %add3A_731 : i32 to vector<16xi32>
      %add3A_733 = arith.addi %add3A_732, %mul3A_9 : vector<16xi32>
      %gather3A_734 = tpu.vector_load_idx %arg8[%add3A_733] : memref<16640xi32, #tpu.memory_space<vmem>>[vector<16xi32>], vector<16xi32>,
      %eq3A_735 = arith.constant 0 : i32
      %eq3A_736 = vector.broadcast %eq3A_735 : i32 to vector<16xi32>
      %eq3A_737 = arith.cmpi eq, %gather3A_734, %eq3A_736 : vector<16xi32>
      %jit3A_738 = arith.constant 1.000000e+00 : f32
      %jit3A_739 = arith.constant 0.000000e+00 : f32
      %broadcast_in_dim3A_740 = vector.broadcast %jit3A_738 : f32 to vector<16xf32>
      %broadcast_in_dim3A_741 = vector.broadcast %jit3A_739 : f32 to vector<16xf32>
      %select_n3A_742 = arith.select %eq3A_737, %broadcast_in_dim3A_740, %broadcast_in_dim3A_741 : vector<16xi1>, vector<16xf32>
      %add3A_743 = arith.addf %add3A_729, %select_n3A_742 : vector<16xf32>
      %add3A_744 = arith.constant 15 : i32
      %add3A_745 = arith.addi %add3A_531, %add3A_744 : i32
      %add3A_746 = vector.broadcast %add3A_745 : i32 to vector<16xi32>
      %add3A_747 = arith.addi %add3A_746, %mul3A_9 : vector<16xi32>
      %gather3A_748 = tpu.vector_load_idx %arg8[%add3A_747] : memref<16640xi32, #tpu.memory_space<vmem>>[vector<16xi32>], vector<16xi32>,
      %eq3A_749 = arith.constant 0 : i32
      %eq3A_750 = vector.broadcast %eq3A_749 : i32 to vector<16xi32>
      %eq3A_751 = arith.cmpi eq, %gather3A_748, %eq3A_750 : vector<16xi32>
      %jit3A_752 = arith.constant 1.000000e+00 : f32
      %jit3A_753 = arith.constant 0.000000e+00 : f32
      %broadcast_in_dim3A_754 = vector.broadcast %jit3A_752 : f32 to vector<16xf32>
      %broadcast_in_dim3A_755 = vector.broadcast %jit3A_753 : f32 to vector<16xf32>
      %select_n3A_756 = arith.select %eq3A_751, %broadcast_in_dim3A_754, %broadcast_in_dim3A_755 : vector<16xi1>, vector<16xf32>
      %add3A_757 = arith.addf %add3A_743, %select_n3A_756 : vector<16xf32>
      %add3A_758 = arith.constant 16 : i32
      %add3A_759 = arith.addi %add3A_531, %add3A_758 : i32
      %add3A_760 = vector.broadcast %add3A_759 : i32 to vector<16xi32>
      %add3A_761 = arith.addi %add3A_760, %mul3A_9 : vector<16xi32>
      %gather3A_762 = tpu.vector_load_idx %arg8[%add3A_761] : memref<16640xi32, #tpu.memory_space<vmem>>[vector<16xi32>], vector<16xi32>,
      %eq3A_763 = arith.constant 0 : i32
      %eq3A_764 = vector.broadcast %eq3A_763 : i32 to vector<16xi32>
      %eq3A_765 = arith.cmpi eq, %gather3A_762, %eq3A_764 : vector<16xi32>
      %jit3A_766 = arith.constant 1.000000e+00 : f32
      %jit3A_767 = arith.constant 0.000000e+00 : f32
      %broadcast_in_dim3A_768 = vector.broadcast %jit3A_766 : f32 to vector<16xf32>
      %broadcast_in_dim3A_769 = vector.broadcast %jit3A_767 : f32 to vector<16xf32>
      %select_n3A_770 = arith.select %eq3A_765, %broadcast_in_dim3A_768, %broadcast_in_dim3A_769 : vector<16xi1>, vector<16xf32>
      %add3A_771 = arith.addf %add3A_757, %select_n3A_770 : vector<16xf32>
      %add3A_772 = arith.constant 17 : i32
      %add3A_773 = arith.addi %add3A_531, %add3A_772 : i32
      %add3A_774 = vector.broadcast %add3A_773 : i32 to vector<16xi32>
      %add3A_775 = arith.addi %add3A_774, %mul3A_9 : vector<16xi32>
      %gather3A_776 = tpu.vector_load_idx %arg8[%add3A_775] : memref<16640xi32, #tpu.memory_space<vmem>>[vector<16xi32>], vector<16xi32>,
      %eq3A_777 = arith.constant 0 : i32
      %eq3A_778 = vector.broadcast %eq3A_777 : i32 to vector<16xi32>
      %eq3A_779 = arith.cmpi eq, %gather3A_776, %eq3A_778 : vector<16xi32>
      %jit3A_780 = arith.constant 1.000000e+00 : f32
      %jit3A_781 = arith.constant 0.000000e+00 : f32
      %broadcast_in_dim3A_782 = vector.broadcast %jit3A_780 : f32 to vector<16xf32>
      %broadcast_in_dim3A_783 = vector.broadcast %jit3A_781 : f32 to vector<16xf32>
      %select_n3A_784 = arith.select %eq3A_779, %broadcast_in_dim3A_782, %broadcast_in_dim3A_783 : vector<16xi1>, vector<16xf32>
      %add3A_785 = arith.addf %add3A_771, %select_n3A_784 : vector<16xf32>
      %add3A_786 = arith.constant 18 : i32
      %add3A_787 = arith.addi %add3A_531, %add3A_786 : i32
      %add3A_788 = vector.broadcast %add3A_787 : i32 to vector<16xi32>
      %add3A_789 = arith.addi %add3A_788, %mul3A_9 : vector<16xi32>
      %gather3A_790 = tpu.vector_load_idx %arg8[%add3A_789] : memref<16640xi32, #tpu.memory_space<vmem>>[vector<16xi32>], vector<16xi32>,
      %eq3A_791 = arith.constant 0 : i32
      %eq3A_792 = vector.broadcast %eq3A_791 : i32 to vector<16xi32>
      %eq3A_793 = arith.cmpi eq, %gather3A_790, %eq3A_792 : vector<16xi32>
      %jit3A_794 = arith.constant 1.000000e+00 : f32
      %jit3A_795 = arith.constant 0.000000e+00 : f32
      %broadcast_in_dim3A_796 = vector.broadcast %jit3A_794 : f32 to vector<16xf32>
      %broadcast_in_dim3A_797 = vector.broadcast %jit3A_795 : f32 to vector<16xf32>
      %select_n3A_798 = arith.select %eq3A_793, %broadcast_in_dim3A_796, %broadcast_in_dim3A_797 : vector<16xi1>, vector<16xf32>
      %add3A_799 = arith.addf %add3A_785, %select_n3A_798 : vector<16xf32>
      %add3A_800 = arith.constant 19 : i32
      %add3A_801 = arith.addi %add3A_531, %add3A_800 : i32
      %add3A_802 = vector.broadcast %add3A_801 : i32 to vector<16xi32>
      %add3A_803 = arith.addi %add3A_802, %mul3A_9 : vector<16xi32>
      %gather3A_804 = tpu.vector_load_idx %arg8[%add3A_803] : memref<16640xi32, #tpu.memory_space<vmem>>[vector<16xi32>], vector<16xi32>,
      %eq3A_805 = arith.constant 0 : i32
      %eq3A_806 = vector.broadcast %eq3A_805 : i32 to vector<16xi32>
      %eq3A_807 = arith.cmpi eq, %gather3A_804, %eq3A_806 : vector<16xi32>
      %jit3A_808 = arith.constant 1.000000e+00 : f32
      %jit3A_809 = arith.constant 0.000000e+00 : f32
      %broadcast_in_dim3A_810 = vector.broadcast %jit3A_808 : f32 to vector<16xf32>
      %broadcast_in_dim3A_811 = vector.broadcast %jit3A_809 : f32 to vector<16xf32>
      %select_n3A_812 = arith.select %eq3A_807, %broadcast_in_dim3A_810, %broadcast_in_dim3A_811 : vector<16xi1>, vector<16xf32>
      %add3A_813 = arith.addf %add3A_799, %select_n3A_812 : vector<16xf32>
      %add3A_814 = arith.constant 16 : i32
      %add3A_815 = vector.broadcast %add3A_814 : i32 to vector<16xi32>
      %add3A_816 = arith.addi %add3A_815, %iota3A : vector<16xi32>
      tpu.vector_store_idx %arg13[%add3A_816], %add3A_813 : memref<64xf32, #tpu.memory_space<vmem>>[vector<16xi32>], vector<16xf32>,
      %add3A_817 = arith.constant 48 : i32
      %add3A_818 = vector.broadcast %add3A_817 : i32 to vector<16xi32>
      %add3A_819 = arith.addi %add3A_818, %iota3A : vector<16xi32>
      tpu.vector_store_idx %arg13[%add3A_819], %div3A_529 : memref<64xf32, #tpu.memory_space<vmem>>[vector<16xi32>], vector<16xf32>,
      %scan3A_820 = arith.constant 0 : i32
      %scan3A_821 = arith.constant 0 : i32
      %scan3A_822 = arith.constant 32 : i32
      %scan3A_823 = arith.addi %scan3A_821, %scan3A_822 : i32
      %scan3A_824 = arith.constant 1 : i32
      %scan3A_825 = scf.for %scan3A_845 = %scan3A_821 to %scan3A_823 step %scan3A_824 iter_args(%scan3A_846 = %scan3A_820) -> (i32)  : i32 {
        %mul3A_847 = arith.constant 20 : i32
        %mul3A_848 = arith.muli %scan3A_845, %mul3A_847 : i32
        %get3A_849 = arith.index_cast %mul3A_848 : i32 to index
        %get3A_850 = arith.constant 0 : index
        %get3A_851 = tpu.vector_load %arg10[%get3A_849, %get3A_850] {strides = array<i32>} : memref<640x64xf32, #tpu.memory_space<vmem>>, vector<16xf32>,
        %get3A_852 = arith.index_cast %mul3A_848 : i32 to index
        %get3A_853 = arith.constant 16 : index
        %get3A_854 = tpu.vector_load %arg10[%get3A_852, %get3A_853] {strides = array<i32>} : memref<640x64xf32, #tpu.memory_space<vmem>>, vector<16xf32>,
        %get3A_855 = arith.index_cast %mul3A_848 : i32 to index
        %get3A_856 = arith.constant 32 : index
        %get3A_857 = tpu.vector_load %arg10[%get3A_855, %get3A_856] {strides = array<i32>} : memref<640x64xf32, #tpu.memory_space<vmem>>, vector<16xf32>,
        %get3A_858 = arith.index_cast %mul3A_848 : i32 to index
        %get3A_859 = arith.constant 48 : index
        %get3A_860 = tpu.vector_load %arg10[%get3A_858, %get3A_859] {strides = array<i32>} : memref<640x64xf32, #tpu.memory_space<vmem>>, vector<16xf32>,
        %add3A_861 = arith.constant 1 : i32
        %add3A_862 = arith.addi %mul3A_848, %add3A_861 : i32
        %get3A_863 = arith.index_cast %add3A_862 : i32 to index
        %get3A_864 = arith.constant 0 : index
        %get3A_865 = tpu.vector_load %arg10[%get3A_863, %get3A_864] {strides = array<i32>} : memref<640x64xf32, #tpu.memory_space<vmem>>, vector<16xf32>,
        %add3A_866 = arith.addf %get3A_851, %get3A_865 : vector<16xf32>
        %add3A_867 = arith.constant 1 : i32
        %add3A_868 = arith.addi %mul3A_848, %add3A_867 : i32
        %get3A_869 = arith.index_cast %add3A_868 : i32 to index
        %get3A_870 = arith.constant 16 : index
        %get3A_871 = tpu.vector_load %arg10[%get3A_869, %get3A_870] {strides = array<i32>} : memref<640x64xf32, #tpu.memory_space<vmem>>, vector<16xf32>,
        %add3A_872 = arith.addf %get3A_854, %get3A_871 : vector<16xf32>
        %add3A_873 = arith.constant 1 : i32
        %add3A_874 = arith.addi %mul3A_848, %add3A_873 : i32
        %get3A_875 = arith.index_cast %add3A_874 : i32 to index
        %get3A_876 = arith.constant 32 : index
        %get3A_877 = tpu.vector_load %arg10[%get3A_875, %get3A_876] {strides = array<i32>} : memref<640x64xf32, #tpu.memory_space<vmem>>, vector<16xf32>,
        %add3A_878 = arith.addf %get3A_857, %get3A_877 : vector<16xf32>
        %add3A_879 = arith.constant 1 : i32
        %add3A_880 = arith.addi %mul3A_848, %add3A_879 : i32
        %get3A_881 = arith.index_cast %add3A_880 : i32 to index
        %get3A_882 = arith.constant 48 : index
        %get3A_883 = tpu.vector_load %arg10[%get3A_881, %get3A_882] {strides = array<i32>} : memref<640x64xf32, #tpu.memory_space<vmem>>, vector<16xf32>,
        %add3A_884 = arith.addf %get3A_860, %get3A_883 : vector<16xf32>
        %add3A_885 = arith.constant 2 : i32
        %add3A_886 = arith.addi %mul3A_848, %add3A_885 : i32
        %get3A_887 = arith.index_cast %add3A_886 : i32 to index
        %get3A_888 = arith.constant 0 : index
        %get3A_889 = tpu.vector_load %arg10[%get3A_887, %get3A_888] {strides = array<i32>} : memref<640x64xf32, #tpu.memory_space<vmem>>, vector<16xf32>,
        %add3A_890 = arith.addf %add3A_866, %get3A_889 : vector<16xf32>
        %add3A_891 = arith.constant 2 : i32
        %add3A_892 = arith.addi %mul3A_848, %add3A_891 : i32
        %get3A_893 = arith.index_cast %add3A_892 : i32 to index
        %get3A_894 = arith.constant 16 : index
        %get3A_895 = tpu.vector_load %arg10[%get3A_893, %get3A_894] {strides = array<i32>} : memref<640x64xf32, #tpu.memory_space<vmem>>, vector<16xf32>,
        %add3A_896 = arith.addf %add3A_872, %get3A_895 : vector<16xf32>
        %add3A_897 = arith.constant 2 : i32
        %add3A_898 = arith.addi %mul3A_848, %add3A_897 : i32
        %get3A_899 = arith.index_cast %add3A_898 : i32 to index
        %get3A_900 = arith.constant 32 : index
        %get3A_901 = tpu.vector_load %arg10[%get3A_899, %get3A_900] {strides = array<i32>} : memref<640x64xf32, #tpu.memory_space<vmem>>, vector<16xf32>,
        %add3A_902 = arith.addf %add3A_878, %get3A_901 : vector<16xf32>
        %add3A_903 = arith.constant 2 : i32
        %add3A_904 = arith.addi %mul3A_848, %add3A_903 : i32
        %get3A_905 = arith.index_cast %add3A_904 : i32 to index
        %get3A_906 = arith.constant 48 : index
        %get3A_907 = tpu.vector_load %arg10[%get3A_905, %get3A_906] {strides = array<i32>} : memref<640x64xf32, #tpu.memory_space<vmem>>, vector<16xf32>,
        %add3A_908 = arith.addf %add3A_884, %get3A_907 : vector<16xf32>
        %add3A_909 = arith.constant 3 : i32
        %add3A_910 = arith.addi %mul3A_848, %add3A_909 : i32
        %get3A_911 = arith.index_cast %add3A_910 : i32 to index
        %get3A_912 = arith.constant 0 : index
        %get3A_913 = tpu.vector_load %arg10[%get3A_911, %get3A_912] {strides = array<i32>} : memref<640x64xf32, #tpu.memory_space<vmem>>, vector<16xf32>,
        %add3A_914 = arith.addf %add3A_890, %get3A_913 : vector<16xf32>
        %add3A_915 = arith.constant 3 : i32
        %add3A_916 = arith.addi %mul3A_848, %add3A_915 : i32
        %get3A_917 = arith.index_cast %add3A_916 : i32 to index
        %get3A_918 = arith.constant 16 : index
        %get3A_919 = tpu.vector_load %arg10[%get3A_917, %get3A_918] {strides = array<i32>} : memref<640x64xf32, #tpu.memory_space<vmem>>, vector<16xf32>,
        %add3A_920 = arith.addf %add3A_896, %get3A_919 : vector<16xf32>
        %add3A_921 = arith.constant 3 : i32
        %add3A_922 = arith.addi %mul3A_848, %add3A_921 : i32
        %get3A_923 = arith.index_cast %add3A_922 : i32 to index
        %get3A_924 = arith.constant 32 : index
        %get3A_925 = tpu.vector_load %arg10[%get3A_923, %get3A_924] {strides = array<i32>} : memref<640x64xf32, #tpu.memory_space<vmem>>, vector<16xf32>,
        %add3A_926 = arith.addf %add3A_902, %get3A_925 : vector<16xf32>
        %add3A_927 = arith.constant 3 : i32
        %add3A_928 = arith.addi %mul3A_848, %add3A_927 : i32
        %get3A_929 = arith.index_cast %add3A_928 : i32 to index
        %get3A_930 = arith.constant 48 : index
        %get3A_931 = tpu.vector_load %arg10[%get3A_929, %get3A_930] {strides = array<i32>} : memref<640x64xf32, #tpu.memory_space<vmem>>, vector<16xf32>,
        %add3A_932 = arith.addf %add3A_908, %get3A_931 : vector<16xf32>
        %add3A_933 = arith.constant 4 : i32
        %add3A_934 = arith.addi %mul3A_848, %add3A_933 : i32
        %get3A_935 = arith.index_cast %add3A_934 : i32 to index
        %get3A_936 = arith.constant 0 : index
        %get3A_937 = tpu.vector_load %arg10[%get3A_935, %get3A_936] {strides = array<i32>} : memref<640x64xf32, #tpu.memory_space<vmem>>, vector<16xf32>,
        %add3A_938 = arith.addf %add3A_914, %get3A_937 : vector<16xf32>
        %add3A_939 = arith.constant 4 : i32
        %add3A_940 = arith.addi %mul3A_848, %add3A_939 : i32
        %get3A_941 = arith.index_cast %add3A_940 : i32 to index
        %get3A_942 = arith.constant 16 : index
        %get3A_943 = tpu.vector_load %arg10[%get3A_941, %get3A_942] {strides = array<i32>} : memref<640x64xf32, #tpu.memory_space<vmem>>, vector<16xf32>,
        %add3A_944 = arith.addf %add3A_920, %get3A_943 : vector<16xf32>
        %add3A_945 = arith.constant 4 : i32
        %add3A_946 = arith.addi %mul3A_848, %add3A_945 : i32
        %get3A_947 = arith.index_cast %add3A_946 : i32 to index
        %get3A_948 = arith.constant 32 : index
        %get3A_949 = tpu.vector_load %arg10[%get3A_947, %get3A_948] {strides = array<i32>} : memref<640x64xf32, #tpu.memory_space<vmem>>, vector<16xf32>,
        %add3A_950 = arith.addf %add3A_926, %get3A_949 : vector<16xf32>
        %add3A_951 = arith.constant 4 : i32
        %add3A_952 = arith.addi %mul3A_848, %add3A_951 : i32
        %get3A_953 = arith.index_cast %add3A_952 : i32 to index
        %get3A_954 = arith.constant 48 : index
        %get3A_955 = tpu.vector_load %arg10[%get3A_953, %get3A_954] {strides = array<i32>} : memref<640x64xf32, #tpu.memory_space<vmem>>, vector<16xf32>,
        %add3A_956 = arith.addf %add3A_932, %get3A_955 : vector<16xf32>
        %add3A_957 = arith.constant 5 : i32
        %add3A_958 = arith.addi %mul3A_848, %add3A_957 : i32
        %get3A_959 = arith.index_cast %add3A_958 : i32 to index
        %get3A_960 = arith.constant 0 : index
        %get3A_961 = tpu.vector_load %arg10[%get3A_959, %get3A_960] {strides = array<i32>} : memref<640x64xf32, #tpu.memory_space<vmem>>, vector<16xf32>,
        %add3A_962 = arith.addf %add3A_938, %get3A_961 : vector<16xf32>
        %add3A_963 = arith.constant 5 : i32
        %add3A_964 = arith.addi %mul3A_848, %add3A_963 : i32
        %get3A_965 = arith.index_cast %add3A_964 : i32 to index
        %get3A_966 = arith.constant 16 : index
        %get3A_967 = tpu.vector_load %arg10[%get3A_965, %get3A_966] {strides = array<i32>} : memref<640x64xf32, #tpu.memory_space<vmem>>, vector<16xf32>,
        %add3A_968 = arith.addf %add3A_944, %get3A_967 : vector<16xf32>
        %add3A_969 = arith.constant 5 : i32
        %add3A_970 = arith.addi %mul3A_848, %add3A_969 : i32
        %get3A_971 = arith.index_cast %add3A_970 : i32 to index
        %get3A_972 = arith.constant 32 : index
        %get3A_973 = tpu.vector_load %arg10[%get3A_971, %get3A_972] {strides = array<i32>} : memref<640x64xf32, #tpu.memory_space<vmem>>, vector<16xf32>,
        %add3A_974 = arith.addf %add3A_950, %get3A_973 : vector<16xf32>
        %add3A_975 = arith.constant 5 : i32
        %add3A_976 = arith.addi %mul3A_848, %add3A_975 : i32
        %get3A_977 = arith.index_cast %add3A_976 : i32 to index
        %get3A_978 = arith.constant 48 : index
        %get3A_979 = tpu.vector_load %arg10[%get3A_977, %get3A_978] {strides = array<i32>} : memref<640x64xf32, #tpu.memory_space<vmem>>, vector<16xf32>,
        %add3A_980 = arith.addf %add3A_956, %get3A_979 : vector<16xf32>
        %add3A_981 = arith.constant 6 : i32
        %add3A_982 = arith.addi %mul3A_848, %add3A_981 : i32
        %get3A_983 = arith.index_cast %add3A_982 : i32 to index
        %get3A_984 = arith.constant 0 : index
        %get3A_985 = tpu.vector_load %arg10[%get3A_983, %get3A_984] {strides = array<i32>} : memref<640x64xf32, #tpu.memory_space<vmem>>, vector<16xf32>,
        %add3A_986 = arith.addf %add3A_962, %get3A_985 : vector<16xf32>
        %add3A_987 = arith.constant 6 : i32
        %add3A_988 = arith.addi %mul3A_848, %add3A_987 : i32
        %get3A_989 = arith.index_cast %add3A_988 : i32 to index
        %get3A_990 = arith.constant 16 : index
        %get3A_991 = tpu.vector_load %arg10[%get3A_989, %get3A_990] {strides = array<i32>} : memref<640x64xf32, #tpu.memory_space<vmem>>, vector<16xf32>,
        %add3A_992 = arith.addf %add3A_968, %get3A_991 : vector<16xf32>
        %add3A_993 = arith.constant 6 : i32
        %add3A_994 = arith.addi %mul3A_848, %add3A_993 : i32
        %get3A_995 = arith.index_cast %add3A_994 : i32 to index
        %get3A_996 = arith.constant 32 : index
        %get3A_997 = tpu.vector_load %arg10[%get3A_995, %get3A_996] {strides = array<i32>} : memref<640x64xf32, #tpu.memory_space<vmem>>, vector<16xf32>,
        %add3A_998 = arith.addf %add3A_974, %get3A_997 : vector<16xf32>
        %add3A_999 = arith.constant 6 : i32
        %add3A_1000 = arith.addi %mul3A_848, %add3A_999 : i32
        %get3A_1001 = arith.index_cast %add3A_1000 : i32 to index
        %get3A_1002 = arith.constant 48 : index
        %get3A_1003 = tpu.vector_load %arg10[%get3A_1001, %get3A_1002] {strides = array<i32>} : memref<640x64xf32, #tpu.memory_space<vmem>>, vector<16xf32>,
        %add3A_1004 = arith.addf %add3A_980, %get3A_1003 : vector<16xf32>
        %add3A_1005 = arith.constant 7 : i32
        %add3A_1006 = arith.addi %mul3A_848, %add3A_1005 : i32
        %get3A_1007 = arith.index_cast %add3A_1006 : i32 to index
        %get3A_1008 = arith.constant 0 : index
        %get3A_1009 = tpu.vector_load %arg10[%get3A_1007, %get3A_1008] {strides = array<i32>} : memref<640x64xf32, #tpu.memory_space<vmem>>, vector<16xf32>,
        %add3A_1010 = arith.addf %add3A_986, %get3A_1009 : vector<16xf32>
        %add3A_1011 = arith.constant 7 : i32
        %add3A_1012 = arith.addi %mul3A_848, %add3A_1011 : i32
        %get3A_1013 = arith.index_cast %add3A_1012 : i32 to index
        %get3A_1014 = arith.constant 16 : index
        %get3A_1015 = tpu.vector_load %arg10[%get3A_1013, %get3A_1014] {strides = array<i32>} : memref<640x64xf32, #tpu.memory_space<vmem>>, vector<16xf32>,
        %add3A_1016 = arith.addf %add3A_992, %get3A_1015 : vector<16xf32>
        %add3A_1017 = arith.constant 7 : i32
        %add3A_1018 = arith.addi %mul3A_848, %add3A_1017 : i32
        %get3A_1019 = arith.index_cast %add3A_1018 : i32 to index
        %get3A_1020 = arith.constant 32 : index
        %get3A_1021 = tpu.vector_load %arg10[%get3A_1019, %get3A_1020] {strides = array<i32>} : memref<640x64xf32, #tpu.memory_space<vmem>>, vector<16xf32>,
        %add3A_1022 = arith.addf %add3A_998, %get3A_1021 : vector<16xf32>
        %add3A_1023 = arith.constant 7 : i32
        %add3A_1024 = arith.addi %mul3A_848, %add3A_1023 : i32
        %get3A_1025 = arith.index_cast %add3A_1024 : i32 to index
        %get3A_1026 = arith.constant 48 : index
        %get3A_1027 = tpu.vector_load %arg10[%get3A_1025, %get3A_1026] {strides = array<i32>} : memref<640x64xf32, #tpu.memory_space<vmem>>, vector<16xf32>,
        %add3A_1028 = arith.addf %add3A_1004, %get3A_1027 : vector<16xf32>
        %add3A_1029 = arith.constant 8 : i32
        %add3A_1030 = arith.addi %mul3A_848, %add3A_1029 : i32
        %get3A_1031 = arith.index_cast %add3A_1030 : i32 to index
        %get3A_1032 = arith.constant 0 : index
        %get3A_1033 = tpu.vector_load %arg10[%get3A_1031, %get3A_1032] {strides = array<i32>} : memref<640x64xf32, #tpu.memory_space<vmem>>, vector<16xf32>,
        %add3A_1034 = arith.addf %add3A_1010, %get3A_1033 : vector<16xf32>
        %add3A_1035 = arith.constant 8 : i32
        %add3A_1036 = arith.addi %mul3A_848, %add3A_1035 : i32
        %get3A_1037 = arith.index_cast %add3A_1036 : i32 to index
        %get3A_1038 = arith.constant 16 : index
        %get3A_1039 = tpu.vector_load %arg10[%get3A_1037, %get3A_1038] {strides = array<i32>} : memref<640x64xf32, #tpu.memory_space<vmem>>, vector<16xf32>,
        %add3A_1040 = arith.addf %add3A_1016, %get3A_1039 : vector<16xf32>
        %add3A_1041 = arith.constant 8 : i32
        %add3A_1042 = arith.addi %mul3A_848, %add3A_1041 : i32
        %get3A_1043 = arith.index_cast %add3A_1042 : i32 to index
        %get3A_1044 = arith.constant 32 : index
        %get3A_1045 = tpu.vector_load %arg10[%get3A_1043, %get3A_1044] {strides = array<i32>} : memref<640x64xf32, #tpu.memory_space<vmem>>, vector<16xf32>,
        %add3A_1046 = arith.addf %add3A_1022, %get3A_1045 : vector<16xf32>
        %add3A_1047 = arith.constant 8 : i32
        %add3A_1048 = arith.addi %mul3A_848, %add3A_1047 : i32
        %get3A_1049 = arith.index_cast %add3A_1048 : i32 to index
        %get3A_1050 = arith.constant 48 : index
        %get3A_1051 = tpu.vector_load %arg10[%get3A_1049, %get3A_1050] {strides = array<i32>} : memref<640x64xf32, #tpu.memory_space<vmem>>, vector<16xf32>,
        %add3A_1052 = arith.addf %add3A_1028, %get3A_1051 : vector<16xf32>
        %add3A_1053 = arith.constant 9 : i32
        %add3A_1054 = arith.addi %mul3A_848, %add3A_1053 : i32
        %get3A_1055 = arith.index_cast %add3A_1054 : i32 to index
        %get3A_1056 = arith.constant 0 : index
        %get3A_1057 = tpu.vector_load %arg10[%get3A_1055, %get3A_1056] {strides = array<i32>} : memref<640x64xf32, #tpu.memory_space<vmem>>, vector<16xf32>,
        %add3A_1058 = arith.addf %add3A_1034, %get3A_1057 : vector<16xf32>
        %add3A_1059 = arith.constant 9 : i32
        %add3A_1060 = arith.addi %mul3A_848, %add3A_1059 : i32
        %get3A_1061 = arith.index_cast %add3A_1060 : i32 to index
        %get3A_1062 = arith.constant 16 : index
        %get3A_1063 = tpu.vector_load %arg10[%get3A_1061, %get3A_1062] {strides = array<i32>} : memref<640x64xf32, #tpu.memory_space<vmem>>, vector<16xf32>,
        %add3A_1064 = arith.addf %add3A_1040, %get3A_1063 : vector<16xf32>
        %add3A_1065 = arith.constant 9 : i32
        %add3A_1066 = arith.addi %mul3A_848, %add3A_1065 : i32
        %get3A_1067 = arith.index_cast %add3A_1066 : i32 to index
        %get3A_1068 = arith.constant 32 : index
        %get3A_1069 = tpu.vector_load %arg10[%get3A_1067, %get3A_1068] {strides = array<i32>} : memref<640x64xf32, #tpu.memory_space<vmem>>, vector<16xf32>,
        %add3A_1070 = arith.addf %add3A_1046, %get3A_1069 : vector<16xf32>
        %add3A_1071 = arith.constant 9 : i32
        %add3A_1072 = arith.addi %mul3A_848, %add3A_1071 : i32
        %get3A_1073 = arith.index_cast %add3A_1072 : i32 to index
        %get3A_1074 = arith.constant 48 : index
        %get3A_1075 = tpu.vector_load %arg10[%get3A_1073, %get3A_1074] {strides = array<i32>} : memref<640x64xf32, #tpu.memory_space<vmem>>, vector<16xf32>,
        %add3A_1076 = arith.addf %add3A_1052, %get3A_1075 : vector<16xf32>
        %add3A_1077 = arith.constant 10 : i32
        %add3A_1078 = arith.addi %mul3A_848, %add3A_1077 : i32
        %get3A_1079 = arith.index_cast %add3A_1078 : i32 to index
        %get3A_1080 = arith.constant 0 : index
        %get3A_1081 = tpu.vector_load %arg10[%get3A_1079, %get3A_1080] {strides = array<i32>} : memref<640x64xf32, #tpu.memory_space<vmem>>, vector<16xf32>,
        %add3A_1082 = arith.addf %add3A_1058, %get3A_1081 : vector<16xf32>
        %add3A_1083 = arith.constant 10 : i32
        %add3A_1084 = arith.addi %mul3A_848, %add3A_1083 : i32
        %get3A_1085 = arith.index_cast %add3A_1084 : i32 to index
        %get3A_1086 = arith.constant 16 : index
        %get3A_1087 = tpu.vector_load %arg10[%get3A_1085, %get3A_1086] {strides = array<i32>} : memref<640x64xf32, #tpu.memory_space<vmem>>, vector<16xf32>,
        %add3A_1088 = arith.addf %add3A_1064, %get3A_1087 : vector<16xf32>
        %add3A_1089 = arith.constant 10 : i32
        %add3A_1090 = arith.addi %mul3A_848, %add3A_1089 : i32
        %get3A_1091 = arith.index_cast %add3A_1090 : i32 to index
        %get3A_1092 = arith.constant 32 : index
        %get3A_1093 = tpu.vector_load %arg10[%get3A_1091, %get3A_1092] {strides = array<i32>} : memref<640x64xf32, #tpu.memory_space<vmem>>, vector<16xf32>,
        %add3A_1094 = arith.addf %add3A_1070, %get3A_1093 : vector<16xf32>
        %add3A_1095 = arith.constant 10 : i32
        %add3A_1096 = arith.addi %mul3A_848, %add3A_1095 : i32
        %get3A_1097 = arith.index_cast %add3A_1096 : i32 to index
        %get3A_1098 = arith.constant 48 : index
        %get3A_1099 = tpu.vector_load %arg10[%get3A_1097, %get3A_1098] {strides = array<i32>} : memref<640x64xf32, #tpu.memory_space<vmem>>, vector<16xf32>,
        %add3A_1100 = arith.addf %add3A_1076, %get3A_1099 : vector<16xf32>
        %add3A_1101 = arith.constant 11 : i32
        %add3A_1102 = arith.addi %mul3A_848, %add3A_1101 : i32
        %get3A_1103 = arith.index_cast %add3A_1102 : i32 to index
        %get3A_1104 = arith.constant 0 : index
        %get3A_1105 = tpu.vector_load %arg10[%get3A_1103, %get3A_1104] {strides = array<i32>} : memref<640x64xf32, #tpu.memory_space<vmem>>, vector<16xf32>,
        %add3A_1106 = arith.addf %add3A_1082, %get3A_1105 : vector<16xf32>
        %add3A_1107 = arith.constant 11 : i32
        %add3A_1108 = arith.addi %mul3A_848, %add3A_1107 : i32
        %get3A_1109 = arith.index_cast %add3A_1108 : i32 to index
        %get3A_1110 = arith.constant 16 : index
        %get3A_1111 = tpu.vector_load %arg10[%get3A_1109, %get3A_1110] {strides = array<i32>} : memref<640x64xf32, #tpu.memory_space<vmem>>, vector<16xf32>,
        %add3A_1112 = arith.addf %add3A_1088, %get3A_1111 : vector<16xf32>
        %add3A_1113 = arith.constant 11 : i32
        %add3A_1114 = arith.addi %mul3A_848, %add3A_1113 : i32
        %get3A_1115 = arith.index_cast %add3A_1114 : i32 to index
        %get3A_1116 = arith.constant 32 : index
        %get3A_1117 = tpu.vector_load %arg10[%get3A_1115, %get3A_1116] {strides = array<i32>} : memref<640x64xf32, #tpu.memory_space<vmem>>, vector<16xf32>,
        %add3A_1118 = arith.addf %add3A_1094, %get3A_1117 : vector<16xf32>
        %add3A_1119 = arith.constant 11 : i32
        %add3A_1120 = arith.addi %mul3A_848, %add3A_1119 : i32
        %get3A_1121 = arith.index_cast %add3A_1120 : i32 to index
        %get3A_1122 = arith.constant 48 : index
        %get3A_1123 = tpu.vector_load %arg10[%get3A_1121, %get3A_1122] {strides = array<i32>} : memref<640x64xf32, #tpu.memory_space<vmem>>, vector<16xf32>,
        %add3A_1124 = arith.addf %add3A_1100, %get3A_1123 : vector<16xf32>
        %add3A_1125 = arith.constant 12 : i32
        %add3A_1126 = arith.addi %mul3A_848, %add3A_1125 : i32
        %get3A_1127 = arith.index_cast %add3A_1126 : i32 to index
        %get3A_1128 = arith.constant 0 : index
        %get3A_1129 = tpu.vector_load %arg10[%get3A_1127, %get3A_1128] {strides = array<i32>} : memref<640x64xf32, #tpu.memory_space<vmem>>, vector<16xf32>,
        %add3A_1130 = arith.addf %add3A_1106, %get3A_1129 : vector<16xf32>
        %add3A_1131 = arith.constant 12 : i32
        %add3A_1132 = arith.addi %mul3A_848, %add3A_1131 : i32
        %get3A_1133 = arith.index_cast %add3A_1132 : i32 to index
        %get3A_1134 = arith.constant 16 : index
        %get3A_1135 = tpu.vector_load %arg10[%get3A_1133, %get3A_1134] {strides = array<i32>} : memref<640x64xf32, #tpu.memory_space<vmem>>, vector<16xf32>,
        %add3A_1136 = arith.addf %add3A_1112, %get3A_1135 : vector<16xf32>
        %add3A_1137 = arith.constant 12 : i32
        %add3A_1138 = arith.addi %mul3A_848, %add3A_1137 : i32
        %get3A_1139 = arith.index_cast %add3A_1138 : i32 to index
        %get3A_1140 = arith.constant 32 : index
        %get3A_1141 = tpu.vector_load %arg10[%get3A_1139, %get3A_1140] {strides = array<i32>} : memref<640x64xf32, #tpu.memory_space<vmem>>, vector<16xf32>,
        %add3A_1142 = arith.addf %add3A_1118, %get3A_1141 : vector<16xf32>
        %add3A_1143 = arith.constant 12 : i32
        %add3A_1144 = arith.addi %mul3A_848, %add3A_1143 : i32
        %get3A_1145 = arith.index_cast %add3A_1144 : i32 to index
        %get3A_1146 = arith.constant 48 : index
        %get3A_1147 = tpu.vector_load %arg10[%get3A_1145, %get3A_1146] {strides = array<i32>} : memref<640x64xf32, #tpu.memory_space<vmem>>, vector<16xf32>,
        %add3A_1148 = arith.addf %add3A_1124, %get3A_1147 : vector<16xf32>
        %add3A_1149 = arith.constant 13 : i32
        %add3A_1150 = arith.addi %mul3A_848, %add3A_1149 : i32
        %get3A_1151 = arith.index_cast %add3A_1150 : i32 to index
        %get3A_1152 = arith.constant 0 : index
        %get3A_1153 = tpu.vector_load %arg10[%get3A_1151, %get3A_1152] {strides = array<i32>} : memref<640x64xf32, #tpu.memory_space<vmem>>, vector<16xf32>,
        %add3A_1154 = arith.addf %add3A_1130, %get3A_1153 : vector<16xf32>
        %add3A_1155 = arith.constant 13 : i32
        %add3A_1156 = arith.addi %mul3A_848, %add3A_1155 : i32
        %get3A_1157 = arith.index_cast %add3A_1156 : i32 to index
        %get3A_1158 = arith.constant 16 : index
        %get3A_1159 = tpu.vector_load %arg10[%get3A_1157, %get3A_1158] {strides = array<i32>} : memref<640x64xf32, #tpu.memory_space<vmem>>, vector<16xf32>,
        %add3A_1160 = arith.addf %add3A_1136, %get3A_1159 : vector<16xf32>
        %add3A_1161 = arith.constant 13 : i32
        %add3A_1162 = arith.addi %mul3A_848, %add3A_1161 : i32
        %get3A_1163 = arith.index_cast %add3A_1162 : i32 to index
        %get3A_1164 = arith.constant 32 : index
        %get3A_1165 = tpu.vector_load %arg10[%get3A_1163, %get3A_1164] {strides = array<i32>} : memref<640x64xf32, #tpu.memory_space<vmem>>, vector<16xf32>,
        %add3A_1166 = arith.addf %add3A_1142, %get3A_1165 : vector<16xf32>
        %add3A_1167 = arith.constant 13 : i32
        %add3A_1168 = arith.addi %mul3A_848, %add3A_1167 : i32
        %get3A_1169 = arith.index_cast %add3A_1168 : i32 to index
        %get3A_1170 = arith.constant 48 : index
        %get3A_1171 = tpu.vector_load %arg10[%get3A_1169, %get3A_1170] {strides = array<i32>} : memref<640x64xf32, #tpu.memory_space<vmem>>, vector<16xf32>,
        %add3A_1172 = arith.addf %add3A_1148, %get3A_1171 : vector<16xf32>
        %add3A_1173 = arith.constant 14 : i32
        %add3A_1174 = arith.addi %mul3A_848, %add3A_1173 : i32
        %get3A_1175 = arith.index_cast %add3A_1174 : i32 to index
        %get3A_1176 = arith.constant 0 : index
        %get3A_1177 = tpu.vector_load %arg10[%get3A_1175, %get3A_1176] {strides = array<i32>} : memref<640x64xf32, #tpu.memory_space<vmem>>, vector<16xf32>,
        %add3A_1178 = arith.addf %add3A_1154, %get3A_1177 : vector<16xf32>
        %add3A_1179 = arith.constant 14 : i32
        %add3A_1180 = arith.addi %mul3A_848, %add3A_1179 : i32
        %get3A_1181 = arith.index_cast %add3A_1180 : i32 to index
        %get3A_1182 = arith.constant 16 : index
        %get3A_1183 = tpu.vector_load %arg10[%get3A_1181, %get3A_1182] {strides = array<i32>} : memref<640x64xf32, #tpu.memory_space<vmem>>, vector<16xf32>,
        %add3A_1184 = arith.addf %add3A_1160, %get3A_1183 : vector<16xf32>
        %add3A_1185 = arith.constant 14 : i32
        %add3A_1186 = arith.addi %mul3A_848, %add3A_1185 : i32
        %get3A_1187 = arith.index_cast %add3A_1186 : i32 to index
        %get3A_1188 = arith.constant 32 : index
        %get3A_1189 = tpu.vector_load %arg10[%get3A_1187, %get3A_1188] {strides = array<i32>} : memref<640x64xf32, #tpu.memory_space<vmem>>, vector<16xf32>,
        %add3A_1190 = arith.addf %add3A_1166, %get3A_1189 : vector<16xf32>
        %add3A_1191 = arith.constant 14 : i32
        %add3A_1192 = arith.addi %mul3A_848, %add3A_1191 : i32
        %get3A_1193 = arith.index_cast %add3A_1192 : i32 to index
        %get3A_1194 = arith.constant 48 : index
        %get3A_1195 = tpu.vector_load %arg10[%get3A_1193, %get3A_1194] {strides = array<i32>} : memref<640x64xf32, #tpu.memory_space<vmem>>, vector<16xf32>,
        %add3A_1196 = arith.addf %add3A_1172, %get3A_1195 : vector<16xf32>
        %add3A_1197 = arith.constant 15 : i32
        %add3A_1198 = arith.addi %mul3A_848, %add3A_1197 : i32
        %get3A_1199 = arith.index_cast %add3A_1198 : i32 to index
        %get3A_1200 = arith.constant 0 : index
        %get3A_1201 = tpu.vector_load %arg10[%get3A_1199, %get3A_1200] {strides = array<i32>} : memref<640x64xf32, #tpu.memory_space<vmem>>, vector<16xf32>,
        %add3A_1202 = arith.addf %add3A_1178, %get3A_1201 : vector<16xf32>
        %add3A_1203 = arith.constant 15 : i32
        %add3A_1204 = arith.addi %mul3A_848, %add3A_1203 : i32
        %get3A_1205 = arith.index_cast %add3A_1204 : i32 to index
        %get3A_1206 = arith.constant 16 : index
        %get3A_1207 = tpu.vector_load %arg10[%get3A_1205, %get3A_1206] {strides = array<i32>} : memref<640x64xf32, #tpu.memory_space<vmem>>, vector<16xf32>,
        %add3A_1208 = arith.addf %add3A_1184, %get3A_1207 : vector<16xf32>
        %add3A_1209 = arith.constant 15 : i32
        %add3A_1210 = arith.addi %mul3A_848, %add3A_1209 : i32
        %get3A_1211 = arith.index_cast %add3A_1210 : i32 to index
        %get3A_1212 = arith.constant 32 : index
        %get3A_1213 = tpu.vector_load %arg10[%get3A_1211, %get3A_1212] {strides = array<i32>} : memref<640x64xf32, #tpu.memory_space<vmem>>, vector<16xf32>,
        %add3A_1214 = arith.addf %add3A_1190, %get3A_1213 : vector<16xf32>
        %add3A_1215 = arith.constant 15 : i32
        %add3A_1216 = arith.addi %mul3A_848, %add3A_1215 : i32
        %get3A_1217 = arith.index_cast %add3A_1216 : i32 to index
        %get3A_1218 = arith.constant 48 : index
        %get3A_1219 = tpu.vector_load %arg10[%get3A_1217, %get3A_1218] {strides = array<i32>} : memref<640x64xf32, #tpu.memory_space<vmem>>, vector<16xf32>,
        %add3A_1220 = arith.addf %add3A_1196, %get3A_1219 : vector<16xf32>
        %add3A_1221 = arith.constant 16 : i32
        %add3A_1222 = arith.addi %mul3A_848, %add3A_1221 : i32
        %get3A_1223 = arith.index_cast %add3A_1222 : i32 to index
        %get3A_1224 = arith.constant 0 : index
        %get3A_1225 = tpu.vector_load %arg10[%get3A_1223, %get3A_1224] {strides = array<i32>} : memref<640x64xf32, #tpu.memory_space<vmem>>, vector<16xf32>,
        %add3A_1226 = arith.addf %add3A_1202, %get3A_1225 : vector<16xf32>
        %add3A_1227 = arith.constant 16 : i32
        %add3A_1228 = arith.addi %mul3A_848, %add3A_1227 : i32
        %get3A_1229 = arith.index_cast %add3A_1228 : i32 to index
        %get3A_1230 = arith.constant 16 : index
        %get3A_1231 = tpu.vector_load %arg10[%get3A_1229, %get3A_1230] {strides = array<i32>} : memref<640x64xf32, #tpu.memory_space<vmem>>, vector<16xf32>,
        %add3A_1232 = arith.addf %add3A_1208, %get3A_1231 : vector<16xf32>
        %add3A_1233 = arith.constant 16 : i32
        %add3A_1234 = arith.addi %mul3A_848, %add3A_1233 : i32
        %get3A_1235 = arith.index_cast %add3A_1234 : i32 to index
        %get3A_1236 = arith.constant 32 : index
        %get3A_1237 = tpu.vector_load %arg10[%get3A_1235, %get3A_1236] {strides = array<i32>} : memref<640x64xf32, #tpu.memory_space<vmem>>, vector<16xf32>,
        %add3A_1238 = arith.addf %add3A_1214, %get3A_1237 : vector<16xf32>
        %add3A_1239 = arith.constant 16 : i32
        %add3A_1240 = arith.addi %mul3A_848, %add3A_1239 : i32
        %get3A_1241 = arith.index_cast %add3A_1240 : i32 to index
        %get3A_1242 = arith.constant 48 : index
        %get3A_1243 = tpu.vector_load %arg10[%get3A_1241, %get3A_1242] {strides = array<i32>} : memref<640x64xf32, #tpu.memory_space<vmem>>, vector<16xf32>,
        %add3A_1244 = arith.addf %add3A_1220, %get3A_1243 : vector<16xf32>
        %add3A_1245 = arith.constant 17 : i32
        %add3A_1246 = arith.addi %mul3A_848, %add3A_1245 : i32
        %get3A_1247 = arith.index_cast %add3A_1246 : i32 to index
        %get3A_1248 = arith.constant 0 : index
        %get3A_1249 = tpu.vector_load %arg10[%get3A_1247, %get3A_1248] {strides = array<i32>} : memref<640x64xf32, #tpu.memory_space<vmem>>, vector<16xf32>,
        %add3A_1250 = arith.addf %add3A_1226, %get3A_1249 : vector<16xf32>
        %add3A_1251 = arith.constant 17 : i32
        %add3A_1252 = arith.addi %mul3A_848, %add3A_1251 : i32
        %get3A_1253 = arith.index_cast %add3A_1252 : i32 to index
        %get3A_1254 = arith.constant 16 : index
        %get3A_1255 = tpu.vector_load %arg10[%get3A_1253, %get3A_1254] {strides = array<i32>} : memref<640x64xf32, #tpu.memory_space<vmem>>, vector<16xf32>,
        %add3A_1256 = arith.addf %add3A_1232, %get3A_1255 : vector<16xf32>
        %add3A_1257 = arith.constant 17 : i32
        %add3A_1258 = arith.addi %mul3A_848, %add3A_1257 : i32
        %get3A_1259 = arith.index_cast %add3A_1258 : i32 to index
        %get3A_1260 = arith.constant 32 : index
        %get3A_1261 = tpu.vector_load %arg10[%get3A_1259, %get3A_1260] {strides = array<i32>} : memref<640x64xf32, #tpu.memory_space<vmem>>, vector<16xf32>,
        %add3A_1262 = arith.addf %add3A_1238, %get3A_1261 : vector<16xf32>
        %add3A_1263 = arith.constant 17 : i32
        %add3A_1264 = arith.addi %mul3A_848, %add3A_1263 : i32
        %get3A_1265 = arith.index_cast %add3A_1264 : i32 to index
        %get3A_1266 = arith.constant 48 : index
        %get3A_1267 = tpu.vector_load %arg10[%get3A_1265, %get3A_1266] {strides = array<i32>} : memref<640x64xf32, #tpu.memory_space<vmem>>, vector<16xf32>,
        %add3A_1268 = arith.addf %add3A_1244, %get3A_1267 : vector<16xf32>
        %add3A_1269 = arith.constant 18 : i32
        %add3A_1270 = arith.addi %mul3A_848, %add3A_1269 : i32
        %get3A_1271 = arith.index_cast %add3A_1270 : i32 to index
        %get3A_1272 = arith.constant 0 : index
        %get3A_1273 = tpu.vector_load %arg10[%get3A_1271, %get3A_1272] {strides = array<i32>} : memref<640x64xf32, #tpu.memory_space<vmem>>, vector<16xf32>,
        %add3A_1274 = arith.addf %add3A_1250, %get3A_1273 : vector<16xf32>
        %add3A_1275 = arith.constant 18 : i32
        %add3A_1276 = arith.addi %mul3A_848, %add3A_1275 : i32
        %get3A_1277 = arith.index_cast %add3A_1276 : i32 to index
        %get3A_1278 = arith.constant 16 : index
        %get3A_1279 = tpu.vector_load %arg10[%get3A_1277, %get3A_1278] {strides = array<i32>} : memref<640x64xf32, #tpu.memory_space<vmem>>, vector<16xf32>,
        %add3A_1280 = arith.addf %add3A_1256, %get3A_1279 : vector<16xf32>
        %add3A_1281 = arith.constant 18 : i32
        %add3A_1282 = arith.addi %mul3A_848, %add3A_1281 : i32
        %get3A_1283 = arith.index_cast %add3A_1282 : i32 to index
        %get3A_1284 = arith.constant 32 : index
        %get3A_1285 = tpu.vector_load %arg10[%get3A_1283, %get3A_1284] {strides = array<i32>} : memref<640x64xf32, #tpu.memory_space<vmem>>, vector<16xf32>,
        %add3A_1286 = arith.addf %add3A_1262, %get3A_1285 : vector<16xf32>
        %add3A_1287 = arith.constant 18 : i32
        %add3A_1288 = arith.addi %mul3A_848, %add3A_1287 : i32
        %get3A_1289 = arith.index_cast %add3A_1288 : i32 to index
        %get3A_1290 = arith.constant 48 : index
        %get3A_1291 = tpu.vector_load %arg10[%get3A_1289, %get3A_1290] {strides = array<i32>} : memref<640x64xf32, #tpu.memory_space<vmem>>, vector<16xf32>,
        %add3A_1292 = arith.addf %add3A_1268, %get3A_1291 : vector<16xf32>
        %add3A_1293 = arith.constant 19 : i32
        %add3A_1294 = arith.addi %mul3A_848, %add3A_1293 : i32
        %get3A_1295 = arith.index_cast %add3A_1294 : i32 to index
        %get3A_1296 = arith.constant 0 : index
        %get3A_1297 = tpu.vector_load %arg10[%get3A_1295, %get3A_1296] {strides = array<i32>} : memref<640x64xf32, #tpu.memory_space<vmem>>, vector<16xf32>,
        %add3A_1298 = arith.addf %add3A_1274, %get3A_1297 : vector<16xf32>
        %add3A_1299 = arith.constant 19 : i32
        %add3A_1300 = arith.addi %mul3A_848, %add3A_1299 : i32
        %get3A_1301 = arith.index_cast %add3A_1300 : i32 to index
        %get3A_1302 = arith.constant 16 : index
        %get3A_1303 = tpu.vector_load %arg10[%get3A_1301, %get3A_1302] {strides = array<i32>} : memref<640x64xf32, #tpu.memory_space<vmem>>, vector<16xf32>,
        %add3A_1304 = arith.addf %add3A_1280, %get3A_1303 : vector<16xf32>
        %add3A_1305 = arith.constant 19 : i32
        %add3A_1306 = arith.addi %mul3A_848, %add3A_1305 : i32
        %get3A_1307 = arith.index_cast %add3A_1306 : i32 to index
        %get3A_1308 = arith.constant 32 : index
        %get3A_1309 = tpu.vector_load %arg10[%get3A_1307, %get3A_1308] {strides = array<i32>} : memref<640x64xf32, #tpu.memory_space<vmem>>, vector<16xf32>,
        %add3A_1310 = arith.addf %add3A_1286, %get3A_1309 : vector<16xf32>
        %add3A_1311 = arith.constant 19 : i32
        %add3A_1312 = arith.addi %mul3A_848, %add3A_1311 : i32
        %get3A_1313 = arith.index_cast %add3A_1312 : i32 to index
        %get3A_1314 = arith.constant 48 : index
        %get3A_1315 = tpu.vector_load %arg10[%get3A_1313, %get3A_1314] {strides = array<i32>} : memref<640x64xf32, #tpu.memory_space<vmem>>, vector<16xf32>,
        %add3A_1316 = arith.addf %add3A_1292, %get3A_1315 : vector<16xf32>
        %broadcast_in_dim3A_1317 = arith.constant 0 : i32
        %broadcast_in_dim3A_1318 = vector.broadcast %broadcast_in_dim3A_1317 : i32 to vector<16xi32>
        %add3A_1319 = vector.broadcast %scan3A_845 : i32 to vector<16xi32>
        %add3A_1320 = arith.addi %broadcast_in_dim3A_1318, %add3A_1319 : vector<16xi32>
        %gather3A_1321 = tpu.vector_load_idx %arg13[%add3A_1320] : memref<64xf32, #tpu.memory_space<vmem>>[vector<16xi32>], vector<16xf32>,
        %add3A_1322 = arith.constant 32 : i32
        %add3A_1323 = vector.broadcast %add3A_1322 : i32 to vector<16xi32>
        %add3A_1324 = arith.addi %add3A_1320, %add3A_1323 : vector<16xi32>
        %gather3A_1325 = tpu.vector_load_idx %arg13[%add3A_1324] : memref<64xf32, #tpu.memory_space<vmem>>[vector<16xi32>], vector<16xf32>,
        %mul3A_1326 = arith.mulf %gather3A_1321, %get3A_12 : vector<16xf32>
        %sub3A = arith.subf %add3A_1298, %mul3A_1326 : vector<16xf32>
        %mul3A_1327 = arith.mulf %sub3A, %gather3A_1325 : vector<16xf32>
        %swap3A = arith.index_cast %scan3A_845 : i32 to index
        %swap3A_1328 = arith.constant 0 : index
        %swap3A_1329 = tpu.vector_load %arg12[%swap3A, %swap3A_1328] {strides = array<i32>} : memref<32x64xf32, #tpu.memory_space<vmem>>, vector<16xf32>,
        tpu.vector_store %arg12[%swap3A, %swap3A_1328], %mul3A_1327 {strides = array<i32>} : memref<32x64xf32, #tpu.memory_space<vmem>>, vector<16xf32>,
        %mul3A_1330 = arith.mulf %gather3A_1321, %get3A_16 : vector<16xf32>
        %sub3A_1331 = arith.subf %add3A_1304, %mul3A_1330 : vector<16xf32>
        %mul3A_1332 = arith.mulf %sub3A_1331, %gather3A_1325 : vector<16xf32>
        %swap3A_1333 = arith.index_cast %scan3A_845 : i32 to index
        %swap3A_1334 = arith.constant 16 : index
        %swap3A_1335 = tpu.vector_load %arg12[%swap3A_1333, %swap3A_1334] {strides = array<i32>} : memref<32x64xf32, #tpu.memory_space<vmem>>, vector<16xf32>,
        tpu.vector_store %arg12[%swap3A_1333, %swap3A_1334], %mul3A_1332 {strides = array<i32>} : memref<32x64xf32, #tpu.memory_space<vmem>>, vector<16xf32>,
        %mul3A_1336 = arith.mulf %gather3A_1321, %get3A_20 : vector<16xf32>
        %sub3A_1337 = arith.subf %add3A_1310, %mul3A_1336 : vector<16xf32>
        %mul3A_1338 = arith.mulf %sub3A_1337, %gather3A_1325 : vector<16xf32>
        %swap3A_1339 = arith.index_cast %scan3A_845 : i32 to index
        %swap3A_1340 = arith.constant 32 : index
        %swap3A_1341 = tpu.vector_load %arg12[%swap3A_1339, %swap3A_1340] {strides = array<i32>} : memref<32x64xf32, #tpu.memory_space<vmem>>, vector<16xf32>,
        tpu.vector_store %arg12[%swap3A_1339, %swap3A_1340], %mul3A_1338 {strides = array<i32>} : memref<32x64xf32, #tpu.memory_space<vmem>>, vector<16xf32>,
        %mul3A_1342 = arith.mulf %gather3A_1321, %get3A_24 : vector<16xf32>
        %sub3A_1343 = arith.subf %add3A_1316, %mul3A_1342 : vector<16xf32>
        %mul3A_1344 = arith.mulf %sub3A_1343, %gather3A_1325 : vector<16xf32>
        %swap3A_1345 = arith.index_cast %scan3A_845 : i32 to index
        %swap3A_1346 = arith.constant 48 : index
        %swap3A_1347 = tpu.vector_load %arg12[%swap3A_1345, %swap3A_1346] {strides = array<i32>} : memref<32x64xf32, #tpu.memory_space<vmem>>, vector<16xf32>,
        tpu.vector_store %arg12[%swap3A_1345, %swap3A_1346], %mul3A_1344 {strides = array<i32>} : memref<32x64xf32, #tpu.memory_space<vmem>>, vector<16xf32>,
        %scan3A_1348 = arith.constant 0 : i32
        scf.yield %scan3A_1348 : i32
      }
      %scan3A_826 = arith.constant 32 : i32
      %mul3A_827 = arith.constant 32 : i32
      %mul3A_828 = arith.muli %mul3A_207, %mul3A_827 : i32
      %add3A_829 = arith.addi %mul3A_2, %mul3A_828 : i32
      "tpu.region"() ({
        %run_scoped3A = tpu.sem_alloc : memref<!tpu.dma_semaphore, #tpu.memory_space<semaphore_mem>>
        %dma_start3A_845 = arith.constant 0 : i32
        %dma_start3A_846 = tpu.memref_slice %arg5[%add3A_829, %dma_start3A_845] : memref<26624x64xf32, #tpu.memory_space<hbm>> -> memref<32x64xf32, #tpu.memory_space<hbm>>
        %dma_start3A_847 = arith.constant 0 : i32
        %dma_start3A_848 = tpu.memref_slice %arg5[%add3A_829, %dma_start3A_847] : memref<26624x64xf32, #tpu.memory_space<hbm>> -> memref<32x64xf32, #tpu.memory_space<hbm>>
        tpu.enqueue_dma source(%arg12 : memref<32x64xf32, #tpu.memory_space<vmem>>) target(%dma_start3A_848 : memref<32x64xf32, #tpu.memory_space<hbm>>) target_semaphore(%run_scoped3A : memref<!tpu.dma_semaphore, #tpu.memory_space<semaphore_mem>>)
        %dma_wait3A_849 = arith.constant 0 : i32
        %dma_wait3A_850 = tpu.memref_slice %arg5[%add3A_829, %dma_wait3A_849] : memref<26624x64xf32, #tpu.memory_space<hbm>> -> memref<32x64xf32, #tpu.memory_space<hbm>>
        %dma_wait3A_851 = arith.constant 0 : i32
        %dma_wait3A_852 = tpu.memref_slice %arg5[%add3A_829, %dma_wait3A_851] : memref<26624x64xf32, #tpu.memory_space<hbm>> -> memref<32x64xf32, #tpu.memory_space<hbm>>
        tpu.wait_dma2 semaphore(%run_scoped3A : memref<!tpu.dma_semaphore, #tpu.memory_space<semaphore_mem>>) src(%arg12 : memref<32x64xf32, #tpu.memory_space<vmem>>) dst(%dma_wait3A_852 : memref<32x64xf32, #tpu.memory_space<hbm>>)
        tpu.yield
      }) : () -> ()
      %add3A_830 = arith.constant 2 : i32
      %add3A_831 = arith.addi %mul3A_207, %add3A_830 : i32
      %lt3A_832 = arith.constant 26 : i32
      %lt3A_833 = arith.cmpi slt, %add3A_831, %lt3A_832 : i32
      %convert_element_type3A_834 = arith.extui %lt3A_833 : i1 to i32
      %cond3A_835 = arith.constant 0 : i32
      %cond3A_836 = arith.cmpi ne, %convert_element_type3A_834, %cond3A_835 : i32
      scf.if %cond3A_836 {
        %add3A_845 = arith.constant 2 : i32
        %add3A_846 = arith.addi %mul3A_207, %add3A_845 : i32
        %mul3A_847 = arith.constant 640 : i32
        %mul3A_848 = arith.muli %add3A_846, %mul3A_847 : i32
        %add3A_849 = arith.constant 0 : i32
        %add3A_850 = arith.addi %mul3A_848, %add3A_849 : i32
        %dma_start3A_851 = arith.constant 0 : i32
        %dma_start3A_852 = arith.constant 0 : i32
        %dma_start3A_853 = tpu.memref_slice %arg10[%dma_start3A_851, %dma_start3A_852] : memref<640x64xf32, #tpu.memory_space<vmem>> -> memref<32x64xf32, #tpu.memory_space<vmem>>
        %dma_start3A_854 = tpu.memref_slice %arg8[%add3A_850] : memref<16640xi32, #tpu.memory_space<vmem>> -> memref<32xi32, #tpu.memory_space<vmem>>
        %dma_start3A_855 = arith.constant 0 : i32
        %dma_start3A_856 = arith.constant 0 : i32
        %dma_start3A_857 = tpu.memref_slice %arg4[%dma_start3A_855, %dma_start3A_856] : memref<1000000x64xf32, #tpu.memory_space<hbm>> -> memref<1000000x64xf32, #tpu.memory_space<hbm>>
        tpu.enqueue_indirect_dma source(%dma_start3A_857 : memref<1000000x64xf32, #tpu.memory_space<hbm>>) target(%dma_start3A_853 : memref<32x64xf32, #tpu.memory_space<vmem>>) offsets(%dma_start3A_854 : memref<32xi32, #tpu.memory_space<vmem>>) semaphore(%arg15 : memref<!tpu.dma_semaphore, #tpu.memory_space<semaphore_mem>>)
        %add3A_858 = arith.constant 32 : i32
        %add3A_859 = arith.addi %mul3A_848, %add3A_858 : i32
        %dma_start3A_860 = arith.constant 32 : i32
        %dma_start3A_861 = arith.constant 0 : i32
        %dma_start3A_862 = tpu.memref_slice %arg10[%dma_start3A_860, %dma_start3A_861] : memref<640x64xf32, #tpu.memory_space<vmem>> -> memref<32x64xf32, #tpu.memory_space<vmem>>
        %dma_start3A_863 = tpu.memref_slice %arg8[%add3A_859] : memref<16640xi32, #tpu.memory_space<vmem>> -> memref<32xi32, #tpu.memory_space<vmem>>
        %dma_start3A_864 = arith.constant 0 : i32
        %dma_start3A_865 = arith.constant 0 : i32
        %dma_start3A_866 = tpu.memref_slice %arg4[%dma_start3A_864, %dma_start3A_865] : memref<1000000x64xf32, #tpu.memory_space<hbm>> -> memref<1000000x64xf32, #tpu.memory_space<hbm>>
        tpu.enqueue_indirect_dma source(%dma_start3A_866 : memref<1000000x64xf32, #tpu.memory_space<hbm>>) target(%dma_start3A_862 : memref<32x64xf32, #tpu.memory_space<vmem>>) offsets(%dma_start3A_863 : memref<32xi32, #tpu.memory_space<vmem>>) semaphore(%arg15 : memref<!tpu.dma_semaphore, #tpu.memory_space<semaphore_mem>>)
        %add3A_867 = arith.constant 64 : i32
        %add3A_868 = arith.addi %mul3A_848, %add3A_867 : i32
        %dma_start3A_869 = arith.constant 64 : i32
        %dma_start3A_870 = arith.constant 0 : i32
        %dma_start3A_871 = tpu.memref_slice %arg10[%dma_start3A_869, %dma_start3A_870] : memref<640x64xf32, #tpu.memory_space<vmem>> -> memref<32x64xf32, #tpu.memory_space<vmem>>
        %dma_start3A_872 = tpu.memref_slice %arg8[%add3A_868] : memref<16640xi32, #tpu.memory_space<vmem>> -> memref<32xi32, #tpu.memory_space<vmem>>
        %dma_start3A_873 = arith.constant 0 : i32
        %dma_start3A_874 = arith.constant 0 : i32
        %dma_start3A_875 = tpu.memref_slice %arg4[%dma_start3A_873, %dma_start3A_874] : memref<1000000x64xf32, #tpu.memory_space<hbm>> -> memref<1000000x64xf32, #tpu.memory_space<hbm>>
        tpu.enqueue_indirect_dma source(%dma_start3A_875 : memref<1000000x64xf32, #tpu.memory_space<hbm>>) target(%dma_start3A_871 : memref<32x64xf32, #tpu.memory_space<vmem>>) offsets(%dma_start3A_872 : memref<32xi32, #tpu.memory_space<vmem>>) semaphore(%arg15 : memref<!tpu.dma_semaphore, #tpu.memory_space<semaphore_mem>>)
        %add3A_876 = arith.constant 96 : i32
        %add3A_877 = arith.addi %mul3A_848, %add3A_876 : i32
        %dma_start3A_878 = arith.constant 96 : i32
        %dma_start3A_879 = arith.constant 0 : i32
        %dma_start3A_880 = tpu.memref_slice %arg10[%dma_start3A_878, %dma_start3A_879] : memref<640x64xf32, #tpu.memory_space<vmem>> -> memref<32x64xf32, #tpu.memory_space<vmem>>
        %dma_start3A_881 = tpu.memref_slice %arg8[%add3A_877] : memref<16640xi32, #tpu.memory_space<vmem>> -> memref<32xi32, #tpu.memory_space<vmem>>
        %dma_start3A_882 = arith.constant 0 : i32
        %dma_start3A_883 = arith.constant 0 : i32
        %dma_start3A_884 = tpu.memref_slice %arg4[%dma_start3A_882, %dma_start3A_883] : memref<1000000x64xf32, #tpu.memory_space<hbm>> -> memref<1000000x64xf32, #tpu.memory_space<hbm>>
        tpu.enqueue_indirect_dma source(%dma_start3A_884 : memref<1000000x64xf32, #tpu.memory_space<hbm>>) target(%dma_start3A_880 : memref<32x64xf32, #tpu.memory_space<vmem>>) offsets(%dma_start3A_881 : memref<32xi32, #tpu.memory_space<vmem>>) semaphore(%arg15 : memref<!tpu.dma_semaphore, #tpu.memory_space<semaphore_mem>>)
        %add3A_885 = arith.constant 128 : i32
        %add3A_886 = arith.addi %mul3A_848, %add3A_885 : i32
        %dma_start3A_887 = arith.constant 128 : i32
        %dma_start3A_888 = arith.constant 0 : i32
        %dma_start3A_889 = tpu.memref_slice %arg10[%dma_start3A_887, %dma_start3A_888] : memref<640x64xf32, #tpu.memory_space<vmem>> -> memref<32x64xf32, #tpu.memory_space<vmem>>
        %dma_start3A_890 = tpu.memref_slice %arg8[%add3A_886] : memref<16640xi32, #tpu.memory_space<vmem>> -> memref<32xi32, #tpu.memory_space<vmem>>
        %dma_start3A_891 = arith.constant 0 : i32
        %dma_start3A_892 = arith.constant 0 : i32
        %dma_start3A_893 = tpu.memref_slice %arg4[%dma_start3A_891, %dma_start3A_892] : memref<1000000x64xf32, #tpu.memory_space<hbm>> -> memref<1000000x64xf32, #tpu.memory_space<hbm>>
        tpu.enqueue_indirect_dma source(%dma_start3A_893 : memref<1000000x64xf32, #tpu.memory_space<hbm>>) target(%dma_start3A_889 : memref<32x64xf32, #tpu.memory_space<vmem>>) offsets(%dma_start3A_890 : memref<32xi32, #tpu.memory_space<vmem>>) semaphore(%arg15 : memref<!tpu.dma_semaphore, #tpu.memory_space<semaphore_mem>>)
        %add3A_894 = arith.constant 160 : i32
        %add3A_895 = arith.addi %mul3A_848, %add3A_894 : i32
        %dma_start3A_896 = arith.constant 160 : i32
        %dma_start3A_897 = arith.constant 0 : i32
        %dma_start3A_898 = tpu.memref_slice %arg10[%dma_start3A_896, %dma_start3A_897] : memref<640x64xf32, #tpu.memory_space<vmem>> -> memref<32x64xf32, #tpu.memory_space<vmem>>
        %dma_start3A_899 = tpu.memref_slice %arg8[%add3A_895] : memref<16640xi32, #tpu.memory_space<vmem>> -> memref<32xi32, #tpu.memory_space<vmem>>
        %dma_start3A_900 = arith.constant 0 : i32
        %dma_start3A_901 = arith.constant 0 : i32
        %dma_start3A_902 = tpu.memref_slice %arg4[%dma_start3A_900, %dma_start3A_901] : memref<1000000x64xf32, #tpu.memory_space<hbm>> -> memref<1000000x64xf32, #tpu.memory_space<hbm>>
        tpu.enqueue_indirect_dma source(%dma_start3A_902 : memref<1000000x64xf32, #tpu.memory_space<hbm>>) target(%dma_start3A_898 : memref<32x64xf32, #tpu.memory_space<vmem>>) offsets(%dma_start3A_899 : memref<32xi32, #tpu.memory_space<vmem>>) semaphore(%arg15 : memref<!tpu.dma_semaphore, #tpu.memory_space<semaphore_mem>>)
        %add3A_903 = arith.constant 192 : i32
        %add3A_904 = arith.addi %mul3A_848, %add3A_903 : i32
        %dma_start3A_905 = arith.constant 192 : i32
        %dma_start3A_906 = arith.constant 0 : i32
        %dma_start3A_907 = tpu.memref_slice %arg10[%dma_start3A_905, %dma_start3A_906] : memref<640x64xf32, #tpu.memory_space<vmem>> -> memref<32x64xf32, #tpu.memory_space<vmem>>
        %dma_start3A_908 = tpu.memref_slice %arg8[%add3A_904] : memref<16640xi32, #tpu.memory_space<vmem>> -> memref<32xi32, #tpu.memory_space<vmem>>
        %dma_start3A_909 = arith.constant 0 : i32
        %dma_start3A_910 = arith.constant 0 : i32
        %dma_start3A_911 = tpu.memref_slice %arg4[%dma_start3A_909, %dma_start3A_910] : memref<1000000x64xf32, #tpu.memory_space<hbm>> -> memref<1000000x64xf32, #tpu.memory_space<hbm>>
        tpu.enqueue_indirect_dma source(%dma_start3A_911 : memref<1000000x64xf32, #tpu.memory_space<hbm>>) target(%dma_start3A_907 : memref<32x64xf32, #tpu.memory_space<vmem>>) offsets(%dma_start3A_908 : memref<32xi32, #tpu.memory_space<vmem>>) semaphore(%arg15 : memref<!tpu.dma_semaphore, #tpu.memory_space<semaphore_mem>>)
        %add3A_912 = arith.constant 224 : i32
        %add3A_913 = arith.addi %mul3A_848, %add3A_912 : i32
        %dma_start3A_914 = arith.constant 224 : i32
        %dma_start3A_915 = arith.constant 0 : i32
        %dma_start3A_916 = tpu.memref_slice %arg10[%dma_start3A_914, %dma_start3A_915] : memref<640x64xf32, #tpu.memory_space<vmem>> -> memref<32x64xf32, #tpu.memory_space<vmem>>
        %dma_start3A_917 = tpu.memref_slice %arg8[%add3A_913] : memref<16640xi32, #tpu.memory_space<vmem>> -> memref<32xi32, #tpu.memory_space<vmem>>
        %dma_start3A_918 = arith.constant 0 : i32
        %dma_start3A_919 = arith.constant 0 : i32
        %dma_start3A_920 = tpu.memref_slice %arg4[%dma_start3A_918, %dma_start3A_919] : memref<1000000x64xf32, #tpu.memory_space<hbm>> -> memref<1000000x64xf32, #tpu.memory_space<hbm>>
        tpu.enqueue_indirect_dma source(%dma_start3A_920 : memref<1000000x64xf32, #tpu.memory_space<hbm>>) target(%dma_start3A_916 : memref<32x64xf32, #tpu.memory_space<vmem>>) offsets(%dma_start3A_917 : memref<32xi32, #tpu.memory_space<vmem>>) semaphore(%arg15 : memref<!tpu.dma_semaphore, #tpu.memory_space<semaphore_mem>>)
        %add3A_921 = arith.constant 256 : i32
        %add3A_922 = arith.addi %mul3A_848, %add3A_921 : i32
        %dma_start3A_923 = arith.constant 256 : i32
        %dma_start3A_924 = arith.constant 0 : i32
        %dma_start3A_925 = tpu.memref_slice %arg10[%dma_start3A_923, %dma_start3A_924] : memref<640x64xf32, #tpu.memory_space<vmem>> -> memref<32x64xf32, #tpu.memory_space<vmem>>
        %dma_start3A_926 = tpu.memref_slice %arg8[%add3A_922] : memref<16640xi32, #tpu.memory_space<vmem>> -> memref<32xi32, #tpu.memory_space<vmem>>
        %dma_start3A_927 = arith.constant 0 : i32
        %dma_start3A_928 = arith.constant 0 : i32
        %dma_start3A_929 = tpu.memref_slice %arg4[%dma_start3A_927, %dma_start3A_928] : memref<1000000x64xf32, #tpu.memory_space<hbm>> -> memref<1000000x64xf32, #tpu.memory_space<hbm>>
        tpu.enqueue_indirect_dma source(%dma_start3A_929 : memref<1000000x64xf32, #tpu.memory_space<hbm>>) target(%dma_start3A_925 : memref<32x64xf32, #tpu.memory_space<vmem>>) offsets(%dma_start3A_926 : memref<32xi32, #tpu.memory_space<vmem>>) semaphore(%arg15 : memref<!tpu.dma_semaphore, #tpu.memory_space<semaphore_mem>>)
        %add3A_930 = arith.constant 288 : i32
        %add3A_931 = arith.addi %mul3A_848, %add3A_930 : i32
        %dma_start3A_932 = arith.constant 288 : i32
        %dma_start3A_933 = arith.constant 0 : i32
        %dma_start3A_934 = tpu.memref_slice %arg10[%dma_start3A_932, %dma_start3A_933] : memref<640x64xf32, #tpu.memory_space<vmem>> -> memref<32x64xf32, #tpu.memory_space<vmem>>
        %dma_start3A_935 = tpu.memref_slice %arg8[%add3A_931] : memref<16640xi32, #tpu.memory_space<vmem>> -> memref<32xi32, #tpu.memory_space<vmem>>
        %dma_start3A_936 = arith.constant 0 : i32
        %dma_start3A_937 = arith.constant 0 : i32
        %dma_start3A_938 = tpu.memref_slice %arg4[%dma_start3A_936, %dma_start3A_937] : memref<1000000x64xf32, #tpu.memory_space<hbm>> -> memref<1000000x64xf32, #tpu.memory_space<hbm>>
        tpu.enqueue_indirect_dma source(%dma_start3A_938 : memref<1000000x64xf32, #tpu.memory_space<hbm>>) target(%dma_start3A_934 : memref<32x64xf32, #tpu.memory_space<vmem>>) offsets(%dma_start3A_935 : memref<32xi32, #tpu.memory_space<vmem>>) semaphore(%arg15 : memref<!tpu.dma_semaphore, #tpu.memory_space<semaphore_mem>>)
        %add3A_939 = arith.constant 320 : i32
        %add3A_940 = arith.addi %mul3A_848, %add3A_939 : i32
        %dma_start3A_941 = arith.constant 320 : i32
        %dma_start3A_942 = arith.constant 0 : i32
        %dma_start3A_943 = tpu.memref_slice %arg10[%dma_start3A_941, %dma_start3A_942] : memref<640x64xf32, #tpu.memory_space<vmem>> -> memref<32x64xf32, #tpu.memory_space<vmem>>
        %dma_start3A_944 = tpu.memref_slice %arg8[%add3A_940] : memref<16640xi32, #tpu.memory_space<vmem>> -> memref<32xi32, #tpu.memory_space<vmem>>
        %dma_start3A_945 = arith.constant 0 : i32
        %dma_start3A_946 = arith.constant 0 : i32
        %dma_start3A_947 = tpu.memref_slice %arg4[%dma_start3A_945, %dma_start3A_946] : memref<1000000x64xf32, #tpu.memory_space<hbm>> -> memref<1000000x64xf32, #tpu.memory_space<hbm>>
        tpu.enqueue_indirect_dma source(%dma_start3A_947 : memref<1000000x64xf32, #tpu.memory_space<hbm>>) target(%dma_start3A_943 : memref<32x64xf32, #tpu.memory_space<vmem>>) offsets(%dma_start3A_944 : memref<32xi32, #tpu.memory_space<vmem>>) semaphore(%arg15 : memref<!tpu.dma_semaphore, #tpu.memory_space<semaphore_mem>>)
        %add3A_948 = arith.constant 352 : i32
        %add3A_949 = arith.addi %mul3A_848, %add3A_948 : i32
        %dma_start3A_950 = arith.constant 352 : i32
        %dma_start3A_951 = arith.constant 0 : i32
        %dma_start3A_952 = tpu.memref_slice %arg10[%dma_start3A_950, %dma_start3A_951] : memref<640x64xf32, #tpu.memory_space<vmem>> -> memref<32x64xf32, #tpu.memory_space<vmem>>
        %dma_start3A_953 = tpu.memref_slice %arg8[%add3A_949] : memref<16640xi32, #tpu.memory_space<vmem>> -> memref<32xi32, #tpu.memory_space<vmem>>
        %dma_start3A_954 = arith.constant 0 : i32
        %dma_start3A_955 = arith.constant 0 : i32
        %dma_start3A_956 = tpu.memref_slice %arg4[%dma_start3A_954, %dma_start3A_955] : memref<1000000x64xf32, #tpu.memory_space<hbm>> -> memref<1000000x64xf32, #tpu.memory_space<hbm>>
        tpu.enqueue_indirect_dma source(%dma_start3A_956 : memref<1000000x64xf32, #tpu.memory_space<hbm>>) target(%dma_start3A_952 : memref<32x64xf32, #tpu.memory_space<vmem>>) offsets(%dma_start3A_953 : memref<32xi32, #tpu.memory_space<vmem>>) semaphore(%arg15 : memref<!tpu.dma_semaphore, #tpu.memory_space<semaphore_mem>>)
        %add3A_957 = arith.constant 384 : i32
        %add3A_958 = arith.addi %mul3A_848, %add3A_957 : i32
        %dma_start3A_959 = arith.constant 384 : i32
        %dma_start3A_960 = arith.constant 0 : i32
        %dma_start3A_961 = tpu.memref_slice %arg10[%dma_start3A_959, %dma_start3A_960] : memref<640x64xf32, #tpu.memory_space<vmem>> -> memref<32x64xf32, #tpu.memory_space<vmem>>
        %dma_start3A_962 = tpu.memref_slice %arg8[%add3A_958] : memref<16640xi32, #tpu.memory_space<vmem>> -> memref<32xi32, #tpu.memory_space<vmem>>
        %dma_start3A_963 = arith.constant 0 : i32
        %dma_start3A_964 = arith.constant 0 : i32
        %dma_start3A_965 = tpu.memref_slice %arg4[%dma_start3A_963, %dma_start3A_964] : memref<1000000x64xf32, #tpu.memory_space<hbm>> -> memref<1000000x64xf32, #tpu.memory_space<hbm>>
        tpu.enqueue_indirect_dma source(%dma_start3A_965 : memref<1000000x64xf32, #tpu.memory_space<hbm>>) target(%dma_start3A_961 : memref<32x64xf32, #tpu.memory_space<vmem>>) offsets(%dma_start3A_962 : memref<32xi32, #tpu.memory_space<vmem>>) semaphore(%arg15 : memref<!tpu.dma_semaphore, #tpu.memory_space<semaphore_mem>>)
        %add3A_966 = arith.constant 416 : i32
        %add3A_967 = arith.addi %mul3A_848, %add3A_966 : i32
        %dma_start3A_968 = arith.constant 416 : i32
        %dma_start3A_969 = arith.constant 0 : i32
        %dma_start3A_970 = tpu.memref_slice %arg10[%dma_start3A_968, %dma_start3A_969] : memref<640x64xf32, #tpu.memory_space<vmem>> -> memref<32x64xf32, #tpu.memory_space<vmem>>
        %dma_start3A_971 = tpu.memref_slice %arg8[%add3A_967] : memref<16640xi32, #tpu.memory_space<vmem>> -> memref<32xi32, #tpu.memory_space<vmem>>
        %dma_start3A_972 = arith.constant 0 : i32
        %dma_start3A_973 = arith.constant 0 : i32
        %dma_start3A_974 = tpu.memref_slice %arg4[%dma_start3A_972, %dma_start3A_973] : memref<1000000x64xf32, #tpu.memory_space<hbm>> -> memref<1000000x64xf32, #tpu.memory_space<hbm>>
        tpu.enqueue_indirect_dma source(%dma_start3A_974 : memref<1000000x64xf32, #tpu.memory_space<hbm>>) target(%dma_start3A_970 : memref<32x64xf32, #tpu.memory_space<vmem>>) offsets(%dma_start3A_971 : memref<32xi32, #tpu.memory_space<vmem>>) semaphore(%arg15 : memref<!tpu.dma_semaphore, #tpu.memory_space<semaphore_mem>>)
        %add3A_975 = arith.constant 448 : i32
        %add3A_976 = arith.addi %mul3A_848, %add3A_975 : i32
        %dma_start3A_977 = arith.constant 448 : i32
        %dma_start3A_978 = arith.constant 0 : i32
        %dma_start3A_979 = tpu.memref_slice %arg10[%dma_start3A_977, %dma_start3A_978] : memref<640x64xf32, #tpu.memory_space<vmem>> -> memref<32x64xf32, #tpu.memory_space<vmem>>
        %dma_start3A_980 = tpu.memref_slice %arg8[%add3A_976] : memref<16640xi32, #tpu.memory_space<vmem>> -> memref<32xi32, #tpu.memory_space<vmem>>
        %dma_start3A_981 = arith.constant 0 : i32
        %dma_start3A_982 = arith.constant 0 : i32
        %dma_start3A_983 = tpu.memref_slice %arg4[%dma_start3A_981, %dma_start3A_982] : memref<1000000x64xf32, #tpu.memory_space<hbm>> -> memref<1000000x64xf32, #tpu.memory_space<hbm>>
        tpu.enqueue_indirect_dma source(%dma_start3A_983 : memref<1000000x64xf32, #tpu.memory_space<hbm>>) target(%dma_start3A_979 : memref<32x64xf32, #tpu.memory_space<vmem>>) offsets(%dma_start3A_980 : memref<32xi32, #tpu.memory_space<vmem>>) semaphore(%arg15 : memref<!tpu.dma_semaphore, #tpu.memory_space<semaphore_mem>>)
        %add3A_984 = arith.constant 480 : i32
        %add3A_985 = arith.addi %mul3A_848, %add3A_984 : i32
        %dma_start3A_986 = arith.constant 480 : i32
        %dma_start3A_987 = arith.constant 0 : i32
        %dma_start3A_988 = tpu.memref_slice %arg10[%dma_start3A_986, %dma_start3A_987] : memref<640x64xf32, #tpu.memory_space<vmem>> -> memref<32x64xf32, #tpu.memory_space<vmem>>
        %dma_start3A_989 = tpu.memref_slice %arg8[%add3A_985] : memref<16640xi32, #tpu.memory_space<vmem>> -> memref<32xi32, #tpu.memory_space<vmem>>
        %dma_start3A_990 = arith.constant 0 : i32
        %dma_start3A_991 = arith.constant 0 : i32
        %dma_start3A_992 = tpu.memref_slice %arg4[%dma_start3A_990, %dma_start3A_991] : memref<1000000x64xf32, #tpu.memory_space<hbm>> -> memref<1000000x64xf32, #tpu.memory_space<hbm>>
        tpu.enqueue_indirect_dma source(%dma_start3A_992 : memref<1000000x64xf32, #tpu.memory_space<hbm>>) target(%dma_start3A_988 : memref<32x64xf32, #tpu.memory_space<vmem>>) offsets(%dma_start3A_989 : memref<32xi32, #tpu.memory_space<vmem>>) semaphore(%arg15 : memref<!tpu.dma_semaphore, #tpu.memory_space<semaphore_mem>>)
        %add3A_993 = arith.constant 512 : i32
        %add3A_994 = arith.addi %mul3A_848, %add3A_993 : i32
        %dma_start3A_995 = arith.constant 512 : i32
        %dma_start3A_996 = arith.constant 0 : i32
        %dma_start3A_997 = tpu.memref_slice %arg10[%dma_start3A_995, %dma_start3A_996] : memref<640x64xf32, #tpu.memory_space<vmem>> -> memref<32x64xf32, #tpu.memory_space<vmem>>
        %dma_start3A_998 = tpu.memref_slice %arg8[%add3A_994] : memref<16640xi32, #tpu.memory_space<vmem>> -> memref<32xi32, #tpu.memory_space<vmem>>
        %dma_start3A_999 = arith.constant 0 : i32
        %dma_start3A_1000 = arith.constant 0 : i32
        %dma_start3A_1001 = tpu.memref_slice %arg4[%dma_start3A_999, %dma_start3A_1000] : memref<1000000x64xf32, #tpu.memory_space<hbm>> -> memref<1000000x64xf32, #tpu.memory_space<hbm>>
        tpu.enqueue_indirect_dma source(%dma_start3A_1001 : memref<1000000x64xf32, #tpu.memory_space<hbm>>) target(%dma_start3A_997 : memref<32x64xf32, #tpu.memory_space<vmem>>) offsets(%dma_start3A_998 : memref<32xi32, #tpu.memory_space<vmem>>) semaphore(%arg15 : memref<!tpu.dma_semaphore, #tpu.memory_space<semaphore_mem>>)
        %add3A_1002 = arith.constant 544 : i32
        %add3A_1003 = arith.addi %mul3A_848, %add3A_1002 : i32
        %dma_start3A_1004 = arith.constant 544 : i32
        %dma_start3A_1005 = arith.constant 0 : i32
        %dma_start3A_1006 = tpu.memref_slice %arg10[%dma_start3A_1004, %dma_start3A_1005] : memref<640x64xf32, #tpu.memory_space<vmem>> -> memref<32x64xf32, #tpu.memory_space<vmem>>
        %dma_start3A_1007 = tpu.memref_slice %arg8[%add3A_1003] : memref<16640xi32, #tpu.memory_space<vmem>> -> memref<32xi32, #tpu.memory_space<vmem>>
        %dma_start3A_1008 = arith.constant 0 : i32
        %dma_start3A_1009 = arith.constant 0 : i32
        %dma_start3A_1010 = tpu.memref_slice %arg4[%dma_start3A_1008, %dma_start3A_1009] : memref<1000000x64xf32, #tpu.memory_space<hbm>> -> memref<1000000x64xf32, #tpu.memory_space<hbm>>
        tpu.enqueue_indirect_dma source(%dma_start3A_1010 : memref<1000000x64xf32, #tpu.memory_space<hbm>>) target(%dma_start3A_1006 : memref<32x64xf32, #tpu.memory_space<vmem>>) offsets(%dma_start3A_1007 : memref<32xi32, #tpu.memory_space<vmem>>) semaphore(%arg15 : memref<!tpu.dma_semaphore, #tpu.memory_space<semaphore_mem>>)
        %add3A_1011 = arith.constant 576 : i32
        %add3A_1012 = arith.addi %mul3A_848, %add3A_1011 : i32
        %dma_start3A_1013 = arith.constant 576 : i32
        %dma_start3A_1014 = arith.constant 0 : i32
        %dma_start3A_1015 = tpu.memref_slice %arg10[%dma_start3A_1013, %dma_start3A_1014] : memref<640x64xf32, #tpu.memory_space<vmem>> -> memref<32x64xf32, #tpu.memory_space<vmem>>
        %dma_start3A_1016 = tpu.memref_slice %arg8[%add3A_1012] : memref<16640xi32, #tpu.memory_space<vmem>> -> memref<32xi32, #tpu.memory_space<vmem>>
        %dma_start3A_1017 = arith.constant 0 : i32
        %dma_start3A_1018 = arith.constant 0 : i32
        %dma_start3A_1019 = tpu.memref_slice %arg4[%dma_start3A_1017, %dma_start3A_1018] : memref<1000000x64xf32, #tpu.memory_space<hbm>> -> memref<1000000x64xf32, #tpu.memory_space<hbm>>
        tpu.enqueue_indirect_dma source(%dma_start3A_1019 : memref<1000000x64xf32, #tpu.memory_space<hbm>>) target(%dma_start3A_1015 : memref<32x64xf32, #tpu.memory_space<vmem>>) offsets(%dma_start3A_1016 : memref<32xi32, #tpu.memory_space<vmem>>) semaphore(%arg15 : memref<!tpu.dma_semaphore, #tpu.memory_space<semaphore_mem>>)
        %add3A_1020 = arith.constant 608 : i32
        %add3A_1021 = arith.addi %mul3A_848, %add3A_1020 : i32
        %dma_start3A_1022 = arith.constant 608 : i32
        %dma_start3A_1023 = arith.constant 0 : i32
        %dma_start3A_1024 = tpu.memref_slice %arg10[%dma_start3A_1022, %dma_start3A_1023] : memref<640x64xf32, #tpu.memory_space<vmem>> -> memref<32x64xf32, #tpu.memory_space<vmem>>
        %dma_start3A_1025 = tpu.memref_slice %arg8[%add3A_1021] : memref<16640xi32, #tpu.memory_space<vmem>> -> memref<32xi32, #tpu.memory_space<vmem>>
        %dma_start3A_1026 = arith.constant 0 : i32
        %dma_start3A_1027 = arith.constant 0 : i32
        %dma_start3A_1028 = tpu.memref_slice %arg4[%dma_start3A_1026, %dma_start3A_1027] : memref<1000000x64xf32, #tpu.memory_space<hbm>> -> memref<1000000x64xf32, #tpu.memory_space<hbm>>
        tpu.enqueue_indirect_dma source(%dma_start3A_1028 : memref<1000000x64xf32, #tpu.memory_space<hbm>>) target(%dma_start3A_1024 : memref<32x64xf32, #tpu.memory_space<vmem>>) offsets(%dma_start3A_1025 : memref<32xi32, #tpu.memory_space<vmem>>) semaphore(%arg15 : memref<!tpu.dma_semaphore, #tpu.memory_space<semaphore_mem>>)
      } else {
      }
      %add3A_837 = arith.constant 1 : i32
      %add3A_838 = arith.addi %mul3A_207, %add3A_837 : i32
      %lt3A_839 = arith.constant 26 : i32
      %lt3A_840 = arith.cmpi slt, %add3A_838, %lt3A_839 : i32
      %convert_element_type3A_841 = arith.extui %lt3A_840 : i1 to i32
      %cond3A_842 = arith.constant 0 : i32
      %cond3A_843 = arith.cmpi ne, %convert_element_type3A_841, %cond3A_842 : i32
      scf.if %cond3A_843 {
        %dma_wait3A_845 = arith.constant 0 : i32
        %dma_wait3A_846 = arith.constant 0 : i32
        %dma_wait3A_847 = tpu.memref_slice %arg4[%dma_wait3A_845, %dma_wait3A_846] : memref<1000000x64xf32, #tpu.memory_space<hbm>> -> memref<640x64xf32, #tpu.memory_space<hbm>>
        %dma_wait3A_848 = arith.constant 0 : i32
        %dma_wait3A_849 = arith.constant 0 : i32
        %dma_wait3A_850 = tpu.memref_slice %arg4[%dma_wait3A_848, %dma_wait3A_849] : memref<1000000x64xf32, #tpu.memory_space<hbm>> -> memref<640x64xf32, #tpu.memory_space<hbm>>
        tpu.wait_dma2 semaphore(%arg16 : memref<!tpu.dma_semaphore, #tpu.memory_space<semaphore_mem>>) src(%dma_wait3A_850 : memref<640x64xf32, #tpu.memory_space<hbm>>) dst(%arg11 : memref<640x64xf32, #tpu.memory_space<vmem>>)
        %add3A_851 = arith.constant 1 : i32
        %add3A_852 = arith.addi %mul3A_207, %add3A_851 : i32
        %mul3A_853 = arith.constant 640 : i32
        %mul3A_854 = arith.muli %add3A_852, %mul3A_853 : i32
        %mul3A_855 = arith.constant 32 : i32
        %mul3A_856 = arith.muli %add3A_852, %mul3A_855 : i32
        %add3A_857 = arith.constant 0 : i32
        %add3A_858 = arith.addi %mul3A_856, %add3A_857 : i32
        %add3A_859 = vector.broadcast %add3A_858 : i32 to vector<16xi32>
        %add3A_860 = arith.addi %add3A_859, %iota3A : vector<16xi32>
        %gather3A_861 = tpu.vector_load_idx %arg9[%add3A_860] : memref<832xi32, #tpu.memory_space<vmem>>[vector<16xi32>], vector<16xi32>,
        %convert_element_type3A_862 = arith.sitofp %gather3A_861 : vector<16xi32> to vector<16xf32>
        %max3A_863 = arith.constant 1.000000e+00 : f32
        %max3A_864 = vector.broadcast %max3A_863 : f32 to vector<16xf32>
        %max3A_865 = arith.maximumf %convert_element_type3A_862, %max3A_864 : vector<16xf32>
        %div3A_866 = arith.constant 1.000000e+00 : f32
        %div3A_867 = vector.broadcast %div3A_866 : f32 to vector<16xf32>
        %div3A_868 = arith.divf %div3A_867, %max3A_865 : vector<16xf32>
        %add3A_869 = arith.constant 0 : i32
        %add3A_870 = arith.addi %mul3A_854, %add3A_869 : i32
        %broadcast_in_dim3A_871 = arith.constant 0.000000e+00 : f32
        %broadcast_in_dim3A_872 = vector.broadcast %broadcast_in_dim3A_871 : f32 to vector<16xf32>
        %add3A_873 = arith.constant 0 : i32
        %add3A_874 = arith.addi %add3A_870, %add3A_873 : i32
        %add3A_875 = vector.broadcast %add3A_874 : i32 to vector<16xi32>
        %add3A_876 = arith.addi %add3A_875, %mul3A_9 : vector<16xi32>
        %gather3A_877 = tpu.vector_load_idx %arg8[%add3A_876] : memref<16640xi32, #tpu.memory_space<vmem>>[vector<16xi32>], vector<16xi32>,
        %eq3A_878 = arith.constant 0 : i32
        %eq3A_879 = vector.broadcast %eq3A_878 : i32 to vector<16xi32>
        %eq3A_880 = arith.cmpi eq, %gather3A_877, %eq3A_879 : vector<16xi32>
        %jit3A_881 = arith.constant 1.000000e+00 : f32
        %jit3A_882 = arith.constant 0.000000e+00 : f32
        %broadcast_in_dim3A_883 = vector.broadcast %jit3A_881 : f32 to vector<16xf32>
        %broadcast_in_dim3A_884 = vector.broadcast %jit3A_882 : f32 to vector<16xf32>
        %select_n3A_885 = arith.select %eq3A_880, %broadcast_in_dim3A_883, %broadcast_in_dim3A_884 : vector<16xi1>, vector<16xf32>
        %add3A_886 = arith.addf %broadcast_in_dim3A_872, %select_n3A_885 : vector<16xf32>
        %add3A_887 = arith.constant 1 : i32
        %add3A_888 = arith.addi %add3A_870, %add3A_887 : i32
        %add3A_889 = vector.broadcast %add3A_888 : i32 to vector<16xi32>
        %add3A_890 = arith.addi %add3A_889, %mul3A_9 : vector<16xi32>
        %gather3A_891 = tpu.vector_load_idx %arg8[%add3A_890] : memref<16640xi32, #tpu.memory_space<vmem>>[vector<16xi32>], vector<16xi32>,
        %eq3A_892 = arith.constant 0 : i32
        %eq3A_893 = vector.broadcast %eq3A_892 : i32 to vector<16xi32>
        %eq3A_894 = arith.cmpi eq, %gather3A_891, %eq3A_893 : vector<16xi32>
        %jit3A_895 = arith.constant 1.000000e+00 : f32
        %jit3A_896 = arith.constant 0.000000e+00 : f32
        %broadcast_in_dim3A_897 = vector.broadcast %jit3A_895 : f32 to vector<16xf32>
        %broadcast_in_dim3A_898 = vector.broadcast %jit3A_896 : f32 to vector<16xf32>
        %select_n3A_899 = arith.select %eq3A_894, %broadcast_in_dim3A_897, %broadcast_in_dim3A_898 : vector<16xi1>, vector<16xf32>
        %add3A_900 = arith.addf %add3A_886, %select_n3A_899 : vector<16xf32>
        %add3A_901 = arith.constant 2 : i32
        %add3A_902 = arith.addi %add3A_870, %add3A_901 : i32
        %add3A_903 = vector.broadcast %add3A_902 : i32 to vector<16xi32>
        %add3A_904 = arith.addi %add3A_903, %mul3A_9 : vector<16xi32>
        %gather3A_905 = tpu.vector_load_idx %arg8[%add3A_904] : memref<16640xi32, #tpu.memory_space<vmem>>[vector<16xi32>], vector<16xi32>,
        %eq3A_906 = arith.constant 0 : i32
        %eq3A_907 = vector.broadcast %eq3A_906 : i32 to vector<16xi32>
        %eq3A_908 = arith.cmpi eq, %gather3A_905, %eq3A_907 : vector<16xi32>
        %jit3A_909 = arith.constant 1.000000e+00 : f32
        %jit3A_910 = arith.constant 0.000000e+00 : f32
        %broadcast_in_dim3A_911 = vector.broadcast %jit3A_909 : f32 to vector<16xf32>
        %broadcast_in_dim3A_912 = vector.broadcast %jit3A_910 : f32 to vector<16xf32>
        %select_n3A_913 = arith.select %eq3A_908, %broadcast_in_dim3A_911, %broadcast_in_dim3A_912 : vector<16xi1>, vector<16xf32>
        %add3A_914 = arith.addf %add3A_900, %select_n3A_913 : vector<16xf32>
        %add3A_915 = arith.constant 3 : i32
        %add3A_916 = arith.addi %add3A_870, %add3A_915 : i32
        %add3A_917 = vector.broadcast %add3A_916 : i32 to vector<16xi32>
        %add3A_918 = arith.addi %add3A_917, %mul3A_9 : vector<16xi32>
        %gather3A_919 = tpu.vector_load_idx %arg8[%add3A_918] : memref<16640xi32, #tpu.memory_space<vmem>>[vector<16xi32>], vector<16xi32>,
        %eq3A_920 = arith.constant 0 : i32
        %eq3A_921 = vector.broadcast %eq3A_920 : i32 to vector<16xi32>
        %eq3A_922 = arith.cmpi eq, %gather3A_919, %eq3A_921 : vector<16xi32>
        %jit3A_923 = arith.constant 1.000000e+00 : f32
        %jit3A_924 = arith.constant 0.000000e+00 : f32
        %broadcast_in_dim3A_925 = vector.broadcast %jit3A_923 : f32 to vector<16xf32>
        %broadcast_in_dim3A_926 = vector.broadcast %jit3A_924 : f32 to vector<16xf32>
        %select_n3A_927 = arith.select %eq3A_922, %broadcast_in_dim3A_925, %broadcast_in_dim3A_926 : vector<16xi1>, vector<16xf32>
        %add3A_928 = arith.addf %add3A_914, %select_n3A_927 : vector<16xf32>
        %add3A_929 = arith.constant 4 : i32
        %add3A_930 = arith.addi %add3A_870, %add3A_929 : i32
        %add3A_931 = vector.broadcast %add3A_930 : i32 to vector<16xi32>
        %add3A_932 = arith.addi %add3A_931, %mul3A_9 : vector<16xi32>
        %gather3A_933 = tpu.vector_load_idx %arg8[%add3A_932] : memref<16640xi32, #tpu.memory_space<vmem>>[vector<16xi32>], vector<16xi32>,
        %eq3A_934 = arith.constant 0 : i32
        %eq3A_935 = vector.broadcast %eq3A_934 : i32 to vector<16xi32>
        %eq3A_936 = arith.cmpi eq, %gather3A_933, %eq3A_935 : vector<16xi32>
        %jit3A_937 = arith.constant 1.000000e+00 : f32
        %jit3A_938 = arith.constant 0.000000e+00 : f32
        %broadcast_in_dim3A_939 = vector.broadcast %jit3A_937 : f32 to vector<16xf32>
        %broadcast_in_dim3A_940 = vector.broadcast %jit3A_938 : f32 to vector<16xf32>
        %select_n3A_941 = arith.select %eq3A_936, %broadcast_in_dim3A_939, %broadcast_in_dim3A_940 : vector<16xi1>, vector<16xf32>
        %add3A_942 = arith.addf %add3A_928, %select_n3A_941 : vector<16xf32>
        %add3A_943 = arith.constant 5 : i32
        %add3A_944 = arith.addi %add3A_870, %add3A_943 : i32
        %add3A_945 = vector.broadcast %add3A_944 : i32 to vector<16xi32>
        %add3A_946 = arith.addi %add3A_945, %mul3A_9 : vector<16xi32>
        %gather3A_947 = tpu.vector_load_idx %arg8[%add3A_946] : memref<16640xi32, #tpu.memory_space<vmem>>[vector<16xi32>], vector<16xi32>,
        %eq3A_948 = arith.constant 0 : i32
        %eq3A_949 = vector.broadcast %eq3A_948 : i32 to vector<16xi32>
        %eq3A_950 = arith.cmpi eq, %gather3A_947, %eq3A_949 : vector<16xi32>
        %jit3A_951 = arith.constant 1.000000e+00 : f32
        %jit3A_952 = arith.constant 0.000000e+00 : f32
        %broadcast_in_dim3A_953 = vector.broadcast %jit3A_951 : f32 to vector<16xf32>
        %broadcast_in_dim3A_954 = vector.broadcast %jit3A_952 : f32 to vector<16xf32>
        %select_n3A_955 = arith.select %eq3A_950, %broadcast_in_dim3A_953, %broadcast_in_dim3A_954 : vector<16xi1>, vector<16xf32>
        %add3A_956 = arith.addf %add3A_942, %select_n3A_955 : vector<16xf32>
        %add3A_957 = arith.constant 6 : i32
        %add3A_958 = arith.addi %add3A_870, %add3A_957 : i32
        %add3A_959 = vector.broadcast %add3A_958 : i32 to vector<16xi32>
        %add3A_960 = arith.addi %add3A_959, %mul3A_9 : vector<16xi32>
        %gather3A_961 = tpu.vector_load_idx %arg8[%add3A_960] : memref<16640xi32, #tpu.memory_space<vmem>>[vector<16xi32>], vector<16xi32>,
        %eq3A_962 = arith.constant 0 : i32
        %eq3A_963 = vector.broadcast %eq3A_962 : i32 to vector<16xi32>
        %eq3A_964 = arith.cmpi eq, %gather3A_961, %eq3A_963 : vector<16xi32>
        %jit3A_965 = arith.constant 1.000000e+00 : f32
        %jit3A_966 = arith.constant 0.000000e+00 : f32
        %broadcast_in_dim3A_967 = vector.broadcast %jit3A_965 : f32 to vector<16xf32>
        %broadcast_in_dim3A_968 = vector.broadcast %jit3A_966 : f32 to vector<16xf32>
        %select_n3A_969 = arith.select %eq3A_964, %broadcast_in_dim3A_967, %broadcast_in_dim3A_968 : vector<16xi1>, vector<16xf32>
        %add3A_970 = arith.addf %add3A_956, %select_n3A_969 : vector<16xf32>
        %add3A_971 = arith.constant 7 : i32
        %add3A_972 = arith.addi %add3A_870, %add3A_971 : i32
        %add3A_973 = vector.broadcast %add3A_972 : i32 to vector<16xi32>
        %add3A_974 = arith.addi %add3A_973, %mul3A_9 : vector<16xi32>
        %gather3A_975 = tpu.vector_load_idx %arg8[%add3A_974] : memref<16640xi32, #tpu.memory_space<vmem>>[vector<16xi32>], vector<16xi32>,
        %eq3A_976 = arith.constant 0 : i32
        %eq3A_977 = vector.broadcast %eq3A_976 : i32 to vector<16xi32>
        %eq3A_978 = arith.cmpi eq, %gather3A_975, %eq3A_977 : vector<16xi32>
        %jit3A_979 = arith.constant 1.000000e+00 : f32
        %jit3A_980 = arith.constant 0.000000e+00 : f32
        %broadcast_in_dim3A_981 = vector.broadcast %jit3A_979 : f32 to vector<16xf32>
        %broadcast_in_dim3A_982 = vector.broadcast %jit3A_980 : f32 to vector<16xf32>
        %select_n3A_983 = arith.select %eq3A_978, %broadcast_in_dim3A_981, %broadcast_in_dim3A_982 : vector<16xi1>, vector<16xf32>
        %add3A_984 = arith.addf %add3A_970, %select_n3A_983 : vector<16xf32>
        %add3A_985 = arith.constant 8 : i32
        %add3A_986 = arith.addi %add3A_870, %add3A_985 : i32
        %add3A_987 = vector.broadcast %add3A_986 : i32 to vector<16xi32>
        %add3A_988 = arith.addi %add3A_987, %mul3A_9 : vector<16xi32>
        %gather3A_989 = tpu.vector_load_idx %arg8[%add3A_988] : memref<16640xi32, #tpu.memory_space<vmem>>[vector<16xi32>], vector<16xi32>,
        %eq3A_990 = arith.constant 0 : i32
        %eq3A_991 = vector.broadcast %eq3A_990 : i32 to vector<16xi32>
        %eq3A_992 = arith.cmpi eq, %gather3A_989, %eq3A_991 : vector<16xi32>
        %jit3A_993 = arith.constant 1.000000e+00 : f32
        %jit3A_994 = arith.constant 0.000000e+00 : f32
        %broadcast_in_dim3A_995 = vector.broadcast %jit3A_993 : f32 to vector<16xf32>
        %broadcast_in_dim3A_996 = vector.broadcast %jit3A_994 : f32 to vector<16xf32>
        %select_n3A_997 = arith.select %eq3A_992, %broadcast_in_dim3A_995, %broadcast_in_dim3A_996 : vector<16xi1>, vector<16xf32>
        %add3A_998 = arith.addf %add3A_984, %select_n3A_997 : vector<16xf32>
        %add3A_999 = arith.constant 9 : i32
        %add3A_1000 = arith.addi %add3A_870, %add3A_999 : i32
        %add3A_1001 = vector.broadcast %add3A_1000 : i32 to vector<16xi32>
        %add3A_1002 = arith.addi %add3A_1001, %mul3A_9 : vector<16xi32>
        %gather3A_1003 = tpu.vector_load_idx %arg8[%add3A_1002] : memref<16640xi32, #tpu.memory_space<vmem>>[vector<16xi32>], vector<16xi32>,
        %eq3A_1004 = arith.constant 0 : i32
        %eq3A_1005 = vector.broadcast %eq3A_1004 : i32 to vector<16xi32>
        %eq3A_1006 = arith.cmpi eq, %gather3A_1003, %eq3A_1005 : vector<16xi32>
        %jit3A_1007 = arith.constant 1.000000e+00 : f32
        %jit3A_1008 = arith.constant 0.000000e+00 : f32
        %broadcast_in_dim3A_1009 = vector.broadcast %jit3A_1007 : f32 to vector<16xf32>
        %broadcast_in_dim3A_1010 = vector.broadcast %jit3A_1008 : f32 to vector<16xf32>
        %select_n3A_1011 = arith.select %eq3A_1006, %broadcast_in_dim3A_1009, %broadcast_in_dim3A_1010 : vector<16xi1>, vector<16xf32>
        %add3A_1012 = arith.addf %add3A_998, %select_n3A_1011 : vector<16xf32>
        %add3A_1013 = arith.constant 10 : i32
        %add3A_1014 = arith.addi %add3A_870, %add3A_1013 : i32
        %add3A_1015 = vector.broadcast %add3A_1014 : i32 to vector<16xi32>
        %add3A_1016 = arith.addi %add3A_1015, %mul3A_9 : vector<16xi32>
        %gather3A_1017 = tpu.vector_load_idx %arg8[%add3A_1016] : memref<16640xi32, #tpu.memory_space<vmem>>[vector<16xi32>], vector<16xi32>,
        %eq3A_1018 = arith.constant 0 : i32
        %eq3A_1019 = vector.broadcast %eq3A_1018 : i32 to vector<16xi32>
        %eq3A_1020 = arith.cmpi eq, %gather3A_1017, %eq3A_1019 : vector<16xi32>
        %jit3A_1021 = arith.constant 1.000000e+00 : f32
        %jit3A_1022 = arith.constant 0.000000e+00 : f32
        %broadcast_in_dim3A_1023 = vector.broadcast %jit3A_1021 : f32 to vector<16xf32>
        %broadcast_in_dim3A_1024 = vector.broadcast %jit3A_1022 : f32 to vector<16xf32>
        %select_n3A_1025 = arith.select %eq3A_1020, %broadcast_in_dim3A_1023, %broadcast_in_dim3A_1024 : vector<16xi1>, vector<16xf32>
        %add3A_1026 = arith.addf %add3A_1012, %select_n3A_1025 : vector<16xf32>
        %add3A_1027 = arith.constant 11 : i32
        %add3A_1028 = arith.addi %add3A_870, %add3A_1027 : i32
        %add3A_1029 = vector.broadcast %add3A_1028 : i32 to vector<16xi32>
        %add3A_1030 = arith.addi %add3A_1029, %mul3A_9 : vector<16xi32>
        %gather3A_1031 = tpu.vector_load_idx %arg8[%add3A_1030] : memref<16640xi32, #tpu.memory_space<vmem>>[vector<16xi32>], vector<16xi32>,
        %eq3A_1032 = arith.constant 0 : i32
        %eq3A_1033 = vector.broadcast %eq3A_1032 : i32 to vector<16xi32>
        %eq3A_1034 = arith.cmpi eq, %gather3A_1031, %eq3A_1033 : vector<16xi32>
        %jit3A_1035 = arith.constant 1.000000e+00 : f32
        %jit3A_1036 = arith.constant 0.000000e+00 : f32
        %broadcast_in_dim3A_1037 = vector.broadcast %jit3A_1035 : f32 to vector<16xf32>
        %broadcast_in_dim3A_1038 = vector.broadcast %jit3A_1036 : f32 to vector<16xf32>
        %select_n3A_1039 = arith.select %eq3A_1034, %broadcast_in_dim3A_1037, %broadcast_in_dim3A_1038 : vector<16xi1>, vector<16xf32>
        %add3A_1040 = arith.addf %add3A_1026, %select_n3A_1039 : vector<16xf32>
        %add3A_1041 = arith.constant 12 : i32
        %add3A_1042 = arith.addi %add3A_870, %add3A_1041 : i32
        %add3A_1043 = vector.broadcast %add3A_1042 : i32 to vector<16xi32>
        %add3A_1044 = arith.addi %add3A_1043, %mul3A_9 : vector<16xi32>
        %gather3A_1045 = tpu.vector_load_idx %arg8[%add3A_1044] : memref<16640xi32, #tpu.memory_space<vmem>>[vector<16xi32>], vector<16xi32>,
        %eq3A_1046 = arith.constant 0 : i32
        %eq3A_1047 = vector.broadcast %eq3A_1046 : i32 to vector<16xi32>
        %eq3A_1048 = arith.cmpi eq, %gather3A_1045, %eq3A_1047 : vector<16xi32>
        %jit3A_1049 = arith.constant 1.000000e+00 : f32
        %jit3A_1050 = arith.constant 0.000000e+00 : f32
        %broadcast_in_dim3A_1051 = vector.broadcast %jit3A_1049 : f32 to vector<16xf32>
        %broadcast_in_dim3A_1052 = vector.broadcast %jit3A_1050 : f32 to vector<16xf32>
        %select_n3A_1053 = arith.select %eq3A_1048, %broadcast_in_dim3A_1051, %broadcast_in_dim3A_1052 : vector<16xi1>, vector<16xf32>
        %add3A_1054 = arith.addf %add3A_1040, %select_n3A_1053 : vector<16xf32>
        %add3A_1055 = arith.constant 13 : i32
        %add3A_1056 = arith.addi %add3A_870, %add3A_1055 : i32
        %add3A_1057 = vector.broadcast %add3A_1056 : i32 to vector<16xi32>
        %add3A_1058 = arith.addi %add3A_1057, %mul3A_9 : vector<16xi32>
        %gather3A_1059 = tpu.vector_load_idx %arg8[%add3A_1058] : memref<16640xi32, #tpu.memory_space<vmem>>[vector<16xi32>], vector<16xi32>,
        %eq3A_1060 = arith.constant 0 : i32
        %eq3A_1061 = vector.broadcast %eq3A_1060 : i32 to vector<16xi32>
        %eq3A_1062 = arith.cmpi eq, %gather3A_1059, %eq3A_1061 : vector<16xi32>
        %jit3A_1063 = arith.constant 1.000000e+00 : f32
        %jit3A_1064 = arith.constant 0.000000e+00 : f32
        %broadcast_in_dim3A_1065 = vector.broadcast %jit3A_1063 : f32 to vector<16xf32>
        %broadcast_in_dim3A_1066 = vector.broadcast %jit3A_1064 : f32 to vector<16xf32>
        %select_n3A_1067 = arith.select %eq3A_1062, %broadcast_in_dim3A_1065, %broadcast_in_dim3A_1066 : vector<16xi1>, vector<16xf32>
        %add3A_1068 = arith.addf %add3A_1054, %select_n3A_1067 : vector<16xf32>
        %add3A_1069 = arith.constant 14 : i32
        %add3A_1070 = arith.addi %add3A_870, %add3A_1069 : i32
        %add3A_1071 = vector.broadcast %add3A_1070 : i32 to vector<16xi32>
        %add3A_1072 = arith.addi %add3A_1071, %mul3A_9 : vector<16xi32>
        %gather3A_1073 = tpu.vector_load_idx %arg8[%add3A_1072] : memref<16640xi32, #tpu.memory_space<vmem>>[vector<16xi32>], vector<16xi32>,
        %eq3A_1074 = arith.constant 0 : i32
        %eq3A_1075 = vector.broadcast %eq3A_1074 : i32 to vector<16xi32>
        %eq3A_1076 = arith.cmpi eq, %gather3A_1073, %eq3A_1075 : vector<16xi32>
        %jit3A_1077 = arith.constant 1.000000e+00 : f32
        %jit3A_1078 = arith.constant 0.000000e+00 : f32
        %broadcast_in_dim3A_1079 = vector.broadcast %jit3A_1077 : f32 to vector<16xf32>
        %broadcast_in_dim3A_1080 = vector.broadcast %jit3A_1078 : f32 to vector<16xf32>
        %select_n3A_1081 = arith.select %eq3A_1076, %broadcast_in_dim3A_1079, %broadcast_in_dim3A_1080 : vector<16xi1>, vector<16xf32>
        %add3A_1082 = arith.addf %add3A_1068, %select_n3A_1081 : vector<16xf32>
        %add3A_1083 = arith.constant 15 : i32
        %add3A_1084 = arith.addi %add3A_870, %add3A_1083 : i32
        %add3A_1085 = vector.broadcast %add3A_1084 : i32 to vector<16xi32>
        %add3A_1086 = arith.addi %add3A_1085, %mul3A_9 : vector<16xi32>
        %gather3A_1087 = tpu.vector_load_idx %arg8[%add3A_1086] : memref<16640xi32, #tpu.memory_space<vmem>>[vector<16xi32>], vector<16xi32>,
        %eq3A_1088 = arith.constant 0 : i32
        %eq3A_1089 = vector.broadcast %eq3A_1088 : i32 to vector<16xi32>
        %eq3A_1090 = arith.cmpi eq, %gather3A_1087, %eq3A_1089 : vector<16xi32>
        %jit3A_1091 = arith.constant 1.000000e+00 : f32
        %jit3A_1092 = arith.constant 0.000000e+00 : f32
        %broadcast_in_dim3A_1093 = vector.broadcast %jit3A_1091 : f32 to vector<16xf32>
        %broadcast_in_dim3A_1094 = vector.broadcast %jit3A_1092 : f32 to vector<16xf32>
        %select_n3A_1095 = arith.select %eq3A_1090, %broadcast_in_dim3A_1093, %broadcast_in_dim3A_1094 : vector<16xi1>, vector<16xf32>
        %add3A_1096 = arith.addf %add3A_1082, %select_n3A_1095 : vector<16xf32>
        %add3A_1097 = arith.constant 16 : i32
        %add3A_1098 = arith.addi %add3A_870, %add3A_1097 : i32
        %add3A_1099 = vector.broadcast %add3A_1098 : i32 to vector<16xi32>
        %add3A_1100 = arith.addi %add3A_1099, %mul3A_9 : vector<16xi32>
        %gather3A_1101 = tpu.vector_load_idx %arg8[%add3A_1100] : memref<16640xi32, #tpu.memory_space<vmem>>[vector<16xi32>], vector<16xi32>,
        %eq3A_1102 = arith.constant 0 : i32
        %eq3A_1103 = vector.broadcast %eq3A_1102 : i32 to vector<16xi32>
        %eq3A_1104 = arith.cmpi eq, %gather3A_1101, %eq3A_1103 : vector<16xi32>
        %jit3A_1105 = arith.constant 1.000000e+00 : f32
        %jit3A_1106 = arith.constant 0.000000e+00 : f32
        %broadcast_in_dim3A_1107 = vector.broadcast %jit3A_1105 : f32 to vector<16xf32>
        %broadcast_in_dim3A_1108 = vector.broadcast %jit3A_1106 : f32 to vector<16xf32>
        %select_n3A_1109 = arith.select %eq3A_1104, %broadcast_in_dim3A_1107, %broadcast_in_dim3A_1108 : vector<16xi1>, vector<16xf32>
        %add3A_1110 = arith.addf %add3A_1096, %select_n3A_1109 : vector<16xf32>
        %add3A_1111 = arith.constant 17 : i32
        %add3A_1112 = arith.addi %add3A_870, %add3A_1111 : i32
        %add3A_1113 = vector.broadcast %add3A_1112 : i32 to vector<16xi32>
        %add3A_1114 = arith.addi %add3A_1113, %mul3A_9 : vector<16xi32>
        %gather3A_1115 = tpu.vector_load_idx %arg8[%add3A_1114] : memref<16640xi32, #tpu.memory_space<vmem>>[vector<16xi32>], vector<16xi32>,
        %eq3A_1116 = arith.constant 0 : i32
        %eq3A_1117 = vector.broadcast %eq3A_1116 : i32 to vector<16xi32>
        %eq3A_1118 = arith.cmpi eq, %gather3A_1115, %eq3A_1117 : vector<16xi32>
        %jit3A_1119 = arith.constant 1.000000e+00 : f32
        %jit3A_1120 = arith.constant 0.000000e+00 : f32
        %broadcast_in_dim3A_1121 = vector.broadcast %jit3A_1119 : f32 to vector<16xf32>
        %broadcast_in_dim3A_1122 = vector.broadcast %jit3A_1120 : f32 to vector<16xf32>
        %select_n3A_1123 = arith.select %eq3A_1118, %broadcast_in_dim3A_1121, %broadcast_in_dim3A_1122 : vector<16xi1>, vector<16xf32>
        %add3A_1124 = arith.addf %add3A_1110, %select_n3A_1123 : vector<16xf32>
        %add3A_1125 = arith.constant 18 : i32
        %add3A_1126 = arith.addi %add3A_870, %add3A_1125 : i32
        %add3A_1127 = vector.broadcast %add3A_1126 : i32 to vector<16xi32>
        %add3A_1128 = arith.addi %add3A_1127, %mul3A_9 : vector<16xi32>
        %gather3A_1129 = tpu.vector_load_idx %arg8[%add3A_1128] : memref<16640xi32, #tpu.memory_space<vmem>>[vector<16xi32>], vector<16xi32>,
        %eq3A_1130 = arith.constant 0 : i32
        %eq3A_1131 = vector.broadcast %eq3A_1130 : i32 to vector<16xi32>
        %eq3A_1132 = arith.cmpi eq, %gather3A_1129, %eq3A_1131 : vector<16xi32>
        %jit3A_1133 = arith.constant 1.000000e+00 : f32
        %jit3A_1134 = arith.constant 0.000000e+00 : f32
        %broadcast_in_dim3A_1135 = vector.broadcast %jit3A_1133 : f32 to vector<16xf32>
        %broadcast_in_dim3A_1136 = vector.broadcast %jit3A_1134 : f32 to vector<16xf32>
        %select_n3A_1137 = arith.select %eq3A_1132, %broadcast_in_dim3A_1135, %broadcast_in_dim3A_1136 : vector<16xi1>, vector<16xf32>
        %add3A_1138 = arith.addf %add3A_1124, %select_n3A_1137 : vector<16xf32>
        %add3A_1139 = arith.constant 19 : i32
        %add3A_1140 = arith.addi %add3A_870, %add3A_1139 : i32
        %add3A_1141 = vector.broadcast %add3A_1140 : i32 to vector<16xi32>
        %add3A_1142 = arith.addi %add3A_1141, %mul3A_9 : vector<16xi32>
        %gather3A_1143 = tpu.vector_load_idx %arg8[%add3A_1142] : memref<16640xi32, #tpu.memory_space<vmem>>[vector<16xi32>], vector<16xi32>,
        %eq3A_1144 = arith.constant 0 : i32
        %eq3A_1145 = vector.broadcast %eq3A_1144 : i32 to vector<16xi32>
        %eq3A_1146 = arith.cmpi eq, %gather3A_1143, %eq3A_1145 : vector<16xi32>
        %jit3A_1147 = arith.constant 1.000000e+00 : f32
        %jit3A_1148 = arith.constant 0.000000e+00 : f32
        %broadcast_in_dim3A_1149 = vector.broadcast %jit3A_1147 : f32 to vector<16xf32>
        %broadcast_in_dim3A_1150 = vector.broadcast %jit3A_1148 : f32 to vector<16xf32>
        %select_n3A_1151 = arith.select %eq3A_1146, %broadcast_in_dim3A_1149, %broadcast_in_dim3A_1150 : vector<16xi1>, vector<16xf32>
        %add3A_1152 = arith.addf %add3A_1138, %select_n3A_1151 : vector<16xf32>
        %add3A_1153 = arith.constant 0 : i32
        %add3A_1154 = vector.broadcast %add3A_1153 : i32 to vector<16xi32>
        %add3A_1155 = arith.addi %add3A_1154, %iota3A : vector<16xi32>
        tpu.vector_store_idx %arg13[%add3A_1155], %add3A_1152 : memref<64xf32, #tpu.memory_space<vmem>>[vector<16xi32>], vector<16xf32>,
        %add3A_1156 = arith.constant 32 : i32
        %add3A_1157 = vector.broadcast %add3A_1156 : i32 to vector<16xi32>
        %add3A_1158 = arith.addi %add3A_1157, %iota3A : vector<16xi32>
        tpu.vector_store_idx %arg13[%add3A_1158], %div3A_868 : memref<64xf32, #tpu.memory_space<vmem>>[vector<16xi32>], vector<16xf32>,
        %mul3A_1159 = arith.constant 32 : i32
        %mul3A_1160 = arith.muli %add3A_852, %mul3A_1159 : i32
        %add3A_1161 = arith.constant 16 : i32
        %add3A_1162 = arith.addi %mul3A_1160, %add3A_1161 : i32
        %add3A_1163 = vector.broadcast %add3A_1162 : i32 to vector<16xi32>
        %add3A_1164 = arith.addi %add3A_1163, %iota3A : vector<16xi32>
        %gather3A_1165 = tpu.vector_load_idx %arg9[%add3A_1164] : memref<832xi32, #tpu.memory_space<vmem>>[vector<16xi32>], vector<16xi32>,
        %convert_element_type3A_1166 = arith.sitofp %gather3A_1165 : vector<16xi32> to vector<16xf32>
        %max3A_1167 = arith.constant 1.000000e+00 : f32
        %max3A_1168 = vector.broadcast %max3A_1167 : f32 to vector<16xf32>
        %max3A_1169 = arith.maximumf %convert_element_type3A_1166, %max3A_1168 : vector<16xf32>
        %div3A_1170 = arith.constant 1.000000e+00 : f32
        %div3A_1171 = vector.broadcast %div3A_1170 : f32 to vector<16xf32>
        %div3A_1172 = arith.divf %div3A_1171, %max3A_1169 : vector<16xf32>
        %add3A_1173 = arith.constant 320 : i32
        %add3A_1174 = arith.addi %mul3A_854, %add3A_1173 : i32
        %broadcast_in_dim3A_1175 = arith.constant 0.000000e+00 : f32
        %broadcast_in_dim3A_1176 = vector.broadcast %broadcast_in_dim3A_1175 : f32 to vector<16xf32>
        %add3A_1177 = arith.constant 0 : i32
        %add3A_1178 = arith.addi %add3A_1174, %add3A_1177 : i32
        %add3A_1179 = vector.broadcast %add3A_1178 : i32 to vector<16xi32>
        %add3A_1180 = arith.addi %add3A_1179, %mul3A_9 : vector<16xi32>
        %gather3A_1181 = tpu.vector_load_idx %arg8[%add3A_1180] : memref<16640xi32, #tpu.memory_space<vmem>>[vector<16xi32>], vector<16xi32>,
        %eq3A_1182 = arith.constant 0 : i32
        %eq3A_1183 = vector.broadcast %eq3A_1182 : i32 to vector<16xi32>
        %eq3A_1184 = arith.cmpi eq, %gather3A_1181, %eq3A_1183 : vector<16xi32>
        %jit3A_1185 = arith.constant 1.000000e+00 : f32
        %jit3A_1186 = arith.constant 0.000000e+00 : f32
        %broadcast_in_dim3A_1187 = vector.broadcast %jit3A_1185 : f32 to vector<16xf32>
        %broadcast_in_dim3A_1188 = vector.broadcast %jit3A_1186 : f32 to vector<16xf32>
        %select_n3A_1189 = arith.select %eq3A_1184, %broadcast_in_dim3A_1187, %broadcast_in_dim3A_1188 : vector<16xi1>, vector<16xf32>
        %add3A_1190 = arith.addf %broadcast_in_dim3A_1176, %select_n3A_1189 : vector<16xf32>
        %add3A_1191 = arith.constant 1 : i32
        %add3A_1192 = arith.addi %add3A_1174, %add3A_1191 : i32
        %add3A_1193 = vector.broadcast %add3A_1192 : i32 to vector<16xi32>
        %add3A_1194 = arith.addi %add3A_1193, %mul3A_9 : vector<16xi32>
        %gather3A_1195 = tpu.vector_load_idx %arg8[%add3A_1194] : memref<16640xi32, #tpu.memory_space<vmem>>[vector<16xi32>], vector<16xi32>,
        %eq3A_1196 = arith.constant 0 : i32
        %eq3A_1197 = vector.broadcast %eq3A_1196 : i32 to vector<16xi32>
        %eq3A_1198 = arith.cmpi eq, %gather3A_1195, %eq3A_1197 : vector<16xi32>
        %jit3A_1199 = arith.constant 1.000000e+00 : f32
        %jit3A_1200 = arith.constant 0.000000e+00 : f32
        %broadcast_in_dim3A_1201 = vector.broadcast %jit3A_1199 : f32 to vector<16xf32>
        %broadcast_in_dim3A_1202 = vector.broadcast %jit3A_1200 : f32 to vector<16xf32>
        %select_n3A_1203 = arith.select %eq3A_1198, %broadcast_in_dim3A_1201, %broadcast_in_dim3A_1202 : vector<16xi1>, vector<16xf32>
        %add3A_1204 = arith.addf %add3A_1190, %select_n3A_1203 : vector<16xf32>
        %add3A_1205 = arith.constant 2 : i32
        %add3A_1206 = arith.addi %add3A_1174, %add3A_1205 : i32
        %add3A_1207 = vector.broadcast %add3A_1206 : i32 to vector<16xi32>
        %add3A_1208 = arith.addi %add3A_1207, %mul3A_9 : vector<16xi32>
        %gather3A_1209 = tpu.vector_load_idx %arg8[%add3A_1208] : memref<16640xi32, #tpu.memory_space<vmem>>[vector<16xi32>], vector<16xi32>,
        %eq3A_1210 = arith.constant 0 : i32
        %eq3A_1211 = vector.broadcast %eq3A_1210 : i32 to vector<16xi32>
        %eq3A_1212 = arith.cmpi eq, %gather3A_1209, %eq3A_1211 : vector<16xi32>
        %jit3A_1213 = arith.constant 1.000000e+00 : f32
        %jit3A_1214 = arith.constant 0.000000e+00 : f32
        %broadcast_in_dim3A_1215 = vector.broadcast %jit3A_1213 : f32 to vector<16xf32>
        %broadcast_in_dim3A_1216 = vector.broadcast %jit3A_1214 : f32 to vector<16xf32>
        %select_n3A_1217 = arith.select %eq3A_1212, %broadcast_in_dim3A_1215, %broadcast_in_dim3A_1216 : vector<16xi1>, vector<16xf32>
        %add3A_1218 = arith.addf %add3A_1204, %select_n3A_1217 : vector<16xf32>
        %add3A_1219 = arith.constant 3 : i32
        %add3A_1220 = arith.addi %add3A_1174, %add3A_1219 : i32
        %add3A_1221 = vector.broadcast %add3A_1220 : i32 to vector<16xi32>
        %add3A_1222 = arith.addi %add3A_1221, %mul3A_9 : vector<16xi32>
        %gather3A_1223 = tpu.vector_load_idx %arg8[%add3A_1222] : memref<16640xi32, #tpu.memory_space<vmem>>[vector<16xi32>], vector<16xi32>,
        %eq3A_1224 = arith.constant 0 : i32
        %eq3A_1225 = vector.broadcast %eq3A_1224 : i32 to vector<16xi32>
        %eq3A_1226 = arith.cmpi eq, %gather3A_1223, %eq3A_1225 : vector<16xi32>
        %jit3A_1227 = arith.constant 1.000000e+00 : f32
        %jit3A_1228 = arith.constant 0.000000e+00 : f32
        %broadcast_in_dim3A_1229 = vector.broadcast %jit3A_1227 : f32 to vector<16xf32>
        %broadcast_in_dim3A_1230 = vector.broadcast %jit3A_1228 : f32 to vector<16xf32>
        %select_n3A_1231 = arith.select %eq3A_1226, %broadcast_in_dim3A_1229, %broadcast_in_dim3A_1230 : vector<16xi1>, vector<16xf32>
        %add3A_1232 = arith.addf %add3A_1218, %select_n3A_1231 : vector<16xf32>
        %add3A_1233 = arith.constant 4 : i32
        %add3A_1234 = arith.addi %add3A_1174, %add3A_1233 : i32
        %add3A_1235 = vector.broadcast %add3A_1234 : i32 to vector<16xi32>
        %add3A_1236 = arith.addi %add3A_1235, %mul3A_9 : vector<16xi32>
        %gather3A_1237 = tpu.vector_load_idx %arg8[%add3A_1236] : memref<16640xi32, #tpu.memory_space<vmem>>[vector<16xi32>], vector<16xi32>,
        %eq3A_1238 = arith.constant 0 : i32
        %eq3A_1239 = vector.broadcast %eq3A_1238 : i32 to vector<16xi32>
        %eq3A_1240 = arith.cmpi eq, %gather3A_1237, %eq3A_1239 : vector<16xi32>
        %jit3A_1241 = arith.constant 1.000000e+00 : f32
        %jit3A_1242 = arith.constant 0.000000e+00 : f32
        %broadcast_in_dim3A_1243 = vector.broadcast %jit3A_1241 : f32 to vector<16xf32>
        %broadcast_in_dim3A_1244 = vector.broadcast %jit3A_1242 : f32 to vector<16xf32>
        %select_n3A_1245 = arith.select %eq3A_1240, %broadcast_in_dim3A_1243, %broadcast_in_dim3A_1244 : vector<16xi1>, vector<16xf32>
        %add3A_1246 = arith.addf %add3A_1232, %select_n3A_1245 : vector<16xf32>
        %add3A_1247 = arith.constant 5 : i32
        %add3A_1248 = arith.addi %add3A_1174, %add3A_1247 : i32
        %add3A_1249 = vector.broadcast %add3A_1248 : i32 to vector<16xi32>
        %add3A_1250 = arith.addi %add3A_1249, %mul3A_9 : vector<16xi32>
        %gather3A_1251 = tpu.vector_load_idx %arg8[%add3A_1250] : memref<16640xi32, #tpu.memory_space<vmem>>[vector<16xi32>], vector<16xi32>,
        %eq3A_1252 = arith.constant 0 : i32
        %eq3A_1253 = vector.broadcast %eq3A_1252 : i32 to vector<16xi32>
        %eq3A_1254 = arith.cmpi eq, %gather3A_1251, %eq3A_1253 : vector<16xi32>
        %jit3A_1255 = arith.constant 1.000000e+00 : f32
        %jit3A_1256 = arith.constant 0.000000e+00 : f32
        %broadcast_in_dim3A_1257 = vector.broadcast %jit3A_1255 : f32 to vector<16xf32>
        %broadcast_in_dim3A_1258 = vector.broadcast %jit3A_1256 : f32 to vector<16xf32>
        %select_n3A_1259 = arith.select %eq3A_1254, %broadcast_in_dim3A_1257, %broadcast_in_dim3A_1258 : vector<16xi1>, vector<16xf32>
        %add3A_1260 = arith.addf %add3A_1246, %select_n3A_1259 : vector<16xf32>
        %add3A_1261 = arith.constant 6 : i32
        %add3A_1262 = arith.addi %add3A_1174, %add3A_1261 : i32
        %add3A_1263 = vector.broadcast %add3A_1262 : i32 to vector<16xi32>
        %add3A_1264 = arith.addi %add3A_1263, %mul3A_9 : vector<16xi32>
        %gather3A_1265 = tpu.vector_load_idx %arg8[%add3A_1264] : memref<16640xi32, #tpu.memory_space<vmem>>[vector<16xi32>], vector<16xi32>,
        %eq3A_1266 = arith.constant 0 : i32
        %eq3A_1267 = vector.broadcast %eq3A_1266 : i32 to vector<16xi32>
        %eq3A_1268 = arith.cmpi eq, %gather3A_1265, %eq3A_1267 : vector<16xi32>
        %jit3A_1269 = arith.constant 1.000000e+00 : f32
        %jit3A_1270 = arith.constant 0.000000e+00 : f32
        %broadcast_in_dim3A_1271 = vector.broadcast %jit3A_1269 : f32 to vector<16xf32>
        %broadcast_in_dim3A_1272 = vector.broadcast %jit3A_1270 : f32 to vector<16xf32>
        %select_n3A_1273 = arith.select %eq3A_1268, %broadcast_in_dim3A_1271, %broadcast_in_dim3A_1272 : vector<16xi1>, vector<16xf32>
        %add3A_1274 = arith.addf %add3A_1260, %select_n3A_1273 : vector<16xf32>
        %add3A_1275 = arith.constant 7 : i32
        %add3A_1276 = arith.addi %add3A_1174, %add3A_1275 : i32
        %add3A_1277 = vector.broadcast %add3A_1276 : i32 to vector<16xi32>
        %add3A_1278 = arith.addi %add3A_1277, %mul3A_9 : vector<16xi32>
        %gather3A_1279 = tpu.vector_load_idx %arg8[%add3A_1278] : memref<16640xi32, #tpu.memory_space<vmem>>[vector<16xi32>], vector<16xi32>,
        %eq3A_1280 = arith.constant 0 : i32
        %eq3A_1281 = vector.broadcast %eq3A_1280 : i32 to vector<16xi32>
        %eq3A_1282 = arith.cmpi eq, %gather3A_1279, %eq3A_1281 : vector<16xi32>
        %jit3A_1283 = arith.constant 1.000000e+00 : f32
        %jit3A_1284 = arith.constant 0.000000e+00 : f32
        %broadcast_in_dim3A_1285 = vector.broadcast %jit3A_1283 : f32 to vector<16xf32>
        %broadcast_in_dim3A_1286 = vector.broadcast %jit3A_1284 : f32 to vector<16xf32>
        %select_n3A_1287 = arith.select %eq3A_1282, %broadcast_in_dim3A_1285, %broadcast_in_dim3A_1286 : vector<16xi1>, vector<16xf32>
        %add3A_1288 = arith.addf %add3A_1274, %select_n3A_1287 : vector<16xf32>
        %add3A_1289 = arith.constant 8 : i32
        %add3A_1290 = arith.addi %add3A_1174, %add3A_1289 : i32
        %add3A_1291 = vector.broadcast %add3A_1290 : i32 to vector<16xi32>
        %add3A_1292 = arith.addi %add3A_1291, %mul3A_9 : vector<16xi32>
        %gather3A_1293 = tpu.vector_load_idx %arg8[%add3A_1292] : memref<16640xi32, #tpu.memory_space<vmem>>[vector<16xi32>], vector<16xi32>,
        %eq3A_1294 = arith.constant 0 : i32
        %eq3A_1295 = vector.broadcast %eq3A_1294 : i32 to vector<16xi32>
        %eq3A_1296 = arith.cmpi eq, %gather3A_1293, %eq3A_1295 : vector<16xi32>
        %jit3A_1297 = arith.constant 1.000000e+00 : f32
        %jit3A_1298 = arith.constant 0.000000e+00 : f32
        %broadcast_in_dim3A_1299 = vector.broadcast %jit3A_1297 : f32 to vector<16xf32>
        %broadcast_in_dim3A_1300 = vector.broadcast %jit3A_1298 : f32 to vector<16xf32>
        %select_n3A_1301 = arith.select %eq3A_1296, %broadcast_in_dim3A_1299, %broadcast_in_dim3A_1300 : vector<16xi1>, vector<16xf32>
        %add3A_1302 = arith.addf %add3A_1288, %select_n3A_1301 : vector<16xf32>
        %add3A_1303 = arith.constant 9 : i32
        %add3A_1304 = arith.addi %add3A_1174, %add3A_1303 : i32
        %add3A_1305 = vector.broadcast %add3A_1304 : i32 to vector<16xi32>
        %add3A_1306 = arith.addi %add3A_1305, %mul3A_9 : vector<16xi32>
        %gather3A_1307 = tpu.vector_load_idx %arg8[%add3A_1306] : memref<16640xi32, #tpu.memory_space<vmem>>[vector<16xi32>], vector<16xi32>,
        %eq3A_1308 = arith.constant 0 : i32
        %eq3A_1309 = vector.broadcast %eq3A_1308 : i32 to vector<16xi32>
        %eq3A_1310 = arith.cmpi eq, %gather3A_1307, %eq3A_1309 : vector<16xi32>
        %jit3A_1311 = arith.constant 1.000000e+00 : f32
        %jit3A_1312 = arith.constant 0.000000e+00 : f32
        %broadcast_in_dim3A_1313 = vector.broadcast %jit3A_1311 : f32 to vector<16xf32>
        %broadcast_in_dim3A_1314 = vector.broadcast %jit3A_1312 : f32 to vector<16xf32>
        %select_n3A_1315 = arith.select %eq3A_1310, %broadcast_in_dim3A_1313, %broadcast_in_dim3A_1314 : vector<16xi1>, vector<16xf32>
        %add3A_1316 = arith.addf %add3A_1302, %select_n3A_1315 : vector<16xf32>
        %add3A_1317 = arith.constant 10 : i32
        %add3A_1318 = arith.addi %add3A_1174, %add3A_1317 : i32
        %add3A_1319 = vector.broadcast %add3A_1318 : i32 to vector<16xi32>
        %add3A_1320 = arith.addi %add3A_1319, %mul3A_9 : vector<16xi32>
        %gather3A_1321 = tpu.vector_load_idx %arg8[%add3A_1320] : memref<16640xi32, #tpu.memory_space<vmem>>[vector<16xi32>], vector<16xi32>,
        %eq3A_1322 = arith.constant 0 : i32
        %eq3A_1323 = vector.broadcast %eq3A_1322 : i32 to vector<16xi32>
        %eq3A_1324 = arith.cmpi eq, %gather3A_1321, %eq3A_1323 : vector<16xi32>
        %jit3A_1325 = arith.constant 1.000000e+00 : f32
        %jit3A_1326 = arith.constant 0.000000e+00 : f32
        %broadcast_in_dim3A_1327 = vector.broadcast %jit3A_1325 : f32 to vector<16xf32>
        %broadcast_in_dim3A_1328 = vector.broadcast %jit3A_1326 : f32 to vector<16xf32>
        %select_n3A_1329 = arith.select %eq3A_1324, %broadcast_in_dim3A_1327, %broadcast_in_dim3A_1328 : vector<16xi1>, vector<16xf32>
        %add3A_1330 = arith.addf %add3A_1316, %select_n3A_1329 : vector<16xf32>
        %add3A_1331 = arith.constant 11 : i32
        %add3A_1332 = arith.addi %add3A_1174, %add3A_1331 : i32
        %add3A_1333 = vector.broadcast %add3A_1332 : i32 to vector<16xi32>
        %add3A_1334 = arith.addi %add3A_1333, %mul3A_9 : vector<16xi32>
        %gather3A_1335 = tpu.vector_load_idx %arg8[%add3A_1334] : memref<16640xi32, #tpu.memory_space<vmem>>[vector<16xi32>], vector<16xi32>,
        %eq3A_1336 = arith.constant 0 : i32
        %eq3A_1337 = vector.broadcast %eq3A_1336 : i32 to vector<16xi32>
        %eq3A_1338 = arith.cmpi eq, %gather3A_1335, %eq3A_1337 : vector<16xi32>
        %jit3A_1339 = arith.constant 1.000000e+00 : f32
        %jit3A_1340 = arith.constant 0.000000e+00 : f32
        %broadcast_in_dim3A_1341 = vector.broadcast %jit3A_1339 : f32 to vector<16xf32>
        %broadcast_in_dim3A_1342 = vector.broadcast %jit3A_1340 : f32 to vector<16xf32>
        %select_n3A_1343 = arith.select %eq3A_1338, %broadcast_in_dim3A_1341, %broadcast_in_dim3A_1342 : vector<16xi1>, vector<16xf32>
        %add3A_1344 = arith.addf %add3A_1330, %select_n3A_1343 : vector<16xf32>
        %add3A_1345 = arith.constant 12 : i32
        %add3A_1346 = arith.addi %add3A_1174, %add3A_1345 : i32
        %add3A_1347 = vector.broadcast %add3A_1346 : i32 to vector<16xi32>
        %add3A_1348 = arith.addi %add3A_1347, %mul3A_9 : vector<16xi32>
        %gather3A_1349 = tpu.vector_load_idx %arg8[%add3A_1348] : memref<16640xi32, #tpu.memory_space<vmem>>[vector<16xi32>], vector<16xi32>,
        %eq3A_1350 = arith.constant 0 : i32
        %eq3A_1351 = vector.broadcast %eq3A_1350 : i32 to vector<16xi32>
        %eq3A_1352 = arith.cmpi eq, %gather3A_1349, %eq3A_1351 : vector<16xi32>
        %jit3A_1353 = arith.constant 1.000000e+00 : f32
        %jit3A_1354 = arith.constant 0.000000e+00 : f32
        %broadcast_in_dim3A_1355 = vector.broadcast %jit3A_1353 : f32 to vector<16xf32>
        %broadcast_in_dim3A_1356 = vector.broadcast %jit3A_1354 : f32 to vector<16xf32>
        %select_n3A_1357 = arith.select %eq3A_1352, %broadcast_in_dim3A_1355, %broadcast_in_dim3A_1356 : vector<16xi1>, vector<16xf32>
        %add3A_1358 = arith.addf %add3A_1344, %select_n3A_1357 : vector<16xf32>
        %add3A_1359 = arith.constant 13 : i32
        %add3A_1360 = arith.addi %add3A_1174, %add3A_1359 : i32
        %add3A_1361 = vector.broadcast %add3A_1360 : i32 to vector<16xi32>
        %add3A_1362 = arith.addi %add3A_1361, %mul3A_9 : vector<16xi32>
        %gather3A_1363 = tpu.vector_load_idx %arg8[%add3A_1362] : memref<16640xi32, #tpu.memory_space<vmem>>[vector<16xi32>], vector<16xi32>,
        %eq3A_1364 = arith.constant 0 : i32
        %eq3A_1365 = vector.broadcast %eq3A_1364 : i32 to vector<16xi32>
        %eq3A_1366 = arith.cmpi eq, %gather3A_1363, %eq3A_1365 : vector<16xi32>
        %jit3A_1367 = arith.constant 1.000000e+00 : f32
        %jit3A_1368 = arith.constant 0.000000e+00 : f32
        %broadcast_in_dim3A_1369 = vector.broadcast %jit3A_1367 : f32 to vector<16xf32>
        %broadcast_in_dim3A_1370 = vector.broadcast %jit3A_1368 : f32 to vector<16xf32>
        %select_n3A_1371 = arith.select %eq3A_1366, %broadcast_in_dim3A_1369, %broadcast_in_dim3A_1370 : vector<16xi1>, vector<16xf32>
        %add3A_1372 = arith.addf %add3A_1358, %select_n3A_1371 : vector<16xf32>
        %add3A_1373 = arith.constant 14 : i32
        %add3A_1374 = arith.addi %add3A_1174, %add3A_1373 : i32
        %add3A_1375 = vector.broadcast %add3A_1374 : i32 to vector<16xi32>
        %add3A_1376 = arith.addi %add3A_1375, %mul3A_9 : vector<16xi32>
        %gather3A_1377 = tpu.vector_load_idx %arg8[%add3A_1376] : memref<16640xi32, #tpu.memory_space<vmem>>[vector<16xi32>], vector<16xi32>,
        %eq3A_1378 = arith.constant 0 : i32
        %eq3A_1379 = vector.broadcast %eq3A_1378 : i32 to vector<16xi32>
        %eq3A_1380 = arith.cmpi eq, %gather3A_1377, %eq3A_1379 : vector<16xi32>
        %jit3A_1381 = arith.constant 1.000000e+00 : f32
        %jit3A_1382 = arith.constant 0.000000e+00 : f32
        %broadcast_in_dim3A_1383 = vector.broadcast %jit3A_1381 : f32 to vector<16xf32>
        %broadcast_in_dim3A_1384 = vector.broadcast %jit3A_1382 : f32 to vector<16xf32>
        %select_n3A_1385 = arith.select %eq3A_1380, %broadcast_in_dim3A_1383, %broadcast_in_dim3A_1384 : vector<16xi1>, vector<16xf32>
        %add3A_1386 = arith.addf %add3A_1372, %select_n3A_1385 : vector<16xf32>
        %add3A_1387 = arith.constant 15 : i32
        %add3A_1388 = arith.addi %add3A_1174, %add3A_1387 : i32
        %add3A_1389 = vector.broadcast %add3A_1388 : i32 to vector<16xi32>
        %add3A_1390 = arith.addi %add3A_1389, %mul3A_9 : vector<16xi32>
        %gather3A_1391 = tpu.vector_load_idx %arg8[%add3A_1390] : memref<16640xi32, #tpu.memory_space<vmem>>[vector<16xi32>], vector<16xi32>,
        %eq3A_1392 = arith.constant 0 : i32
        %eq3A_1393 = vector.broadcast %eq3A_1392 : i32 to vector<16xi32>
        %eq3A_1394 = arith.cmpi eq, %gather3A_1391, %eq3A_1393 : vector<16xi32>
        %jit3A_1395 = arith.constant 1.000000e+00 : f32
        %jit3A_1396 = arith.constant 0.000000e+00 : f32
        %broadcast_in_dim3A_1397 = vector.broadcast %jit3A_1395 : f32 to vector<16xf32>
        %broadcast_in_dim3A_1398 = vector.broadcast %jit3A_1396 : f32 to vector<16xf32>
        %select_n3A_1399 = arith.select %eq3A_1394, %broadcast_in_dim3A_1397, %broadcast_in_dim3A_1398 : vector<16xi1>, vector<16xf32>
        %add3A_1400 = arith.addf %add3A_1386, %select_n3A_1399 : vector<16xf32>
        %add3A_1401 = arith.constant 16 : i32
        %add3A_1402 = arith.addi %add3A_1174, %add3A_1401 : i32
        %add3A_1403 = vector.broadcast %add3A_1402 : i32 to vector<16xi32>
        %add3A_1404 = arith.addi %add3A_1403, %mul3A_9 : vector<16xi32>
        %gather3A_1405 = tpu.vector_load_idx %arg8[%add3A_1404] : memref<16640xi32, #tpu.memory_space<vmem>>[vector<16xi32>], vector<16xi32>,
        %eq3A_1406 = arith.constant 0 : i32
        %eq3A_1407 = vector.broadcast %eq3A_1406 : i32 to vector<16xi32>
        %eq3A_1408 = arith.cmpi eq, %gather3A_1405, %eq3A_1407 : vector<16xi32>
        %jit3A_1409 = arith.constant 1.000000e+00 : f32
        %jit3A_1410 = arith.constant 0.000000e+00 : f32
        %broadcast_in_dim3A_1411 = vector.broadcast %jit3A_1409 : f32 to vector<16xf32>
        %broadcast_in_dim3A_1412 = vector.broadcast %jit3A_1410 : f32 to vector<16xf32>
        %select_n3A_1413 = arith.select %eq3A_1408, %broadcast_in_dim3A_1411, %broadcast_in_dim3A_1412 : vector<16xi1>, vector<16xf32>
        %add3A_1414 = arith.addf %add3A_1400, %select_n3A_1413 : vector<16xf32>
        %add3A_1415 = arith.constant 17 : i32
        %add3A_1416 = arith.addi %add3A_1174, %add3A_1415 : i32
        %add3A_1417 = vector.broadcast %add3A_1416 : i32 to vector<16xi32>
        %add3A_1418 = arith.addi %add3A_1417, %mul3A_9 : vector<16xi32>
        %gather3A_1419 = tpu.vector_load_idx %arg8[%add3A_1418] : memref<16640xi32, #tpu.memory_space<vmem>>[vector<16xi32>], vector<16xi32>,
        %eq3A_1420 = arith.constant 0 : i32
        %eq3A_1421 = vector.broadcast %eq3A_1420 : i32 to vector<16xi32>
        %eq3A_1422 = arith.cmpi eq, %gather3A_1419, %eq3A_1421 : vector<16xi32>
        %jit3A_1423 = arith.constant 1.000000e+00 : f32
        %jit3A_1424 = arith.constant 0.000000e+00 : f32
        %broadcast_in_dim3A_1425 = vector.broadcast %jit3A_1423 : f32 to vector<16xf32>
        %broadcast_in_dim3A_1426 = vector.broadcast %jit3A_1424 : f32 to vector<16xf32>
        %select_n3A_1427 = arith.select %eq3A_1422, %broadcast_in_dim3A_1425, %broadcast_in_dim3A_1426 : vector<16xi1>, vector<16xf32>
        %add3A_1428 = arith.addf %add3A_1414, %select_n3A_1427 : vector<16xf32>
        %add3A_1429 = arith.constant 18 : i32
        %add3A_1430 = arith.addi %add3A_1174, %add3A_1429 : i32
        %add3A_1431 = vector.broadcast %add3A_1430 : i32 to vector<16xi32>
        %add3A_1432 = arith.addi %add3A_1431, %mul3A_9 : vector<16xi32>
        %gather3A_1433 = tpu.vector_load_idx %arg8[%add3A_1432] : memref<16640xi32, #tpu.memory_space<vmem>>[vector<16xi32>], vector<16xi32>,
        %eq3A_1434 = arith.constant 0 : i32
        %eq3A_1435 = vector.broadcast %eq3A_1434 : i32 to vector<16xi32>
        %eq3A_1436 = arith.cmpi eq, %gather3A_1433, %eq3A_1435 : vector<16xi32>
        %jit3A_1437 = arith.constant 1.000000e+00 : f32
        %jit3A_1438 = arith.constant 0.000000e+00 : f32
        %broadcast_in_dim3A_1439 = vector.broadcast %jit3A_1437 : f32 to vector<16xf32>
        %broadcast_in_dim3A_1440 = vector.broadcast %jit3A_1438 : f32 to vector<16xf32>
        %select_n3A_1441 = arith.select %eq3A_1436, %broadcast_in_dim3A_1439, %broadcast_in_dim3A_1440 : vector<16xi1>, vector<16xf32>
        %add3A_1442 = arith.addf %add3A_1428, %select_n3A_1441 : vector<16xf32>
        %add3A_1443 = arith.constant 19 : i32
        %add3A_1444 = arith.addi %add3A_1174, %add3A_1443 : i32
        %add3A_1445 = vector.broadcast %add3A_1444 : i32 to vector<16xi32>
        %add3A_1446 = arith.addi %add3A_1445, %mul3A_9 : vector<16xi32>
        %gather3A_1447 = tpu.vector_load_idx %arg8[%add3A_1446] : memref<16640xi32, #tpu.memory_space<vmem>>[vector<16xi32>], vector<16xi32>,
        %eq3A_1448 = arith.constant 0 : i32
        %eq3A_1449 = vector.broadcast %eq3A_1448 : i32 to vector<16xi32>
        %eq3A_1450 = arith.cmpi eq, %gather3A_1447, %eq3A_1449 : vector<16xi32>
        %jit3A_1451 = arith.constant 1.000000e+00 : f32
        %jit3A_1452 = arith.constant 0.000000e+00 : f32
        %broadcast_in_dim3A_1453 = vector.broadcast %jit3A_1451 : f32 to vector<16xf32>
        %broadcast_in_dim3A_1454 = vector.broadcast %jit3A_1452 : f32 to vector<16xf32>
        %select_n3A_1455 = arith.select %eq3A_1450, %broadcast_in_dim3A_1453, %broadcast_in_dim3A_1454 : vector<16xi1>, vector<16xf32>
        %add3A_1456 = arith.addf %add3A_1442, %select_n3A_1455 : vector<16xf32>
        %add3A_1457 = arith.constant 16 : i32
        %add3A_1458 = vector.broadcast %add3A_1457 : i32 to vector<16xi32>
        %add3A_1459 = arith.addi %add3A_1458, %iota3A : vector<16xi32>
        tpu.vector_store_idx %arg13[%add3A_1459], %add3A_1456 : memref<64xf32, #tpu.memory_space<vmem>>[vector<16xi32>], vector<16xf32>,
        %add3A_1460 = arith.constant 48 : i32
        %add3A_1461 = vector.broadcast %add3A_1460 : i32 to vector<16xi32>
        %add3A_1462 = arith.addi %add3A_1461, %iota3A : vector<16xi32>
        tpu.vector_store_idx %arg13[%add3A_1462], %div3A_1172 : memref<64xf32, #tpu.memory_space<vmem>>[vector<16xi32>], vector<16xf32>,
        %scan3A_1463 = arith.constant 0 : i32
        %scan3A_1464 = arith.constant 0 : i32
        %scan3A_1465 = arith.constant 32 : i32
        %scan3A_1466 = arith.addi %scan3A_1464, %scan3A_1465 : i32
        %scan3A_1467 = arith.constant 1 : i32
        %scan3A_1468 = scf.for %scan3A_1473 = %scan3A_1464 to %scan3A_1466 step %scan3A_1467 iter_args(%scan3A_1474 = %scan3A_1463) -> (i32)  : i32 {
          %mul3A_1475 = arith.constant 20 : i32
          %mul3A_1476 = arith.muli %scan3A_1473, %mul3A_1475 : i32
          %get3A_1477 = arith.index_cast %mul3A_1476 : i32 to index
          %get3A_1478 = arith.constant 0 : index
          %get3A_1479 = tpu.vector_load %arg11[%get3A_1477, %get3A_1478] {strides = array<i32>} : memref<640x64xf32, #tpu.memory_space<vmem>>, vector<16xf32>,
          %get3A_1480 = arith.index_cast %mul3A_1476 : i32 to index
          %get3A_1481 = arith.constant 16 : index
          %get3A_1482 = tpu.vector_load %arg11[%get3A_1480, %get3A_1481] {strides = array<i32>} : memref<640x64xf32, #tpu.memory_space<vmem>>, vector<16xf32>,
          %get3A_1483 = arith.index_cast %mul3A_1476 : i32 to index
          %get3A_1484 = arith.constant 32 : index
          %get3A_1485 = tpu.vector_load %arg11[%get3A_1483, %get3A_1484] {strides = array<i32>} : memref<640x64xf32, #tpu.memory_space<vmem>>, vector<16xf32>,
          %get3A_1486 = arith.index_cast %mul3A_1476 : i32 to index
          %get3A_1487 = arith.constant 48 : index
          %get3A_1488 = tpu.vector_load %arg11[%get3A_1486, %get3A_1487] {strides = array<i32>} : memref<640x64xf32, #tpu.memory_space<vmem>>, vector<16xf32>,
          %add3A_1489 = arith.constant 1 : i32
          %add3A_1490 = arith.addi %mul3A_1476, %add3A_1489 : i32
          %get3A_1491 = arith.index_cast %add3A_1490 : i32 to index
          %get3A_1492 = arith.constant 0 : index
          %get3A_1493 = tpu.vector_load %arg11[%get3A_1491, %get3A_1492] {strides = array<i32>} : memref<640x64xf32, #tpu.memory_space<vmem>>, vector<16xf32>,
          %add3A_1494 = arith.addf %get3A_1479, %get3A_1493 : vector<16xf32>
          %add3A_1495 = arith.constant 1 : i32
          %add3A_1496 = arith.addi %mul3A_1476, %add3A_1495 : i32
          %get3A_1497 = arith.index_cast %add3A_1496 : i32 to index
          %get3A_1498 = arith.constant 16 : index
          %get3A_1499 = tpu.vector_load %arg11[%get3A_1497, %get3A_1498] {strides = array<i32>} : memref<640x64xf32, #tpu.memory_space<vmem>>, vector<16xf32>,
          %add3A_1500 = arith.addf %get3A_1482, %get3A_1499 : vector<16xf32>
          %add3A_1501 = arith.constant 1 : i32
          %add3A_1502 = arith.addi %mul3A_1476, %add3A_1501 : i32
          %get3A_1503 = arith.index_cast %add3A_1502 : i32 to index
          %get3A_1504 = arith.constant 32 : index
          %get3A_1505 = tpu.vector_load %arg11[%get3A_1503, %get3A_1504] {strides = array<i32>} : memref<640x64xf32, #tpu.memory_space<vmem>>, vector<16xf32>,
          %add3A_1506 = arith.addf %get3A_1485, %get3A_1505 : vector<16xf32>
          %add3A_1507 = arith.constant 1 : i32
          %add3A_1508 = arith.addi %mul3A_1476, %add3A_1507 : i32
          %get3A_1509 = arith.index_cast %add3A_1508 : i32 to index
          %get3A_1510 = arith.constant 48 : index
          %get3A_1511 = tpu.vector_load %arg11[%get3A_1509, %get3A_1510] {strides = array<i32>} : memref<640x64xf32, #tpu.memory_space<vmem>>, vector<16xf32>,
          %add3A_1512 = arith.addf %get3A_1488, %get3A_1511 : vector<16xf32>
          %add3A_1513 = arith.constant 2 : i32
          %add3A_1514 = arith.addi %mul3A_1476, %add3A_1513 : i32
          %get3A_1515 = arith.index_cast %add3A_1514 : i32 to index
          %get3A_1516 = arith.constant 0 : index
          %get3A_1517 = tpu.vector_load %arg11[%get3A_1515, %get3A_1516] {strides = array<i32>} : memref<640x64xf32, #tpu.memory_space<vmem>>, vector<16xf32>,
          %add3A_1518 = arith.addf %add3A_1494, %get3A_1517 : vector<16xf32>
          %add3A_1519 = arith.constant 2 : i32
          %add3A_1520 = arith.addi %mul3A_1476, %add3A_1519 : i32
          %get3A_1521 = arith.index_cast %add3A_1520 : i32 to index
          %get3A_1522 = arith.constant 16 : index
          %get3A_1523 = tpu.vector_load %arg11[%get3A_1521, %get3A_1522] {strides = array<i32>} : memref<640x64xf32, #tpu.memory_space<vmem>>, vector<16xf32>,
          %add3A_1524 = arith.addf %add3A_1500, %get3A_1523 : vector<16xf32>
          %add3A_1525 = arith.constant 2 : i32
          %add3A_1526 = arith.addi %mul3A_1476, %add3A_1525 : i32
          %get3A_1527 = arith.index_cast %add3A_1526 : i32 to index
          %get3A_1528 = arith.constant 32 : index
          %get3A_1529 = tpu.vector_load %arg11[%get3A_1527, %get3A_1528] {strides = array<i32>} : memref<640x64xf32, #tpu.memory_space<vmem>>, vector<16xf32>,
          %add3A_1530 = arith.addf %add3A_1506, %get3A_1529 : vector<16xf32>
          %add3A_1531 = arith.constant 2 : i32
          %add3A_1532 = arith.addi %mul3A_1476, %add3A_1531 : i32
          %get3A_1533 = arith.index_cast %add3A_1532 : i32 to index
          %get3A_1534 = arith.constant 48 : index
          %get3A_1535 = tpu.vector_load %arg11[%get3A_1533, %get3A_1534] {strides = array<i32>} : memref<640x64xf32, #tpu.memory_space<vmem>>, vector<16xf32>,
          %add3A_1536 = arith.addf %add3A_1512, %get3A_1535 : vector<16xf32>
          %add3A_1537 = arith.constant 3 : i32
          %add3A_1538 = arith.addi %mul3A_1476, %add3A_1537 : i32
          %get3A_1539 = arith.index_cast %add3A_1538 : i32 to index
          %get3A_1540 = arith.constant 0 : index
          %get3A_1541 = tpu.vector_load %arg11[%get3A_1539, %get3A_1540] {strides = array<i32>} : memref<640x64xf32, #tpu.memory_space<vmem>>, vector<16xf32>,
          %add3A_1542 = arith.addf %add3A_1518, %get3A_1541 : vector<16xf32>
          %add3A_1543 = arith.constant 3 : i32
          %add3A_1544 = arith.addi %mul3A_1476, %add3A_1543 : i32
          %get3A_1545 = arith.index_cast %add3A_1544 : i32 to index
          %get3A_1546 = arith.constant 16 : index
          %get3A_1547 = tpu.vector_load %arg11[%get3A_1545, %get3A_1546] {strides = array<i32>} : memref<640x64xf32, #tpu.memory_space<vmem>>, vector<16xf32>,
          %add3A_1548 = arith.addf %add3A_1524, %get3A_1547 : vector<16xf32>
          %add3A_1549 = arith.constant 3 : i32
          %add3A_1550 = arith.addi %mul3A_1476, %add3A_1549 : i32
          %get3A_1551 = arith.index_cast %add3A_1550 : i32 to index
          %get3A_1552 = arith.constant 32 : index
          %get3A_1553 = tpu.vector_load %arg11[%get3A_1551, %get3A_1552] {strides = array<i32>} : memref<640x64xf32, #tpu.memory_space<vmem>>, vector<16xf32>,
          %add3A_1554 = arith.addf %add3A_1530, %get3A_1553 : vector<16xf32>
          %add3A_1555 = arith.constant 3 : i32
          %add3A_1556 = arith.addi %mul3A_1476, %add3A_1555 : i32
          %get3A_1557 = arith.index_cast %add3A_1556 : i32 to index
          %get3A_1558 = arith.constant 48 : index
          %get3A_1559 = tpu.vector_load %arg11[%get3A_1557, %get3A_1558] {strides = array<i32>} : memref<640x64xf32, #tpu.memory_space<vmem>>, vector<16xf32>,
          %add3A_1560 = arith.addf %add3A_1536, %get3A_1559 : vector<16xf32>
          %add3A_1561 = arith.constant 4 : i32
          %add3A_1562 = arith.addi %mul3A_1476, %add3A_1561 : i32
          %get3A_1563 = arith.index_cast %add3A_1562 : i32 to index
          %get3A_1564 = arith.constant 0 : index
          %get3A_1565 = tpu.vector_load %arg11[%get3A_1563, %get3A_1564] {strides = array<i32>} : memref<640x64xf32, #tpu.memory_space<vmem>>, vector<16xf32>,
          %add3A_1566 = arith.addf %add3A_1542, %get3A_1565 : vector<16xf32>
          %add3A_1567 = arith.constant 4 : i32
          %add3A_1568 = arith.addi %mul3A_1476, %add3A_1567 : i32
          %get3A_1569 = arith.index_cast %add3A_1568 : i32 to index
          %get3A_1570 = arith.constant 16 : index
          %get3A_1571 = tpu.vector_load %arg11[%get3A_1569, %get3A_1570] {strides = array<i32>} : memref<640x64xf32, #tpu.memory_space<vmem>>, vector<16xf32>,
          %add3A_1572 = arith.addf %add3A_1548, %get3A_1571 : vector<16xf32>
          %add3A_1573 = arith.constant 4 : i32
          %add3A_1574 = arith.addi %mul3A_1476, %add3A_1573 : i32
          %get3A_1575 = arith.index_cast %add3A_1574 : i32 to index
          %get3A_1576 = arith.constant 32 : index
          %get3A_1577 = tpu.vector_load %arg11[%get3A_1575, %get3A_1576] {strides = array<i32>} : memref<640x64xf32, #tpu.memory_space<vmem>>, vector<16xf32>,
          %add3A_1578 = arith.addf %add3A_1554, %get3A_1577 : vector<16xf32>
          %add3A_1579 = arith.constant 4 : i32
          %add3A_1580 = arith.addi %mul3A_1476, %add3A_1579 : i32
          %get3A_1581 = arith.index_cast %add3A_1580 : i32 to index
          %get3A_1582 = arith.constant 48 : index
          %get3A_1583 = tpu.vector_load %arg11[%get3A_1581, %get3A_1582] {strides = array<i32>} : memref<640x64xf32, #tpu.memory_space<vmem>>, vector<16xf32>,
          %add3A_1584 = arith.addf %add3A_1560, %get3A_1583 : vector<16xf32>
          %add3A_1585 = arith.constant 5 : i32
          %add3A_1586 = arith.addi %mul3A_1476, %add3A_1585 : i32
          %get3A_1587 = arith.index_cast %add3A_1586 : i32 to index
          %get3A_1588 = arith.constant 0 : index
          %get3A_1589 = tpu.vector_load %arg11[%get3A_1587, %get3A_1588] {strides = array<i32>} : memref<640x64xf32, #tpu.memory_space<vmem>>, vector<16xf32>,
          %add3A_1590 = arith.addf %add3A_1566, %get3A_1589 : vector<16xf32>
          %add3A_1591 = arith.constant 5 : i32
          %add3A_1592 = arith.addi %mul3A_1476, %add3A_1591 : i32
          %get3A_1593 = arith.index_cast %add3A_1592 : i32 to index
          %get3A_1594 = arith.constant 16 : index
          %get3A_1595 = tpu.vector_load %arg11[%get3A_1593, %get3A_1594] {strides = array<i32>} : memref<640x64xf32, #tpu.memory_space<vmem>>, vector<16xf32>,
          %add3A_1596 = arith.addf %add3A_1572, %get3A_1595 : vector<16xf32>
          %add3A_1597 = arith.constant 5 : i32
          %add3A_1598 = arith.addi %mul3A_1476, %add3A_1597 : i32
          %get3A_1599 = arith.index_cast %add3A_1598 : i32 to index
          %get3A_1600 = arith.constant 32 : index
          %get3A_1601 = tpu.vector_load %arg11[%get3A_1599, %get3A_1600] {strides = array<i32>} : memref<640x64xf32, #tpu.memory_space<vmem>>, vector<16xf32>,
          %add3A_1602 = arith.addf %add3A_1578, %get3A_1601 : vector<16xf32>
          %add3A_1603 = arith.constant 5 : i32
          %add3A_1604 = arith.addi %mul3A_1476, %add3A_1603 : i32
          %get3A_1605 = arith.index_cast %add3A_1604 : i32 to index
          %get3A_1606 = arith.constant 48 : index
          %get3A_1607 = tpu.vector_load %arg11[%get3A_1605, %get3A_1606] {strides = array<i32>} : memref<640x64xf32, #tpu.memory_space<vmem>>, vector<16xf32>,
          %add3A_1608 = arith.addf %add3A_1584, %get3A_1607 : vector<16xf32>
          %add3A_1609 = arith.constant 6 : i32
          %add3A_1610 = arith.addi %mul3A_1476, %add3A_1609 : i32
          %get3A_1611 = arith.index_cast %add3A_1610 : i32 to index
          %get3A_1612 = arith.constant 0 : index
          %get3A_1613 = tpu.vector_load %arg11[%get3A_1611, %get3A_1612] {strides = array<i32>} : memref<640x64xf32, #tpu.memory_space<vmem>>, vector<16xf32>,
          %add3A_1614 = arith.addf %add3A_1590, %get3A_1613 : vector<16xf32>
          %add3A_1615 = arith.constant 6 : i32
          %add3A_1616 = arith.addi %mul3A_1476, %add3A_1615 : i32
          %get3A_1617 = arith.index_cast %add3A_1616 : i32 to index
          %get3A_1618 = arith.constant 16 : index
          %get3A_1619 = tpu.vector_load %arg11[%get3A_1617, %get3A_1618] {strides = array<i32>} : memref<640x64xf32, #tpu.memory_space<vmem>>, vector<16xf32>,
          %add3A_1620 = arith.addf %add3A_1596, %get3A_1619 : vector<16xf32>
          %add3A_1621 = arith.constant 6 : i32
          %add3A_1622 = arith.addi %mul3A_1476, %add3A_1621 : i32
          %get3A_1623 = arith.index_cast %add3A_1622 : i32 to index
          %get3A_1624 = arith.constant 32 : index
          %get3A_1625 = tpu.vector_load %arg11[%get3A_1623, %get3A_1624] {strides = array<i32>} : memref<640x64xf32, #tpu.memory_space<vmem>>, vector<16xf32>,
          %add3A_1626 = arith.addf %add3A_1602, %get3A_1625 : vector<16xf32>
          %add3A_1627 = arith.constant 6 : i32
          %add3A_1628 = arith.addi %mul3A_1476, %add3A_1627 : i32
          %get3A_1629 = arith.index_cast %add3A_1628 : i32 to index
          %get3A_1630 = arith.constant 48 : index
          %get3A_1631 = tpu.vector_load %arg11[%get3A_1629, %get3A_1630] {strides = array<i32>} : memref<640x64xf32, #tpu.memory_space<vmem>>, vector<16xf32>,
          %add3A_1632 = arith.addf %add3A_1608, %get3A_1631 : vector<16xf32>
          %add3A_1633 = arith.constant 7 : i32
          %add3A_1634 = arith.addi %mul3A_1476, %add3A_1633 : i32
          %get3A_1635 = arith.index_cast %add3A_1634 : i32 to index
          %get3A_1636 = arith.constant 0 : index
          %get3A_1637 = tpu.vector_load %arg11[%get3A_1635, %get3A_1636] {strides = array<i32>} : memref<640x64xf32, #tpu.memory_space<vmem>>, vector<16xf32>,
          %add3A_1638 = arith.addf %add3A_1614, %get3A_1637 : vector<16xf32>
          %add3A_1639 = arith.constant 7 : i32
          %add3A_1640 = arith.addi %mul3A_1476, %add3A_1639 : i32
          %get3A_1641 = arith.index_cast %add3A_1640 : i32 to index
          %get3A_1642 = arith.constant 16 : index
          %get3A_1643 = tpu.vector_load %arg11[%get3A_1641, %get3A_1642] {strides = array<i32>} : memref<640x64xf32, #tpu.memory_space<vmem>>, vector<16xf32>,
          %add3A_1644 = arith.addf %add3A_1620, %get3A_1643 : vector<16xf32>
          %add3A_1645 = arith.constant 7 : i32
          %add3A_1646 = arith.addi %mul3A_1476, %add3A_1645 : i32
          %get3A_1647 = arith.index_cast %add3A_1646 : i32 to index
          %get3A_1648 = arith.constant 32 : index
          %get3A_1649 = tpu.vector_load %arg11[%get3A_1647, %get3A_1648] {strides = array<i32>} : memref<640x64xf32, #tpu.memory_space<vmem>>, vector<16xf32>,
          %add3A_1650 = arith.addf %add3A_1626, %get3A_1649 : vector<16xf32>
          %add3A_1651 = arith.constant 7 : i32
          %add3A_1652 = arith.addi %mul3A_1476, %add3A_1651 : i32
          %get3A_1653 = arith.index_cast %add3A_1652 : i32 to index
          %get3A_1654 = arith.constant 48 : index
          %get3A_1655 = tpu.vector_load %arg11[%get3A_1653, %get3A_1654] {strides = array<i32>} : memref<640x64xf32, #tpu.memory_space<vmem>>, vector<16xf32>,
          %add3A_1656 = arith.addf %add3A_1632, %get3A_1655 : vector<16xf32>
          %add3A_1657 = arith.constant 8 : i32
          %add3A_1658 = arith.addi %mul3A_1476, %add3A_1657 : i32
          %get3A_1659 = arith.index_cast %add3A_1658 : i32 to index
          %get3A_1660 = arith.constant 0 : index
          %get3A_1661 = tpu.vector_load %arg11[%get3A_1659, %get3A_1660] {strides = array<i32>} : memref<640x64xf32, #tpu.memory_space<vmem>>, vector<16xf32>,
          %add3A_1662 = arith.addf %add3A_1638, %get3A_1661 : vector<16xf32>
          %add3A_1663 = arith.constant 8 : i32
          %add3A_1664 = arith.addi %mul3A_1476, %add3A_1663 : i32
          %get3A_1665 = arith.index_cast %add3A_1664 : i32 to index
          %get3A_1666 = arith.constant 16 : index
          %get3A_1667 = tpu.vector_load %arg11[%get3A_1665, %get3A_1666] {strides = array<i32>} : memref<640x64xf32, #tpu.memory_space<vmem>>, vector<16xf32>,
          %add3A_1668 = arith.addf %add3A_1644, %get3A_1667 : vector<16xf32>
          %add3A_1669 = arith.constant 8 : i32
          %add3A_1670 = arith.addi %mul3A_1476, %add3A_1669 : i32
          %get3A_1671 = arith.index_cast %add3A_1670 : i32 to index
          %get3A_1672 = arith.constant 32 : index
          %get3A_1673 = tpu.vector_load %arg11[%get3A_1671, %get3A_1672] {strides = array<i32>} : memref<640x64xf32, #tpu.memory_space<vmem>>, vector<16xf32>,
          %add3A_1674 = arith.addf %add3A_1650, %get3A_1673 : vector<16xf32>
          %add3A_1675 = arith.constant 8 : i32
          %add3A_1676 = arith.addi %mul3A_1476, %add3A_1675 : i32
          %get3A_1677 = arith.index_cast %add3A_1676 : i32 to index
          %get3A_1678 = arith.constant 48 : index
          %get3A_1679 = tpu.vector_load %arg11[%get3A_1677, %get3A_1678] {strides = array<i32>} : memref<640x64xf32, #tpu.memory_space<vmem>>, vector<16xf32>,
          %add3A_1680 = arith.addf %add3A_1656, %get3A_1679 : vector<16xf32>
          %add3A_1681 = arith.constant 9 : i32
          %add3A_1682 = arith.addi %mul3A_1476, %add3A_1681 : i32
          %get3A_1683 = arith.index_cast %add3A_1682 : i32 to index
          %get3A_1684 = arith.constant 0 : index
          %get3A_1685 = tpu.vector_load %arg11[%get3A_1683, %get3A_1684] {strides = array<i32>} : memref<640x64xf32, #tpu.memory_space<vmem>>, vector<16xf32>,
          %add3A_1686 = arith.addf %add3A_1662, %get3A_1685 : vector<16xf32>
          %add3A_1687 = arith.constant 9 : i32
          %add3A_1688 = arith.addi %mul3A_1476, %add3A_1687 : i32
          %get3A_1689 = arith.index_cast %add3A_1688 : i32 to index
          %get3A_1690 = arith.constant 16 : index
          %get3A_1691 = tpu.vector_load %arg11[%get3A_1689, %get3A_1690] {strides = array<i32>} : memref<640x64xf32, #tpu.memory_space<vmem>>, vector<16xf32>,
          %add3A_1692 = arith.addf %add3A_1668, %get3A_1691 : vector<16xf32>
          %add3A_1693 = arith.constant 9 : i32
          %add3A_1694 = arith.addi %mul3A_1476, %add3A_1693 : i32
          %get3A_1695 = arith.index_cast %add3A_1694 : i32 to index
          %get3A_1696 = arith.constant 32 : index
          %get3A_1697 = tpu.vector_load %arg11[%get3A_1695, %get3A_1696] {strides = array<i32>} : memref<640x64xf32, #tpu.memory_space<vmem>>, vector<16xf32>,
          %add3A_1698 = arith.addf %add3A_1674, %get3A_1697 : vector<16xf32>
          %add3A_1699 = arith.constant 9 : i32
          %add3A_1700 = arith.addi %mul3A_1476, %add3A_1699 : i32
          %get3A_1701 = arith.index_cast %add3A_1700 : i32 to index
          %get3A_1702 = arith.constant 48 : index
          %get3A_1703 = tpu.vector_load %arg11[%get3A_1701, %get3A_1702] {strides = array<i32>} : memref<640x64xf32, #tpu.memory_space<vmem>>, vector<16xf32>,
          %add3A_1704 = arith.addf %add3A_1680, %get3A_1703 : vector<16xf32>
          %add3A_1705 = arith.constant 10 : i32
          %add3A_1706 = arith.addi %mul3A_1476, %add3A_1705 : i32
          %get3A_1707 = arith.index_cast %add3A_1706 : i32 to index
          %get3A_1708 = arith.constant 0 : index
          %get3A_1709 = tpu.vector_load %arg11[%get3A_1707, %get3A_1708] {strides = array<i32>} : memref<640x64xf32, #tpu.memory_space<vmem>>, vector<16xf32>,
          %add3A_1710 = arith.addf %add3A_1686, %get3A_1709 : vector<16xf32>
          %add3A_1711 = arith.constant 10 : i32
          %add3A_1712 = arith.addi %mul3A_1476, %add3A_1711 : i32
          %get3A_1713 = arith.index_cast %add3A_1712 : i32 to index
          %get3A_1714 = arith.constant 16 : index
          %get3A_1715 = tpu.vector_load %arg11[%get3A_1713, %get3A_1714] {strides = array<i32>} : memref<640x64xf32, #tpu.memory_space<vmem>>, vector<16xf32>,
          %add3A_1716 = arith.addf %add3A_1692, %get3A_1715 : vector<16xf32>
          %add3A_1717 = arith.constant 10 : i32
          %add3A_1718 = arith.addi %mul3A_1476, %add3A_1717 : i32
          %get3A_1719 = arith.index_cast %add3A_1718 : i32 to index
          %get3A_1720 = arith.constant 32 : index
          %get3A_1721 = tpu.vector_load %arg11[%get3A_1719, %get3A_1720] {strides = array<i32>} : memref<640x64xf32, #tpu.memory_space<vmem>>, vector<16xf32>,
          %add3A_1722 = arith.addf %add3A_1698, %get3A_1721 : vector<16xf32>
          %add3A_1723 = arith.constant 10 : i32
          %add3A_1724 = arith.addi %mul3A_1476, %add3A_1723 : i32
          %get3A_1725 = arith.index_cast %add3A_1724 : i32 to index
          %get3A_1726 = arith.constant 48 : index
          %get3A_1727 = tpu.vector_load %arg11[%get3A_1725, %get3A_1726] {strides = array<i32>} : memref<640x64xf32, #tpu.memory_space<vmem>>, vector<16xf32>,
          %add3A_1728 = arith.addf %add3A_1704, %get3A_1727 : vector<16xf32>
          %add3A_1729 = arith.constant 11 : i32
          %add3A_1730 = arith.addi %mul3A_1476, %add3A_1729 : i32
          %get3A_1731 = arith.index_cast %add3A_1730 : i32 to index
          %get3A_1732 = arith.constant 0 : index
          %get3A_1733 = tpu.vector_load %arg11[%get3A_1731, %get3A_1732] {strides = array<i32>} : memref<640x64xf32, #tpu.memory_space<vmem>>, vector<16xf32>,
          %add3A_1734 = arith.addf %add3A_1710, %get3A_1733 : vector<16xf32>
          %add3A_1735 = arith.constant 11 : i32
          %add3A_1736 = arith.addi %mul3A_1476, %add3A_1735 : i32
          %get3A_1737 = arith.index_cast %add3A_1736 : i32 to index
          %get3A_1738 = arith.constant 16 : index
          %get3A_1739 = tpu.vector_load %arg11[%get3A_1737, %get3A_1738] {strides = array<i32>} : memref<640x64xf32, #tpu.memory_space<vmem>>, vector<16xf32>,
          %add3A_1740 = arith.addf %add3A_1716, %get3A_1739 : vector<16xf32>
          %add3A_1741 = arith.constant 11 : i32
          %add3A_1742 = arith.addi %mul3A_1476, %add3A_1741 : i32
          %get3A_1743 = arith.index_cast %add3A_1742 : i32 to index
          %get3A_1744 = arith.constant 32 : index
          %get3A_1745 = tpu.vector_load %arg11[%get3A_1743, %get3A_1744] {strides = array<i32>} : memref<640x64xf32, #tpu.memory_space<vmem>>, vector<16xf32>,
          %add3A_1746 = arith.addf %add3A_1722, %get3A_1745 : vector<16xf32>
          %add3A_1747 = arith.constant 11 : i32
          %add3A_1748 = arith.addi %mul3A_1476, %add3A_1747 : i32
          %get3A_1749 = arith.index_cast %add3A_1748 : i32 to index
          %get3A_1750 = arith.constant 48 : index
          %get3A_1751 = tpu.vector_load %arg11[%get3A_1749, %get3A_1750] {strides = array<i32>} : memref<640x64xf32, #tpu.memory_space<vmem>>, vector<16xf32>,
          %add3A_1752 = arith.addf %add3A_1728, %get3A_1751 : vector<16xf32>
          %add3A_1753 = arith.constant 12 : i32
          %add3A_1754 = arith.addi %mul3A_1476, %add3A_1753 : i32
          %get3A_1755 = arith.index_cast %add3A_1754 : i32 to index
          %get3A_1756 = arith.constant 0 : index
          %get3A_1757 = tpu.vector_load %arg11[%get3A_1755, %get3A_1756] {strides = array<i32>} : memref<640x64xf32, #tpu.memory_space<vmem>>, vector<16xf32>,
          %add3A_1758 = arith.addf %add3A_1734, %get3A_1757 : vector<16xf32>
          %add3A_1759 = arith.constant 12 : i32
          %add3A_1760 = arith.addi %mul3A_1476, %add3A_1759 : i32
          %get3A_1761 = arith.index_cast %add3A_1760 : i32 to index
          %get3A_1762 = arith.constant 16 : index
          %get3A_1763 = tpu.vector_load %arg11[%get3A_1761, %get3A_1762] {strides = array<i32>} : memref<640x64xf32, #tpu.memory_space<vmem>>, vector<16xf32>,
          %add3A_1764 = arith.addf %add3A_1740, %get3A_1763 : vector<16xf32>
          %add3A_1765 = arith.constant 12 : i32
          %add3A_1766 = arith.addi %mul3A_1476, %add3A_1765 : i32
          %get3A_1767 = arith.index_cast %add3A_1766 : i32 to index
          %get3A_1768 = arith.constant 32 : index
          %get3A_1769 = tpu.vector_load %arg11[%get3A_1767, %get3A_1768] {strides = array<i32>} : memref<640x64xf32, #tpu.memory_space<vmem>>, vector<16xf32>,
          %add3A_1770 = arith.addf %add3A_1746, %get3A_1769 : vector<16xf32>
          %add3A_1771 = arith.constant 12 : i32
          %add3A_1772 = arith.addi %mul3A_1476, %add3A_1771 : i32
          %get3A_1773 = arith.index_cast %add3A_1772 : i32 to index
          %get3A_1774 = arith.constant 48 : index
          %get3A_1775 = tpu.vector_load %arg11[%get3A_1773, %get3A_1774] {strides = array<i32>} : memref<640x64xf32, #tpu.memory_space<vmem>>, vector<16xf32>,
          %add3A_1776 = arith.addf %add3A_1752, %get3A_1775 : vector<16xf32>
          %add3A_1777 = arith.constant 13 : i32
          %add3A_1778 = arith.addi %mul3A_1476, %add3A_1777 : i32
          %get3A_1779 = arith.index_cast %add3A_1778 : i32 to index
          %get3A_1780 = arith.constant 0 : index
          %get3A_1781 = tpu.vector_load %arg11[%get3A_1779, %get3A_1780] {strides = array<i32>} : memref<640x64xf32, #tpu.memory_space<vmem>>, vector<16xf32>,
          %add3A_1782 = arith.addf %add3A_1758, %get3A_1781 : vector<16xf32>
          %add3A_1783 = arith.constant 13 : i32
          %add3A_1784 = arith.addi %mul3A_1476, %add3A_1783 : i32
          %get3A_1785 = arith.index_cast %add3A_1784 : i32 to index
          %get3A_1786 = arith.constant 16 : index
          %get3A_1787 = tpu.vector_load %arg11[%get3A_1785, %get3A_1786] {strides = array<i32>} : memref<640x64xf32, #tpu.memory_space<vmem>>, vector<16xf32>,
          %add3A_1788 = arith.addf %add3A_1764, %get3A_1787 : vector<16xf32>
          %add3A_1789 = arith.constant 13 : i32
          %add3A_1790 = arith.addi %mul3A_1476, %add3A_1789 : i32
          %get3A_1791 = arith.index_cast %add3A_1790 : i32 to index
          %get3A_1792 = arith.constant 32 : index
          %get3A_1793 = tpu.vector_load %arg11[%get3A_1791, %get3A_1792] {strides = array<i32>} : memref<640x64xf32, #tpu.memory_space<vmem>>, vector<16xf32>,
          %add3A_1794 = arith.addf %add3A_1770, %get3A_1793 : vector<16xf32>
          %add3A_1795 = arith.constant 13 : i32
          %add3A_1796 = arith.addi %mul3A_1476, %add3A_1795 : i32
          %get3A_1797 = arith.index_cast %add3A_1796 : i32 to index
          %get3A_1798 = arith.constant 48 : index
          %get3A_1799 = tpu.vector_load %arg11[%get3A_1797, %get3A_1798] {strides = array<i32>} : memref<640x64xf32, #tpu.memory_space<vmem>>, vector<16xf32>,
          %add3A_1800 = arith.addf %add3A_1776, %get3A_1799 : vector<16xf32>
          %add3A_1801 = arith.constant 14 : i32
          %add3A_1802 = arith.addi %mul3A_1476, %add3A_1801 : i32
          %get3A_1803 = arith.index_cast %add3A_1802 : i32 to index
          %get3A_1804 = arith.constant 0 : index
          %get3A_1805 = tpu.vector_load %arg11[%get3A_1803, %get3A_1804] {strides = array<i32>} : memref<640x64xf32, #tpu.memory_space<vmem>>, vector<16xf32>,
          %add3A_1806 = arith.addf %add3A_1782, %get3A_1805 : vector<16xf32>
          %add3A_1807 = arith.constant 14 : i32
          %add3A_1808 = arith.addi %mul3A_1476, %add3A_1807 : i32
          %get3A_1809 = arith.index_cast %add3A_1808 : i32 to index
          %get3A_1810 = arith.constant 16 : index
          %get3A_1811 = tpu.vector_load %arg11[%get3A_1809, %get3A_1810] {strides = array<i32>} : memref<640x64xf32, #tpu.memory_space<vmem>>, vector<16xf32>,
          %add3A_1812 = arith.addf %add3A_1788, %get3A_1811 : vector<16xf32>
          %add3A_1813 = arith.constant 14 : i32
          %add3A_1814 = arith.addi %mul3A_1476, %add3A_1813 : i32
          %get3A_1815 = arith.index_cast %add3A_1814 : i32 to index
          %get3A_1816 = arith.constant 32 : index
          %get3A_1817 = tpu.vector_load %arg11[%get3A_1815, %get3A_1816] {strides = array<i32>} : memref<640x64xf32, #tpu.memory_space<vmem>>, vector<16xf32>,
          %add3A_1818 = arith.addf %add3A_1794, %get3A_1817 : vector<16xf32>
          %add3A_1819 = arith.constant 14 : i32
          %add3A_1820 = arith.addi %mul3A_1476, %add3A_1819 : i32
          %get3A_1821 = arith.index_cast %add3A_1820 : i32 to index
          %get3A_1822 = arith.constant 48 : index
          %get3A_1823 = tpu.vector_load %arg11[%get3A_1821, %get3A_1822] {strides = array<i32>} : memref<640x64xf32, #tpu.memory_space<vmem>>, vector<16xf32>,
          %add3A_1824 = arith.addf %add3A_1800, %get3A_1823 : vector<16xf32>
          %add3A_1825 = arith.constant 15 : i32
          %add3A_1826 = arith.addi %mul3A_1476, %add3A_1825 : i32
          %get3A_1827 = arith.index_cast %add3A_1826 : i32 to index
          %get3A_1828 = arith.constant 0 : index
          %get3A_1829 = tpu.vector_load %arg11[%get3A_1827, %get3A_1828] {strides = array<i32>} : memref<640x64xf32, #tpu.memory_space<vmem>>, vector<16xf32>,
          %add3A_1830 = arith.addf %add3A_1806, %get3A_1829 : vector<16xf32>
          %add3A_1831 = arith.constant 15 : i32
          %add3A_1832 = arith.addi %mul3A_1476, %add3A_1831 : i32
          %get3A_1833 = arith.index_cast %add3A_1832 : i32 to index
          %get3A_1834 = arith.constant 16 : index
          %get3A_1835 = tpu.vector_load %arg11[%get3A_1833, %get3A_1834] {strides = array<i32>} : memref<640x64xf32, #tpu.memory_space<vmem>>, vector<16xf32>,
          %add3A_1836 = arith.addf %add3A_1812, %get3A_1835 : vector<16xf32>
          %add3A_1837 = arith.constant 15 : i32
          %add3A_1838 = arith.addi %mul3A_1476, %add3A_1837 : i32
          %get3A_1839 = arith.index_cast %add3A_1838 : i32 to index
          %get3A_1840 = arith.constant 32 : index
          %get3A_1841 = tpu.vector_load %arg11[%get3A_1839, %get3A_1840] {strides = array<i32>} : memref<640x64xf32, #tpu.memory_space<vmem>>, vector<16xf32>,
          %add3A_1842 = arith.addf %add3A_1818, %get3A_1841 : vector<16xf32>
          %add3A_1843 = arith.constant 15 : i32
          %add3A_1844 = arith.addi %mul3A_1476, %add3A_1843 : i32
          %get3A_1845 = arith.index_cast %add3A_1844 : i32 to index
          %get3A_1846 = arith.constant 48 : index
          %get3A_1847 = tpu.vector_load %arg11[%get3A_1845, %get3A_1846] {strides = array<i32>} : memref<640x64xf32, #tpu.memory_space<vmem>>, vector<16xf32>,
          %add3A_1848 = arith.addf %add3A_1824, %get3A_1847 : vector<16xf32>
          %add3A_1849 = arith.constant 16 : i32
          %add3A_1850 = arith.addi %mul3A_1476, %add3A_1849 : i32
          %get3A_1851 = arith.index_cast %add3A_1850 : i32 to index
          %get3A_1852 = arith.constant 0 : index
          %get3A_1853 = tpu.vector_load %arg11[%get3A_1851, %get3A_1852] {strides = array<i32>} : memref<640x64xf32, #tpu.memory_space<vmem>>, vector<16xf32>,
          %add3A_1854 = arith.addf %add3A_1830, %get3A_1853 : vector<16xf32>
          %add3A_1855 = arith.constant 16 : i32
          %add3A_1856 = arith.addi %mul3A_1476, %add3A_1855 : i32
          %get3A_1857 = arith.index_cast %add3A_1856 : i32 to index
          %get3A_1858 = arith.constant 16 : index
          %get3A_1859 = tpu.vector_load %arg11[%get3A_1857, %get3A_1858] {strides = array<i32>} : memref<640x64xf32, #tpu.memory_space<vmem>>, vector<16xf32>,
          %add3A_1860 = arith.addf %add3A_1836, %get3A_1859 : vector<16xf32>
          %add3A_1861 = arith.constant 16 : i32
          %add3A_1862 = arith.addi %mul3A_1476, %add3A_1861 : i32
          %get3A_1863 = arith.index_cast %add3A_1862 : i32 to index
          %get3A_1864 = arith.constant 32 : index
          %get3A_1865 = tpu.vector_load %arg11[%get3A_1863, %get3A_1864] {strides = array<i32>} : memref<640x64xf32, #tpu.memory_space<vmem>>, vector<16xf32>,
          %add3A_1866 = arith.addf %add3A_1842, %get3A_1865 : vector<16xf32>
          %add3A_1867 = arith.constant 16 : i32
          %add3A_1868 = arith.addi %mul3A_1476, %add3A_1867 : i32
          %get3A_1869 = arith.index_cast %add3A_1868 : i32 to index
          %get3A_1870 = arith.constant 48 : index
          %get3A_1871 = tpu.vector_load %arg11[%get3A_1869, %get3A_1870] {strides = array<i32>} : memref<640x64xf32, #tpu.memory_space<vmem>>, vector<16xf32>,
          %add3A_1872 = arith.addf %add3A_1848, %get3A_1871 : vector<16xf32>
          %add3A_1873 = arith.constant 17 : i32
          %add3A_1874 = arith.addi %mul3A_1476, %add3A_1873 : i32
          %get3A_1875 = arith.index_cast %add3A_1874 : i32 to index
          %get3A_1876 = arith.constant 0 : index
          %get3A_1877 = tpu.vector_load %arg11[%get3A_1875, %get3A_1876] {strides = array<i32>} : memref<640x64xf32, #tpu.memory_space<vmem>>, vector<16xf32>,
          %add3A_1878 = arith.addf %add3A_1854, %get3A_1877 : vector<16xf32>
          %add3A_1879 = arith.constant 17 : i32
          %add3A_1880 = arith.addi %mul3A_1476, %add3A_1879 : i32
          %get3A_1881 = arith.index_cast %add3A_1880 : i32 to index
          %get3A_1882 = arith.constant 16 : index
          %get3A_1883 = tpu.vector_load %arg11[%get3A_1881, %get3A_1882] {strides = array<i32>} : memref<640x64xf32, #tpu.memory_space<vmem>>, vector<16xf32>,
          %add3A_1884 = arith.addf %add3A_1860, %get3A_1883 : vector<16xf32>
          %add3A_1885 = arith.constant 17 : i32
          %add3A_1886 = arith.addi %mul3A_1476, %add3A_1885 : i32
          %get3A_1887 = arith.index_cast %add3A_1886 : i32 to index
          %get3A_1888 = arith.constant 32 : index
          %get3A_1889 = tpu.vector_load %arg11[%get3A_1887, %get3A_1888] {strides = array<i32>} : memref<640x64xf32, #tpu.memory_space<vmem>>, vector<16xf32>,
          %add3A_1890 = arith.addf %add3A_1866, %get3A_1889 : vector<16xf32>
          %add3A_1891 = arith.constant 17 : i32
          %add3A_1892 = arith.addi %mul3A_1476, %add3A_1891 : i32
          %get3A_1893 = arith.index_cast %add3A_1892 : i32 to index
          %get3A_1894 = arith.constant 48 : index
          %get3A_1895 = tpu.vector_load %arg11[%get3A_1893, %get3A_1894] {strides = array<i32>} : memref<640x64xf32, #tpu.memory_space<vmem>>, vector<16xf32>,
          %add3A_1896 = arith.addf %add3A_1872, %get3A_1895 : vector<16xf32>
          %add3A_1897 = arith.constant 18 : i32
          %add3A_1898 = arith.addi %mul3A_1476, %add3A_1897 : i32
          %get3A_1899 = arith.index_cast %add3A_1898 : i32 to index
          %get3A_1900 = arith.constant 0 : index
          %get3A_1901 = tpu.vector_load %arg11[%get3A_1899, %get3A_1900] {strides = array<i32>} : memref<640x64xf32, #tpu.memory_space<vmem>>, vector<16xf32>,
          %add3A_1902 = arith.addf %add3A_1878, %get3A_1901 : vector<16xf32>
          %add3A_1903 = arith.constant 18 : i32
          %add3A_1904 = arith.addi %mul3A_1476, %add3A_1903 : i32
          %get3A_1905 = arith.index_cast %add3A_1904 : i32 to index
          %get3A_1906 = arith.constant 16 : index
          %get3A_1907 = tpu.vector_load %arg11[%get3A_1905, %get3A_1906] {strides = array<i32>} : memref<640x64xf32, #tpu.memory_space<vmem>>, vector<16xf32>,
          %add3A_1908 = arith.addf %add3A_1884, %get3A_1907 : vector<16xf32>
          %add3A_1909 = arith.constant 18 : i32
          %add3A_1910 = arith.addi %mul3A_1476, %add3A_1909 : i32
          %get3A_1911 = arith.index_cast %add3A_1910 : i32 to index
          %get3A_1912 = arith.constant 32 : index
          %get3A_1913 = tpu.vector_load %arg11[%get3A_1911, %get3A_1912] {strides = array<i32>} : memref<640x64xf32, #tpu.memory_space<vmem>>, vector<16xf32>,
          %add3A_1914 = arith.addf %add3A_1890, %get3A_1913 : vector<16xf32>
          %add3A_1915 = arith.constant 18 : i32
          %add3A_1916 = arith.addi %mul3A_1476, %add3A_1915 : i32
          %get3A_1917 = arith.index_cast %add3A_1916 : i32 to index
          %get3A_1918 = arith.constant 48 : index
          %get3A_1919 = tpu.vector_load %arg11[%get3A_1917, %get3A_1918] {strides = array<i32>} : memref<640x64xf32, #tpu.memory_space<vmem>>, vector<16xf32>,
          %add3A_1920 = arith.addf %add3A_1896, %get3A_1919 : vector<16xf32>
          %add3A_1921 = arith.constant 19 : i32
          %add3A_1922 = arith.addi %mul3A_1476, %add3A_1921 : i32
          %get3A_1923 = arith.index_cast %add3A_1922 : i32 to index
          %get3A_1924 = arith.constant 0 : index
          %get3A_1925 = tpu.vector_load %arg11[%get3A_1923, %get3A_1924] {strides = array<i32>} : memref<640x64xf32, #tpu.memory_space<vmem>>, vector<16xf32>,
          %add3A_1926 = arith.addf %add3A_1902, %get3A_1925 : vector<16xf32>
          %add3A_1927 = arith.constant 19 : i32
          %add3A_1928 = arith.addi %mul3A_1476, %add3A_1927 : i32
          %get3A_1929 = arith.index_cast %add3A_1928 : i32 to index
          %get3A_1930 = arith.constant 16 : index
          %get3A_1931 = tpu.vector_load %arg11[%get3A_1929, %get3A_1930] {strides = array<i32>} : memref<640x64xf32, #tpu.memory_space<vmem>>, vector<16xf32>,
          %add3A_1932 = arith.addf %add3A_1908, %get3A_1931 : vector<16xf32>
          %add3A_1933 = arith.constant 19 : i32
          %add3A_1934 = arith.addi %mul3A_1476, %add3A_1933 : i32
          %get3A_1935 = arith.index_cast %add3A_1934 : i32 to index
          %get3A_1936 = arith.constant 32 : index
          %get3A_1937 = tpu.vector_load %arg11[%get3A_1935, %get3A_1936] {strides = array<i32>} : memref<640x64xf32, #tpu.memory_space<vmem>>, vector<16xf32>,
          %add3A_1938 = arith.addf %add3A_1914, %get3A_1937 : vector<16xf32>
          %add3A_1939 = arith.constant 19 : i32
          %add3A_1940 = arith.addi %mul3A_1476, %add3A_1939 : i32
          %get3A_1941 = arith.index_cast %add3A_1940 : i32 to index
          %get3A_1942 = arith.constant 48 : index
          %get3A_1943 = tpu.vector_load %arg11[%get3A_1941, %get3A_1942] {strides = array<i32>} : memref<640x64xf32, #tpu.memory_space<vmem>>, vector<16xf32>,
          %add3A_1944 = arith.addf %add3A_1920, %get3A_1943 : vector<16xf32>
          %broadcast_in_dim3A_1945 = arith.constant 0 : i32
          %broadcast_in_dim3A_1946 = vector.broadcast %broadcast_in_dim3A_1945 : i32 to vector<16xi32>
          %add3A_1947 = vector.broadcast %scan3A_1473 : i32 to vector<16xi32>
          %add3A_1948 = arith.addi %broadcast_in_dim3A_1946, %add3A_1947 : vector<16xi32>
          %gather3A_1949 = tpu.vector_load_idx %arg13[%add3A_1948] : memref<64xf32, #tpu.memory_space<vmem>>[vector<16xi32>], vector<16xf32>,
          %add3A_1950 = arith.constant 32 : i32
          %add3A_1951 = vector.broadcast %add3A_1950 : i32 to vector<16xi32>
          %add3A_1952 = arith.addi %add3A_1948, %add3A_1951 : vector<16xi32>
          %gather3A_1953 = tpu.vector_load_idx %arg13[%add3A_1952] : memref<64xf32, #tpu.memory_space<vmem>>[vector<16xi32>], vector<16xf32>,
          %mul3A_1954 = arith.mulf %gather3A_1949, %get3A_12 : vector<16xf32>
          %sub3A = arith.subf %add3A_1926, %mul3A_1954 : vector<16xf32>
          %mul3A_1955 = arith.mulf %sub3A, %gather3A_1953 : vector<16xf32>
          %swap3A = arith.index_cast %scan3A_1473 : i32 to index
          %swap3A_1956 = arith.constant 0 : index
          %swap3A_1957 = tpu.vector_load %arg12[%swap3A, %swap3A_1956] {strides = array<i32>} : memref<32x64xf32, #tpu.memory_space<vmem>>, vector<16xf32>,
          tpu.vector_store %arg12[%swap3A, %swap3A_1956], %mul3A_1955 {strides = array<i32>} : memref<32x64xf32, #tpu.memory_space<vmem>>, vector<16xf32>,
          %mul3A_1958 = arith.mulf %gather3A_1949, %get3A_16 : vector<16xf32>
          %sub3A_1959 = arith.subf %add3A_1932, %mul3A_1958 : vector<16xf32>
          %mul3A_1960 = arith.mulf %sub3A_1959, %gather3A_1953 : vector<16xf32>
          %swap3A_1961 = arith.index_cast %scan3A_1473 : i32 to index
          %swap3A_1962 = arith.constant 16 : index
          %swap3A_1963 = tpu.vector_load %arg12[%swap3A_1961, %swap3A_1962] {strides = array<i32>} : memref<32x64xf32, #tpu.memory_space<vmem>>, vector<16xf32>,
          tpu.vector_store %arg12[%swap3A_1961, %swap3A_1962], %mul3A_1960 {strides = array<i32>} : memref<32x64xf32, #tpu.memory_space<vmem>>, vector<16xf32>,
          %mul3A_1964 = arith.mulf %gather3A_1949, %get3A_20 : vector<16xf32>
          %sub3A_1965 = arith.subf %add3A_1938, %mul3A_1964 : vector<16xf32>
          %mul3A_1966 = arith.mulf %sub3A_1965, %gather3A_1953 : vector<16xf32>
          %swap3A_1967 = arith.index_cast %scan3A_1473 : i32 to index
          %swap3A_1968 = arith.constant 32 : index
          %swap3A_1969 = tpu.vector_load %arg12[%swap3A_1967, %swap3A_1968] {strides = array<i32>} : memref<32x64xf32, #tpu.memory_space<vmem>>, vector<16xf32>,
          tpu.vector_store %arg12[%swap3A_1967, %swap3A_1968], %mul3A_1966 {strides = array<i32>} : memref<32x64xf32, #tpu.memory_space<vmem>>, vector<16xf32>,
          %mul3A_1970 = arith.mulf %gather3A_1949, %get3A_24 : vector<16xf32>
          %sub3A_1971 = arith.subf %add3A_1944, %mul3A_1970 : vector<16xf32>
          %mul3A_1972 = arith.mulf %sub3A_1971, %gather3A_1953 : vector<16xf32>
          %swap3A_1973 = arith.index_cast %scan3A_1473 : i32 to index
          %swap3A_1974 = arith.constant 48 : index
          %swap3A_1975 = tpu.vector_load %arg12[%swap3A_1973, %swap3A_1974] {strides = array<i32>} : memref<32x64xf32, #tpu.memory_space<vmem>>, vector<16xf32>,
          tpu.vector_store %arg12[%swap3A_1973, %swap3A_1974], %mul3A_1972 {strides = array<i32>} : memref<32x64xf32, #tpu.memory_space<vmem>>, vector<16xf32>,
          %scan3A_1976 = arith.constant 0 : i32
          scf.yield %scan3A_1976 : i32
        }
        %scan3A_1469 = arith.constant 32 : i32
        %mul3A_1470 = arith.constant 32 : i32
        %mul3A_1471 = arith.muli %add3A_852, %mul3A_1470 : i32
        %add3A_1472 = arith.addi %mul3A_2, %mul3A_1471 : i32
        "tpu.region"() ({
          %run_scoped3A = tpu.sem_alloc : memref<!tpu.dma_semaphore, #tpu.memory_space<semaphore_mem>>
          %dma_start3A_1473 = arith.constant 0 : i32
          %dma_start3A_1474 = tpu.memref_slice %arg5[%add3A_1472, %dma_start3A_1473] : memref<26624x64xf32, #tpu.memory_space<hbm>> -> memref<32x64xf32, #tpu.memory_space<hbm>>
          %dma_start3A_1475 = arith.constant 0 : i32
          %dma_start3A_1476 = tpu.memref_slice %arg5[%add3A_1472, %dma_start3A_1475] : memref<26624x64xf32, #tpu.memory_space<hbm>> -> memref<32x64xf32, #tpu.memory_space<hbm>>
          tpu.enqueue_dma source(%arg12 : memref<32x64xf32, #tpu.memory_space<vmem>>) target(%dma_start3A_1476 : memref<32x64xf32, #tpu.memory_space<hbm>>) target_semaphore(%run_scoped3A : memref<!tpu.dma_semaphore, #tpu.memory_space<semaphore_mem>>)
          %dma_wait3A_1477 = arith.constant 0 : i32
          %dma_wait3A_1478 = tpu.memref_slice %arg5[%add3A_1472, %dma_wait3A_1477] : memref<26624x64xf32, #tpu.memory_space<hbm>> -> memref<32x64xf32, #tpu.memory_space<hbm>>
          %dma_wait3A_1479 = arith.constant 0 : i32
          %dma_wait3A_1480 = tpu.memref_slice %arg5[%add3A_1472, %dma_wait3A_1479] : memref<26624x64xf32, #tpu.memory_space<hbm>> -> memref<32x64xf32, #tpu.memory_space<hbm>>
          tpu.wait_dma2 semaphore(%run_scoped3A : memref<!tpu.dma_semaphore, #tpu.memory_space<semaphore_mem>>) src(%arg12 : memref<32x64xf32, #tpu.memory_space<vmem>>) dst(%dma_wait3A_1480 : memref<32x64xf32, #tpu.memory_space<hbm>>)
          tpu.yield
        }) : () -> ()
      } else {
      }
      %scan3A_844 = arith.constant 0 : i32
      scf.yield %scan3A_844 : i32
    }
    %scan3A_203 = arith.constant 13 : i32
    return
  }
}

</mosaic_0001>

<sc_bundles>
// kernel: kernel.3.cloned.1.call-start
scs
__scs_entry_jumppad:
0x0: {  	(pc) =	sbr.rel $0x88, $3  }
0x1: {  	(tag) =	ssettag $0x0;
	lr =	simm.s32 $0x1  }
0x2: {  	[smem:$0x3F9E] =	sst lr;
	_ =	strace $0xD0000000  }
0x3: {  	_ = 	snop  }
0x4: {  	_ = 	snop  }
0x5: {  	_ = 	snop  }
0x6: {  	_ = 	snop  }
0x7: {  	_ = 	snop  }
__scs_overlays_trampoline_lowered:
0x8: {  	[smem:$0x3FAD] =	sst s0  }
0x9: {  	[smem:$0x3FAE] =	sst s1  }
0xa: {  	[smem:$0x3FAF] =	sst s2  }
0xb: {  	[smem:$0x3FB0] =	sst s3  }
0xc: {  	[smem:$0x3FB1] =	sst s4  }
0xd: {  	[smem:$0x3FB2] =	sst s5  }
0xe: {  	[smem:$0x3FB3] =	sst s6  }
0xf: {  	[smem:$0x3FB4] =	sst s7  }
0x10: {  	[smem:$0x3FB5] =	sst s8  }
0x11: {  	[smem:$0x3FB6] =	sst s9;
	s0 =	simm.s32 @!p0 $0x0  }
0x12: {  	s1 =	sld [smem:$0x3F9C];
	s0 =	simm.s32 @p0 $0x1  }
0x13: {  	[smem:$0x3FB7] =	sst s0;
	s0 =	simm.s32 @!p1 $0x0  }
0x14: {  	s2 =	sld [smem:$0x3F9B];
	s0 =	simm.s32 @p1 $0x1  }
0x15: {  	[smem:$0x3FB8] =	sst s0;
	s0 =	simm.s32 @!p2 $0x0  }
0x16: {  	s3 =	sld [smem:$0x3FDB];
	s0 =	simm.s32 @p2 $0x1  }
0x17: {  	s4 =	simm.s32 $0x1BF5;
	[smem:$0x3FBA] =	sst s0  }
0x18: {  	s0 =	sld [smem:$0x3F9D];
	_ =	swait.ge [sflag:s4], $0x0  }
0x19: {  	s7 =	sld [smem:$0x3F9E]  }
0x1a: {  	s8 =	sadd.s32 $0xFFFFE003, lr  }
0x1b: {  	s9 =	sadd.s32 $0xFFFFFEF7, lr;
	s5 =	simm.s32 $0xFFFFFFFF;
	p2 =	slt.u32 s8, $0xFFFFF086  }
0x1c: {  	p1 =	slt.u32 s9, $0xF7A;
	s5 =	simm.s32 @!p2 $0x0  }
0x1d: {  	s5 =	simm.s32 @p1 $0x1;
	p0 =	seq.s32 s7, s2  }
0x1e: {  	s7 =	smul.u32 @!p0 $0xF7A, s2;
	p2 =	seq.s32 @!p0 s5, $0x0  }
0x1f: {  	s9 =	smul.u32 $0xF7A, s1;
	s8 =	simm.s32 @!p0 $0x1BF5;
	p2 =	por !p2, p0  }
0x20: {  	[sflag:s8] =	ssyncset.s32 @!p0 $0xFFFFF086;
	s6 =	sadd.s32 @!p0 s3, s7;
	s7 =	simm.s32 @!p0 $0x108  }
0x21: {  	s3 =	sadd.s32 s3, s9;
	s6 =	sadd.s32 @!p0 $0x88, s6;
	s7 =	simm.s32 @p2 $0x1082  }
0x22: {  	[simem:s7], [sflag:s8] =	dma.local @!p0 [hbm:s6], $0xF7A  }
0x23: {  	s9 =	sor.u32 $0xD0000000, s2;
	s6 =	simm.s32 $0x108;
	_ =	swait.ge @!p0 [sflag:s8], $0x0  }
0x24: {  	s3 =	sadd.s32 $0x88, s3;
	s6 =	simm.s32 @!p1 $0x1082;
	[sflag:s4] =	ssyncset.s32 $0xFFFFF086  }
0x25: {  	[simem:s6], [sflag:s4] =	dma.local [hbm:s3], $0xF7A  }
0x26: {  	[smem:$0x3F9E] =	sst s1;
	(tag) =	ssettag s2;
	_ =	strace s9  }
0x27: {  	s1 =	sld [smem:$0x3FAE]  }
0x28: {  	s2 =	sld [smem:$0x3FAF]  }
0x29: {  	s4 =	sld [smem:$0x3FB1]  }
0x2a: {  	p0 =	seq.s32 s5, $0x0;
	s5 =	sld [smem:$0x3FB2]  }
0x2b: {  	s6 =	sld [smem:$0x3FB3]  }
0x2c: {  	s7 =	sld [smem:$0x3FB4]  }
0x2d: {  	s3 =	simm.s32 $0x108;
	s8 =	sld [smem:$0x3FB5]  }
0x2e: {  	s3 =	simm.s32 @!p0 $0x1082;
	s9 =	sld [smem:$0x3FB6]  }
0x2f: {  	lr =	sadd.s32 s0, s3;
	s0 =	sld [smem:$0x3FAD]  }
0x30: {  	s3 =	sld [smem:$0x3FB0]  }
0x31: {  	[smem:$0x3FB9] =	sst s10  }
0x32: {  	s10 =	sld [smem:$0x3FB7];
	_ =	sdelay $0x3  }
0x33: {  	p0 =	seq.s32 s10, $0x1;
	s10 =	sld [smem:$0x3FB9];
	_ =	sdelay $0x3  }
0x34: {  	[smem:$0x3FB9] =	sst s10  }
0x35: {  	s10 =	sld [smem:$0x3FB8];
	_ =	sdelay $0x3  }
0x36: {  	p1 =	seq.s32 s10, $0x1;
	s10 =	sld [smem:$0x3FB9];
	_ =	sdelay $0x3  }
0x37: {  	[smem:$0x3FB9] =	sst s10  }
0x38: {  	s10 =	sld [smem:$0x3FBA]  }
0x39: {  	_ = 	snop;
	(pc) =	sbr.ind lr, $3  }
0x3a: {  	_ = 	snop  }
0x3b: {  	_ = 	snop  }
0x3c: {  	p2 =	seq.s32 s10, $0x1;
	s10 =	sld [smem:$0x3FB9]  }
0x3d: {  	_ =	shalt  }
0x3e: {  	_ =	shalt  }
0x3f: {  	_ =	shalt  }
0x40: {  	_ =	shalt  }
0x41: {  	_ =	shalt  }
0x42: {  	_ =	shalt  }
0x43: {  	_ =	shalt  }
0x44: {  	_ =	shalt  }
0x45: {  	_ =	shalt  }
0x46: {  	_ =	shalt  }
0x47: {  	_ =	shalt  }
0x48: {  	_ =	shalt  }
0x49: {  	_ =	shalt  }
0x4a: {  	_ =	shalt  }
0x4b: {  	_ =	shalt  }
0x4c: {  	_ =	shalt  }
0x4d: {  	_ =	shalt  }
0x4e: {  	_ =	shalt  }
0x4f: {  	_ =	shalt  }
0x50: {  	_ =	shalt  }
0x51: {  	_ =	shalt  }
0x52: {  	_ =	shalt  }
0x53: {  	_ =	shalt  }
0x54: {  	_ =	shalt  }
0x55: {  	_ =	shalt  }
0x56: {  	_ =	shalt  }
0x57: {  	_ =	shalt  }
0x58: {  	_ =	shalt  }
0x59: {  	_ =	shalt  }
0x5a: {  	_ =	shalt  }
0x5b: {  	_ =	shalt  }
0x5c: {  	_ =	shalt  }
0x5d: {  	_ =	shalt  }
0x5e: {  	_ =	shalt  }
0x5f: {  	_ =	shalt  }
0x60: {  	_ =	shalt  }
0x61: {  	_ =	shalt  }
0x62: {  	_ =	shalt  }
0x63: {  	_ =	shalt  }
0x64: {  	_ =	shalt  }
0x65: {  	_ =	shalt  }
0x66: {  	_ =	shalt  }
0x67: {  	_ =	shalt  }
0x68: {  	_ =	shalt  }
0x69: {  	_ =	shalt  }
0x6a: {  	_ =	shalt  }
0x6b: {  	_ =	shalt  }
0x6c: {  	_ =	shalt  }
0x6d: {  	_ =	shalt  }
0x6e: {  	_ =	shalt  }
0x6f: {  	_ =	shalt  }
0x70: {  	_ =	shalt  }
0x71: {  	_ =	shalt  }
0x72: {  	_ =	shalt  }
0x73: {  	_ =	shalt  }
0x74: {  	_ =	shalt  }
0x75: {  	_ =	shalt  }
0x76: {  	_ =	shalt  }
0x77: {  	_ =	shalt  }
0x78: {  	_ =	shalt  }
0x79: {  	_ =	shalt  }
0x7a: {  	_ =	shalt  }
0x7b: {  	_ =	shalt  }
0x7c: {  	_ =	shalt  }
0x7d: {  	_ =	shalt  }
0x7e: {  	_ =	shalt  }
0x7f: {  	_ =	shalt  }
0x80: {  	_ =	shalt  }
0x81: {  	_ =	shalt  }
0x82: {  	_ =	shalt  }
0x83: {  	_ =	shalt  }
0x84: {  	_ =	shalt  }
0x85: {  	_ =	shalt  }
0x86: {  	_ =	shalt  }
0x87: {  	_ =	shalt  }
.Lfunc_end0:
.L_simem_size_0:
called_computation_lowered:
.L_overlay_start_0:
0x88: {  	s2 =	sld [smem:$0x3FD9]  }
0x89: {  	s3 =	sld [smem:$0x3FFE];
	_ =	sdelay $0x1  }
0x8a: {  	s1 =	srdreg.scid  }
0x8b: {  	s0 =	sand.u32 $0x1, s1  }
0x8c: {  	s17 =	sshll.u32 s0, $0xA;
	s2 =	sadd.s32 s3, s2  }
0x8d: {  	s2 =	sadd.s32 s2, s17  }
0x8e: {  	[smem:$0x3FC5] =	sst s2  }
0x8f: {  	_ = 	snop  }
0x90: {  	s2 =	sld [smem:$0x3FD0];
	(tm) =	ssettm $0x1  }
0x91: {  	s18 =	sld [smem:$0x3FFB];
	_ =	sdelay $0x3  }
0x92: {  	_ =	strace s18  }
0x93: {  	s3 =	sld [smem:$0x3FFC];
	_ =	sdelay $0x3  }
0x94: {  	_ =	strace s3  }
0x95: {  	s3 =	sld [smem:$0x3FFD];
	_ =	sdelay $0x3  }
0x96: {  	_ =	strace s3  }
0x97: {  	_ =	strace $0x8FFFFFFF  }
0x98: {  	s19 =	sld [smem:$0x3FDB];
	_ =	sdelay $0x1  }
0x99: {  	s4 =	simm.s32 $_scs_section_size  }
0x9a: {  	s5 =	simm.s32 $_size__tile_overlayer_lowered;
	s6 =	simm.s32 $_tile_overlayer_lowered  }
0x9b: {  	s22 =	simm.s32 $0x1BFF;
	s21 =	sshll.u32 s6, $0x1;
	s3 =	sadd.s32 s4, s19  }
0x9c: {  	s7 =	simm.s32 $0x0;
	s20 =	sshll.u32 s5, $0x1;
	s5 =	sadd.s32 s21, s3  }
0x9d: {  	[timem:s7], [sflag:s22] =	dma.local [hbm:s5], s20  }
0x9e: {  	_ =	swait.ge [sflag:s22], s20  }
0x9f: {  	s4 =	ssub.s32 $0x0, s20;
	[sflag:s22] =	ssyncset.done $0x0  }
0xa0: {  	[sflag:s22] =	ssyncadd.s32 s4;
	_ =	sdelay $0x1  }
0xa1: {  	s23 =	simm.s32 $0x1B8B  }
0xa2: {  	_ =	swait.ge [sflag:s23], $0x1  }
0xa3: {  	[sflag:s23] =	ssyncset.done $0x0  }
0xa4: {  	s25 =	simm.s32 $0x1B8E;
	s24 =	sld [smem:$0x3FFE];
	[sflag:s23] =	ssyncadd.s32 $0xFFFFFFFF  }
0xa5: {  	s26 =	simm.s32 $execute0_lowered;
	[smem:$0x3FD2] =	sst s25  }
0xa6: {  	s5 =	sshll.u32 s26, $0x1;
	_ =	strace $0x80000046;
	[dreg:$0x1] =	wrdreg $0xFFFFFFFF  }
0xa7: {  	s28 =	simm.s32 $_size_execute0_lowered;
	s3 =	sadd.s32 s3, s5;
	[dreg:$0x0] =	wrdreg $0x0  }
0xa8: {  	s5 =	sshll.u32 s28, $0x1;
	[dreg:$0x2] =	wrdreg s3  }
0xa9: {  	[dreg:$0x3] =	wrdreg s5  }
0xaa: {  	[dreg:$0x4] =	wrdreg $0xC0  }
0xab: {  	_ =	task [dreg:s7], $0x5FFFF  }
0xac: {  	[dreg:$0x1] =	wrdreg $0xFFFFFFFF  }
0xad: {  	[dreg:$0x0] =	wrdreg $0x60  }
0xae: {  	[dreg:$0x2] =	wrdreg s24  }
0xaf: {  	[dreg:$0x3] =	wrdreg s2  }
0xb0: {  	[dreg:$0x4] =	wrdreg $0x9  }
0xb1: {  	_ =	task.clear_ibuf [dreg:s7], $0x5FFFF;
	_ =	strace $0x90000046  }
0xb2: {  	s29 =	simm.s32 $0x9;
	_ =	strace $0x80000048  }
0xb3: {  	_ =	swait.ge [sflag:s29], $0x1  }
0xb4: {  	[sflag:s29] =	ssyncadd.s32 $0xFFFFFFFF  }
0xb5: {  	_ =	strace $0x90000048  }
0xb6: {  	_ =	sfence  }
0xb7: {  	s30 =	sld [smem:$0x0];
	_ =	sdelay $0x2  }
0xb8: {  	s31 =	sshll.u32 s1, $0xD;
	s1 =	sshrl.u32 s1, $0x2  }
0xb9: {  	s3 =	sand.u32 $0x4000, s31;
	s1 =	sadd.s32 s1, s30  }
0xba: {  	s0 =	sor.u32 s3, s0;
	s1 =	sshll.u32 s1, $0x11  }
0xbb: {  	s0 =	sor.u32 s1, s0  }
0xbc: {  	s0 =	sadd.s32 $0x8F2B, s0  }
0xbd: {  	[sflag:s0] =	ssyncadd.remote.s32 $0x1  }
0xbe: {  	_ =	sfence.sel $0xFFFF  }
0xbf: {  	[dreg:$0x0] =	wrdreg $0xFFFFFFFF;
	(pc) =	sbr.abs _section_cstart, $3  }
0xc0: {  	[dreg:$0x1] =	wrdreg $0xFFFFFFFF  }
0xc1: {  	_ =	task.clear_ibuf [dreg:s7], $0x2FFFF;
	_ =	strace $0x9FFFFFFF  }
0xc2: {  	(tm) =	ssettm $0x7FFFFFFF  }
0xc3: {  	_ =	shalt  }
tec
execute0_lowered:
.L_overlay_start_1:
0x0: {  	(tag) =	ssettag $0x1  }
0x1: {  	s0 =	rddreg [dreg:$0x0];
	s1 =	srdreg.scid  }
0x2: {  	s3 =	stileid.u32;
	s2 =	rddreg [dreg:$0x1]  }
0x3: {  	s9 =	simm.s32 $0x20;
	s11 =	simm.s32 $0x3;
	s12 =	simm.s32 $0x4100  }
0x4: {  	s14 =	simm.s32 $0x4440;
	s28 =	simm.s32 $0x18080;
	s29 =	simm.s32 $0x18880  }
0x5: {  	s30 =	simm.s32 $0x19080;
	s31 =	simm.s32 $0x19880;
	s13 =	simm.s32 $0x1B080  }
0x6: {  	s15 =	simm.s32 $0x1B880;
	s10 =	simm.s32 $0x1C080;
	s8 =	simm.s32 $0x1D080  }
0x7: {  	s16 =	simm.s32 $0x1C880;
	s17 =	simm.s32 $0x4;
	s18 =	simm.s32 $0x2  }
0x8: {  	s1 =	sand.u32 $0x1, s1;
	s4 =	sshll.u32 s3, $0x1;
	s3 =	simm.s32 $0x0  }
0x9: {  	s20 =	simm.s32 $0x0;
	s5 =	sor.u32 s1, s4;
	[smem:$0x7FF] =	sst s3  }
0xa: {  	s1 =	ssub.s32 $0x2, s1;
	s4 =	sshll.u32 s5, $0x2;
	_ =	strace $0x80000047  }
0xb: {  	s7 =	sshrl.u32 s1, $0x1;
	s5 =	smul.u32 $0x340, s5;
	s6 =	sadd.s32 s4, s0  }
0xc: {  	s4 =	sadd.s32 $0xF42C00, s0;
	s24 =	ssub.s32 s1, s7;
	s25 =	sadd.s32 $0x800, s6  }
0xd: {  	v0 =	vlaneseq.u32;
	v3 =	vimm.f32 $0.0e+00;
	s1 =	simm.s32 $0x1A080;
	s26 =	sadd.s32 $0x10C00, s6;
	[dreg:$0x3] =	wrdreg s25  }
0xe: {  	v2 =	vand.u32 $0x1, v0;
	v1 =	vmul.u32 $0x14, v0;
	v4 =	vor.u32 $0x20, v0;
	s7 =	simm.s32 $0x8540;
	s0 =	smax.u32 s24, $0x1;
	[dreg:$0x4] =	wrdreg s26  }
0xf: {  	v5 =	vor.u32 $0x10, v0;
	v6 =	vor.u32 $0x30, v0;
	v2 =	vmul.u32 $0x4, v2;
	s6 =	simm.s32 $0x1;
	[dreg:$0x5] =	wrdreg s0;
	s0 =	simm.s32 $0x1A880  }
.LBB2_1:
0x10: {  	s19 =	simm.s32 $0x0  }
0x11: {  	v12 =	vor.u32 s19, v0  }
0x12: {  	v7 =	vmul.u32 $0xCCCD, v12;
	_ =	sdelay $0x1  }
0x13: {  	v7 =	vshrl.u32 v7, $0x14  }
0x14: {  	s23 =	rddreg [dreg:$0x3];
	s21 =	simm.s32 $0x400;
	v8 =	vmul.u32 $0x4EC5, v7  }
0x15: {  	[tilespmem:s3], [sflag:$0x3] =	stream.strided.gather [hbm4b:s23+s9], $0x4100, s21, s9, $0x38;
	[tilespmem:$0x1D100] =	vst v63  }
0x16: {  	[dreg:$0x6] =	wrdreg s20;
	s22 =	simm.s32 $0x10;
	v9 =	vmul.u32 $0x7FFFFEC, v7;
	v8 =	vshrl.u32 v8, $0x13  }
0x17: {  	v11 =	vor.u32 s22, v0;
	_ =	swait.ge [sflag:s11], $0x4100;
	v13 =	vmul.u32 $0xFFFFFFE6, v8  }
0x18: {  	v10 =	vmul.u32 $0xCCCD, v11;
	[sflag:s11] =	ssyncset.done $0x0;
	v9 =	vadd.s32 v12, v9  }
0x19: {  	s24 =	rddreg [dreg:$0x4];
	[sflag:s11] =	ssyncadd.s32 $0xFFFFBF00;
	v9 =	vshll.u32 v9, $0x5;
	v7 =	vadd.s32 v7, v13;
	v13 =	vand.u32 $0x78, v8  }
0x1a: {  	v10 =	vshrl.u32 v10, $0x14;
	[tilespmem:s12], [sflag:$0x3] =	stream.strided.gather [hbm4b:s24+s9], $0x340, s21, s9, $0x38;
	v8 =	vand.u32 $0x7, v8;
	v9 =	vadd.s32 v9, v13;
	[tilespmem:$0x1D100] =	vst v63  }
0x1b: {  	s25 =	simm.s32 $0x20;
	_ =	swait.ge [sflag:s11], $0x340;
	v7 =	vmul.u32 $0x280, v7;
	v8 =	vor.u32 v8, v9;
	v9 =	vmul.u32 $0x4EC5, v10  }
0x1c: {  	v14 =	vmul.u32 $0x7FFFFEC, v10;
	[sflag:s11] =	ssyncset.done $0x0;
	v13 =	vor.u32 s25, v0  }
0x1d: {  	s26 =	simm.s32 $0x1D0C0;
	[sflag:s11] =	ssyncadd.s32 $0xFFFFFCC0;
	v7 =	vadd.s32 v7, v8;
	v8 =	vmul.u32 $0xCCCD, v13;
	v9 =	vshrl.u32 v9, $0x13  }
0x1e: {  	[tilespmem:s26], [sflag:$0x3] =	stream.linear.gather [hbm4b:s4+s3], $0x40, $0x38;
	v15 =	vmul.u32 $0xFFFFFFE6, v9;
	[tilespmem:$0x1D100] =	vst v63  }
0x1f: {  	_ =	swait.ge [sflag:s11], $0x40;
	v16 =	vshrl.u32 v8, $0x14;
	v8 =	vadd.s32 v11, v14  }
0x20: {  	[sflag:s11] =	ssyncset.done $0x0;
	v14 =	vand.u32 $0x78, v9;
	v8 =	vshll.u32 v8, $0x5;
	v10 =	vadd.s32 v10, v15  }
0x21: {  	[sflag:s11] =	ssyncadd.s32 $0xFFFFFFC0;
	v9 =	vand.u32 $0x7, v9;
	v8 =	vadd.s32 v8, v14;
	v10 =	vmul.u32 $0x280, v10  }
0x22: {  	v15 =	vmul.u32 $0x4EC5, v16;
	v17 =	vld.idx.msk [tilespmem:v7+s3+$0x0], $0xffff;
	v8 =	vor.u32 v9, v8  }
0x23: {  	v18 =	vmul.u32 $0x7FFFFEC, v16;
	v20 =	vadd.s32 v10, v8  }
0x24: {  	s20 =	simm.s32 $0x30;
	v7 =	vld [tilespmem:$0x1D0C0];
	v19 =	vshrl.u32 v15, $0x13  }
0x25: {  	v14 =	vor.u32 s20, v0;
	v9 =	vld [tilespmem:$0x1D0E0];
	v18 =	vadd.s32 v13, v18;
	v21 =	vmul.u32 $0xFFFFFFE6, v19  }
0x26: {  	s21 =	simm.s32 $0x4450;
	v15 =	vmul.u32 $0xCCCD, v14;
	v63 =	vshll.u32 v18, $0x5;
	v8 =	vld [tilespmem:$0x1D0D0]  }
0x27: {  	v10 =	vld [tilespmem:$0x1D0F0];
	v22 =	vand.u32 $0x78, v19;
	v18 =	vand.u32 $0x7, v19;
	v16 =	vadd.s32 v16, v21;
	[tilespmem:s21+$0xFFFFFFF0] =	vst v17  }
0x28: {  	s22 =	simm.s32 $0x2;
	s23 =	simm.s32 $0x50;
	v15 =	vshrl.u32 v15, $0x14;
	v19 =	vadd.s32 v63, v22;
	v17 =	vmul.u32 $0x280, v16;
	v16 =	vld.idx.msk [tilespmem:v20+s3+$0x0], $0xffff  }
.LBB2_2:
0x29: {  	s19 =	sadd.s32 $0xFFFFFFF0, s23;
	v18 =	vor.u32 v18, v19;
	v19 =	vmul.u32 $0x4EC5, v15  }
0x2a: {  	v20 =	vor.u32 s19, v0;
	v17 =	vadd.s32 v17, v18  }
0x2b: {  	s22 =	sadd.s32 $0x2, s22;
	v21 =	vmul.u32 $0x7FFFFEC, v15;
	v18 =	vmul.u32 $0xCCCD, v20;
	v19 =	vshrl.u32 v19, $0x13  }
0x2c: {  	p0 =	slt.u32 s22, $0x40E;
	v22 =	vmul.u32 $0xFFFFFFE6, v19  }
0x2d: {  	v14 =	vadd.s32 v14, v21;
	v18 =	vshrl.u32 v18, $0x14  }
0x2e: {  	s19 =	simm.s32 $0x8550;
	v14 =	vshll.u32 v14, $0x5;
	v21 =	vand.u32 $0x78, v19;
	v15 =	vadd.s32 v15, v22;
	[tilespmem:s21+$0x0] =	vst v16  }
0x2f: {  	v14 =	vadd.s32 v14, v21;
	v16 =	vld.idx.msk [tilespmem:v17+s3+$0x0], $0xffff;
	v17 =	vand.u32 $0x7, v19;
	v15 =	vmul.u32 $0x280, v15  }
0x30: {  	v19 =	vmul.u32 $0x4EC5, v18;
	v17 =	vor.u32 v17, v14  }
0x31: {  	v14 =	vor.u32 s23, v0;
	v21 =	vadd.s32 v15, v17  }
.Ltmp0:
0x32: {  	v15 =	vmul.u32 $0x7FFFFEC, v18;
	v17 =	vshrl.u32 v19, $0x13;
	v19 =	vmul.u32 $0xCCCD, v14;
	(pc) =	sbr.rel @p0 .LBB2_2-.Ltmp0, $4  }
0x33: {  	v22 =	vmul.u32 $0xFFFFFFE6, v17  }
0x34: {  	s21 =	sadd.s32 $0x20, s21;
	v20 =	vadd.s32 v20, v15;
	v15 =	vshrl.u32 v19, $0x14  }
0x35: {  	v19 =	vadd.s32 v18, v22;
	v20 =	vshll.u32 v20, $0x5;
	v22 =	vand.u32 $0x78, v17;
	[tilespmem:s21+$0xFFFFFFF0] =	vst v16  }
0x36: {  	s23 =	sadd.s32 $0x20, s23;
	v18 =	vand.u32 $0x7, v17;
	v17 =	vmul.u32 $0x280, v19;
	v19 =	vadd.s32 v20, v22;
	v16 =	vld.idx.msk [tilespmem:v21+s3+$0x0], $0xffff  }
0x37: {  	v20 =	vmul.u32 $0x4EC5, v15  }
0x38: {  	v18 =	vor.u32 v18, v19;
	v62 =	vmul.u32 $0x7FFFFEC, v15  }
0x39: {  	v17 =	vadd.s32 v17, v18;
	v61 =	vshrl.u32 v20, $0x13  }
0x3a: {  	v14 =	vadd.s32 v14, v62;
	v20 =	vmul.u32 $0xFFFFFFE6, v61  }
0x3b: {  	v14 =	vshll.u32 v14, $0x5  }
0x3c: {  	v63 =	vand.u32 $0x78, v61;
	v19 =	vand.u32 $0x7, v61;
	v15 =	vadd.s32 v15, v20  }
0x3d: {  	[tilespmem:s21+$0x0] =	vst v16;
	v14 =	vadd.s32 v14, v63;
	v16 =	vmul.u32 $0x4EC5, v12;
	v15 =	vmul.u32 $0x280, v15  }
0x3e: {  	v14 =	vor.u32 v19, v14;
	v17 =	vld.idx.msk [tilespmem:v17+s3+$0x0], $0xffff  }
0x3f: {  	v14 =	vadd.s32 v15, v14;
	v15 =	vshrl.u32 v16, $0x13  }
0x40: {  	v16 =	vmul.u32 $0x7FFFFE6, v15;
	_ =	sdelay $0x1  }
0x41: {  	s26 =	sadd.s32 $0x20, s21;
	v12 =	vadd.s32 v12, v16  }
0x42: {  	[tilespmem:s26+$0xFFFFFFF0] =	vst v17;
	v16 =	vand.u32 $0xFF8, v15;
	v17 =	vmul.u32 $0x4EC5, v11;
	v12 =	vshll.u32 v12, $0x5  }
0x43: {  	v15 =	vand.u32 $0x7, v15;
	v14 =	vld.idx.msk [tilespmem:v14+s3+$0x0], $0xffff;
	v12 =	vadd.s32 v16, v12  }
0x44: {  	v12 =	vor.u32 v15, v12;
	v15 =	vshrl.u32 v17, $0x13  }
0x45: {  	v16 =	vmul.u32 $0x7FFFFE6, v15;
	_ =	sdelay $0x1  }
0x46: {  	v11 =	vadd.s32 v11, v16  }
0x47: {  	v16 =	vmul.u32 $0x4EC5, v13;
	[tilespmem:s26+$0x0] =	vst v14;
	v11 =	vshll.u32 v11, $0x5;
	v14 =	vand.u32 $0xFF8, v15  }
0x48: {  	v15 =	vand.u32 $0x7, v15;
	v12 =	vld.idx.msk [tilespmem:v12+s12+$0x0], $0xffff;
	v11 =	vadd.s32 v14, v11  }
0x49: {  	v14 =	vshrl.u32 v16, $0x13;
	v15 =	vor.u32 v15, v11  }
0x4a: {  	v16 =	vmul.u32 $0x7FFFFE6, v14;
	_ =	sdelay $0x1  }
0x4b: {  	v13 =	vadd.s32 v13, v16  }
0x4c: {  	v11 =	vor.u32 s20, v0;
	v17 =	vand.u32 $0xFF8, v14;
	v13 =	vshll.u32 v13, $0x5;
	[tilespmem:s19+$0xFFFFFFF0] =	vst v12  }
0x4d: {  	v14 =	vand.u32 $0x7, v14;
	v16 =	vmul.u32 $0x4EC5, v11;
	v17 =	vadd.s32 v17, v13;
	v13 =	vld.idx.msk [tilespmem:v15+s12+$0x0], $0xffff  }
0x4e: {  	v14 =	vor.u32 v14, v17  }
0x4f: {  	v12 =	vshrl.u32 v16, $0x13  }
0x50: {  	v15 =	vmul.u32 $0x7FFFFE6, v12  }
0x51: {  	s21 =	simm.s32 $0x50;
	s20 =	simm.s32 $0x2  }
.LBB2_4:
0x52: {  	s22 =	sadd.s32 $0xFFFFFFF0, s21;
	s20 =	sadd.s32 $0x2, s20;
	v11 =	vadd.s32 v11, v15;
	[tilespmem:s19+$0x0] =	vst v13  }
0x53: {  	v15 =	vand.u32 $0xFF8, v12;
	v13 =	vor.u32 s22, v0;
	p0 =	slt.u32 s20, $0x32;
	v14 =	vld.idx.msk [tilespmem:v14+s12+$0x0], $0xffff;
	v11 =	vshll.u32 v11, $0x5  }
0x54: {  	v12 =	vand.u32 $0x7, v12;
	v16 =	vmul.u32 $0x4EC5, v13;
	v11 =	vadd.s32 v15, v11  }
0x55: {  	v12 =	vor.u32 v12, v11  }
0x56: {  	v15 =	vshrl.u32 v16, $0x13  }
0x57: {  	v11 =	vmul.u32 $0x7FFFFE6, v15  }
0x58: {  	s19 =	sadd.s32 $0x20, s19  }
0x59: {  	v11 =	vadd.s32 v13, v11;
	[tilespmem:s19+$0xFFFFFFF0] =	vst v14  }
0x5a: {  	v16 =	vand.u32 $0xFF8, v15;
	v14 =	vshll.u32 v11, $0x5;
	v11 =	vor.u32 s21, v0;
	v13 =	vld.idx.msk [tilespmem:v12+s12+$0x0], $0xffff  }
.Ltmp1:
0x5b: {  	v12 =	vand.u32 $0x7, v15;
	v14 =	vadd.s32 v16, v14;
	v15 =	vmul.u32 $0x4EC5, v11;
	(pc) =	sbr.rel @p0 .LBB2_4-.Ltmp1, $4  }
0x5c: {  	v14 =	vor.u32 v12, v14  }
0x5d: {  	v12 =	vshrl.u32 v15, $0x13  }
0x5e: {  	v15 =	vmul.u32 $0x7FFFFE6, v12  }
0x5f: {  	s21 =	sadd.s32 $0x20, s21  }
0x60: {  	_ =	sdelay $0x1  }
0x61: {  	v11 =	vadd.s32 v11, v15  }
0x62: {  	[tilespmem:s19+$0x0] =	vst v13;
	v62 =	vand.u32 $0xFF8, v12;
	v11 =	vshll.u32 v11, $0x5  }
0x63: {  	v63 =	vand.u32 $0x7, v12;
	v14 =	vld.idx.msk [tilespmem:v14+s12+$0x0], $0xffff;
	v11 =	vadd.s32 v62, v11  }
0x64: {  	v11 =	vor.u32 v63, v11;
	_ =	sdelay $0x2  }
0x65: {  	s24 =	sadd.s32 $0x20, s19  }
0x66: {  	[tilespmem:s24+$0xFFFFFFF0] =	vst v14  }
0x67: {  	v11 =	vld.idx.msk [tilespmem:v11+s12+$0x0], $0xffff;
	_ =	sdelay $0x4  }
0x68: {  	s25 =	simm.s32 $0x8880;
	[tilespmem:s24+$0x0] =	vst v11  }
0x69: {  	[tilespmem:s25], [sflag:$0x1] =	stream.indirect.gather [hbm4b:s4+s9], $0x40, s14, s9, $0xb8;
	[tilespmem:$0x1D100] =	vst v63  }
0x6a: {  	s26 =	simm.s32 $0x4460;
	s20 =	simm.s32 $0x9080  }
0x6b: {  	[tilespmem:s20], [sflag:$0x1] =	stream.indirect.gather [hbm4b:s4+s9], $0x40, s26, s9, $0xb8;
	[tilespmem:$0x1D100] =	vst v63  }
0x6c: {  	s21 =	simm.s32 $0x4480;
	s22 =	simm.s32 $0x9880  }
0x6d: {  	[tilespmem:s22], [sflag:$0x1] =	stream.indirect.gather [hbm4b:s4+s9], $0x40, s21, s9, $0xb8;
	[tilespmem:$0x1D100] =	vst v63  }
0x6e: {  	s23 =	simm.s32 $0x44A0;
	s24 =	simm.s32 $0xA080  }
0x6f: {  	[tilespmem:s24], [sflag:$0x1] =	stream.indirect.gather [hbm4b:s4+s9], $0x40, s23, s9, $0xb8;
	[tilespmem:$0x1D100] =	vst v63  }
0x70: {  	s25 =	simm.s32 $0x44C0;
	s26 =	simm.s32 $0xA880  }
0x71: {  	[tilespmem:s26], [sflag:$0x1] =	stream.indirect.gather [hbm4b:s4+s9], $0x40, s25, s9, $0xb8;
	[tilespmem:$0x1D100] =	vst v63  }
0x72: {  	s21 =	simm.s32 $0x44E0;
	s22 =	simm.s32 $0xB080  }
0x73: {  	[tilespmem:s22], [sflag:$0x1] =	stream.indirect.gather [hbm4b:s4+s9], $0x40, s21, s9, $0xb8;
	[tilespmem:$0x1D100] =	vst v63  }
0x74: {  	s23 =	simm.s32 $0x4500;
	s24 =	simm.s32 $0xB880  }
0x75: {  	[tilespmem:s24], [sflag:$0x1] =	stream.indirect.gather [hbm4b:s4+s9], $0x40, s23, s9, $0xb8;
	[tilespmem:$0x1D100] =	vst v63  }
0x76: {  	s25 =	simm.s32 $0x4520;
	s26 =	simm.s32 $0xC080  }
0x77: {  	[tilespmem:s26], [sflag:$0x1] =	stream.indirect.gather [hbm4b:s4+s9], $0x40, s25, s9, $0xb8;
	[tilespmem:$0x1D100] =	vst v63  }
0x78: {  	s21 =	simm.s32 $0x4540;
	s22 =	simm.s32 $0xC880  }
0x79: {  	[tilespmem:s22], [sflag:$0x1] =	stream.indirect.gather [hbm4b:s4+s9], $0x40, s21, s9, $0xb8;
	[tilespmem:$0x1D100] =	vst v63  }
0x7a: {  	s23 =	simm.s32 $0x4560;
	s24 =	simm.s32 $0xD080  }
0x7b: {  	[tilespmem:s24], [sflag:$0x1] =	stream.indirect.gather [hbm4b:s4+s9], $0x40, s23, s9, $0xb8;
	[tilespmem:$0x1D100] =	vst v63  }
0x7c: {  	s25 =	simm.s32 $0x4580;
	s26 =	simm.s32 $0xD880  }
0x7d: {  	[tilespmem:s26], [sflag:$0x1] =	stream.indirect.gather [hbm4b:s4+s9], $0x40, s25, s9, $0xb8;
	[tilespmem:$0x1D100] =	vst v63  }
0x7e: {  	s21 =	simm.s32 $0x45A0;
	s22 =	simm.s32 $0xE080  }
0x7f: {  	[tilespmem:s22], [sflag:$0x1] =	stream.indirect.gather [hbm4b:s4+s9], $0x40, s21, s9, $0xb8;
	[tilespmem:$0x1D100] =	vst v63  }
0x80: {  	s23 =	simm.s32 $0x45C0;
	s24 =	simm.s32 $0xE880  }
0x81: {  	[tilespmem:s24], [sflag:$0x1] =	stream.indirect.gather [hbm4b:s4+s9], $0x40, s23, s9, $0xb8;
	[tilespmem:$0x1D100] =	vst v63  }
0x82: {  	s25 =	simm.s32 $0x45E0;
	s26 =	simm.s32 $0xF080  }
0x83: {  	[tilespmem:s26], [sflag:$0x1] =	stream.indirect.gather [hbm4b:s4+s9], $0x40, s25, s9, $0xb8;
	[tilespmem:$0x1D100] =	vst v63  }
0x84: {  	s21 =	simm.s32 $0x4600;
	s22 =	simm.s32 $0xF880  }
0x85: {  	[tilespmem:s22], [sflag:$0x1] =	stream.indirect.gather [hbm4b:s4+s9], $0x40, s21, s9, $0xb8;
	[tilespmem:$0x1D100] =	vst v63  }
0x86: {  	s23 =	simm.s32 $0x4620;
	s24 =	simm.s32 $0x10080  }
0x87: {  	[tilespmem:s24], [sflag:$0x1] =	stream.indirect.gather [hbm4b:s4+s9], $0x40, s23, s9, $0xb8;
	[tilespmem:$0x1D100] =	vst v63  }
0x88: {  	s25 =	simm.s32 $0x4640;
	s26 =	simm.s32 $0x10880  }
0x89: {  	[tilespmem:s26], [sflag:$0x1] =	stream.indirect.gather [hbm4b:s4+s9], $0x40, s25, s9, $0xb8;
	[tilespmem:$0x1D100] =	vst v63  }
0x8a: {  	s21 =	simm.s32 $0x4660;
	s22 =	simm.s32 $0x11080  }
0x8b: {  	[tilespmem:s22], [sflag:$0x1] =	stream.indirect.gather [hbm4b:s4+s9], $0x40, s21, s9, $0xb8;
	[tilespmem:$0x1D100] =	vst v63  }
0x8c: {  	s23 =	simm.s32 $0x4680;
	s24 =	simm.s32 $0x11880  }
0x8d: {  	[tilespmem:s24], [sflag:$0x1] =	stream.indirect.gather [hbm4b:s4+s9], $0x40, s23, s9, $0xb8;
	[tilespmem:$0x1D100] =	vst v63  }
0x8e: {  	s19 =	simm.s32 $0x0;
	s25 =	simm.s32 $0x46A0;
	s26 =	simm.s32 $0x12080  }
0x8f: {  	[tilespmem:s26], [sflag:$0x1] =	stream.indirect.gather [hbm4b:s4+s9], $0x40, s25, s9, $0xb8;
	[tilespmem:$0x1D100] =	vst v63  }
.LBB2_6:
0x90: {  	s21 =	sshllo.u32 s19, $0x1  }
0x91: {  	s20 =	smul.u32 $0x280, s21;
	_ =	sdelay $0x1  }
0x92: {  	s23 =	simm.s32 $0x12880;
	s22 =	sadd.s32 $0x4440, s20  }
0x93: {  	[tilespmem:s23], [sflag:$0x2] =	stream.indirect.gather [hbm4b:s4+s9], $0x40, s22, s9, $0xb8;
	[tilespmem:$0x1D100] =	vst v63  }
0x94: {  	s26 =	simm.s32 $0x13080;
	s25 =	sadd.s32 $0x4460, s20  }
0x95: {  	[tilespmem:s26], [sflag:$0x2] =	stream.indirect.gather [hbm4b:s4+s9], $0x40, s25, s9, $0xb8;
	[tilespmem:$0x1D100] =	vst v63  }
0x96: {  	s24 =	simm.s32 $0x13880;
	s23 =	sadd.s32 $0x4480, s20  }
0x97: {  	[tilespmem:s24], [sflag:$0x2] =	stream.indirect.gather [hbm4b:s4+s9], $0x40, s23, s9, $0xb8;
	[tilespmem:$0x1D100] =	vst v63  }
0x98: {  	s25 =	sadd.s32 $0x44A0, s20;
	s26 =	simm.s32 $0x14080  }
0x99: {  	[tilespmem:s26], [sflag:$0x2] =	stream.indirect.gather [hbm4b:s4+s9], $0x40, s25, s9, $0xb8;
	[tilespmem:$0x1D100] =	vst v63  }
0x9a: {  	s23 =	sadd.s32 $0x44C0, s20;
	s24 =	simm.s32 $0x14880  }
0x9b: {  	[tilespmem:s24], [sflag:$0x2] =	stream.indirect.gather [hbm4b:s4+s9], $0x40, s23, s9, $0xb8;
	[tilespmem:$0x1D100] =	vst v63  }
0x9c: {  	s25 =	sadd.s32 $0x44E0, s20;
	s26 =	simm.s32 $0x15080  }
0x9d: {  	[tilespmem:s26], [sflag:$0x2] =	stream.indirect.gather [hbm4b:s4+s9], $0x40, s25, s9, $0xb8;
	[tilespmem:$0x1D100] =	vst v63  }
0x9e: {  	s23 =	sadd.s32 $0x4500, s20;
	s24 =	simm.s32 $0x15880  }
0x9f: {  	[tilespmem:s24], [sflag:$0x2] =	stream.indirect.gather [hbm4b:s4+s9], $0x40, s23, s9, $0xb8;
	[tilespmem:$0x1D100] =	vst v63  }
0xa0: {  	s25 =	sadd.s32 $0x4520, s20;
	s26 =	simm.s32 $0x16080  }
0xa1: {  	[tilespmem:s26], [sflag:$0x2] =	stream.indirect.gather [hbm4b:s4+s9], $0x40, s25, s9, $0xb8;
	[tilespmem:$0x1D100] =	vst v63  }
0xa2: {  	s23 =	sadd.s32 $0x4540, s20;
	s24 =	simm.s32 $0x16880  }
0xa3: {  	[tilespmem:s24], [sflag:$0x2] =	stream.indirect.gather [hbm4b:s4+s9], $0x40, s23, s9, $0xb8;
	[tilespmem:$0x1D100] =	vst v63  }
0xa4: {  	s25 =	sadd.s32 $0x4560, s20;
	s26 =	simm.s32 $0x17080  }
0xa5: {  	[tilespmem:s26], [sflag:$0x2] =	stream.indirect.gather [hbm4b:s4+s9], $0x40, s25, s9, $0xb8;
	[tilespmem:$0x1D100] =	vst v63  }
0xa6: {  	s24 =	sadd.s32 $0x4580, s20;
	s25 =	simm.s32 $0x17880  }
0xa7: {  	[tilespmem:s25], [sflag:$0x2] =	stream.indirect.gather [hbm4b:s4+s9], $0x40, s24, s9, $0xb8;
	[tilespmem:$0x1D100] =	vst v63  }
0xa8: {  	s26 =	sadd.s32 $0x45A0, s20  }
0xa9: {  	[tilespmem:s28], [sflag:$0x2] =	stream.indirect.gather [hbm4b:s4+s9], $0x40, s26, s9, $0xb8;
	[tilespmem:$0x1D100] =	vst v63  }
0xaa: {  	s23 =	sadd.s32 $0x45C0, s20  }
0xab: {  	[tilespmem:s29], [sflag:$0x2] =	stream.indirect.gather [hbm4b:s4+s9], $0x40, s23, s9, $0xb8;
	[tilespmem:$0x1D100] =	vst v63  }
0xac: {  	s24 =	sadd.s32 $0x45E0, s20  }
0xad: {  	[tilespmem:s30], [sflag:$0x2] =	stream.indirect.gather [hbm4b:s4+s9], $0x40, s24, s9, $0xb8;
	[tilespmem:$0x1D100] =	vst v63  }
0xae: {  	s25 =	sadd.s32 $0x4600, s20  }
0xaf: {  	[tilespmem:s31], [sflag:$0x2] =	stream.indirect.gather [hbm4b:s4+s9], $0x40, s25, s9, $0xb8;
	[tilespmem:$0x1D100] =	vst v63  }
0xb0: {  	s26 =	sadd.s32 $0x4620, s20  }
0xb1: {  	[tilespmem:s1], [sflag:$0x2] =	stream.indirect.gather [hbm4b:s4+s9], $0x40, s26, s9, $0xb8;
	[tilespmem:$0x1D100] =	vst v63  }
0xb2: {  	s23 =	sadd.s32 $0x4640, s20  }
0xb3: {  	[tilespmem:s0], [sflag:$0x2] =	stream.indirect.gather [hbm4b:s4+s9], $0x40, s23, s9, $0xb8;
	[tilespmem:$0x1D100] =	vst v63  }
0xb4: {  	s22 =	smul.u32 $0x500, s19;
	s24 =	sadd.s32 $0x4660, s20  }
0xb5: {  	[tilespmem:s13], [sflag:$0x2] =	stream.indirect.gather [hbm4b:s4+s9], $0x40, s24, s9, $0xb8;
	[tilespmem:$0x1D100] =	vst v63  }
0xb6: {  	v11 =	vadd.s32 s22, v1;
	s25 =	sadd.s32 $0x4680, s20  }
0xb7: {  	v11 =	vand.u32 $0xFFF8, v11;
	[tilespmem:s15], [sflag:$0x2] =	stream.indirect.gather [hbm4b:s4+s9], $0x40, s25, s9, $0xb8;
	[tilespmem:$0x1D100] =	vst v63  }
0xb8: {  	v11 =	vor.u32 v2, v11;
	s26 =	sadd.s32 $0x46A0, s20;
	s24 =	sor.u32 $0x1, s22  }
0xb9: {  	[tilespmem:s10], [sflag:$0x2] =	stream.indirect.gather [hbm4b:s4+s9], $0x40, s26, s9, $0xb8;
	[tilespmem:$0x1D100] =	vst v63  }
0xba: {  	v12 =	vadd.s32 s24, v1;
	_ =	swait.ge [sflag:s6], $0xA000  }
0xbb: {  	s25 =	sor.u32 $0x2, s22;
	[sflag:s6] =	ssyncset.done $0x0  }
0xbc: {  	v13 =	vadd.s32 s25, v1;
	s26 =	sor.u32 $0x3, s22;
	[sflag:s6] =	ssyncadd.s32 $0xFFFF6000  }
0xbd: {  	v14 =	vadd.s32 s26, v1;
	v11 =	vld.idx.msk [tilespmem:v11+s14+$0x0], $0xffff;
	_ =	sdelay $0x1  }
0xbe: {  	s24 =	sor.u32 $0x4, s22;
	v12 =	vld.idx.msk [tilespmem:v12+s14+$0x0], $0xffff  }
0xbf: {  	v15 =	vadd.s32 s24, v1  }
0xc0: {  	s25 =	sor.u32 $0x5, s22;
	v13 =	vld.idx.msk [tilespmem:v13+s14+$0x0], $0xffff  }
0xc1: {  	v16 =	vadd.s32 s25, v1;
	vm0 =	veq.s32 v11, $0x0;
	v11 =	vld.idx.msk [tilespmem:v14+s14+$0x0], $0xffff  }
0xc2: {  	s24 =	sor.u32 $0x7, s22;
	s26 =	sor.u32 $0x6, s22  }
0xc3: {  	v37 =	vadd.s32 s24, v1;
	s25 =	sor.u32 $0x8, s22;
	v17 =	vadd.s32 s26, v1;
	vm1 =	veq.s32 v12, $0x0  }
0xc4: {  	v38 =	vadd.s32 s25, v1;
	v36 =	vld.idx.msk [tilespmem:v15+s14+$0x0], $0xffff;
	v34 =	vsel vm0, $0x3F800000, v3;
	v35 =	vsel vm1, $0x3F800000, v3  }
0xc5: {  	v15 =	vand.u32 $0xFFF8, v38;
	vm14 =	veq.s32 v13, $0x0;
	v12 =	vadd.f32 v35, v34  }
0xc6: {  	v16 =	vld.idx.msk [tilespmem:v16+s14+$0x0], $0xffff;
	v18 =	vsel vm14, $0x3F800000, v3;
	vm15 =	veq.s32 v11, $0x0;
	v11 =	vor.u32 v2, v15  }
0xc7: {  	v12 =	vadd.f32 v18, v12  }
0xc8: {  	s26 =	sor.u32 $0x9, s22;
	v17 =	vld.idx.msk [tilespmem:v17+s14+$0x0], $0xffff;
	v39 =	vsel vm15, $0x3F800000, v3  }
0xc9: {  	v40 =	vadd.s32 s26, v1;
	vm4 =	veq.s32 v36, $0x0;
	v12 =	vadd.f32 v39, v12  }
0xca: {  	s24 =	sor.u32 $0xA, s22;
	v13 =	vld.idx.msk [tilespmem:v37+s14+$0x0], $0xffff;
	v41 =	vsel vm4, $0x3F800000, v3  }
0xcb: {  	v43 =	vadd.s32 s24, v1;
	vm5 =	veq.s32 v16, $0x0;
	v12 =	vadd.f32 v41, v12;
	v11 =	vld.idx.msk [tilespmem:v11+s14+$0x0], $0xffff  }
0xcc: {  	s25 =	sor.u32 $0xB, s22;
	v42 =	vsel vm5, $0x3F800000, v3  }
0xcd: {  	v45 =	vadd.s32 s25, v1;
	vm6 =	veq.s32 v17, $0x0;
	v12 =	vadd.f32 v42, v12  }
0xce: {  	s26 =	sor.u32 $0xC, s22;
	v14 =	vld.idx.msk [tilespmem:v40+s14+$0x0], $0xffff;
	v44 =	vsel vm6, $0x3F800000, v3  }
0xcf: {  	v46 =	vadd.s32 s26, v1;
	vm7 =	veq.s32 v13, $0x0;
	v12 =	vadd.f32 v44, v12  }
0xd0: {  	s24 =	sor.u32 $0xD, s22;
	v13 =	vsel vm7, $0x3F800000, v3;
	vm8 =	veq.s32 v11, $0x0;
	v11 =	vld.idx.msk [tilespmem:v43+s14+$0x0], $0xffff  }
0xd1: {  	v48 =	vadd.s32 s24, v1;
	v12 =	vadd.f32 v13, v12  }
0xd2: {  	s25 =	sor.u32 $0xE, s22;
	v49 =	vld.idx.msk [tilespmem:v45+s14+$0x0], $0xffff;
	v47 =	vsel vm8, $0x3F800000, v3  }
0xd3: {  	s23 =	sshll.u32 s19, $0x6;
	v50 =	vadd.s32 s25, v1;
	s25 =	sor.u32 $0x10, s22;
	vm9 =	veq.s32 v14, $0x0;
	v12 =	vadd.f32 v47, v12  }
0xd4: {  	v51 =	vor.u32 s23, v0;
	s26 =	sor.u32 $0xF, s22;
	v53 =	vadd.s32 s25, v1;
	v52 =	vld.idx.msk [tilespmem:v46+s14+$0x0], $0xffff;
	v14 =	vsel vm9, $0x3F800000, v3  }
0xd5: {  	v12 =	vadd.f32 v14, v12;
	vm10 =	veq.s32 v11, $0x0;
	v11 =	vadd.s32 s26, v1  }
0xd6: {  	v16 =	vld.idx.msk [tilespmem:v48+s14+$0x0], $0xffff;
	v15 =	vand.u32 $0xFFF8, v53;
	v19 =	vsel vm10, $0x3F800000, v3  }
0xd7: {  	vm11 =	veq.s32 v49, $0x0;
	v54 =	vor.u32 v2, v15;
	v12 =	vadd.f32 v19, v12  }
0xd8: {  	s25 =	sor.u32 $0x11, s22;
	v17 =	vld.idx.msk [tilespmem:v50+s14+$0x0], $0xffff;
	v55 =	vsel vm11, $0x3F800000, v3  }
0xd9: {  	v56 =	vadd.s32 s25, v1;
	v18 =	vld.idx.msk [tilespmem:v51+s7+$0x0], $0xffff;
	vm12 =	veq.s32 v52, $0x0;
	v12 =	vadd.f32 v55, v12  }
0xda: {  	v57 =	vsel vm12, $0x3F800000, v3;
	s26 =	sor.u32 $0x12, s22;
	v11 =	vld.idx.msk [tilespmem:v11+s14+$0x0], $0xffff  }
0xdb: {  	vm13 =	veq.s32 v16, $0x0;
	v58 =	vadd.s32 s26, v1;
	v12 =	vadd.f32 v57, v12  }
0xdc: {  	s25 =	sor.u32 $0x13, s22;
	v16 =	vsel vm13, $0x3F800000, v3;
	v13 =	vld.idx.msk [tilespmem:v54+s14+$0x0], $0xffff  }
0xdd: {  	v59 =	vadd.s32 s25, v1;
	vm14 =	veq.s32 v17, $0x0;
	v12 =	vadd.f32 v16, v12  }
0xde: {  	v17 =	vsel vm14, $0x3F800000, v3;
	v14 =	vld.idx.msk [tilespmem:v56+s14+$0x0], $0xffff  }
0xdf: {  	v18 =	vcvt.s32.f32 v18;
	v12 =	vadd.f32 v17, v12;
	vm15 =	veq.s32 v11, $0x0  }
0xe0: {  	v15 =	vld.idx.msk [tilespmem:v58+s14+$0x0], $0xffff;
	v11 =	vsel vm15, $0x3F800000, v3  }
0xe1: {  	v60 =	vmax.f32 v18, $1.000000000e+00;
	vm4 =	veq.s32 v13, $0x0;
	v11 =	vadd.f32 v11, v12  }
0xe2: {  	v62 =	vld.idx.msk [tilespmem:v59+s14+$0x0], $0xffff;
	(erf) = vrcp.f32 v60;
	v61 =	vsel vm4, $0x3F800000, v3  }
0xe3: {  	vm5 =	veq.s32 v14, $0x0;
	v11 =	vadd.f32 v61, v11  }
0xe4: {  	v63 =	vsel vm5, $0x3F800000, v3  }
0xe5: {  	s26 =	sadd.s32 $0x140, s22;
	vm6 =	veq.s32 v15, $0x0;
	v11 =	vadd.f32 v63, v11  }
0xe6: {  	v17 =	vadd.s32 s26, v1;
	v16 =	vsel vm6, $0x3F800000, v3  }
0xe7: {  	vm7 =	veq.s32 v62, $0x0;
	v18 =	vand.u32 $0x1FFF8, v17;
	v11 =	vadd.f32 v16, v11  }
0xe8: {  	s25 =	sadd.s32 $0x141, s22;
	v13 =	vsel vm7, $0x3F800000, v3;
	v12 =	vor.u32 v2, v18  }
0xe9: {  	v19 =	vadd.s32 s25, v1;
	v11 =	vadd.f32 v13, v11  }
0xea: {  	s26 =	sadd.s32 $0x142, s22  }
0xeb: {  	v20 =	vpop (erf);
	[tilespmem:v0+s8+$0x0] =	vst.idx.msk $0xffff, v11;
	v11 =	vadd.s32 s26, v1  }
0xec: {  	s25 =	sadd.s32 $0x143, s22;
	[tilespmem:v4+s8+$0x0] =	vst.idx.msk $0xffff, v20  }
0xed: {  	v21 =	vadd.s32 s25, v1;
	v12 =	vld.idx.msk [tilespmem:v12+s14+$0x0], $0xffff  }
0xee: {  	s26 =	sadd.s32 $0x144, s22;
	v13 =	vld.idx.msk [tilespmem:v19+s14+$0x0], $0xffff  }
0xef: {  	v22 =	vadd.s32 s26, v1  }
0xf0: {  	s25 =	sadd.s32 $0x145, s22;
	v11 =	vld.idx.msk [tilespmem:v11+s14+$0x0], $0xffff  }
0xf1: {  	v23 =	vadd.s32 s25, v1  }
0xf2: {  	s26 =	sadd.s32 $0x146, s22;
	v24 =	vld.idx.msk [tilespmem:v21+s14+$0x0], $0xffff  }
0xf3: {  	v27 =	vadd.s32 s26, v1;
	s26 =	sadd.s32 $0x148, s22;
	vm8 =	veq.s32 v12, $0x0;
	vm9 =	veq.s32 v13, $0x0  }
0xf4: {  	s25 =	sadd.s32 $0x147, s22;
	v29 =	vadd.s32 s26, v1;
	v28 =	vld.idx.msk [tilespmem:v22+s14+$0x0], $0xffff;
	v25 =	vsel vm8, $0x3F800000, v3;
	v26 =	vsel vm9, $0x3F800000, v3  }
0xf5: {  	v13 =	vadd.f32 v26, v25;
	vm10 =	veq.s32 v11, $0x0;
	v11 =	vadd.s32 s25, v1  }
0xf6: {  	v16 =	vld.idx.msk [tilespmem:v23+s14+$0x0], $0xffff;
	v15 =	vand.u32 $0x1FFF8, v29;
	v30 =	vsel vm10, $0x3F800000, v3  }
0xf7: {  	v31 =	vor.u32 v2, v15;
	vm11 =	veq.s32 v24, $0x0;
	v13 =	vadd.f32 v30, v13  }
0xf8: {  	s26 =	sadd.s32 $0x149, s22;
	v17 =	vld.idx.msk [tilespmem:v27+s14+$0x0], $0xffff;
	v32 =	vsel vm11, $0x3F800000, v3  }
0xf9: {  	v33 =	vadd.s32 s26, v1;
	vm12 =	veq.s32 v28, $0x0;
	v13 =	vadd.f32 v32, v13  }
0xfa: {  	s25 =	sadd.s32 $0x14A, s22;
	v34 =	vsel vm12, $0x3F800000, v3;
	v11 =	vld.idx.msk [tilespmem:v11+s14+$0x0], $0xffff  }
0xfb: {  	vm13 =	veq.s32 v16, $0x0;
	v36 =	vadd.s32 s25, v1;
	v13 =	vadd.f32 v34, v13  }
0xfc: {  	s26 =	sadd.s32 $0x14B, s22;
	v35 =	vsel vm13, $0x3F800000, v3;
	v12 =	vld.idx.msk [tilespmem:v31+s14+$0x0], $0xffff  }
0xfd: {  	v38 =	vadd.s32 s26, v1;
	vm14 =	veq.s32 v17, $0x0;
	v13 =	vadd.f32 v35, v13  }
0xfe: {  	v14 =	vld.idx.msk [tilespmem:v33+s14+$0x0], $0xffff;
	s25 =	sadd.s32 $0x14C, s22;
	v37 =	vsel vm14, $0x3F800000, v3  }
0xff: {  	v39 =	vadd.s32 s25, v1;
	v13 =	vadd.f32 v37, v13;
	vm15 =	veq.s32 v11, $0x0  }
0x100: {  	s26 =	sadd.s32 $0x14D, s22;
	v40 =	vld.idx.msk [tilespmem:v36+s14+$0x0], $0xffff;
	v11 =	vsel vm15, $0x3F800000, v3  }
0x101: {  	v42 =	vadd.s32 s26, v1;
	s26 =	sor.u32 $0x10, s23;
	vm4 =	veq.s32 v12, $0x0;
	v11 =	vadd.f32 v11, v13  }
0x102: {  	v45 =	vor.u32 s26, v0;
	v43 =	vld.idx.msk [tilespmem:v38+s14+$0x0], $0xffff;
	s25 =	sadd.s32 $0x14E, s22;
	v41 =	vsel vm4, $0x3F800000, v3  }
0x103: {  	s26 =	sadd.s32 $0x150, s22;
	v44 =	vadd.s32 s25, v1;
	vm5 =	veq.s32 v14, $0x0;
	v11 =	vadd.f32 v41, v11  }
0x104: {  	v48 =	vadd.s32 s26, v1;
	s25 =	sadd.s32 $0x14F, s22;
	v14 =	vsel vm5, $0x3F800000, v3;
	v46 =	vld.idx.msk [tilespmem:v39+s14+$0x0], $0xffff  }
0x105: {  	v47 =	vadd.s32 s25, v1;
	vm6 =	veq.s32 v40, $0x0;
	v11 =	vadd.f32 v14, v11  }
0x106: {  	v15 =	vand.u32 $0x1FFF8, v48;
	v16 =	vld.idx.msk [tilespmem:v42+s14+$0x0], $0xffff;
	v49 =	vsel vm6, $0x3F800000, v3  }
0x107: {  	v50 =	vor.u32 v2, v15;
	vm7 =	veq.s32 v43, $0x0;
	v11 =	vadd.f32 v49, v11  }
0x108: {  	s26 =	sadd.s32 $0x151, s22;
	v51 =	vsel vm7, $0x3F800000, v3;
	v17 =	vld.idx.msk [tilespmem:v44+s14+$0x0], $0xffff  }
0x109: {  	v52 =	vadd.s32 s26, v1;
	v18 =	vld.idx.msk [tilespmem:v45+s7+$0x0], $0xffff;
	vm8 =	veq.s32 v46, $0x0;
	v11 =	vadd.f32 v51, v11  }
0x10a: {  	s25 =	sadd.s32 $0x152, s22;
	v12 =	vld.idx.msk [tilespmem:v47+s14+$0x0], $0xffff;
	v53 =	vsel vm8, $0x3F800000, v3  }
0x10b: {  	v54 =	vadd.s32 s25, v1;
	vm9 =	veq.s32 v16, $0x0;
	v11 =	vadd.f32 v53, v11  }
0x10c: {  	s26 =	sadd.s32 $0x153, s22;
	v16 =	vsel vm9, $0x3F800000, v3;
	v13 =	vld.idx.msk [tilespmem:v50+s14+$0x0], $0xffff  }
0x10d: {  	v55 =	vadd.s32 s26, v1;
	vm10 =	veq.s32 v17, $0x0;
	v11 =	vadd.f32 v16, v11  }
0x10e: {  	v17 =	vsel vm10, $0x3F800000, v3;
	v14 =	vld.idx.msk [tilespmem:v52+s14+$0x0], $0xffff  }
0x10f: {  	v56 =	vcvt.s32.f32 v18;
	vm11 =	veq.s32 v12, $0x0;
	v11 =	vadd.f32 v17, v11  }
0x110: {  	v15 =	vld.idx.msk [tilespmem:v54+s14+$0x0], $0xffff;
	v12 =	vsel vm11, $0x3F800000, v3  }
0x111: {  	v57 =	vmax.f32 v56, $1.000000000e+00;
	vm12 =	veq.s32 v13, $0x0;
	v11 =	vadd.f32 v12, v11  }
0x112: {  	v59 =	vld.idx.msk [tilespmem:v55+s14+$0x0], $0xffff;
	(erf) = vrcp.f32 v57;
	v58 =	vsel vm12, $0x3F800000, v3  }
0x113: {  	vm13 =	veq.s32 v14, $0x0;
	v11 =	vadd.f32 v58, v11  }
0x114: {  	v60 =	vsel vm13, $0x3F800000, v3  }
0x115: {  	vm14 =	veq.s32 v15, $0x0;
	v11 =	vadd.f32 v60, v11  }
0x116: {  	v61 =	vsel vm14, $0x3F800000, v3  }
0x117: {  	vm15 =	veq.s32 v59, $0x0;
	v11 =	vadd.f32 v61, v11  }
0x118: {  	v62 =	vsel vm15, $0x3F800000, v3  }
0x119: {  	v11 =	vadd.f32 v62, v11;
	_ =	sdelay $0x1  }
0x11a: {  	v63 =	vpop (erf);
	[tilespmem:v5+s8+$0x0] =	vst.idx.msk $0xffff, v11  }
0x11b: {  	s24 =	simm.s32 $0x1C8A0;
	s26 =	simm.s32 $0x0;
	s25 =	simm.s32 $0x8B00;
	[tilespmem:v6+s8+$0x0] =	vst.idx.msk $0xffff, v63  }
.LBB2_7:
0x11c: {  	v11 =	vld [tilespmem:s25+$0xFFFFFD80]  }
0x11d: {  	v12 =	vld [tilespmem:s25+$0xFFFFFD90]  }
0x11e: {  	v13 =	vld [tilespmem:s25+$0xFFFFFDA0]  }
0x11f: {  	v14 =	vld [tilespmem:s25+$0xFFFFFDB0]  }
0x120: {  	v15 =	vld [tilespmem:s25+$0xFFFFFDC0]  }
0x121: {  	v16 =	vld [tilespmem:s25+$0xFFFFFDD0]  }
0x122: {  	v17 =	vld [tilespmem:s25+$0xFFFFFDE0]  }
0x123: {  	v18 =	vld [tilespmem:s25+$0xFFFFFDF0]  }
0x124: {  	v19 =	vld [tilespmem:s25+$0xFFFFFE00]  }
0x125: {  	v20 =	vld [tilespmem:s25+$0xFFFFFE10]  }
0x126: {  	v21 =	vld [tilespmem:s25+$0xFFFFFE20]  }
0x127: {  	v22 =	vld [tilespmem:s25+$0xFFFFFE30]  }
0x128: {  	v23 =	vld [tilespmem:s25+$0xFFFFFE40]  }
0x129: {  	v24 =	vld [tilespmem:s25+$0xFFFFFE50]  }
0x12a: {  	v25 =	vld [tilespmem:s25+$0xFFFFFE60]  }
0x12b: {  	v26 =	vld [tilespmem:s25+$0xFFFFFE70]  }
0x12c: {  	v27 =	vld [tilespmem:s25+$0xFFFFFE80]  }
0x12d: {  	v28 =	vld [tilespmem:s25+$0xFFFFFE90]  }
0x12e: {  	v29 =	vld [tilespmem:s25+$0xFFFFFEA0]  }
0x12f: {  	v30 =	vld [tilespmem:s25+$0xFFFFFEB0]  }
0x130: {  	v31 =	vld [tilespmem:s25+$0xFFFFFEC0]  }
0x131: {  	v32 =	vld [tilespmem:s25+$0xFFFFFED0]  }
0x132: {  	v33 =	vld [tilespmem:s25+$0xFFFFFEE0]  }
0x133: {  	v34 =	vld [tilespmem:s25+$0xFFFFFEF0]  }
0x134: {  	v35 =	vld [tilespmem:s25+$0xFFFFFF00]  }
0x135: {  	v36 =	vld [tilespmem:s25+$0xFFFFFF10]  }
0x136: {  	v37 =	vld [tilespmem:s25+$0xFFFFFF20]  }
0x137: {  	v38 =	vld [tilespmem:s25+$0xFFFFFF30]  }
0x138: {  	v39 =	vld [tilespmem:s25+$0xFFFFFF40]  }
0x139: {  	v40 =	vld [tilespmem:s25+$0xFFFFFF50]  }
0x13a: {  	v41 =	vld [tilespmem:s25+$0xFFFFFF60]  }
0x13b: {  	v42 =	vld [tilespmem:s25+$0xFFFFFF70]  }
0x13c: {  	v43 =	vld [tilespmem:s25+$0xFFFFFF80]  }
0x13d: {  	v44 =	vld [tilespmem:s25+$0xFFFFFF90]  }
0x13e: {  	v45 =	vld [tilespmem:s25+$0xFFFFFFA0]  }
0x13f: {  	v46 =	vld [tilespmem:s25+$0xFFFFFFB0]  }
0x140: {  	v47 =	vld [tilespmem:s25+$0xFFFFFFC0]  }
0x141: {  	v48 =	vld [tilespmem:s25+$0xFFFFFFD0]  }
0x142: {  	v49 =	vld [tilespmem:s25+$0xFFFFFFE0]  }
0x143: {  	v50 =	vld [tilespmem:s25+$0xFFFFFFF0]  }
0x144: {  	v51 =	vld [tilespmem:s25+$0x0]  }
0x145: {  	v52 =	vld [tilespmem:s25+$0x10]  }
0x146: {  	v53 =	vld [tilespmem:s25+$0x20]  }
0x147: {  	v54 =	vld [tilespmem:s25+$0x30]  }
0x148: {  	v55 =	vld [tilespmem:s25+$0x40]  }
0x149: {  	v56 =	vld [tilespmem:s25+$0x50]  }
0x14a: {  	v57 =	vld [tilespmem:s25+$0x110];
	v11 =	vadd.f32 v15, v11  }
0x14b: {  	v58 =	vld [tilespmem:s25+$0x120];
	v12 =	vadd.f32 v16, v12  }
0x14c: {  	v59 =	vld [tilespmem:s25+$0x130];
	v14 =	vadd.f32 v18, v14;
	v11 =	vadd.f32 v19, v11  }
0x14d: {  	v60 =	vld [tilespmem:s25+$0x140];
	v13 =	vadd.f32 v17, v13;
	v12 =	vadd.f32 v20, v12  }
0x14e: {  	v61 =	vld [tilespmem:s25+$0x150];
	v14 =	vadd.f32 v22, v14;
	v11 =	vadd.f32 v23, v11  }
0x14f: {  	v62 =	vld [tilespmem:s25+$0x160];
	v13 =	vadd.f32 v21, v13;
	v12 =	vadd.f32 v24, v12  }
0x150: {  	v63 =	vld [tilespmem:s25+$0x170];
	v14 =	vadd.f32 v26, v14;
	v11 =	vadd.f32 v27, v11  }
0x151: {  	v15 =	vld [tilespmem:s25+$0x60];
	v13 =	vadd.f32 v25, v13;
	v12 =	vadd.f32 v28, v12  }
0x152: {  	v16 =	vld [tilespmem:s25+$0x70];
	v14 =	vadd.f32 v30, v14;
	v11 =	vadd.f32 v31, v11  }
0x153: {  	v17 =	vld [tilespmem:s25+$0x80];
	v13 =	vadd.f32 v29, v13;
	v12 =	vadd.f32 v32, v12  }
0x154: {  	v18 =	vld [tilespmem:s25+$0x90];
	v14 =	vadd.f32 v34, v14;
	v11 =	vadd.f32 v35, v11  }
0x155: {  	v19 =	vld [tilespmem:s25+$0xA0];
	v13 =	vadd.f32 v33, v13;
	v12 =	vadd.f32 v36, v12  }
0x156: {  	v20 =	vld [tilespmem:s25+$0xB0];
	v14 =	vadd.f32 v38, v14;
	v11 =	vadd.f32 v39, v11  }
0x157: {  	v21 =	vld [tilespmem:s25+$0xC0];
	v13 =	vadd.f32 v37, v13;
	v12 =	vadd.f32 v40, v12  }
0x158: {  	v22 =	vld [tilespmem:s25+$0xD0];
	v14 =	vadd.f32 v42, v14;
	v11 =	vadd.f32 v43, v11  }
0x159: {  	v23 =	vld [tilespmem:s25+$0xE0];
	v13 =	vadd.f32 v41, v13;
	v12 =	vadd.f32 v44, v12  }
0x15a: {  	v24 =	vld [tilespmem:s25+$0xF0];
	v14 =	vadd.f32 v46, v14;
	v11 =	vadd.f32 v47, v11  }
0x15b: {  	v25 =	vld [tilespmem:s25+$0x100];
	v13 =	vadd.f32 v45, v13;
	v12 =	vadd.f32 v48, v12  }
0x15c: {  	v40 =	vld [tilespmem:s25+$0x180];
	v14 =	vadd.f32 v50, v14;
	v11 =	vadd.f32 v51, v11  }
0x15d: {  	v41 =	vld [tilespmem:s25+$0x190];
	v13 =	vadd.f32 v49, v13;
	v12 =	vadd.f32 v52, v12  }
0x15e: {  	v42 =	vld [tilespmem:s25+$0x1A0];
	v14 =	vadd.f32 v54, v14;
	v11 =	vadd.f32 v55, v11  }
0x15f: {  	v43 =	vld [tilespmem:s25+$0x1B0];
	v13 =	vadd.f32 v53, v13;
	v12 =	vadd.f32 v56, v12  }
0x160: {  	v44 =	vld [tilespmem:s25+$0x1C0];
	v14 =	vadd.f32 v16, v14;
	v11 =	vadd.f32 v17, v11  }
0x161: {  	v45 =	vld [tilespmem:s25+$0x1D0];
	v13 =	vadd.f32 v15, v13;
	v12 =	vadd.f32 v18, v12  }
0x162: {  	v46 =	vld [tilespmem:s25+$0x1E0];
	v14 =	vadd.f32 v20, v14;
	v11 =	vadd.f32 v21, v11  }
0x163: {  	v47 =	vld [tilespmem:s25+$0x1F0];
	v13 =	vadd.f32 v19, v13;
	v12 =	vadd.f32 v22, v12  }
0x164: {  	v48 =	vld [tilespmem:s25+$0x200];
	v49 =	vmov s26;
	v14 =	vadd.f32 v24, v14;
	v11 =	vadd.f32 v25, v11  }
0x165: {  	v50 =	vld [tilespmem:s25+$0x210];
	v13 =	vadd.f32 v23, v13;
	v12 =	vadd.f32 v57, v12  }
0x166: {  	v51 =	vld [tilespmem:s25+$0x220];
	v14 =	vadd.f32 v59, v14;
	v11 =	vadd.f32 v60, v11  }
0x167: {  	v52 =	vld [tilespmem:s25+$0x230];
	v13 =	vadd.f32 v58, v13;
	v12 =	vadd.f32 v61, v12  }
0x168: {  	v53 =	vld [tilespmem:s25+$0x240];
	v54 =	vor.u32 $0x20, v49;
	v14 =	vadd.f32 v63, v14;
	v11 =	vadd.f32 v40, v11  }
0x169: {  	v20 =	vld.idx.msk [tilespmem:v49+s8+$0x0], $0xffff;
	v13 =	vadd.f32 v62, v13;
	v12 =	vadd.f32 v41, v12  }
0x16a: {  	v55 =	vld [tilespmem:s25+$0x250];
	v14 =	vadd.f32 v43, v14;
	v11 =	vadd.f32 v44, v11  }
0x16b: {  	v57 =	vld [tilespmem:s25+$0x270];
	v13 =	vadd.f32 v42, v13;
	v12 =	vadd.f32 v45, v12  }
0x16c: {  	v56 =	vld [tilespmem:s25+$0x260];
	v14 =	vadd.f32 v47, v14;
	v11 =	vadd.f32 v48, v11  }
0x16d: {  	v58 =	vld.idx.msk [tilespmem:v54+s8+$0x0], $0xffff;
	v13 =	vadd.f32 v46, v13;
	v12 =	vadd.f32 v50, v12  }
0x16e: {  	v59 =	vmul.f32 v20, v7;
	v14 =	vadd.f32 v52, v14;
	v11 =	vadd.f32 v53, v11  }
0x16f: {  	v60 =	vmul.f32 v20, v8;
	v13 =	vadd.f32 v51, v13;
	v12 =	vadd.f32 v55, v12  }
0x170: {  	v62 =	vmul.f32 v20, v10;
	v14 =	vadd.f32 v57, v14;
	v11 =	vsub.f32 v11, v59  }
0x171: {  	v61 =	vmul.f32 v20, v9;
	v13 =	vadd.f32 v56, v13;
	v12 =	vsub.f32 v12, v60  }
0x172: {  	p0 =	sne.s32 s26, $0x1F;
	v14 =	vsub.f32 v14, v62;
	v11 =	vmul.f32 v11, v58  }
.Ltmp2:
0x173: {  	v13 =	vsub.f32 v13, v61;
	v12 =	vmul.f32 v12, v58;
	(pc) =	sbr.rel @p0 .LBB2_7-.Ltmp2, $4  }
0x174: {  	v63 =	vmul.f32 v14, v58;
	[tilespmem:s24+$0xFFFFFFE0] =	vst v11  }
0x175: {  	v11 =	vmul.f32 v13, v58;
	[tilespmem:s24+$0xFFFFFFF0] =	vst v12  }
0x176: {  	[tilespmem:s24+$0x10] =	vst v63  }
0x177: {  	s26 =	sadd.s32 $0x1, s26;
	s25 =	sadd.s32 $0x500, s25;
	[tilespmem:s24+$0x0] =	vst v11;
	s24 =	sadd.s32 $0x40, s24  }
0x178: {  	s23 =	sadd.s32 s5, s23  }
0x179: {  	s23 =	sshll.u32 s23, $0x3  }
0x17a: {  	s23 =	sadd.s32 s2, s23  }
0x17b: {  	[hbm4b:s23+s3] =	stream.linear.scatter [tilespmem:s16], [sflag:$0x4], $0x800, $0x38;
	[tilespmem:$0x1D100] =	vst v63  }
0x17c: {  	p0 =	seq.s32 s19, $0xC;
	_ =	swait.ge [sflag:s17], $0x800  }
0x17d: {  	s24 =	sadd.s32 @!p0 $0x4940, s22;
	[sflag:s17] =	ssyncset.done $0x0  }
0x17e: {  	s25 =	simm.s32 @!p0 $0x8880;
	s23 =	simm.s32 @!p0 $0x20;
	[sflag:s17] =	ssyncadd.s32 $0xFFFFF800  }
0x17f: {  	[tilespmem:s25], [sflag:$0x1] =	stream.indirect.gather @!p0 [hbm4b:s4+s23], $0x40, s24, s23, $0xb8;
	[tilespmem:$0x1D100] =	vst v63  }
0x180: {  	s24 =	sadd.s32 @!p0 $0x4960, s22;
	s25 =	simm.s32 @!p0 $0x9080  }
0x181: {  	[tilespmem:s25], [sflag:$0x1] =	stream.indirect.gather @!p0 [hbm4b:s4+s23], $0x40, s24, s23, $0xb8;
	[tilespmem:$0x1D100] =	vst v63  }
0x182: {  	s24 =	sadd.s32 @!p0 $0x4980, s22;
	s25 =	simm.s32 @!p0 $0x9880  }
0x183: {  	[tilespmem:s25], [sflag:$0x1] =	stream.indirect.gather @!p0 [hbm4b:s4+s23], $0x40, s24, s23, $0xb8;
	[tilespmem:$0x1D100] =	vst v63  }
0x184: {  	s24 =	sadd.s32 @!p0 $0x49A0, s22;
	s25 =	simm.s32 @!p0 $0xA080  }
0x185: {  	[tilespmem:s25], [sflag:$0x1] =	stream.indirect.gather @!p0 [hbm4b:s4+s23], $0x40, s24, s23, $0xb8;
	[tilespmem:$0x1D100] =	vst v63  }
0x186: {  	s24 =	sadd.s32 @!p0 $0x49C0, s22;
	s25 =	simm.s32 @!p0 $0xA880  }
0x187: {  	[tilespmem:s25], [sflag:$0x1] =	stream.indirect.gather @!p0 [hbm4b:s4+s23], $0x40, s24, s23, $0xb8;
	[tilespmem:$0x1D100] =	vst v63  }
0x188: {  	s24 =	sadd.s32 @!p0 $0x49E0, s22;
	s25 =	simm.s32 @!p0 $0xB080  }
0x189: {  	[tilespmem:s25], [sflag:$0x1] =	stream.indirect.gather @!p0 [hbm4b:s4+s23], $0x40, s24, s23, $0xb8;
	[tilespmem:$0x1D100] =	vst v63  }
0x18a: {  	s24 =	sadd.s32 @!p0 $0x4A00, s22;
	s25 =	simm.s32 @!p0 $0xB880  }
0x18b: {  	[tilespmem:s25], [sflag:$0x1] =	stream.indirect.gather @!p0 [hbm4b:s4+s23], $0x40, s24, s23, $0xb8;
	[tilespmem:$0x1D100] =	vst v63  }
0x18c: {  	s24 =	sadd.s32 @!p0 $0x4A20, s22;
	s25 =	simm.s32 @!p0 $0xC080  }
0x18d: {  	[tilespmem:s25], [sflag:$0x1] =	stream.indirect.gather @!p0 [hbm4b:s4+s23], $0x40, s24, s23, $0xb8;
	[tilespmem:$0x1D100] =	vst v63  }
0x18e: {  	s24 =	sadd.s32 @!p0 $0x4A40, s22;
	s25 =	simm.s32 @!p0 $0xC880  }
0x18f: {  	[tilespmem:s25], [sflag:$0x1] =	stream.indirect.gather @!p0 [hbm4b:s4+s23], $0x40, s24, s23, $0xb8;
	[tilespmem:$0x1D100] =	vst v63  }
0x190: {  	s24 =	sadd.s32 @!p0 $0x4A60, s22;
	s25 =	simm.s32 @!p0 $0xD080  }
0x191: {  	[tilespmem:s25], [sflag:$0x1] =	stream.indirect.gather @!p0 [hbm4b:s4+s23], $0x40, s24, s23, $0xb8;
	[tilespmem:$0x1D100] =	vst v63  }
0x192: {  	s24 =	sadd.s32 @!p0 $0x4A80, s22;
	s25 =	simm.s32 @!p0 $0xD880  }
0x193: {  	[tilespmem:s25], [sflag:$0x1] =	stream.indirect.gather @!p0 [hbm4b:s4+s23], $0x40, s24, s23, $0xb8;
	[tilespmem:$0x1D100] =	vst v63  }
0x194: {  	s24 =	sadd.s32 @!p0 $0x4AA0, s22;
	s25 =	simm.s32 @!p0 $0xE080  }
0x195: {  	[tilespmem:s25], [sflag:$0x1] =	stream.indirect.gather @!p0 [hbm4b:s4+s23], $0x40, s24, s23, $0xb8;
	[tilespmem:$0x1D100] =	vst v63  }
0x196: {  	s24 =	sadd.s32 @!p0 $0x4AC0, s22;
	s25 =	simm.s32 @!p0 $0xE880  }
0x197: {  	[tilespmem:s25], [sflag:$0x1] =	stream.indirect.gather @!p0 [hbm4b:s4+s23], $0x40, s24, s23, $0xb8;
	[tilespmem:$0x1D100] =	vst v63  }
0x198: {  	s24 =	sadd.s32 @!p0 $0x4AE0, s22;
	s25 =	simm.s32 @!p0 $0xF080  }
0x199: {  	[tilespmem:s25], [sflag:$0x1] =	stream.indirect.gather @!p0 [hbm4b:s4+s23], $0x40, s24, s23, $0xb8;
	[tilespmem:$0x1D100] =	vst v63  }
0x19a: {  	s24 =	sadd.s32 @!p0 $0x4B00, s22;
	s25 =	simm.s32 @!p0 $0xF880  }
0x19b: {  	[tilespmem:s25], [sflag:$0x1] =	stream.indirect.gather @!p0 [hbm4b:s4+s23], $0x40, s24, s23, $0xb8;
	[tilespmem:$0x1D100] =	vst v63  }
0x19c: {  	s24 =	sadd.s32 @!p0 $0x4B20, s22;
	s25 =	simm.s32 @!p0 $0x10080  }
0x19d: {  	[tilespmem:s25], [sflag:$0x1] =	stream.indirect.gather @!p0 [hbm4b:s4+s23], $0x40, s24, s23, $0xb8;
	[tilespmem:$0x1D100] =	vst v63  }
0x19e: {  	s24 =	sadd.s32 @!p0 $0x4B40, s22;
	s25 =	simm.s32 @!p0 $0x10880  }
0x19f: {  	[tilespmem:s25], [sflag:$0x1] =	stream.indirect.gather @!p0 [hbm4b:s4+s23], $0x40, s24, s23, $0xb8;
	[tilespmem:$0x1D100] =	vst v63  }
0x1a0: {  	s24 =	sadd.s32 @!p0 $0x4B60, s22;
	s25 =	simm.s32 @!p0 $0x11080  }
0x1a1: {  	[tilespmem:s25], [sflag:$0x1] =	stream.indirect.gather @!p0 [hbm4b:s4+s23], $0x40, s24, s23, $0xb8;
	[tilespmem:$0x1D100] =	vst v63  }
0x1a2: {  	v11 =	vadd.s32 s20, v1;
	s24 =	sadd.s32 @!p0 $0x4B80, s22;
	s25 =	simm.s32 @!p0 $0x11880  }
0x1a3: {  	v11 =	vand.u32 $0x7FFFFFF8, v11;
	[tilespmem:s25], [sflag:$0x1] =	stream.indirect.gather @!p0 [hbm4b:s4+s23], $0x40, s24, s23, $0xb8;
	[tilespmem:$0x1D100] =	vst v63  }
0x1a4: {  	s26 =	sor.u32 $0x1, s20;
	v11 =	vor.u32 v2, v11;
	s22 =	sadd.s32 @!p0 $0x4BA0, s22;
	s24 =	simm.s32 @!p0 $0x12080  }
0x1a5: {  	[tilespmem:s24], [sflag:$0x1] =	stream.indirect.gather @!p0 [hbm4b:s4+s23], $0x40, s22, s23, $0xb8;
	[tilespmem:$0x1D100] =	vst v63  }
0x1a6: {  	v12 =	vadd.s32 s26, v1;
	_ =	swait.ge [sflag:s18], $0xA000  }
0x1a7: {  	s23 =	sor.u32 $0x2, s20;
	[sflag:s18] =	ssyncset.done $0x0  }
0x1a8: {  	s24 =	sor.u32 $0x3, s20;
	v13 =	vadd.s32 s23, v1;
	[sflag:s18] =	ssyncadd.s32 $0xFFFF6000  }
0x1a9: {  	v14 =	vadd.s32 s24, v1;
	v11 =	vld.idx.msk [tilespmem:v11+s14+$0x0], $0xffff;
	_ =	sdelay $0x1  }
0x1aa: {  	s25 =	sor.u32 $0x4, s20;
	v12 =	vld.idx.msk [tilespmem:v12+s14+$0x0], $0xffff  }
0x1ab: {  	v15 =	vadd.s32 s25, v1  }
0x1ac: {  	s26 =	sor.u32 $0x5, s20;
	v13 =	vld.idx.msk [tilespmem:v13+s14+$0x0], $0xffff  }
0x1ad: {  	v16 =	vadd.s32 s26, v1;
	vm0 =	veq.s32 v11, $0x0;
	v11 =	vld.idx.msk [tilespmem:v14+s14+$0x0], $0xffff  }
0x1ae: {  	s25 =	sor.u32 $0x8, s20;
	s23 =	sor.u32 $0x6, s20  }
0x1af: {  	v38 =	vadd.s32 s25, v1;
	s24 =	sor.u32 $0x7, s20;
	v17 =	vadd.s32 s23, v1;
	vm1 =	veq.s32 v12, $0x0  }
0x1b0: {  	v37 =	vadd.s32 s24, v1;
	v36 =	vld.idx.msk [tilespmem:v15+s14+$0x0], $0xffff;
	v34 =	vsel vm0, $0x3F800000, v3;
	v35 =	vsel vm1, $0x3F800000, v3  }
0x1b1: {  	v15 =	vand.u32 $0x7FFFFFF8, v38;
	v12 =	vadd.f32 v35, v34;
	vm14 =	veq.s32 v13, $0x0  }
0x1b2: {  	v16 =	vld.idx.msk [tilespmem:v16+s14+$0x0], $0xffff;
	v18 =	vsel vm14, $0x3F800000, v3;
	vm15 =	veq.s32 v11, $0x0;
	v11 =	vor.u32 v2, v15  }
0x1b3: {  	v12 =	vadd.f32 v18, v12  }
0x1b4: {  	s26 =	sor.u32 $0x9, s20;
	v17 =	vld.idx.msk [tilespmem:v17+s14+$0x0], $0xffff;
	v39 =	vsel vm15, $0x3F800000, v3  }
0x1b5: {  	v40 =	vadd.s32 s26, v1;
	vm4 =	veq.s32 v36, $0x0;
	v12 =	vadd.f32 v39, v12  }
0x1b6: {  	s23 =	sor.u32 $0xA, s20;
	v41 =	vsel vm4, $0x3F800000, v3;
	v13 =	vld.idx.msk [tilespmem:v37+s14+$0x0], $0xffff  }
0x1b7: {  	v43 =	vadd.s32 s23, v1;
	vm5 =	veq.s32 v16, $0x0;
	v12 =	vadd.f32 v41, v12;
	v11 =	vld.idx.msk [tilespmem:v11+s14+$0x0], $0xffff  }
0x1b8: {  	s24 =	sor.u32 $0xB, s20;
	v42 =	vsel vm5, $0x3F800000, v3  }
0x1b9: {  	v45 =	vadd.s32 s24, v1;
	vm6 =	veq.s32 v17, $0x0;
	v12 =	vadd.f32 v42, v12  }
0x1ba: {  	s25 =	sor.u32 $0xC, s20;
	v14 =	vld.idx.msk [tilespmem:v40+s14+$0x0], $0xffff;
	v44 =	vsel vm6, $0x3F800000, v3  }
0x1bb: {  	v46 =	vadd.s32 s25, v1;
	vm7 =	veq.s32 v13, $0x0;
	v12 =	vadd.f32 v44, v12  }
0x1bc: {  	s26 =	sor.u32 $0xD, s20;
	v13 =	vsel vm7, $0x3F800000, v3;
	vm8 =	veq.s32 v11, $0x0;
	v11 =	vld.idx.msk [tilespmem:v43+s14+$0x0], $0xffff  }
0x1bd: {  	v48 =	vadd.s32 s26, v1;
	v12 =	vadd.f32 v13, v12  }
0x1be: {  	s23 =	sor.u32 $0xE, s20;
	v49 =	vld.idx.msk [tilespmem:v45+s14+$0x0], $0xffff;
	v47 =	vsel vm8, $0x3F800000, v3  }
0x1bf: {  	s21 =	sshll.u32 s21, $0x5;
	s25 =	sor.u32 $0x10, s20;
	v50 =	vadd.s32 s23, v1;
	vm9 =	veq.s32 v14, $0x0;
	v12 =	vadd.f32 v47, v12  }
0x1c0: {  	v51 =	vor.u32 s21, v0;
	v53 =	vadd.s32 s25, v1;
	s24 =	sor.u32 $0xF, s20;
	v52 =	vld.idx.msk [tilespmem:v46+s14+$0x0], $0xffff;
	v14 =	vsel vm9, $0x3F800000, v3  }
0x1c1: {  	v12 =	vadd.f32 v14, v12;
	vm10 =	veq.s32 v11, $0x0;
	v11 =	vadd.s32 s24, v1  }
0x1c2: {  	v16 =	vld.idx.msk [tilespmem:v48+s14+$0x0], $0xffff;
	v15 =	vand.u32 $0x7FFFFFF8, v53;
	v19 =	vsel vm10, $0x3F800000, v3  }
0x1c3: {  	vm11 =	veq.s32 v49, $0x0;
	v54 =	vor.u32 v2, v15;
	v12 =	vadd.f32 v19, v12  }
0x1c4: {  	s26 =	sor.u32 $0x11, s20;
	v17 =	vld.idx.msk [tilespmem:v50+s14+$0x0], $0xffff;
	v55 =	vsel vm11, $0x3F800000, v3  }
0x1c5: {  	v56 =	vadd.s32 s26, v1;
	vm12 =	veq.s32 v52, $0x0;
	v18 =	vld.idx.msk [tilespmem:v51+s7+$0x0], $0xffff;
	v12 =	vadd.f32 v55, v12  }
0x1c6: {  	s23 =	sor.u32 $0x12, s20;
	v57 =	vsel vm12, $0x3F800000, v3;
	v11 =	vld.idx.msk [tilespmem:v11+s14+$0x0], $0xffff  }
0x1c7: {  	v58 =	vadd.s32 s23, v1;
	vm13 =	veq.s32 v16, $0x0;
	v12 =	vadd.f32 v57, v12  }
0x1c8: {  	v16 =	vsel vm13, $0x3F800000, v3;
	v13 =	vld.idx.msk [tilespmem:v54+s14+$0x0], $0xffff;
	s24 =	sor.u32 $0x13, s20  }
0x1c9: {  	vm14 =	veq.s32 v17, $0x0;
	v59 =	vadd.s32 s24, v1;
	v12 =	vadd.f32 v16, v12  }
0x1ca: {  	v17 =	vsel vm14, $0x3F800000, v3;
	v14 =	vld.idx.msk [tilespmem:v56+s14+$0x0], $0xffff  }
0x1cb: {  	v18 =	vcvt.s32.f32 v18;
	v12 =	vadd.f32 v17, v12;
	vm15 =	veq.s32 v11, $0x0  }
0x1cc: {  	v15 =	vld.idx.msk [tilespmem:v58+s14+$0x0], $0xffff;
	v11 =	vsel vm15, $0x3F800000, v3  }
0x1cd: {  	v60 =	vmax.f32 v18, $1.000000000e+00;
	vm4 =	veq.s32 v13, $0x0;
	v11 =	vadd.f32 v11, v12  }
0x1ce: {  	(erf) = vrcp.f32 v60;
	v61 =	vsel vm4, $0x3F800000, v3;
	v62 =	vld.idx.msk [tilespmem:v59+s14+$0x0], $0xffff  }
0x1cf: {  	vm5 =	veq.s32 v14, $0x0;
	v11 =	vadd.f32 v61, v11  }
0x1d0: {  	v63 =	vsel vm5, $0x3F800000, v3  }
0x1d1: {  	s25 =	sadd.s32 $0x140, s20;
	vm6 =	veq.s32 v15, $0x0;
	v11 =	vadd.f32 v63, v11  }
0x1d2: {  	v16 =	vsel vm6, $0x3F800000, v3;
	v17 =	vadd.s32 s25, v1  }
0x1d3: {  	vm7 =	veq.s32 v62, $0x0;
	v18 =	vand.u32 $0x7FFFFFF8, v17;
	v11 =	vadd.f32 v16, v11  }
0x1d4: {  	s26 =	sadd.s32 $0x141, s20;
	v13 =	vsel vm7, $0x3F800000, v3;
	v12 =	vor.u32 v2, v18  }
0x1d5: {  	v19 =	vadd.s32 s26, v1;
	v11 =	vadd.f32 v13, v11  }
0x1d6: {  	s23 =	sadd.s32 $0x142, s20  }
0x1d7: {  	v20 =	vpop (erf);
	[tilespmem:v0+s8+$0x0] =	vst.idx.msk $0xffff, v11;
	v11 =	vadd.s32 s23, v1  }
0x1d8: {  	s24 =	sadd.s32 $0x143, s20;
	[tilespmem:v4+s8+$0x0] =	vst.idx.msk $0xffff, v20  }
0x1d9: {  	v21 =	vadd.s32 s24, v1;
	v12 =	vld.idx.msk [tilespmem:v12+s14+$0x0], $0xffff  }
0x1da: {  	s25 =	sadd.s32 $0x144, s20;
	v13 =	vld.idx.msk [tilespmem:v19+s14+$0x0], $0xffff  }
0x1db: {  	v22 =	vadd.s32 s25, v1  }
0x1dc: {  	s26 =	sadd.s32 $0x145, s20;
	v11 =	vld.idx.msk [tilespmem:v11+s14+$0x0], $0xffff  }
0x1dd: {  	v23 =	vadd.s32 s26, v1  }
0x1de: {  	s23 =	sadd.s32 $0x146, s20;
	v24 =	vld.idx.msk [tilespmem:v21+s14+$0x0], $0xffff  }
0x1df: {  	s25 =	sadd.s32 $0x148, s20;
	v27 =	vadd.s32 s23, v1;
	vm8 =	veq.s32 v12, $0x0;
	vm9 =	veq.s32 v13, $0x0  }
0x1e0: {  	s24 =	sadd.s32 $0x147, s20;
	v29 =	vadd.s32 s25, v1;
	v28 =	vld.idx.msk [tilespmem:v22+s14+$0x0], $0xffff;
	v25 =	vsel vm8, $0x3F800000, v3;
	v26 =	vsel vm9, $0x3F800000, v3  }
0x1e1: {  	v13 =	vadd.f32 v26, v25;
	vm10 =	veq.s32 v11, $0x0;
	v11 =	vadd.s32 s24, v1  }
0x1e2: {  	v15 =	vand.u32 $0x7FFFFFF8, v29;
	v16 =	vld.idx.msk [tilespmem:v23+s14+$0x0], $0xffff;
	v30 =	vsel vm10, $0x3F800000, v3  }
0x1e3: {  	v31 =	vor.u32 v2, v15;
	vm11 =	veq.s32 v24, $0x0;
	v13 =	vadd.f32 v30, v13  }
0x1e4: {  	s26 =	sadd.s32 $0x149, s20;
	v17 =	vld.idx.msk [tilespmem:v27+s14+$0x0], $0xffff;
	v32 =	vsel vm11, $0x3F800000, v3  }
0x1e5: {  	v33 =	vadd.s32 s26, v1;
	vm12 =	veq.s32 v28, $0x0;
	v13 =	vadd.f32 v32, v13  }
0x1e6: {  	s23 =	sadd.s32 $0x14A, s20;
	v34 =	vsel vm12, $0x3F800000, v3;
	v11 =	vld.idx.msk [tilespmem:v11+s14+$0x0], $0xffff  }
0x1e7: {  	v36 =	vadd.s32 s23, v1;
	vm13 =	veq.s32 v16, $0x0;
	v13 =	vadd.f32 v34, v13  }
0x1e8: {  	v12 =	vld.idx.msk [tilespmem:v31+s14+$0x0], $0xffff;
	v35 =	vsel vm13, $0x3F800000, v3;
	s24 =	sadd.s32 $0x14B, s20  }
0x1e9: {  	vm14 =	veq.s32 v17, $0x0;
	v38 =	vadd.s32 s24, v1;
	v13 =	vadd.f32 v35, v13  }
0x1ea: {  	s25 =	sadd.s32 $0x14C, s20;
	v14 =	vld.idx.msk [tilespmem:v33+s14+$0x0], $0xffff;
	v37 =	vsel vm14, $0x3F800000, v3  }
0x1eb: {  	v39 =	vadd.s32 s25, v1;
	v13 =	vadd.f32 v37, v13;
	vm15 =	veq.s32 v11, $0x0  }
0x1ec: {  	s26 =	sadd.s32 $0x14D, s20;
	v40 =	vld.idx.msk [tilespmem:v36+s14+$0x0], $0xffff;
	v11 =	vsel vm15, $0x3F800000, v3  }
0x1ed: {  	v42 =	vadd.s32 s26, v1;
	vm4 =	veq.s32 v12, $0x0;
	v11 =	vadd.f32 v11, v13  }
0x1ee: {  	s23 =	sadd.s32 $0x14E, s20;
	v41 =	vsel vm4, $0x3F800000, v3;
	v43 =	vld.idx.msk [tilespmem:v38+s14+$0x0], $0xffff  }
0x1ef: {  	s26 =	sadd.s32 $0x150, s20;
	s25 =	sadd.s32 $0x14F, s20;
	v44 =	vadd.s32 s23, v1;
	vm5 =	veq.s32 v14, $0x0;
	v11 =	vadd.f32 v41, v11  }
0x1f0: {  	v48 =	vadd.s32 s26, v1;
	v47 =	vadd.s32 s25, v1;
	v46 =	vld.idx.msk [tilespmem:v39+s14+$0x0], $0xffff;
	v14 =	vsel vm5, $0x3F800000, v3;
	s24 =	sor.u32 $0x10, s21  }
0x1f1: {  	v45 =	vor.u32 s24, v0;
	vm6 =	veq.s32 v40, $0x0;
	v11 =	vadd.f32 v14, v11  }
0x1f2: {  	v15 =	vand.u32 $0x7FFFFFF8, v48;
	v16 =	vld.idx.msk [tilespmem:v42+s14+$0x0], $0xffff;
	v49 =	vsel vm6, $0x3F800000, v3  }
0x1f3: {  	v50 =	vor.u32 v2, v15;
	vm7 =	veq.s32 v43, $0x0;
	v11 =	vadd.f32 v49, v11  }
0x1f4: {  	v17 =	vld.idx.msk [tilespmem:v44+s14+$0x0], $0xffff;
	s24 =	sadd.s32 $0x151, s20;
	v51 =	vsel vm7, $0x3F800000, v3  }
0x1f5: {  	vm8 =	veq.s32 v46, $0x0;
	v12 =	vld.idx.msk [tilespmem:v47+s14+$0x0], $0xffff;
	v52 =	vadd.s32 s24, v1;
	v11 =	vadd.f32 v51, v11  }
0x1f6: {  	s25 =	sadd.s32 $0x152, s20;
	v53 =	vsel vm8, $0x3F800000, v3;
	v18 =	vld.idx.msk [tilespmem:v45+s7+$0x0], $0xffff  }
0x1f7: {  	v54 =	vadd.s32 s25, v1;
	vm9 =	veq.s32 v16, $0x0;
	v11 =	vadd.f32 v53, v11  }
0x1f8: {  	s26 =	sadd.s32 $0x153, s20;
	v16 =	vsel vm9, $0x3F800000, v3;
	v13 =	vld.idx.msk [tilespmem:v50+s14+$0x0], $0xffff  }
0x1f9: {  	v55 =	vadd.s32 s26, v1;
	vm10 =	veq.s32 v17, $0x0;
	v11 =	vadd.f32 v16, v11  }
0x1fa: {  	v17 =	vsel vm10, $0x3F800000, v3;
	v14 =	vld.idx.msk [tilespmem:v52+s14+$0x0], $0xffff  }
0x1fb: {  	vm11 =	veq.s32 v12, $0x0;
	v56 =	vcvt.s32.f32 v18;
	v11 =	vadd.f32 v17, v11  }
0x1fc: {  	v15 =	vld.idx.msk [tilespmem:v54+s14+$0x0], $0xffff;
	v12 =	vsel vm11, $0x3F800000, v3  }
0x1fd: {  	v57 =	vmax.f32 v56, $1.000000000e+00;
	vm12 =	veq.s32 v13, $0x0;
	v11 =	vadd.f32 v12, v11  }
0x1fe: {  	v59 =	vld.idx.msk [tilespmem:v55+s14+$0x0], $0xffff;
	(erf) = vrcp.f32 v57;
	v58 =	vsel vm12, $0x3F800000, v3  }
0x1ff: {  	vm13 =	veq.s32 v14, $0x0;
	v11 =	vadd.f32 v58, v11  }
0x200: {  	v60 =	vsel vm13, $0x3F800000, v3  }
0x201: {  	vm14 =	veq.s32 v15, $0x0;
	v11 =	vadd.f32 v60, v11  }
0x202: {  	v61 =	vsel vm14, $0x3F800000, v3  }
0x203: {  	vm15 =	veq.s32 v59, $0x0;
	v11 =	vadd.f32 v61, v11  }
0x204: {  	v62 =	vsel vm15, $0x3F800000, v3  }
0x205: {  	v11 =	vadd.f32 v62, v11;
	_ =	sdelay $0x1  }
0x206: {  	v63 =	vpop (erf);
	[tilespmem:v5+s8+$0x0] =	vst.idx.msk $0xffff, v11  }
0x207: {  	s22 =	simm.s32 $0x1C8A0;
	s23 =	simm.s32 $0x12B00;
	s20 =	simm.s32 $0x0;
	[tilespmem:v6+s8+$0x0] =	vst.idx.msk $0xffff, v63  }
.LBB2_9:
0x208: {  	v11 =	vld [tilespmem:s23+$0xFFFFFD80]  }
0x209: {  	v12 =	vld [tilespmem:s23+$0xFFFFFD90]  }
0x20a: {  	v13 =	vld [tilespmem:s23+$0xFFFFFDA0]  }
0x20b: {  	v14 =	vld [tilespmem:s23+$0xFFFFFDB0]  }
0x20c: {  	v15 =	vld [tilespmem:s23+$0xFFFFFDC0]  }
0x20d: {  	v16 =	vld [tilespmem:s23+$0xFFFFFDD0]  }
0x20e: {  	v17 =	vld [tilespmem:s23+$0xFFFFFDE0]  }
0x20f: {  	v18 =	vld [tilespmem:s23+$0xFFFFFDF0]  }
0x210: {  	v19 =	vld [tilespmem:s23+$0xFFFFFE00]  }
0x211: {  	v20 =	vld [tilespmem:s23+$0xFFFFFE10]  }
0x212: {  	v21 =	vld [tilespmem:s23+$0xFFFFFE20]  }
0x213: {  	v22 =	vld [tilespmem:s23+$0xFFFFFE30]  }
0x214: {  	v23 =	vld [tilespmem:s23+$0xFFFFFE40]  }
0x215: {  	v24 =	vld [tilespmem:s23+$0xFFFFFE50]  }
0x216: {  	v25 =	vld [tilespmem:s23+$0xFFFFFE60]  }
0x217: {  	v26 =	vld [tilespmem:s23+$0xFFFFFE70]  }
0x218: {  	v27 =	vld [tilespmem:s23+$0xFFFFFE80]  }
0x219: {  	v28 =	vld [tilespmem:s23+$0xFFFFFE90]  }
0x21a: {  	v29 =	vld [tilespmem:s23+$0xFFFFFEA0]  }
0x21b: {  	v30 =	vld [tilespmem:s23+$0xFFFFFEB0]  }
0x21c: {  	v31 =	vld [tilespmem:s23+$0xFFFFFEC0]  }
0x21d: {  	v32 =	vld [tilespmem:s23+$0xFFFFFED0]  }
0x21e: {  	v33 =	vld [tilespmem:s23+$0xFFFFFEE0]  }
0x21f: {  	v34 =	vld [tilespmem:s23+$0xFFFFFEF0]  }
0x220: {  	v35 =	vld [tilespmem:s23+$0xFFFFFF00]  }
0x221: {  	v36 =	vld [tilespmem:s23+$0xFFFFFF10]  }
0x222: {  	v37 =	vld [tilespmem:s23+$0xFFFFFF20]  }
0x223: {  	v38 =	vld [tilespmem:s23+$0xFFFFFF30]  }
0x224: {  	v39 =	vld [tilespmem:s23+$0xFFFFFF40]  }
0x225: {  	v40 =	vld [tilespmem:s23+$0xFFFFFF50]  }
0x226: {  	v41 =	vld [tilespmem:s23+$0xFFFFFF60]  }
0x227: {  	v42 =	vld [tilespmem:s23+$0xFFFFFF70]  }
0x228: {  	v43 =	vld [tilespmem:s23+$0xFFFFFF80]  }
0x229: {  	v44 =	vld [tilespmem:s23+$0xFFFFFF90]  }
0x22a: {  	v45 =	vld [tilespmem:s23+$0xFFFFFFA0]  }
0x22b: {  	v46 =	vld [tilespmem:s23+$0xFFFFFFB0]  }
0x22c: {  	v47 =	vld [tilespmem:s23+$0xFFFFFFC0]  }
0x22d: {  	v48 =	vld [tilespmem:s23+$0xFFFFFFD0]  }
0x22e: {  	v49 =	vld [tilespmem:s23+$0xFFFFFFE0]  }
0x22f: {  	v50 =	vld [tilespmem:s23+$0xFFFFFFF0]  }
0x230: {  	v51 =	vld [tilespmem:s23+$0x0]  }
0x231: {  	v52 =	vld [tilespmem:s23+$0x10]  }
0x232: {  	v53 =	vld [tilespmem:s23+$0x20]  }
0x233: {  	v54 =	vld [tilespmem:s23+$0x30]  }
0x234: {  	v55 =	vld [tilespmem:s23+$0x40]  }
0x235: {  	v56 =	vld [tilespmem:s23+$0x50]  }
0x236: {  	v57 =	vld [tilespmem:s23+$0x110];
	v11 =	vadd.f32 v15, v11  }
0x237: {  	v58 =	vld [tilespmem:s23+$0x120];
	v12 =	vadd.f32 v16, v12  }
0x238: {  	v59 =	vld [tilespmem:s23+$0x130];
	v14 =	vadd.f32 v18, v14;
	v11 =	vadd.f32 v19, v11  }
0x239: {  	v60 =	vld [tilespmem:s23+$0x140];
	v13 =	vadd.f32 v17, v13;
	v12 =	vadd.f32 v20, v12  }
0x23a: {  	v61 =	vld [tilespmem:s23+$0x150];
	v14 =	vadd.f32 v22, v14;
	v11 =	vadd.f32 v23, v11  }
0x23b: {  	v62 =	vld [tilespmem:s23+$0x160];
	v13 =	vadd.f32 v21, v13;
	v12 =	vadd.f32 v24, v12  }
0x23c: {  	v63 =	vld [tilespmem:s23+$0x170];
	v14 =	vadd.f32 v26, v14;
	v11 =	vadd.f32 v27, v11  }
0x23d: {  	v15 =	vld [tilespmem:s23+$0x60];
	v13 =	vadd.f32 v25, v13;
	v12 =	vadd.f32 v28, v12  }
0x23e: {  	v16 =	vld [tilespmem:s23+$0x70];
	v14 =	vadd.f32 v30, v14;
	v11 =	vadd.f32 v31, v11  }
0x23f: {  	v17 =	vld [tilespmem:s23+$0x80];
	v13 =	vadd.f32 v29, v13;
	v12 =	vadd.f32 v32, v12  }
0x240: {  	v18 =	vld [tilespmem:s23+$0x90];
	v14 =	vadd.f32 v34, v14;
	v11 =	vadd.f32 v35, v11  }
0x241: {  	v19 =	vld [tilespmem:s23+$0xA0];
	v13 =	vadd.f32 v33, v13;
	v12 =	vadd.f32 v36, v12  }
0x242: {  	v20 =	vld [tilespmem:s23+$0xB0];
	v14 =	vadd.f32 v38, v14;
	v11 =	vadd.f32 v39, v11  }
0x243: {  	v21 =	vld [tilespmem:s23+$0xC0];
	v13 =	vadd.f32 v37, v13;
	v12 =	vadd.f32 v40, v12  }
0x244: {  	v22 =	vld [tilespmem:s23+$0xD0];
	v14 =	vadd.f32 v42, v14;
	v11 =	vadd.f32 v43, v11  }
0x245: {  	v23 =	vld [tilespmem:s23+$0xE0];
	v13 =	vadd.f32 v41, v13;
	v12 =	vadd.f32 v44, v12  }
0x246: {  	v24 =	vld [tilespmem:s23+$0xF0];
	v14 =	vadd.f32 v46, v14;
	v11 =	vadd.f32 v47, v11  }
0x247: {  	v25 =	vld [tilespmem:s23+$0x100];
	v13 =	vadd.f32 v45, v13;
	v12 =	vadd.f32 v48, v12  }
0x248: {  	v40 =	vld [tilespmem:s23+$0x180];
	v14 =	vadd.f32 v50, v14;
	v11 =	vadd.f32 v51, v11  }
0x249: {  	v41 =	vld [tilespmem:s23+$0x190];
	v13 =	vadd.f32 v49, v13;
	v12 =	vadd.f32 v52, v12  }
0x24a: {  	v42 =	vld [tilespmem:s23+$0x1A0];
	v14 =	vadd.f32 v54, v14;
	v11 =	vadd.f32 v55, v11  }
0x24b: {  	v43 =	vld [tilespmem:s23+$0x1B0];
	v13 =	vadd.f32 v53, v13;
	v12 =	vadd.f32 v56, v12  }
0x24c: {  	v44 =	vld [tilespmem:s23+$0x1C0];
	v14 =	vadd.f32 v16, v14;
	v11 =	vadd.f32 v17, v11  }
0x24d: {  	v45 =	vld [tilespmem:s23+$0x1D0];
	v13 =	vadd.f32 v15, v13;
	v12 =	vadd.f32 v18, v12  }
0x24e: {  	v46 =	vld [tilespmem:s23+$0x1E0];
	v14 =	vadd.f32 v20, v14;
	v11 =	vadd.f32 v21, v11  }
0x24f: {  	v47 =	vld [tilespmem:s23+$0x1F0];
	v13 =	vadd.f32 v19, v13;
	v12 =	vadd.f32 v22, v12  }
0x250: {  	v48 =	vld [tilespmem:s23+$0x200];
	v49 =	vmov s20;
	v14 =	vadd.f32 v24, v14;
	v11 =	vadd.f32 v25, v11  }
0x251: {  	v50 =	vld [tilespmem:s23+$0x210];
	v13 =	vadd.f32 v23, v13;
	v12 =	vadd.f32 v57, v12  }
0x252: {  	v51 =	vld [tilespmem:s23+$0x220];
	v14 =	vadd.f32 v59, v14;
	v11 =	vadd.f32 v60, v11  }
0x253: {  	v52 =	vld [tilespmem:s23+$0x230];
	v13 =	vadd.f32 v58, v13;
	v12 =	vadd.f32 v61, v12  }
0x254: {  	v53 =	vld [tilespmem:s23+$0x240];
	v54 =	vor.u32 $0x20, v49;
	v14 =	vadd.f32 v63, v14;
	v11 =	vadd.f32 v40, v11  }
0x255: {  	v20 =	vld.idx.msk [tilespmem:v49+s8+$0x0], $0xffff;
	v13 =	vadd.f32 v62, v13;
	v12 =	vadd.f32 v41, v12  }
0x256: {  	v55 =	vld [tilespmem:s23+$0x250];
	v14 =	vadd.f32 v43, v14;
	v11 =	vadd.f32 v44, v11  }
0x257: {  	v57 =	vld [tilespmem:s23+$0x270];
	v13 =	vadd.f32 v42, v13;
	v12 =	vadd.f32 v45, v12  }
0x258: {  	v56 =	vld [tilespmem:s23+$0x260];
	v14 =	vadd.f32 v47, v14;
	v11 =	vadd.f32 v48, v11  }
0x259: {  	v58 =	vld.idx.msk [tilespmem:v54+s8+$0x0], $0xffff;
	v13 =	vadd.f32 v46, v13;
	v12 =	vadd.f32 v50, v12  }
0x25a: {  	v59 =	vmul.f32 v20, v7;
	v14 =	vadd.f32 v52, v14;
	v11 =	vadd.f32 v53, v11  }
0x25b: {  	v60 =	vmul.f32 v20, v8;
	v13 =	vadd.f32 v51, v13;
	v12 =	vadd.f32 v55, v12  }
0x25c: {  	v62 =	vmul.f32 v20, v10;
	v14 =	vadd.f32 v57, v14;
	v11 =	vsub.f32 v11, v59  }
0x25d: {  	v61 =	vmul.f32 v20, v9;
	v13 =	vadd.f32 v56, v13;
	v12 =	vsub.f32 v12, v60  }
0x25e: {  	p0 =	sne.s32 s20, $0x1F;
	v14 =	vsub.f32 v14, v62;
	v11 =	vmul.f32 v11, v58  }
.Ltmp3:
0x25f: {  	v13 =	vsub.f32 v13, v61;
	v12 =	vmul.f32 v12, v58;
	(pc) =	sbr.rel @p0 .LBB2_9-.Ltmp3, $4  }
0x260: {  	v63 =	vmul.f32 v14, v58;
	[tilespmem:s22+$0xFFFFFFE0] =	vst v11  }
0x261: {  	v11 =	vmul.f32 v13, v58;
	[tilespmem:s22+$0xFFFFFFF0] =	vst v12  }
0x262: {  	[tilespmem:s22+$0x10] =	vst v63  }
0x263: {  	s20 =	sadd.s32 $0x1, s20;
	s23 =	sadd.s32 $0x500, s23;
	[tilespmem:s22+$0x0] =	vst v11;
	s22 =	sadd.s32 $0x40, s22  }
0x264: {  	s20 =	sadd.s32 s5, s21  }
0x265: {  	s19 =	sadd.s32 $0x1, s19;
	s20 =	sshll.u32 s20, $0x3  }
0x266: {  	p0 =	sne.s32 s19, $0xD;
	s20 =	sand.u32 $0x1FFFFF00, s20  }
.Ltmp4:
0x267: {  	s20 =	sadd.s32 s2, s20;
	(pc) =	sbr.rel @p0 .LBB2_6-.Ltmp4, $4  }
0x268: {  	[hbm4b:s20+s3] =	stream.linear.scatter [tilespmem:s16], [sflag:$0x3], $0x800, $0x38;
	[tilespmem:$0x1D100] =	vst v63  }
0x269: {  	_ =	swait.ge [sflag:s11], $0x800  }
0x26a: {  	[sflag:s11] =	ssyncset.done $0x0  }
0x26b: {  	[sflag:s11] =	ssyncadd.s32 $0xFFFFF800  }
0x26c: {  	s20 =	rddreg [dreg:$0x6]  }
0x26d: {  	s19 =	rddreg [dreg:$0x5];
	s20 =	sadd.s32 $0x1, s20  }
0x26e: {  	p0 =	sne.s32 s20, s19  }
.Ltmp5:
0x26f: {  	_ = 	snop;
	(pc) =	sbr.rel @p0 .LBB2_1-.Ltmp5, $1  }
0x270: {  	_ =	sdelay $0x3  }
0x271: {  	_ =	sfence.sel $0x180000  }
0x272: {  	[bflag:$0x0] =	sbarrier.arrive $0xFFFF  }
0x273: {  	_ =	strace $0x90000047  }
0x274: {  	s0 =	stileid.u32;
	[bflag:$0x2] =	sbarrier.arrive $0xFFFF  }
0x275: {  	p0 =	sne.s32 s0, $0x0;
	s0 =	rddreg [dreg:$0x2]  }
0x276: {  	s0 =	sadd.s32 @!p0 $0x100000, s0  }
0x277: {  	[sflag:s0] =	ssyncadd.tile.s32 @!p0 $0x1;
	_ =	shalt  }
.Lfunc_end2:
_tile_overlayer_lowered:
.L_overlay_start_2:
0x278: {  	(tag) =	ssettag $0x2  }
0x279: {  	s0 =	rddreg [dreg:$0x0];
	s2 =	stileid.u32  }
0x27a: {  	s1 =	rddreg [dreg:$0x1];
	p0 =	sne.s32 s2, $0x0  }
0x27b: {  	s3 =	rddreg [dreg:$0x2];
	[bflag:$0x3] =	sbarrier.arrive $0xFFFF;
	s2 =	simm.s32 @!p0 $0x1C03  }
0x27c: {  	[timem:s3], [sflag:s2] =	dma.local @!p0 [hbm:s0], s1  }
0x27d: {  	s0 =	simm.s32 @!p0 $0x3  }
0x27e: {  	_ =	swait.ge @!p0 [sflag:s0], s1  }
0x27f: {  	s1 =	ssub.s32 @!p0 $0x0, s1;
	[sflag:s0] =	ssyncset.done @!p0 $0x0  }
0x280: {  	[sflag:s0] =	ssyncadd.s32 @!p0 s1  }
0x281: {  	[bflag:$0x3] =	sbarrier.arrive $0xFFFF  }
0x282: {  	_ =	shalt  }

</sc_bundles>
